<compile_context>
chip_gen: v7x
topology: tpu7x:2x2x1
jax: 0.10.2.dev20260603
libtpu: 0.0.44.dev20260713+nightly
codegen_flags: <defaults>
</compile_context>

<pallas_src>
import jax
import jax.numpy as jnp
from jax import lax
from jax.experimental import pallas as pl
from jax.experimental.pallas import tpu as pltpu
from jax.experimental.pallas import tpu_sc as plsc

G = 16
C = 32
RES = (128, 64, 32, 16)
N = 8192
B = 2
NW = 32
CHUNK = 64
NCHUNK = N // CHUNK
P = B * G * N


def _round_bf16(x):
    xi = plsc.bitcast(x, jnp.int32)
    rounded = (xi + 0x7FFF + (lax.shift_right_logical(xi, 16) & 1)) & jnp.int32(-65536)
    return plsc.bitcast(rounded, jnp.float32)


def _sc_body(pts_hbm, proj_hbm, t0, t1, f2_hbm, f3_hbm, out_hbm,
             pts_v, proj_v, idx_v, w_v, rows_v, out_v, tab2_v, tab3_v,
             gsem0, gsem1, osem0, osem1):
    wid = lax.axis_index("s") * 2 + lax.axis_index("c")
    g_id = lax.rem(wid, G)
    tables = (t0, t1)
    gsems = (gsem0, gsem1)
    osems = (osem0, osem1)

    pltpu.sync_copy(pts_hbm.at[wid], pts_v)
    pltpu.sync_copy(proj_hbm.at[wid], proj_v)
    pltpu.sync_copy(f2_hbm.at[pl.ds(g_id * (32 * 32), 32 * 32)], tab2_v)
    pltpu.sync_copy(f3_hbm.at[pl.ds(g_id * (16 * 16), 16 * 16)], tab3_v)
    pv = _round_bf16(proj_v[...])
    a0 = pv[0]
    a1 = pv[1]
    a2 = pv[2]
    b0 = pv[3]
    b1 = pv[4]
    b2 = pv[5]
    lanes = lax.iota(jnp.int32, 16)

    def compute_chunk(ci, slot):
        base = ci * CHUNK

        def group_body(gi, c2):
            off = base + gi * 16
            loc = gi * 16
            px = _round_bf16(pts_v[0, pl.ds(off, 16)])
            py = _round_bf16(pts_v[1, pl.ds(off, 16)])
            pz = _round_bf16(pts_v[2, pl.ds(off, 16)])
            u = px * a0 + py * a1 + pz * a2
            v = px * b0 + py * b1 + pz * b2
            for l, r in enumerate(RES):
                ix = jnp.clip((u + 1.0) * 0.5 * (r - 1), 0.0, float(r - 1))
                iy = jnp.clip((v + 1.0) * 0.5 * (r - 1), 0.0, float(r - 1))
                x0 = ix.astype(jnp.int32)
                y0 = iy.astype(jnp.int32)
                wx = ix - x0.astype(jnp.float32)
                wy = iy - y0.astype(jnp.float32)
                x1 = jnp.minimum(x0 + 1, r - 1)
                y1 = jnp.minimum(y0 + 1, r - 1)
                goff = g_id * (r * r) if l < 2 else 0
                rbase = goff + y0 * r
                rbase1 = goff + y1 * r
                ibase = slot * 16 * CHUNK
                idx_v[pl.ds(ibase + (4 * l + 0) * CHUNK + loc, 16)] = rbase + x0
                idx_v[pl.ds(ibase + (4 * l + 1) * CHUNK + loc, 16)] = rbase + x1
                idx_v[pl.ds(ibase + (4 * l + 2) * CHUNK + loc, 16)] = rbase1 + x0
                idx_v[pl.ds(ibase + (4 * l + 3) * CHUNK + loc, 16)] = rbase1 + x1
                wbase = slot * 16 * CHUNK
                w_v[pl.ds(wbase + (4 * l + 0) * CHUNK + loc, 16)] = (1.0 - wx) * (1.0 - wy)
                w_v[pl.ds(wbase + (4 * l + 1) * CHUNK + loc, 16)] = wx * (1.0 - wy)
                w_v[pl.ds(wbase + (4 * l + 2) * CHUNK + loc, 16)] = (1.0 - wx) * wy
                w_v[pl.ds(wbase + (4 * l + 3) * CHUNK + loc, 16)] = wx * wy
            return c2

        lax.fori_loop(0, CHUNK // 16, group_body, 0)

    def fire_chunk(slot):
        for l in range(2):
            for cnr in range(4):
                lc = 4 * l + cnr
                idx_slice = idx_v.at[pl.ds((slot * 16 + lc) * CHUNK, CHUNK)]
                pltpu.async_copy(tables[l].at[idx_slice],
                                 rows_v.at[slot, lc], gsems[slot])

    def wait_chunk(slot):
        for l in range(2):
            for cnr in range(4):
                lc = 4 * l + cnr
                idx_slice = idx_v.at[pl.ds((slot * 16 + lc) * CHUNK, CHUNK)]
                pltpu.make_async_copy(tables[l].at[idx_slice],
                                      rows_v.at[slot, lc], gsems[slot]).wait()

    def acc_chunk(ci, slot):
        wbase = slot * 16 * CHUNK
        ibase = slot * 16 * CHUNK

        def point_acc(p):
            wv = plsc.load_gather(w_v, [wbase + lanes * CHUNK + p])
            iv = plsc.load_gather(idx_v, [ibase + lanes * CHUNK + p])
            acc0 = jnp.zeros((16,), jnp.float32)
            acc1 = jnp.zeros((16,), jnp.float32)
            for lc in range(8):
                wt = wv[lc]
                acc0 = acc0 + wt * rows_v[slot, lc, p, pl.ds(0, 16)]
                acc1 = acc1 + wt * rows_v[slot, lc, p, pl.ds(16, 16)]
            for lc in range(8, 12):
                wt = wv[lc]
                row = iv[lc]
                acc0 = acc0 + wt * tab2_v[row, pl.ds(0, 16)]
                acc1 = acc1 + wt * tab2_v[row, pl.ds(16, 16)]
            for lc in range(12, 16):
                wt = wv[lc]
                row = iv[lc]
                acc0 = acc0 + wt * tab3_v[row, pl.ds(0, 16)]
                acc1 = acc1 + wt * tab3_v[row, pl.ds(16, 16)]
            out_v[slot, p, pl.ds(0, 16)] = acc0
            out_v[slot, p, pl.ds(16, 16)] = acc1

        def acc_body(k, c2):
            point_acc(2 * k)
            point_acc(2 * k + 1)
            return c2

        lax.fori_loop(0, CHUNK // 2, acc_body, 0)
        pltpu.async_copy(out_v.at[slot],
                         out_hbm.at[pl.ds(wid * N + ci * CHUNK, CHUNK)],
                         osems[slot])

    compute_chunk(0, 0)
    fire_chunk(0)

    def ring_body(k, carry):
        for b in range(2):
            ci = 2 * k + b
            nxt = ci + 1
            slot = b
            other = 1 - b

            @pl.when(nxt < NCHUNK)
            def _():
                compute_chunk(nxt, other)
                fire_chunk(other)

            wait_chunk(slot)

            @pl.when(ci >= 2)
            def _():
                pltpu.make_async_copy(
                    out_v.at[slot],
                    out_hbm.at[pl.ds(wid * N + (ci - 2) * CHUNK, CHUNK)],
                    osems[slot]).wait()

            acc_chunk(ci, slot)
        return carry

    lax.fori_loop(0, NCHUNK // 2, ring_body, 0)

    for slot, ci in ((0, NCHUNK - 2), (1, NCHUNK - 1)):
        pltpu.make_async_copy(
            out_v.at[slot],
            out_hbm.at[pl.ds(wid * N + ci * CHUNK, CHUNK)],
            osems[slot]).wait()


_sc_call = pl.kernel(
    _sc_body,
    out_type=jax.ShapeDtypeStruct((P, C), jnp.float32),
    mesh=plsc.VectorSubcoreMesh(core_axis_name="c", subcore_axis_name="s"),
    scratch_types=[
        pltpu.VMEM((3, N), jnp.float32),
        pltpu.VMEM((16,), jnp.float32),
        pltpu.VMEM((2 * 16 * CHUNK,), jnp.int32),
        pltpu.VMEM((2 * 16 * CHUNK,), jnp.float32),
        pltpu.VMEM((2, 8, CHUNK, C), jnp.float32),
        pltpu.VMEM((2, CHUNK, C), jnp.float32),
        pltpu.VMEM((32 * 32, C), jnp.float32),
        pltpu.VMEM((16 * 16, C), jnp.float32),
        pltpu.SemaphoreType.DMA,
        pltpu.SemaphoreType.DMA,
        pltpu.SemaphoreType.DMA,
        pltpu.SemaphoreType.DMA,
    ],
    compiler_params=pltpu.CompilerParams(
        needs_layout_passes=False, use_tc_tiling_on_sc=False),
)


@jax.jit
def kernel(points, node_uv_projection, featmap0, featmap1, featmap2, featmap3):
    pts_r = points.transpose(0, 1, 3, 2).reshape(NW, 3, N)
    proj_pad = jnp.pad(node_uv_projection.reshape(NW, 6), ((0, 0), (0, 10)))
    tabs = [fm.transpose(0, 2, 3, 1).reshape(G * r * r, C)
            for fm, r in zip((featmap0, featmap1, featmap2, featmap3), RES)]
    out = _sc_call(pts_r, proj_pad, *tabs)
    return out.reshape(B, G, N, C)

# --- scband reference (transcript-rebuilt; emitter-appended) ---
"""Pipeline reference for scband-node-feature-tile-42717744726390 (READ-ONLY COPY).

The authoritative reference and input builder live on the scoring server;
editing this copy changes nothing except your own understanding.
"""

import jax, jax.numpy as jnp
import numpy as np

G = 16
C = 32
RES = [128, 64, 32, 16]


def setup_inputs(seed: int = 0) -> dict:
    key = jax.random.key(seed)
    ks = [jax.random.fold_in(key, i) for i in range(6)]
    inp = {}
    inp["points"] = jax.random.normal(ks[0], (2, G, 8192, 3), dtype=jnp.float32)
    inp["node_uv_projection"] = jax.random.normal(ks[1], (2, G, 2, 3), dtype=jnp.float32)
    for li, r in enumerate(RES):
        inp[f"featmap{li}"] = jax.random.normal(ks[2 + li], (G, C, r, r), dtype=jnp.float32)
    return inp


def _grid_sample_border(fm, grid):
    # fm: [G, C, H, W]; grid: [G, B, N, 2] with (x, y) in [-1, 1]
    Gn, Cn, H, W = fm.shape
    x = grid[..., 0]
    y = grid[..., 1]
    # align_corners=True unnormalization
    ix = (x + 1.0) * 0.5 * (W - 1)
    iy = (y + 1.0) * 0.5 * (H - 1)
    # padding_mode='border': clamp coordinates before interpolation
    ix = jnp.clip(ix, 0.0, W - 1)
    iy = jnp.clip(iy, 0.0, H - 1)
    x0 = jnp.floor(ix)
    y0 = jnp.floor(iy)
    wx = ix - x0
    wy = iy - y0
    x0i = jnp.clip(x0.astype(jnp.int32), 0, W - 1)
    x1i = jnp.clip(x0i + 1, 0, W - 1)
    y0i = jnp.clip(y0.astype(jnp.int32), 0, H - 1)
    y1i = jnp.clip(y0i + 1, 0, H - 1)
    gi = jnp.arange(Gn)[:, None, None]  # [G,1,1] broadcasts against [G,B,N]
    v00 = fm[gi, :, y0i, x0i]  # [G,B,N,C]
    v01 = fm[gi, :, y0i, x1i]
    v10 = fm[gi, :, y1i, x0i]
    v11 = fm[gi, :, y1i, x1i]
    wx = wx[..., None]
    wy = wy[..., None]
    out = (v00 * (1.0 - wx) * (1.0 - wy)
           + v01 * wx * (1.0 - wy)
           + v10 * (1.0 - wx) * wy
           + v11 * wx * wy)
    return out  # [G,B,N,C]


def reference(points, node_uv_projection, featmap0, featmap1, featmap2, featmap3):
    # points: [B,G,N,3]; node_uv_projection: [B,G,2,3]
    points_uv = jnp.einsum('bgnl,bgml->bgnm', points, node_uv_projection)  # [B,G,N,2]
    grid = jnp.transpose(points_uv, (1, 0, 2, 3))  # [G,B,N,2]
    feat = None
    for fm in (featmap0, featmap1, featmap2, featmap3):
        s = _grid_sample_border(fm, grid)  # [G,B,N,C]
        s = jnp.transpose(s, (1, 0, 2, 3))  # [B,G,N,C]
        feat = s if feat is None else feat + s
    return feat

if __name__ == "__main__":
    import jax
    _d = setup_inputs()
    print(jax.jit(kernel)(*tuple(_d.values())))

</pallas_src>

<mosaic_0001>
#map = affine_map<(d0, d1) -> (0, 0, 0)>
#map1 = affine_map<(d0, d1) -> (0, 0)>
module attributes {stable_mosaic.version = 14 : i64} {
  func.func @_sc_body(%arg0: i32, %arg1: i32, %arg2: memref<32x3x8192xf32, #tpu.memory_space<hbm>>, %arg3: memref<32x16xf32, #tpu.memory_space<hbm>>, %arg4: memref<262144x32xf32, #tpu.memory_space<hbm>>, %arg5: memref<65536x32xf32, #tpu.memory_space<hbm>>, %arg6: memref<16384x32xf32, #tpu.memory_space<hbm>>, %arg7: memref<4096x32xf32, #tpu.memory_space<hbm>>, %arg8: memref<262144x32xf32, #tpu.memory_space<hbm>>, %arg9: memref<3x8192xf32, #tpu.memory_space<vmem>>, %arg10: memref<16xf32, #tpu.memory_space<vmem>>, %arg11: memref<2048xi32, #tpu.memory_space<vmem>>, %arg12: memref<2048xf32, #tpu.memory_space<vmem>>, %arg13: memref<2x8x64x32xf32, #tpu.memory_space<vmem>>, %arg14: memref<2x64x32xf32, #tpu.memory_space<vmem>>, %arg15: memref<1024x32xf32, #tpu.memory_space<vmem>>, %arg16: memref<256x32xf32, #tpu.memory_space<vmem>>, %arg17: memref<!tpu.dma_semaphore, #tpu.memory_space<semaphore_mem>>, %arg18: memref<!tpu.dma_semaphore, #tpu.memory_space<semaphore_mem>>, %arg19: memref<!tpu.dma_semaphore, #tpu.memory_space<semaphore_mem>>, %arg20: memref<!tpu.dma_semaphore, #tpu.memory_space<semaphore_mem>>) attributes {dimension_semantics = [#tpu.dimension_semantics<core_parallel>, #tpu.dimension_semantics<subcore_parallel>], iteration_bounds = array<i64: 2, 16>, scalar_prefetch = 0 : i64, scratch_operands = 12 : i64, tpu.core_type = #tpu.core_type<sc_vector_subcore>, window_params = [{transform_indices = #map}, {transform_indices = #map1}, {transform_indices = #map1}, {transform_indices = #map1}, {transform_indices = #map1}, {transform_indices = #map1}, {transform_indices = #map1}]} {
    %mul3A = arith.constant 2 : i32
    %mul3A_0 = arith.muli %arg1, %mul3A : i32
    %add3A = arith.addi %mul3A_0, %arg0 : i32
    %rem3A = arith.constant 16 : i32
    %rem3A_1 = arith.remsi %add3A, %rem3A : i32
    "tpu.region"() ({
      %run_scoped3A = tpu.sem_alloc : memref<!tpu.dma_semaphore, #tpu.memory_space<semaphore_mem>>
      %dma_start3A_160 = arith.constant 0 : i32
      %dma_start3A_161 = arith.constant 0 : i32
      %dma_start3A_162 = tpu.memref_slice %arg2[%add3A, %dma_start3A_160, %dma_start3A_161] : memref<32x3x8192xf32, #tpu.memory_space<hbm>> -> memref<1x3x8192xf32, #tpu.memory_space<hbm>>
      %dma_start3A_163 = tpu.memref_squeeze %dma_start3A_162 : memref<1x3x8192xf32, #tpu.memory_space<hbm>> -> memref<3x8192xf32, #tpu.memory_space<hbm>>
      %dma_start3A_164 = arith.constant 0 : i32
      %dma_start3A_165 = arith.constant 0 : i32
      %dma_start3A_166 = tpu.memref_slice %arg2[%add3A, %dma_start3A_164, %dma_start3A_165] : memref<32x3x8192xf32, #tpu.memory_space<hbm>> -> memref<1x3x8192xf32, #tpu.memory_space<hbm>>
      %dma_start3A_167 = tpu.memref_squeeze %dma_start3A_166 : memref<1x3x8192xf32, #tpu.memory_space<hbm>> -> memref<3x8192xf32, #tpu.memory_space<hbm>>
      tpu.enqueue_dma source(%dma_start3A_167 : memref<3x8192xf32, #tpu.memory_space<hbm>>) target(%arg9 : memref<3x8192xf32, #tpu.memory_space<vmem>>) target_semaphore(%run_scoped3A : memref<!tpu.dma_semaphore, #tpu.memory_space<semaphore_mem>>)
      %dma_wait3A_168 = arith.constant 0 : i32
      %dma_wait3A_169 = arith.constant 0 : i32
      %dma_wait3A_170 = tpu.memref_slice %arg2[%add3A, %dma_wait3A_168, %dma_wait3A_169] : memref<32x3x8192xf32, #tpu.memory_space<hbm>> -> memref<1x3x8192xf32, #tpu.memory_space<hbm>>
      %dma_wait3A_171 = tpu.memref_squeeze %dma_wait3A_170 : memref<1x3x8192xf32, #tpu.memory_space<hbm>> -> memref<3x8192xf32, #tpu.memory_space<hbm>>
      %dma_wait3A_172 = arith.constant 0 : i32
      %dma_wait3A_173 = arith.constant 0 : i32
      %dma_wait3A_174 = tpu.memref_slice %arg2[%add3A, %dma_wait3A_172, %dma_wait3A_173] : memref<32x3x8192xf32, #tpu.memory_space<hbm>> -> memref<1x3x8192xf32, #tpu.memory_space<hbm>>
      %dma_wait3A_175 = tpu.memref_squeeze %dma_wait3A_174 : memref<1x3x8192xf32, #tpu.memory_space<hbm>> -> memref<3x8192xf32, #tpu.memory_space<hbm>>
      tpu.wait_dma2 semaphore(%run_scoped3A : memref<!tpu.dma_semaphore, #tpu.memory_space<semaphore_mem>>) src(%dma_wait3A_175 : memref<3x8192xf32, #tpu.memory_space<hbm>>) dst(%arg9 : memref<3x8192xf32, #tpu.memory_space<vmem>>)
      tpu.yield
    }) : () -> ()
    "tpu.region"() ({
      %run_scoped3A = tpu.sem_alloc : memref<!tpu.dma_semaphore, #tpu.memory_space<semaphore_mem>>
      %dma_start3A_160 = arith.constant 0 : i32
      %dma_start3A_161 = tpu.memref_slice %arg3[%add3A, %dma_start3A_160] : memref<32x16xf32, #tpu.memory_space<hbm>> -> memref<1x16xf32, #tpu.memory_space<hbm>>
      %dma_start3A_162 = tpu.memref_squeeze %dma_start3A_161 : memref<1x16xf32, #tpu.memory_space<hbm>> -> memref<16xf32, #tpu.memory_space<hbm>>
      %dma_start3A_163 = arith.constant 0 : i32
      %dma_start3A_164 = tpu.memref_slice %arg3[%add3A, %dma_start3A_163] : memref<32x16xf32, #tpu.memory_space<hbm>> -> memref<1x16xf32, #tpu.memory_space<hbm>>
      %dma_start3A_165 = tpu.memref_squeeze %dma_start3A_164 : memref<1x16xf32, #tpu.memory_space<hbm>> -> memref<16xf32, #tpu.memory_space<hbm>>
      tpu.enqueue_dma source(%dma_start3A_165 : memref<16xf32, #tpu.memory_space<hbm>>) target(%arg10 : memref<16xf32, #tpu.memory_space<vmem>>) target_semaphore(%run_scoped3A : memref<!tpu.dma_semaphore, #tpu.memory_space<semaphore_mem>>)
      %dma_wait3A_166 = arith.constant 0 : i32
      %dma_wait3A_167 = tpu.memref_slice %arg3[%add3A, %dma_wait3A_166] : memref<32x16xf32, #tpu.memory_space<hbm>> -> memref<1x16xf32, #tpu.memory_space<hbm>>
      %dma_wait3A_168 = tpu.memref_squeeze %dma_wait3A_167 : memref<1x16xf32, #tpu.memory_space<hbm>> -> memref<16xf32, #tpu.memory_space<hbm>>
      %dma_wait3A_169 = arith.constant 0 : i32
      %dma_wait3A_170 = tpu.memref_slice %arg3[%add3A, %dma_wait3A_169] : memref<32x16xf32, #tpu.memory_space<hbm>> -> memref<1x16xf32, #tpu.memory_space<hbm>>
      %dma_wait3A_171 = tpu.memref_squeeze %dma_wait3A_170 : memref<1x16xf32, #tpu.memory_space<hbm>> -> memref<16xf32, #tpu.memory_space<hbm>>
      tpu.wait_dma2 semaphore(%run_scoped3A : memref<!tpu.dma_semaphore, #tpu.memory_space<semaphore_mem>>) src(%dma_wait3A_171 : memref<16xf32, #tpu.memory_space<hbm>>) dst(%arg10 : memref<16xf32, #tpu.memory_space<vmem>>)
      tpu.yield
    }) : () -> ()
    %mul3A_2 = arith.constant 1024 : i32
    %mul3A_3 = arith.muli %rem3A_1, %mul3A_2 : i32
    "tpu.region"() ({
      %run_scoped3A = tpu.sem_alloc : memref<!tpu.dma_semaphore, #tpu.memory_space<semaphore_mem>>
      %dma_start3A_160 = arith.constant 0 : i32
      %dma_start3A_161 = tpu.memref_slice %arg6[%mul3A_3, %dma_start3A_160] : memref<16384x32xf32, #tpu.memory_space<hbm>> -> memref<1024x32xf32, #tpu.memory_space<hbm>>
      %dma_start3A_162 = arith.constant 0 : i32
      %dma_start3A_163 = tpu.memref_slice %arg6[%mul3A_3, %dma_start3A_162] : memref<16384x32xf32, #tpu.memory_space<hbm>> -> memref<1024x32xf32, #tpu.memory_space<hbm>>
      tpu.enqueue_dma source(%dma_start3A_163 : memref<1024x32xf32, #tpu.memory_space<hbm>>) target(%arg15 : memref<1024x32xf32, #tpu.memory_space<vmem>>) target_semaphore(%run_scoped3A : memref<!tpu.dma_semaphore, #tpu.memory_space<semaphore_mem>>)
      %dma_wait3A_164 = arith.constant 0 : i32
      %dma_wait3A_165 = tpu.memref_slice %arg6[%mul3A_3, %dma_wait3A_164] : memref<16384x32xf32, #tpu.memory_space<hbm>> -> memref<1024x32xf32, #tpu.memory_space<hbm>>
      %dma_wait3A_166 = arith.constant 0 : i32
      %dma_wait3A_167 = tpu.memref_slice %arg6[%mul3A_3, %dma_wait3A_166] : memref<16384x32xf32, #tpu.memory_space<hbm>> -> memref<1024x32xf32, #tpu.memory_space<hbm>>
      tpu.wait_dma2 semaphore(%run_scoped3A : memref<!tpu.dma_semaphore, #tpu.memory_space<semaphore_mem>>) src(%dma_wait3A_167 : memref<1024x32xf32, #tpu.memory_space<hbm>>) dst(%arg15 : memref<1024x32xf32, #tpu.memory_space<vmem>>)
      tpu.yield
    }) : () -> ()
    %mul3A_4 = arith.constant 256 : i32
    %mul3A_5 = arith.muli %rem3A_1, %mul3A_4 : i32
    "tpu.region"() ({
      %run_scoped3A = tpu.sem_alloc : memref<!tpu.dma_semaphore, #tpu.memory_space<semaphore_mem>>
      %dma_start3A_160 = arith.constant 0 : i32
      %dma_start3A_161 = tpu.memref_slice %arg7[%mul3A_5, %dma_start3A_160] : memref<4096x32xf32, #tpu.memory_space<hbm>> -> memref<256x32xf32, #tpu.memory_space<hbm>>
      %dma_start3A_162 = arith.constant 0 : i32
      %dma_start3A_163 = tpu.memref_slice %arg7[%mul3A_5, %dma_start3A_162] : memref<4096x32xf32, #tpu.memory_space<hbm>> -> memref<256x32xf32, #tpu.memory_space<hbm>>
      tpu.enqueue_dma source(%dma_start3A_163 : memref<256x32xf32, #tpu.memory_space<hbm>>) target(%arg16 : memref<256x32xf32, #tpu.memory_space<vmem>>) target_semaphore(%run_scoped3A : memref<!tpu.dma_semaphore, #tpu.memory_space<semaphore_mem>>)
      %dma_wait3A_164 = arith.constant 0 : i32
      %dma_wait3A_165 = tpu.memref_slice %arg7[%mul3A_5, %dma_wait3A_164] : memref<4096x32xf32, #tpu.memory_space<hbm>> -> memref<256x32xf32, #tpu.memory_space<hbm>>
      %dma_wait3A_166 = arith.constant 0 : i32
      %dma_wait3A_167 = tpu.memref_slice %arg7[%mul3A_5, %dma_wait3A_166] : memref<4096x32xf32, #tpu.memory_space<hbm>> -> memref<256x32xf32, #tpu.memory_space<hbm>>
      tpu.wait_dma2 semaphore(%run_scoped3A : memref<!tpu.dma_semaphore, #tpu.memory_space<semaphore_mem>>) src(%dma_wait3A_167 : memref<256x32xf32, #tpu.memory_space<hbm>>) dst(%arg16 : memref<256x32xf32, #tpu.memory_space<vmem>>)
      tpu.yield
    }) : () -> ()
    %get3A = arith.constant 0 : index
    %get3A_6 = tpu.vector_load %arg10[%get3A] {strides = array<i32>} : memref<16xf32, #tpu.memory_space<vmem>>, vector<16xf32>,
    %bitcast3A = vector.bitcast %get3A_6 : vector<16xf32> to vector<16xi32>
    %add3A_7 = arith.constant 32767 : i32
    %add3A_8 = vector.broadcast %add3A_7 : i32 to vector<16xi32>
    %add3A_9 = arith.addi %bitcast3A, %add3A_8 : vector<16xi32>
    %shift_right_logical3A = arith.constant 16 : i32
    %shift_right_logical3A_10 = vector.broadcast %shift_right_logical3A : i32 to vector<16xi32>
    %shift_right_logical3A_11 = arith.shrui %bitcast3A, %shift_right_logical3A_10 : vector<16xi32>
    %and3A = arith.constant 1 : i32
    %and3A_12 = vector.broadcast %and3A : i32 to vector<16xi32>
    %and3A_13 = arith.andi %shift_right_logical3A_11, %and3A_12 : vector<16xi32>
    %add3A_14 = arith.addi %add3A_9, %and3A_13 : vector<16xi32>
    %and3A_15 = arith.constant -65536 : i32
    %and3A_16 = vector.broadcast %and3A_15 : i32 to vector<16xi32>
    %and3A_17 = arith.andi %add3A_14, %and3A_16 : vector<16xi32>
    %bitcast3A_18 = vector.bitcast %and3A_17 : vector<16xi32> to vector<16xf32>
    %slice3A = vector.extract_strided_slice %bitcast3A_18 {offsets = [0], sizes = [1], strides = [1]} : vector<16xf32> to vector<1xf32>
    %squeeze3A = vector.extract %slice3A[0] : f32 from vector<1xf32>
    %slice3A_19 = vector.extract_strided_slice %bitcast3A_18 {offsets = [1], sizes = [1], strides = [1]} : vector<16xf32> to vector<1xf32>
    %squeeze3A_20 = vector.extract %slice3A_19[0] : f32 from vector<1xf32>
    %slice3A_21 = vector.extract_strided_slice %bitcast3A_18 {offsets = [2], sizes = [1], strides = [1]} : vector<16xf32> to vector<1xf32>
    %squeeze3A_22 = vector.extract %slice3A_21[0] : f32 from vector<1xf32>
    %slice3A_23 = vector.extract_strided_slice %bitcast3A_18 {offsets = [3], sizes = [1], strides = [1]} : vector<16xf32> to vector<1xf32>
    %squeeze3A_24 = vector.extract %slice3A_23[0] : f32 from vector<1xf32>
    %slice3A_25 = vector.extract_strided_slice %bitcast3A_18 {offsets = [4], sizes = [1], strides = [1]} : vector<16xf32> to vector<1xf32>
    %squeeze3A_26 = vector.extract %slice3A_25[0] : f32 from vector<1xf32>
    %slice3A_27 = vector.extract_strided_slice %bitcast3A_18 {offsets = [5], sizes = [1], strides = [1]} : vector<16xf32> to vector<1xf32>
    %squeeze3A_28 = vector.extract %slice3A_27[0] : f32 from vector<1xf32>
    %iota3A = tpu.iota {dimensions = array<i32: 0>} : vector<16xi32>
    %scan3A = arith.constant 0 : i32
    %scan3A_29 = arith.constant 0 : i32
    %scan3A_30 = arith.constant 4 : i32
    %scan3A_31 = arith.addi %scan3A_29, %scan3A_30 : i32
    %scan3A_32 = arith.constant 1 : i32
    scf.for %scan3A_160 = %scan3A_29 to %scan3A_31 step %scan3A_32  : i32 {
      %mul3A_161 = arith.constant 16 : i32
      %mul3A_162 = arith.muli %scan3A_160, %mul3A_161 : i32
      %add3A_163 = arith.constant 0 : i32
      %add3A_164 = arith.addi %add3A_163, %mul3A_162 : i32
      %mul3A_165 = arith.constant 16 : i32
      %mul3A_166 = arith.muli %scan3A_160, %mul3A_165 : i32
      %get3A_167 = arith.constant 0 : i32
      %get3A_168 = arith.index_cast %get3A_167 : i32 to index
      %get3A_169 = arith.index_cast %add3A_164 : i32 to index
      %get3A_170 = tpu.vector_load %arg9[%get3A_168, %get3A_169] {strides = array<i32>} : memref<3x8192xf32, #tpu.memory_space<vmem>>, vector<16xf32>,
      %bitcast3A_171 = vector.bitcast %get3A_170 : vector<16xf32> to vector<16xi32>
      %add3A_172 = arith.constant 32767 : i32
      %add3A_173 = vector.broadcast %add3A_172 : i32 to vector<16xi32>
      %add3A_174 = arith.addi %bitcast3A_171, %add3A_173 : vector<16xi32>
      %shift_right_logical3A_175 = arith.constant 16 : i32
      %shift_right_logical3A_176 = vector.broadcast %shift_right_logical3A_175 : i32 to vector<16xi32>
      %shift_right_logical3A_177 = arith.shrui %bitcast3A_171, %shift_right_logical3A_176 : vector<16xi32>
      %and3A_178 = arith.constant 1 : i32
      %and3A_179 = vector.broadcast %and3A_178 : i32 to vector<16xi32>
      %and3A_180 = arith.andi %shift_right_logical3A_177, %and3A_179 : vector<16xi32>
      %add3A_181 = arith.addi %add3A_174, %and3A_180 : vector<16xi32>
      %and3A_182 = arith.constant -65536 : i32
      %and3A_183 = vector.broadcast %and3A_182 : i32 to vector<16xi32>
      %and3A_184 = arith.andi %add3A_181, %and3A_183 : vector<16xi32>
      %bitcast3A_185 = vector.bitcast %and3A_184 : vector<16xi32> to vector<16xf32>
      %get3A_186 = arith.constant 1 : i32
      %get3A_187 = arith.index_cast %get3A_186 : i32 to index
      %get3A_188 = arith.index_cast %add3A_164 : i32 to index
      %get3A_189 = tpu.vector_load %arg9[%get3A_187, %get3A_188] {strides = array<i32>} : memref<3x8192xf32, #tpu.memory_space<vmem>>, vector<16xf32>,
      %bitcast3A_190 = vector.bitcast %get3A_189 : vector<16xf32> to vector<16xi32>
      %add3A_191 = arith.constant 32767 : i32
      %add3A_192 = vector.broadcast %add3A_191 : i32 to vector<16xi32>
      %add3A_193 = arith.addi %bitcast3A_190, %add3A_192 : vector<16xi32>
      %shift_right_logical3A_194 = arith.constant 16 : i32
      %shift_right_logical3A_195 = vector.broadcast %shift_right_logical3A_194 : i32 to vector<16xi32>
      %shift_right_logical3A_196 = arith.shrui %bitcast3A_190, %shift_right_logical3A_195 : vector<16xi32>
      %and3A_197 = arith.constant 1 : i32
      %and3A_198 = vector.broadcast %and3A_197 : i32 to vector<16xi32>
      %and3A_199 = arith.andi %shift_right_logical3A_196, %and3A_198 : vector<16xi32>
      %add3A_200 = arith.addi %add3A_193, %and3A_199 : vector<16xi32>
      %and3A_201 = arith.constant -65536 : i32
      %and3A_202 = vector.broadcast %and3A_201 : i32 to vector<16xi32>
      %and3A_203 = arith.andi %add3A_200, %and3A_202 : vector<16xi32>
      %bitcast3A_204 = vector.bitcast %and3A_203 : vector<16xi32> to vector<16xf32>
      %get3A_205 = arith.constant 2 : i32
      %get3A_206 = arith.index_cast %get3A_205 : i32 to index
      %get3A_207 = arith.index_cast %add3A_164 : i32 to index
      %get3A_208 = tpu.vector_load %arg9[%get3A_206, %get3A_207] {strides = array<i32>} : memref<3x8192xf32, #tpu.memory_space<vmem>>, vector<16xf32>,
      %bitcast3A_209 = vector.bitcast %get3A_208 : vector<16xf32> to vector<16xi32>
      %add3A_210 = arith.constant 32767 : i32
      %add3A_211 = vector.broadcast %add3A_210 : i32 to vector<16xi32>
      %add3A_212 = arith.addi %bitcast3A_209, %add3A_211 : vector<16xi32>
      %shift_right_logical3A_213 = arith.constant 16 : i32
      %shift_right_logical3A_214 = vector.broadcast %shift_right_logical3A_213 : i32 to vector<16xi32>
      %shift_right_logical3A_215 = arith.shrui %bitcast3A_209, %shift_right_logical3A_214 : vector<16xi32>
      %and3A_216 = arith.constant 1 : i32
      %and3A_217 = vector.broadcast %and3A_216 : i32 to vector<16xi32>
      %and3A_218 = arith.andi %shift_right_logical3A_215, %and3A_217 : vector<16xi32>
      %add3A_219 = arith.addi %add3A_212, %and3A_218 : vector<16xi32>
      %and3A_220 = arith.constant -65536 : i32
      %and3A_221 = vector.broadcast %and3A_220 : i32 to vector<16xi32>
      %and3A_222 = arith.andi %add3A_219, %and3A_221 : vector<16xi32>
      %bitcast3A_223 = vector.bitcast %and3A_222 : vector<16xi32> to vector<16xf32>
      %mul3A_224 = vector.broadcast %squeeze3A : f32 to vector<16xf32>
      %mul3A_225 = arith.mulf %bitcast3A_185, %mul3A_224 : vector<16xf32>
      %mul3A_226 = vector.broadcast %squeeze3A_20 : f32 to vector<16xf32>
      %mul3A_227 = arith.mulf %bitcast3A_204, %mul3A_226 : vector<16xf32>
      %add3A_228 = arith.addf %mul3A_225, %mul3A_227 : vector<16xf32>
      %mul3A_229 = vector.broadcast %squeeze3A_22 : f32 to vector<16xf32>
      %mul3A_230 = arith.mulf %bitcast3A_223, %mul3A_229 : vector<16xf32>
      %add3A_231 = arith.addf %add3A_228, %mul3A_230 : vector<16xf32>
      %mul3A_232 = vector.broadcast %squeeze3A_24 : f32 to vector<16xf32>
      %mul3A_233 = arith.mulf %bitcast3A_185, %mul3A_232 : vector<16xf32>
      %mul3A_234 = vector.broadcast %squeeze3A_26 : f32 to vector<16xf32>
      %mul3A_235 = arith.mulf %bitcast3A_204, %mul3A_234 : vector<16xf32>
      %add3A_236 = arith.addf %mul3A_233, %mul3A_235 : vector<16xf32>
      %mul3A_237 = vector.broadcast %squeeze3A_28 : f32 to vector<16xf32>
      %mul3A_238 = arith.mulf %bitcast3A_223, %mul3A_237 : vector<16xf32>
      %add3A_239 = arith.addf %add3A_236, %mul3A_238 : vector<16xf32>
      %add3A_240 = arith.constant 1.000000e+00 : f32
      %add3A_241 = vector.broadcast %add3A_240 : f32 to vector<16xf32>
      %add3A_242 = arith.addf %add3A_231, %add3A_241 : vector<16xf32>
      %mul3A_243 = arith.constant 5.000000e-01 : f32
      %mul3A_244 = vector.broadcast %mul3A_243 : f32 to vector<16xf32>
      %mul3A_245 = arith.mulf %add3A_242, %mul3A_244 : vector<16xf32>
      %mul3A_246 = arith.constant 1.270000e+02 : f32
      %mul3A_247 = vector.broadcast %mul3A_246 : f32 to vector<16xf32>
      %mul3A_248 = arith.mulf %mul3A_245, %mul3A_247 : vector<16xf32>
      %jit3A = arith.constant 0.000000e+00 : f32
      %jit3A_249 = arith.constant 1.270000e+02 : f32
      %max3A = vector.broadcast %jit3A : f32 to vector<16xf32>
      %max3A_250 = arith.maximumf %max3A, %mul3A_248 : vector<16xf32>
      %min3A = vector.broadcast %jit3A_249 : f32 to vector<16xf32>
      %min3A_251 = arith.minimumf %min3A, %max3A_250 : vector<16xf32>
      %add3A_252 = arith.constant 1.000000e+00 : f32
      %add3A_253 = vector.broadcast %add3A_252 : f32 to vector<16xf32>
      %add3A_254 = arith.addf %add3A_239, %add3A_253 : vector<16xf32>
      %mul3A_255 = arith.constant 5.000000e-01 : f32
      %mul3A_256 = vector.broadcast %mul3A_255 : f32 to vector<16xf32>
      %mul3A_257 = arith.mulf %add3A_254, %mul3A_256 : vector<16xf32>
      %mul3A_258 = arith.constant 1.270000e+02 : f32
      %mul3A_259 = vector.broadcast %mul3A_258 : f32 to vector<16xf32>
      %mul3A_260 = arith.mulf %mul3A_257, %mul3A_259 : vector<16xf32>
      %jit3A_261 = arith.constant 0.000000e+00 : f32
      %jit3A_262 = arith.constant 1.270000e+02 : f32
      %max3A_263 = vector.broadcast %jit3A_261 : f32 to vector<16xf32>
      %max3A_264 = arith.maximumf %max3A_263, %mul3A_260 : vector<16xf32>
      %min3A_265 = vector.broadcast %jit3A_262 : f32 to vector<16xf32>
      %min3A_266 = arith.minimumf %min3A_265, %max3A_264 : vector<16xf32>
      %convert_element_type3A = arith.fptosi %min3A_251 : vector<16xf32> to vector<16xi32>
      %convert_element_type3A_267 = arith.fptosi %min3A_266 : vector<16xf32> to vector<16xi32>
      %convert_element_type3A_268 = arith.sitofp %convert_element_type3A : vector<16xi32> to vector<16xf32>
      %sub3A = arith.subf %min3A_251, %convert_element_type3A_268 : vector<16xf32>
      %convert_element_type3A_269 = arith.sitofp %convert_element_type3A_267 : vector<16xi32> to vector<16xf32>
      %sub3A_270 = arith.subf %min3A_266, %convert_element_type3A_269 : vector<16xf32>
      %add3A_271 = arith.constant 1 : i32
      %add3A_272 = vector.broadcast %add3A_271 : i32 to vector<16xi32>
      %add3A_273 = arith.addi %convert_element_type3A, %add3A_272 : vector<16xi32>
      %min3A_274 = arith.constant 127 : i32
      %min3A_275 = vector.broadcast %min3A_274 : i32 to vector<16xi32>
      %min3A_276 = arith.minsi %add3A_273, %min3A_275 : vector<16xi32>
      %add3A_277 = arith.constant 1 : i32
      %add3A_278 = vector.broadcast %add3A_277 : i32 to vector<16xi32>
      %add3A_279 = arith.addi %convert_element_type3A_267, %add3A_278 : vector<16xi32>
      %min3A_280 = arith.constant 127 : i32
      %min3A_281 = vector.broadcast %min3A_280 : i32 to vector<16xi32>
      %min3A_282 = arith.minsi %add3A_279, %min3A_281 : vector<16xi32>
      %mul3A_283 = arith.constant 16384 : i32
      %mul3A_284 = arith.muli %rem3A_1, %mul3A_283 : i32
      %mul3A_285 = arith.constant 128 : i32
      %mul3A_286 = vector.broadcast %mul3A_285 : i32 to vector<16xi32>
      %mul3A_287 = arith.muli %convert_element_type3A_267, %mul3A_286 : vector<16xi32>
      %add3A_288 = vector.broadcast %mul3A_284 : i32 to vector<16xi32>
      %add3A_289 = arith.addi %add3A_288, %mul3A_287 : vector<16xi32>
      %mul3A_290 = arith.constant 128 : i32
      %mul3A_291 = vector.broadcast %mul3A_290 : i32 to vector<16xi32>
      %mul3A_292 = arith.muli %min3A_282, %mul3A_291 : vector<16xi32>
      %add3A_293 = vector.broadcast %mul3A_284 : i32 to vector<16xi32>
      %add3A_294 = arith.addi %add3A_293, %mul3A_292 : vector<16xi32>
      %add3A_295 = arith.addi %add3A_289, %convert_element_type3A : vector<16xi32>
      %add3A_296 = arith.constant 0 : i32
      %add3A_297 = arith.addi %add3A_296, %mul3A_166 : i32
      %swap3A = arith.index_cast %add3A_297 : i32 to index
      %swap3A_298 = tpu.vector_load %arg11[%swap3A] {strides = array<i32>} : memref<2048xi32, #tpu.memory_space<vmem>>, vector<16xi32>,
      tpu.vector_store %arg11[%swap3A], %add3A_295 {strides = array<i32>} : memref<2048xi32, #tpu.memory_space<vmem>>, vector<16xi32>,
      %add3A_299 = arith.addi %add3A_289, %min3A_276 : vector<16xi32>
      %add3A_300 = arith.constant 64 : i32
      %add3A_301 = arith.addi %add3A_300, %mul3A_166 : i32
      %swap3A_302 = arith.index_cast %add3A_301 : i32 to index
      %swap3A_303 = tpu.vector_load %arg11[%swap3A_302] {strides = array<i32>} : memref<2048xi32, #tpu.memory_space<vmem>>, vector<16xi32>,
      tpu.vector_store %arg11[%swap3A_302], %add3A_299 {strides = array<i32>} : memref<2048xi32, #tpu.memory_space<vmem>>, vector<16xi32>,
      %add3A_304 = arith.addi %add3A_294, %convert_element_type3A : vector<16xi32>
      %add3A_305 = arith.constant 128 : i32
      %add3A_306 = arith.addi %add3A_305, %mul3A_166 : i32
      %swap3A_307 = arith.index_cast %add3A_306 : i32 to index
      %swap3A_308 = tpu.vector_load %arg11[%swap3A_307] {strides = array<i32>} : memref<2048xi32, #tpu.memory_space<vmem>>, vector<16xi32>,
      tpu.vector_store %arg11[%swap3A_307], %add3A_304 {strides = array<i32>} : memref<2048xi32, #tpu.memory_space<vmem>>, vector<16xi32>,
      %add3A_309 = arith.addi %add3A_294, %min3A_276 : vector<16xi32>
      %add3A_310 = arith.constant 192 : i32
      %add3A_311 = arith.addi %add3A_310, %mul3A_166 : i32
      %swap3A_312 = arith.index_cast %add3A_311 : i32 to index
      %swap3A_313 = tpu.vector_load %arg11[%swap3A_312] {strides = array<i32>} : memref<2048xi32, #tpu.memory_space<vmem>>, vector<16xi32>,
      tpu.vector_store %arg11[%swap3A_312], %add3A_309 {strides = array<i32>} : memref<2048xi32, #tpu.memory_space<vmem>>, vector<16xi32>,
      %sub3A_314 = arith.constant 1.000000e+00 : f32
      %sub3A_315 = vector.broadcast %sub3A_314 : f32 to vector<16xf32>
      %sub3A_316 = arith.subf %sub3A_315, %sub3A : vector<16xf32>
      %sub3A_317 = arith.constant 1.000000e+00 : f32
      %sub3A_318 = vector.broadcast %sub3A_317 : f32 to vector<16xf32>
      %sub3A_319 = arith.subf %sub3A_318, %sub3A_270 : vector<16xf32>
      %mul3A_320 = arith.mulf %sub3A_316, %sub3A_319 : vector<16xf32>
      %add3A_321 = arith.constant 0 : i32
      %add3A_322 = arith.addi %add3A_321, %mul3A_166 : i32
      %swap3A_323 = arith.index_cast %add3A_322 : i32 to index
      %swap3A_324 = tpu.vector_load %arg12[%swap3A_323] {strides = array<i32>} : memref<2048xf32, #tpu.memory_space<vmem>>, vector<16xf32>,
      tpu.vector_store %arg12[%swap3A_323], %mul3A_320 {strides = array<i32>} : memref<2048xf32, #tpu.memory_space<vmem>>, vector<16xf32>,
      %sub3A_325 = arith.constant 1.000000e+00 : f32
      %sub3A_326 = vector.broadcast %sub3A_325 : f32 to vector<16xf32>
      %sub3A_327 = arith.subf %sub3A_326, %sub3A_270 : vector<16xf32>
      %mul3A_328 = arith.mulf %sub3A, %sub3A_327 : vector<16xf32>
      %add3A_329 = arith.constant 64 : i32
      %add3A_330 = arith.addi %add3A_329, %mul3A_166 : i32
      %swap3A_331 = arith.index_cast %add3A_330 : i32 to index
      %swap3A_332 = tpu.vector_load %arg12[%swap3A_331] {strides = array<i32>} : memref<2048xf32, #tpu.memory_space<vmem>>, vector<16xf32>,
      tpu.vector_store %arg12[%swap3A_331], %mul3A_328 {strides = array<i32>} : memref<2048xf32, #tpu.memory_space<vmem>>, vector<16xf32>,
      %sub3A_333 = arith.constant 1.000000e+00 : f32
      %sub3A_334 = vector.broadcast %sub3A_333 : f32 to vector<16xf32>
      %sub3A_335 = arith.subf %sub3A_334, %sub3A : vector<16xf32>
      %mul3A_336 = arith.mulf %sub3A_335, %sub3A_270 : vector<16xf32>
      %add3A_337 = arith.constant 128 : i32
      %add3A_338 = arith.addi %add3A_337, %mul3A_166 : i32
      %swap3A_339 = arith.index_cast %add3A_338 : i32 to index
      %swap3A_340 = tpu.vector_load %arg12[%swap3A_339] {strides = array<i32>} : memref<2048xf32, #tpu.memory_space<vmem>>, vector<16xf32>,
      tpu.vector_store %arg12[%swap3A_339], %mul3A_336 {strides = array<i32>} : memref<2048xf32, #tpu.memory_space<vmem>>, vector<16xf32>,
      %mul3A_341 = arith.mulf %sub3A, %sub3A_270 : vector<16xf32>
      %add3A_342 = arith.constant 192 : i32
      %add3A_343 = arith.addi %add3A_342, %mul3A_166 : i32
      %swap3A_344 = arith.index_cast %add3A_343 : i32 to index
      %swap3A_345 = tpu.vector_load %arg12[%swap3A_344] {strides = array<i32>} : memref<2048xf32, #tpu.memory_space<vmem>>, vector<16xf32>,
      tpu.vector_store %arg12[%swap3A_344], %mul3A_341 {strides = array<i32>} : memref<2048xf32, #tpu.memory_space<vmem>>, vector<16xf32>,
      %add3A_346 = arith.constant 1.000000e+00 : f32
      %add3A_347 = vector.broadcast %add3A_346 : f32 to vector<16xf32>
      %add3A_348 = arith.addf %add3A_231, %add3A_347 : vector<16xf32>
      %mul3A_349 = arith.constant 5.000000e-01 : f32
      %mul3A_350 = vector.broadcast %mul3A_349 : f32 to vector<16xf32>
      %mul3A_351 = arith.mulf %add3A_348, %mul3A_350 : vector<16xf32>
      %mul3A_352 = arith.constant 6.300000e+01 : f32
      %mul3A_353 = vector.broadcast %mul3A_352 : f32 to vector<16xf32>
      %mul3A_354 = arith.mulf %mul3A_351, %mul3A_353 : vector<16xf32>
      %jit3A_355 = arith.constant 0.000000e+00 : f32
      %jit3A_356 = arith.constant 6.300000e+01 : f32
      %max3A_357 = vector.broadcast %jit3A_355 : f32 to vector<16xf32>
      %max3A_358 = arith.maximumf %max3A_357, %mul3A_354 : vector<16xf32>
      %min3A_359 = vector.broadcast %jit3A_356 : f32 to vector<16xf32>
      %min3A_360 = arith.minimumf %min3A_359, %max3A_358 : vector<16xf32>
      %add3A_361 = arith.constant 1.000000e+00 : f32
      %add3A_362 = vector.broadcast %add3A_361 : f32 to vector<16xf32>
      %add3A_363 = arith.addf %add3A_239, %add3A_362 : vector<16xf32>
      %mul3A_364 = arith.constant 5.000000e-01 : f32
      %mul3A_365 = vector.broadcast %mul3A_364 : f32 to vector<16xf32>
      %mul3A_366 = arith.mulf %add3A_363, %mul3A_365 : vector<16xf32>
      %mul3A_367 = arith.constant 6.300000e+01 : f32
      %mul3A_368 = vector.broadcast %mul3A_367 : f32 to vector<16xf32>
      %mul3A_369 = arith.mulf %mul3A_366, %mul3A_368 : vector<16xf32>
      %jit3A_370 = arith.constant 0.000000e+00 : f32
      %jit3A_371 = arith.constant 6.300000e+01 : f32
      %max3A_372 = vector.broadcast %jit3A_370 : f32 to vector<16xf32>
      %max3A_373 = arith.maximumf %max3A_372, %mul3A_369 : vector<16xf32>
      %min3A_374 = vector.broadcast %jit3A_371 : f32 to vector<16xf32>
      %min3A_375 = arith.minimumf %min3A_374, %max3A_373 : vector<16xf32>
      %convert_element_type3A_376 = arith.fptosi %min3A_360 : vector<16xf32> to vector<16xi32>
      %convert_element_type3A_377 = arith.fptosi %min3A_375 : vector<16xf32> to vector<16xi32>
      %convert_element_type3A_378 = arith.sitofp %convert_element_type3A_376 : vector<16xi32> to vector<16xf32>
      %sub3A_379 = arith.subf %min3A_360, %convert_element_type3A_378 : vector<16xf32>
      %convert_element_type3A_380 = arith.sitofp %convert_element_type3A_377 : vector<16xi32> to vector<16xf32>
      %sub3A_381 = arith.subf %min3A_375, %convert_element_type3A_380 : vector<16xf32>
      %add3A_382 = arith.constant 1 : i32
      %add3A_383 = vector.broadcast %add3A_382 : i32 to vector<16xi32>
      %add3A_384 = arith.addi %convert_element_type3A_376, %add3A_383 : vector<16xi32>
      %min3A_385 = arith.constant 63 : i32
      %min3A_386 = vector.broadcast %min3A_385 : i32 to vector<16xi32>
      %min3A_387 = arith.minsi %add3A_384, %min3A_386 : vector<16xi32>
      %add3A_388 = arith.constant 1 : i32
      %add3A_389 = vector.broadcast %add3A_388 : i32 to vector<16xi32>
      %add3A_390 = arith.addi %convert_element_type3A_377, %add3A_389 : vector<16xi32>
      %min3A_391 = arith.constant 63 : i32
      %min3A_392 = vector.broadcast %min3A_391 : i32 to vector<16xi32>
      %min3A_393 = arith.minsi %add3A_390, %min3A_392 : vector<16xi32>
      %mul3A_394 = arith.constant 4096 : i32
      %mul3A_395 = arith.muli %rem3A_1, %mul3A_394 : i32
      %mul3A_396 = arith.constant 64 : i32
      %mul3A_397 = vector.broadcast %mul3A_396 : i32 to vector<16xi32>
      %mul3A_398 = arith.muli %convert_element_type3A_377, %mul3A_397 : vector<16xi32>
      %add3A_399 = vector.broadcast %mul3A_395 : i32 to vector<16xi32>
      %add3A_400 = arith.addi %add3A_399, %mul3A_398 : vector<16xi32>
      %mul3A_401 = arith.constant 64 : i32
      %mul3A_402 = vector.broadcast %mul3A_401 : i32 to vector<16xi32>
      %mul3A_403 = arith.muli %min3A_393, %mul3A_402 : vector<16xi32>
      %add3A_404 = vector.broadcast %mul3A_395 : i32 to vector<16xi32>
      %add3A_405 = arith.addi %add3A_404, %mul3A_403 : vector<16xi32>
      %add3A_406 = arith.addi %add3A_400, %convert_element_type3A_376 : vector<16xi32>
      %add3A_407 = arith.constant 256 : i32
      %add3A_408 = arith.addi %add3A_407, %mul3A_166 : i32
      %swap3A_409 = arith.index_cast %add3A_408 : i32 to index
      %swap3A_410 = tpu.vector_load %arg11[%swap3A_409] {strides = array<i32>} : memref<2048xi32, #tpu.memory_space<vmem>>, vector<16xi32>,
      tpu.vector_store %arg11[%swap3A_409], %add3A_406 {strides = array<i32>} : memref<2048xi32, #tpu.memory_space<vmem>>, vector<16xi32>,
      %add3A_411 = arith.addi %add3A_400, %min3A_387 : vector<16xi32>
      %add3A_412 = arith.constant 320 : i32
      %add3A_413 = arith.addi %add3A_412, %mul3A_166 : i32
      %swap3A_414 = arith.index_cast %add3A_413 : i32 to index
      %swap3A_415 = tpu.vector_load %arg11[%swap3A_414] {strides = array<i32>} : memref<2048xi32, #tpu.memory_space<vmem>>, vector<16xi32>,
      tpu.vector_store %arg11[%swap3A_414], %add3A_411 {strides = array<i32>} : memref<2048xi32, #tpu.memory_space<vmem>>, vector<16xi32>,
      %add3A_416 = arith.addi %add3A_405, %convert_element_type3A_376 : vector<16xi32>
      %add3A_417 = arith.constant 384 : i32
      %add3A_418 = arith.addi %add3A_417, %mul3A_166 : i32
      %swap3A_419 = arith.index_cast %add3A_418 : i32 to index
      %swap3A_420 = tpu.vector_load %arg11[%swap3A_419] {strides = array<i32>} : memref<2048xi32, #tpu.memory_space<vmem>>, vector<16xi32>,
      tpu.vector_store %arg11[%swap3A_419], %add3A_416 {strides = array<i32>} : memref<2048xi32, #tpu.memory_space<vmem>>, vector<16xi32>,
      %add3A_421 = arith.addi %add3A_405, %min3A_387 : vector<16xi32>
      %add3A_422 = arith.constant 448 : i32
      %add3A_423 = arith.addi %add3A_422, %mul3A_166 : i32
      %swap3A_424 = arith.index_cast %add3A_423 : i32 to index
      %swap3A_425 = tpu.vector_load %arg11[%swap3A_424] {strides = array<i32>} : memref<2048xi32, #tpu.memory_space<vmem>>, vector<16xi32>,
      tpu.vector_store %arg11[%swap3A_424], %add3A_421 {strides = array<i32>} : memref<2048xi32, #tpu.memory_space<vmem>>, vector<16xi32>,
      %sub3A_426 = arith.constant 1.000000e+00 : f32
      %sub3A_427 = vector.broadcast %sub3A_426 : f32 to vector<16xf32>
      %sub3A_428 = arith.subf %sub3A_427, %sub3A_379 : vector<16xf32>
      %sub3A_429 = arith.constant 1.000000e+00 : f32
      %sub3A_430 = vector.broadcast %sub3A_429 : f32 to vector<16xf32>
      %sub3A_431 = arith.subf %sub3A_430, %sub3A_381 : vector<16xf32>
      %mul3A_432 = arith.mulf %sub3A_428, %sub3A_431 : vector<16xf32>
      %add3A_433 = arith.constant 256 : i32
      %add3A_434 = arith.addi %add3A_433, %mul3A_166 : i32
      %swap3A_435 = arith.index_cast %add3A_434 : i32 to index
      %swap3A_436 = tpu.vector_load %arg12[%swap3A_435] {strides = array<i32>} : memref<2048xf32, #tpu.memory_space<vmem>>, vector<16xf32>,
      tpu.vector_store %arg12[%swap3A_435], %mul3A_432 {strides = array<i32>} : memref<2048xf32, #tpu.memory_space<vmem>>, vector<16xf32>,
      %sub3A_437 = arith.constant 1.000000e+00 : f32
      %sub3A_438 = vector.broadcast %sub3A_437 : f32 to vector<16xf32>
      %sub3A_439 = arith.subf %sub3A_438, %sub3A_381 : vector<16xf32>
      %mul3A_440 = arith.mulf %sub3A_379, %sub3A_439 : vector<16xf32>
      %add3A_441 = arith.constant 320 : i32
      %add3A_442 = arith.addi %add3A_441, %mul3A_166 : i32
      %swap3A_443 = arith.index_cast %add3A_442 : i32 to index
      %swap3A_444 = tpu.vector_load %arg12[%swap3A_443] {strides = array<i32>} : memref<2048xf32, #tpu.memory_space<vmem>>, vector<16xf32>,
      tpu.vector_store %arg12[%swap3A_443], %mul3A_440 {strides = array<i32>} : memref<2048xf32, #tpu.memory_space<vmem>>, vector<16xf32>,
      %sub3A_445 = arith.constant 1.000000e+00 : f32
      %sub3A_446 = vector.broadcast %sub3A_445 : f32 to vector<16xf32>
      %sub3A_447 = arith.subf %sub3A_446, %sub3A_379 : vector<16xf32>
      %mul3A_448 = arith.mulf %sub3A_447, %sub3A_381 : vector<16xf32>
      %add3A_449 = arith.constant 384 : i32
      %add3A_450 = arith.addi %add3A_449, %mul3A_166 : i32
      %swap3A_451 = arith.index_cast %add3A_450 : i32 to index
      %swap3A_452 = tpu.vector_load %arg12[%swap3A_451] {strides = array<i32>} : memref<2048xf32, #tpu.memory_space<vmem>>, vector<16xf32>,
      tpu.vector_store %arg12[%swap3A_451], %mul3A_448 {strides = array<i32>} : memref<2048xf32, #tpu.memory_space<vmem>>, vector<16xf32>,
      %mul3A_453 = arith.mulf %sub3A_379, %sub3A_381 : vector<16xf32>
      %add3A_454 = arith.constant 448 : i32
      %add3A_455 = arith.addi %add3A_454, %mul3A_166 : i32
      %swap3A_456 = arith.index_cast %add3A_455 : i32 to index
      %swap3A_457 = tpu.vector_load %arg12[%swap3A_456] {strides = array<i32>} : memref<2048xf32, #tpu.memory_space<vmem>>, vector<16xf32>,
      tpu.vector_store %arg12[%swap3A_456], %mul3A_453 {strides = array<i32>} : memref<2048xf32, #tpu.memory_space<vmem>>, vector<16xf32>,
      %add3A_458 = arith.constant 1.000000e+00 : f32
      %add3A_459 = vector.broadcast %add3A_458 : f32 to vector<16xf32>
      %add3A_460 = arith.addf %add3A_231, %add3A_459 : vector<16xf32>
      %mul3A_461 = arith.constant 5.000000e-01 : f32
      %mul3A_462 = vector.broadcast %mul3A_461 : f32 to vector<16xf32>
      %mul3A_463 = arith.mulf %add3A_460, %mul3A_462 : vector<16xf32>
      %mul3A_464 = arith.constant 3.100000e+01 : f32
      %mul3A_465 = vector.broadcast %mul3A_464 : f32 to vector<16xf32>
      %mul3A_466 = arith.mulf %mul3A_463, %mul3A_465 : vector<16xf32>
      %jit3A_467 = arith.constant 0.000000e+00 : f32
      %jit3A_468 = arith.constant 3.100000e+01 : f32
      %max3A_469 = vector.broadcast %jit3A_467 : f32 to vector<16xf32>
      %max3A_470 = arith.maximumf %max3A_469, %mul3A_466 : vector<16xf32>
      %min3A_471 = vector.broadcast %jit3A_468 : f32 to vector<16xf32>
      %min3A_472 = arith.minimumf %min3A_471, %max3A_470 : vector<16xf32>
      %add3A_473 = arith.constant 1.000000e+00 : f32
      %add3A_474 = vector.broadcast %add3A_473 : f32 to vector<16xf32>
      %add3A_475 = arith.addf %add3A_239, %add3A_474 : vector<16xf32>
      %mul3A_476 = arith.constant 5.000000e-01 : f32
      %mul3A_477 = vector.broadcast %mul3A_476 : f32 to vector<16xf32>
      %mul3A_478 = arith.mulf %add3A_475, %mul3A_477 : vector<16xf32>
      %mul3A_479 = arith.constant 3.100000e+01 : f32
      %mul3A_480 = vector.broadcast %mul3A_479 : f32 to vector<16xf32>
      %mul3A_481 = arith.mulf %mul3A_478, %mul3A_480 : vector<16xf32>
      %jit3A_482 = arith.constant 0.000000e+00 : f32
      %jit3A_483 = arith.constant 3.100000e+01 : f32
      %max3A_484 = vector.broadcast %jit3A_482 : f32 to vector<16xf32>
      %max3A_485 = arith.maximumf %max3A_484, %mul3A_481 : vector<16xf32>
      %min3A_486 = vector.broadcast %jit3A_483 : f32 to vector<16xf32>
      %min3A_487 = arith.minimumf %min3A_486, %max3A_485 : vector<16xf32>
      %convert_element_type3A_488 = arith.fptosi %min3A_472 : vector<16xf32> to vector<16xi32>
      %convert_element_type3A_489 = arith.fptosi %min3A_487 : vector<16xf32> to vector<16xi32>
      %convert_element_type3A_490 = arith.sitofp %convert_element_type3A_488 : vector<16xi32> to vector<16xf32>
      %sub3A_491 = arith.subf %min3A_472, %convert_element_type3A_490 : vector<16xf32>
      %convert_element_type3A_492 = arith.sitofp %convert_element_type3A_489 : vector<16xi32> to vector<16xf32>
      %sub3A_493 = arith.subf %min3A_487, %convert_element_type3A_492 : vector<16xf32>
      %add3A_494 = arith.constant 1 : i32
      %add3A_495 = vector.broadcast %add3A_494 : i32 to vector<16xi32>
      %add3A_496 = arith.addi %convert_element_type3A_488, %add3A_495 : vector<16xi32>
      %min3A_497 = arith.constant 31 : i32
      %min3A_498 = vector.broadcast %min3A_497 : i32 to vector<16xi32>
      %min3A_499 = arith.minsi %add3A_496, %min3A_498 : vector<16xi32>
      %add3A_500 = arith.constant 1 : i32
      %add3A_501 = vector.broadcast %add3A_500 : i32 to vector<16xi32>
      %add3A_502 = arith.addi %convert_element_type3A_489, %add3A_501 : vector<16xi32>
      %min3A_503 = arith.constant 31 : i32
      %min3A_504 = vector.broadcast %min3A_503 : i32 to vector<16xi32>
      %min3A_505 = arith.minsi %add3A_502, %min3A_504 : vector<16xi32>
      %mul3A_506 = arith.constant 32 : i32
      %mul3A_507 = vector.broadcast %mul3A_506 : i32 to vector<16xi32>
      %mul3A_508 = arith.muli %convert_element_type3A_489, %mul3A_507 : vector<16xi32>
      %add3A_509 = arith.constant 0 : i32
      %add3A_510 = vector.broadcast %add3A_509 : i32 to vector<16xi32>
      %add3A_511 = arith.addi %add3A_510, %mul3A_508 : vector<16xi32>
      %mul3A_512 = arith.constant 32 : i32
      %mul3A_513 = vector.broadcast %mul3A_512 : i32 to vector<16xi32>
      %mul3A_514 = arith.muli %min3A_505, %mul3A_513 : vector<16xi32>
      %add3A_515 = arith.constant 0 : i32
      %add3A_516 = vector.broadcast %add3A_515 : i32 to vector<16xi32>
      %add3A_517 = arith.addi %add3A_516, %mul3A_514 : vector<16xi32>
      %add3A_518 = arith.addi %add3A_511, %convert_element_type3A_488 : vector<16xi32>
      %add3A_519 = arith.constant 512 : i32
      %add3A_520 = arith.addi %add3A_519, %mul3A_166 : i32
      %swap3A_521 = arith.index_cast %add3A_520 : i32 to index
      %swap3A_522 = tpu.vector_load %arg11[%swap3A_521] {strides = array<i32>} : memref<2048xi32, #tpu.memory_space<vmem>>, vector<16xi32>,
      tpu.vector_store %arg11[%swap3A_521], %add3A_518 {strides = array<i32>} : memref<2048xi32, #tpu.memory_space<vmem>>, vector<16xi32>,
      %add3A_523 = arith.addi %add3A_511, %min3A_499 : vector<16xi32>
      %add3A_524 = arith.constant 576 : i32
      %add3A_525 = arith.addi %add3A_524, %mul3A_166 : i32
      %swap3A_526 = arith.index_cast %add3A_525 : i32 to index
      %swap3A_527 = tpu.vector_load %arg11[%swap3A_526] {strides = array<i32>} : memref<2048xi32, #tpu.memory_space<vmem>>, vector<16xi32>,
      tpu.vector_store %arg11[%swap3A_526], %add3A_523 {strides = array<i32>} : memref<2048xi32, #tpu.memory_space<vmem>>, vector<16xi32>,
      %add3A_528 = arith.addi %add3A_517, %convert_element_type3A_488 : vector<16xi32>
      %add3A_529 = arith.constant 640 : i32
      %add3A_530 = arith.addi %add3A_529, %mul3A_166 : i32
      %swap3A_531 = arith.index_cast %add3A_530 : i32 to index
      %swap3A_532 = tpu.vector_load %arg11[%swap3A_531] {strides = array<i32>} : memref<2048xi32, #tpu.memory_space<vmem>>, vector<16xi32>,
      tpu.vector_store %arg11[%swap3A_531], %add3A_528 {strides = array<i32>} : memref<2048xi32, #tpu.memory_space<vmem>>, vector<16xi32>,
      %add3A_533 = arith.addi %add3A_517, %min3A_499 : vector<16xi32>
      %add3A_534 = arith.constant 704 : i32
      %add3A_535 = arith.addi %add3A_534, %mul3A_166 : i32
      %swap3A_536 = arith.index_cast %add3A_535 : i32 to index
      %swap3A_537 = tpu.vector_load %arg11[%swap3A_536] {strides = array<i32>} : memref<2048xi32, #tpu.memory_space<vmem>>, vector<16xi32>,
      tpu.vector_store %arg11[%swap3A_536], %add3A_533 {strides = array<i32>} : memref<2048xi32, #tpu.memory_space<vmem>>, vector<16xi32>,
      %sub3A_538 = arith.constant 1.000000e+00 : f32
      %sub3A_539 = vector.broadcast %sub3A_538 : f32 to vector<16xf32>
      %sub3A_540 = arith.subf %sub3A_539, %sub3A_491 : vector<16xf32>
      %sub3A_541 = arith.constant 1.000000e+00 : f32
      %sub3A_542 = vector.broadcast %sub3A_541 : f32 to vector<16xf32>
      %sub3A_543 = arith.subf %sub3A_542, %sub3A_493 : vector<16xf32>
      %mul3A_544 = arith.mulf %sub3A_540, %sub3A_543 : vector<16xf32>
      %add3A_545 = arith.constant 512 : i32
      %add3A_546 = arith.addi %add3A_545, %mul3A_166 : i32
      %swap3A_547 = arith.index_cast %add3A_546 : i32 to index
      %swap3A_548 = tpu.vector_load %arg12[%swap3A_547] {strides = array<i32>} : memref<2048xf32, #tpu.memory_space<vmem>>, vector<16xf32>,
      tpu.vector_store %arg12[%swap3A_547], %mul3A_544 {strides = array<i32>} : memref<2048xf32, #tpu.memory_space<vmem>>, vector<16xf32>,
      %sub3A_549 = arith.constant 1.000000e+00 : f32
      %sub3A_550 = vector.broadcast %sub3A_549 : f32 to vector<16xf32>
      %sub3A_551 = arith.subf %sub3A_550, %sub3A_493 : vector<16xf32>
      %mul3A_552 = arith.mulf %sub3A_491, %sub3A_551 : vector<16xf32>
      %add3A_553 = arith.constant 576 : i32
      %add3A_554 = arith.addi %add3A_553, %mul3A_166 : i32
      %swap3A_555 = arith.index_cast %add3A_554 : i32 to index
      %swap3A_556 = tpu.vector_load %arg12[%swap3A_555] {strides = array<i32>} : memref<2048xf32, #tpu.memory_space<vmem>>, vector<16xf32>,
      tpu.vector_store %arg12[%swap3A_555], %mul3A_552 {strides = array<i32>} : memref<2048xf32, #tpu.memory_space<vmem>>, vector<16xf32>,
      %sub3A_557 = arith.constant 1.000000e+00 : f32
      %sub3A_558 = vector.broadcast %sub3A_557 : f32 to vector<16xf32>
      %sub3A_559 = arith.subf %sub3A_558, %sub3A_491 : vector<16xf32>
      %mul3A_560 = arith.mulf %sub3A_559, %sub3A_493 : vector<16xf32>
      %add3A_561 = arith.constant 640 : i32
      %add3A_562 = arith.addi %add3A_561, %mul3A_166 : i32
      %swap3A_563 = arith.index_cast %add3A_562 : i32 to index
      %swap3A_564 = tpu.vector_load %arg12[%swap3A_563] {strides = array<i32>} : memref<2048xf32, #tpu.memory_space<vmem>>, vector<16xf32>,
      tpu.vector_store %arg12[%swap3A_563], %mul3A_560 {strides = array<i32>} : memref<2048xf32, #tpu.memory_space<vmem>>, vector<16xf32>,
      %mul3A_565 = arith.mulf %sub3A_491, %sub3A_493 : vector<16xf32>
      %add3A_566 = arith.constant 704 : i32
      %add3A_567 = arith.addi %add3A_566, %mul3A_166 : i32
      %swap3A_568 = arith.index_cast %add3A_567 : i32 to index
      %swap3A_569 = tpu.vector_load %arg12[%swap3A_568] {strides = array<i32>} : memref<2048xf32, #tpu.memory_space<vmem>>, vector<16xf32>,
      tpu.vector_store %arg12[%swap3A_568], %mul3A_565 {strides = array<i32>} : memref<2048xf32, #tpu.memory_space<vmem>>, vector<16xf32>,
      %add3A_570 = arith.constant 1.000000e+00 : f32
      %add3A_571 = vector.broadcast %add3A_570 : f32 to vector<16xf32>
      %add3A_572 = arith.addf %add3A_231, %add3A_571 : vector<16xf32>
      %mul3A_573 = arith.constant 5.000000e-01 : f32
      %mul3A_574 = vector.broadcast %mul3A_573 : f32 to vector<16xf32>
      %mul3A_575 = arith.mulf %add3A_572, %mul3A_574 : vector<16xf32>
      %mul3A_576 = arith.constant 1.500000e+01 : f32
      %mul3A_577 = vector.broadcast %mul3A_576 : f32 to vector<16xf32>
      %mul3A_578 = arith.mulf %mul3A_575, %mul3A_577 : vector<16xf32>
      %jit3A_579 = arith.constant 0.000000e+00 : f32
      %jit3A_580 = arith.constant 1.500000e+01 : f32
      %max3A_581 = vector.broadcast %jit3A_579 : f32 to vector<16xf32>
      %max3A_582 = arith.maximumf %max3A_581, %mul3A_578 : vector<16xf32>
      %min3A_583 = vector.broadcast %jit3A_580 : f32 to vector<16xf32>
      %min3A_584 = arith.minimumf %min3A_583, %max3A_582 : vector<16xf32>
      %add3A_585 = arith.constant 1.000000e+00 : f32
      %add3A_586 = vector.broadcast %add3A_585 : f32 to vector<16xf32>
      %add3A_587 = arith.addf %add3A_239, %add3A_586 : vector<16xf32>
      %mul3A_588 = arith.constant 5.000000e-01 : f32
      %mul3A_589 = vector.broadcast %mul3A_588 : f32 to vector<16xf32>
      %mul3A_590 = arith.mulf %add3A_587, %mul3A_589 : vector<16xf32>
      %mul3A_591 = arith.constant 1.500000e+01 : f32
      %mul3A_592 = vector.broadcast %mul3A_591 : f32 to vector<16xf32>
      %mul3A_593 = arith.mulf %mul3A_590, %mul3A_592 : vector<16xf32>
      %jit3A_594 = arith.constant 0.000000e+00 : f32
      %jit3A_595 = arith.constant 1.500000e+01 : f32
      %max3A_596 = vector.broadcast %jit3A_594 : f32 to vector<16xf32>
      %max3A_597 = arith.maximumf %max3A_596, %mul3A_593 : vector<16xf32>
      %min3A_598 = vector.broadcast %jit3A_595 : f32 to vector<16xf32>
      %min3A_599 = arith.minimumf %min3A_598, %max3A_597 : vector<16xf32>
      %convert_element_type3A_600 = arith.fptosi %min3A_584 : vector<16xf32> to vector<16xi32>
      %convert_element_type3A_601 = arith.fptosi %min3A_599 : vector<16xf32> to vector<16xi32>
      %convert_element_type3A_602 = arith.sitofp %convert_element_type3A_600 : vector<16xi32> to vector<16xf32>
      %sub3A_603 = arith.subf %min3A_584, %convert_element_type3A_602 : vector<16xf32>
      %convert_element_type3A_604 = arith.sitofp %convert_element_type3A_601 : vector<16xi32> to vector<16xf32>
      %sub3A_605 = arith.subf %min3A_599, %convert_element_type3A_604 : vector<16xf32>
      %add3A_606 = arith.constant 1 : i32
      %add3A_607 = vector.broadcast %add3A_606 : i32 to vector<16xi32>
      %add3A_608 = arith.addi %convert_element_type3A_600, %add3A_607 : vector<16xi32>
      %min3A_609 = arith.constant 15 : i32
      %min3A_610 = vector.broadcast %min3A_609 : i32 to vector<16xi32>
      %min3A_611 = arith.minsi %add3A_608, %min3A_610 : vector<16xi32>
      %add3A_612 = arith.constant 1 : i32
      %add3A_613 = vector.broadcast %add3A_612 : i32 to vector<16xi32>
      %add3A_614 = arith.addi %convert_element_type3A_601, %add3A_613 : vector<16xi32>
      %min3A_615 = arith.constant 15 : i32
      %min3A_616 = vector.broadcast %min3A_615 : i32 to vector<16xi32>
      %min3A_617 = arith.minsi %add3A_614, %min3A_616 : vector<16xi32>
      %mul3A_618 = arith.constant 16 : i32
      %mul3A_619 = vector.broadcast %mul3A_618 : i32 to vector<16xi32>
      %mul3A_620 = arith.muli %convert_element_type3A_601, %mul3A_619 : vector<16xi32>
      %add3A_621 = arith.constant 0 : i32
      %add3A_622 = vector.broadcast %add3A_621 : i32 to vector<16xi32>
      %add3A_623 = arith.addi %add3A_622, %mul3A_620 : vector<16xi32>
      %mul3A_624 = arith.constant 16 : i32
      %mul3A_625 = vector.broadcast %mul3A_624 : i32 to vector<16xi32>
      %mul3A_626 = arith.muli %min3A_617, %mul3A_625 : vector<16xi32>
      %add3A_627 = arith.constant 0 : i32
      %add3A_628 = vector.broadcast %add3A_627 : i32 to vector<16xi32>
      %add3A_629 = arith.addi %add3A_628, %mul3A_626 : vector<16xi32>
      %add3A_630 = arith.addi %add3A_623, %convert_element_type3A_600 : vector<16xi32>
      %add3A_631 = arith.constant 768 : i32
      %add3A_632 = arith.addi %add3A_631, %mul3A_166 : i32
      %swap3A_633 = arith.index_cast %add3A_632 : i32 to index
      %swap3A_634 = tpu.vector_load %arg11[%swap3A_633] {strides = array<i32>} : memref<2048xi32, #tpu.memory_space<vmem>>, vector<16xi32>,
      tpu.vector_store %arg11[%swap3A_633], %add3A_630 {strides = array<i32>} : memref<2048xi32, #tpu.memory_space<vmem>>, vector<16xi32>,
      %add3A_635 = arith.addi %add3A_623, %min3A_611 : vector<16xi32>
      %add3A_636 = arith.constant 832 : i32
      %add3A_637 = arith.addi %add3A_636, %mul3A_166 : i32
      %swap3A_638 = arith.index_cast %add3A_637 : i32 to index
      %swap3A_639 = tpu.vector_load %arg11[%swap3A_638] {strides = array<i32>} : memref<2048xi32, #tpu.memory_space<vmem>>, vector<16xi32>,
      tpu.vector_store %arg11[%swap3A_638], %add3A_635 {strides = array<i32>} : memref<2048xi32, #tpu.memory_space<vmem>>, vector<16xi32>,
      %add3A_640 = arith.addi %add3A_629, %convert_element_type3A_600 : vector<16xi32>
      %add3A_641 = arith.constant 896 : i32
      %add3A_642 = arith.addi %add3A_641, %mul3A_166 : i32
      %swap3A_643 = arith.index_cast %add3A_642 : i32 to index
      %swap3A_644 = tpu.vector_load %arg11[%swap3A_643] {strides = array<i32>} : memref<2048xi32, #tpu.memory_space<vmem>>, vector<16xi32>,
      tpu.vector_store %arg11[%swap3A_643], %add3A_640 {strides = array<i32>} : memref<2048xi32, #tpu.memory_space<vmem>>, vector<16xi32>,
      %add3A_645 = arith.addi %add3A_629, %min3A_611 : vector<16xi32>
      %add3A_646 = arith.constant 960 : i32
      %add3A_647 = arith.addi %add3A_646, %mul3A_166 : i32
      %swap3A_648 = arith.index_cast %add3A_647 : i32 to index
      %swap3A_649 = tpu.vector_load %arg11[%swap3A_648] {strides = array<i32>} : memref<2048xi32, #tpu.memory_space<vmem>>, vector<16xi32>,
      tpu.vector_store %arg11[%swap3A_648], %add3A_645 {strides = array<i32>} : memref<2048xi32, #tpu.memory_space<vmem>>, vector<16xi32>,
      %sub3A_650 = arith.constant 1.000000e+00 : f32
      %sub3A_651 = vector.broadcast %sub3A_650 : f32 to vector<16xf32>
      %sub3A_652 = arith.subf %sub3A_651, %sub3A_603 : vector<16xf32>
      %sub3A_653 = arith.constant 1.000000e+00 : f32
      %sub3A_654 = vector.broadcast %sub3A_653 : f32 to vector<16xf32>
      %sub3A_655 = arith.subf %sub3A_654, %sub3A_605 : vector<16xf32>
      %mul3A_656 = arith.mulf %sub3A_652, %sub3A_655 : vector<16xf32>
      %add3A_657 = arith.constant 768 : i32
      %add3A_658 = arith.addi %add3A_657, %mul3A_166 : i32
      %swap3A_659 = arith.index_cast %add3A_658 : i32 to index
      %swap3A_660 = tpu.vector_load %arg12[%swap3A_659] {strides = array<i32>} : memref<2048xf32, #tpu.memory_space<vmem>>, vector<16xf32>,
      tpu.vector_store %arg12[%swap3A_659], %mul3A_656 {strides = array<i32>} : memref<2048xf32, #tpu.memory_space<vmem>>, vector<16xf32>,
      %sub3A_661 = arith.constant 1.000000e+00 : f32
      %sub3A_662 = vector.broadcast %sub3A_661 : f32 to vector<16xf32>
      %sub3A_663 = arith.subf %sub3A_662, %sub3A_605 : vector<16xf32>
      %mul3A_664 = arith.mulf %sub3A_603, %sub3A_663 : vector<16xf32>
      %add3A_665 = arith.constant 832 : i32
      %add3A_666 = arith.addi %add3A_665, %mul3A_166 : i32
      %swap3A_667 = arith.index_cast %add3A_666 : i32 to index
      %swap3A_668 = tpu.vector_load %arg12[%swap3A_667] {strides = array<i32>} : memref<2048xf32, #tpu.memory_space<vmem>>, vector<16xf32>,
      tpu.vector_store %arg12[%swap3A_667], %mul3A_664 {strides = array<i32>} : memref<2048xf32, #tpu.memory_space<vmem>>, vector<16xf32>,
      %sub3A_669 = arith.constant 1.000000e+00 : f32
      %sub3A_670 = vector.broadcast %sub3A_669 : f32 to vector<16xf32>
      %sub3A_671 = arith.subf %sub3A_670, %sub3A_603 : vector<16xf32>
      %mul3A_672 = arith.mulf %sub3A_671, %sub3A_605 : vector<16xf32>
      %add3A_673 = arith.constant 896 : i32
      %add3A_674 = arith.addi %add3A_673, %mul3A_166 : i32
      %swap3A_675 = arith.index_cast %add3A_674 : i32 to index
      %swap3A_676 = tpu.vector_load %arg12[%swap3A_675] {strides = array<i32>} : memref<2048xf32, #tpu.memory_space<vmem>>, vector<16xf32>,
      tpu.vector_store %arg12[%swap3A_675], %mul3A_672 {strides = array<i32>} : memref<2048xf32, #tpu.memory_space<vmem>>, vector<16xf32>,
      %mul3A_677 = arith.mulf %sub3A_603, %sub3A_605 : vector<16xf32>
      %add3A_678 = arith.constant 960 : i32
      %add3A_679 = arith.addi %add3A_678, %mul3A_166 : i32
      %swap3A_680 = arith.index_cast %add3A_679 : i32 to index
      %swap3A_681 = tpu.vector_load %arg12[%swap3A_680] {strides = array<i32>} : memref<2048xf32, #tpu.memory_space<vmem>>, vector<16xf32>,
      tpu.vector_store %arg12[%swap3A_680], %mul3A_677 {strides = array<i32>} : memref<2048xf32, #tpu.memory_space<vmem>>, vector<16xf32>,
    }
    %scan3A_33 = arith.constant 4 : i32
    %dma_start3A = arith.constant 0 : i32
    %dma_start3A_34 = arith.constant 0 : i32
    %dma_start3A_35 = arith.constant 0 : i32
    %dma_start3A_36 = arith.constant 0 : i32
    %dma_start3A_37 = tpu.memref_slice %arg13[%dma_start3A, %dma_start3A_34, %dma_start3A_35, %dma_start3A_36] : memref<2x8x64x32xf32, #tpu.memory_space<vmem>> -> memref<1x1x64x32xf32, #tpu.memory_space<vmem>>
    %dma_start3A_38 = tpu.memref_squeeze %dma_start3A_37 : memref<1x1x64x32xf32, #tpu.memory_space<vmem>> -> memref<64x32xf32, #tpu.memory_space<vmem>>
    %dma_start3A_39 = arith.constant 0 : i32
    %dma_start3A_40 = tpu.memref_slice %arg11[%dma_start3A_39] : memref<2048xi32, #tpu.memory_space<vmem>> -> memref<64xi32, #tpu.memory_space<vmem>>
    %dma_start3A_41 = arith.constant 0 : i32
    %dma_start3A_42 = arith.constant 0 : i32
    %dma_start3A_43 = tpu.memref_slice %arg4[%dma_start3A_41, %dma_start3A_42] : memref<262144x32xf32, #tpu.memory_space<hbm>> -> memref<262144x32xf32, #tpu.memory_space<hbm>>
    tpu.enqueue_indirect_dma source(%dma_start3A_43 : memref<262144x32xf32, #tpu.memory_space<hbm>>) target(%dma_start3A_38 : memref<64x32xf32, #tpu.memory_space<vmem>>) offsets(%dma_start3A_40 : memref<64xi32, #tpu.memory_space<vmem>>) semaphore(%arg17 : memref<!tpu.dma_semaphore, #tpu.memory_space<semaphore_mem>>)
    %dma_start3A_44 = arith.constant 0 : i32
    %dma_start3A_45 = arith.constant 1 : i32
    %dma_start3A_46 = arith.constant 0 : i32
    %dma_start3A_47 = arith.constant 0 : i32
    %dma_start3A_48 = tpu.memref_slice %arg13[%dma_start3A_44, %dma_start3A_45, %dma_start3A_46, %dma_start3A_47] : memref<2x8x64x32xf32, #tpu.memory_space<vmem>> -> memref<1x1x64x32xf32, #tpu.memory_space<vmem>>
    %dma_start3A_49 = tpu.memref_squeeze %dma_start3A_48 : memref<1x1x64x32xf32, #tpu.memory_space<vmem>> -> memref<64x32xf32, #tpu.memory_space<vmem>>
    %dma_start3A_50 = arith.constant 64 : i32
    %dma_start3A_51 = tpu.memref_slice %arg11[%dma_start3A_50] : memref<2048xi32, #tpu.memory_space<vmem>> -> memref<64xi32, #tpu.memory_space<vmem>>
    %dma_start3A_52 = arith.constant 0 : i32
    %dma_start3A_53 = arith.constant 0 : i32
    %dma_start3A_54 = tpu.memref_slice %arg4[%dma_start3A_52, %dma_start3A_53] : memref<262144x32xf32, #tpu.memory_space<hbm>> -> memref<262144x32xf32, #tpu.memory_space<hbm>>
    tpu.enqueue_indirect_dma source(%dma_start3A_54 : memref<262144x32xf32, #tpu.memory_space<hbm>>) target(%dma_start3A_49 : memref<64x32xf32, #tpu.memory_space<vmem>>) offsets(%dma_start3A_51 : memref<64xi32, #tpu.memory_space<vmem>>) semaphore(%arg17 : memref<!tpu.dma_semaphore, #tpu.memory_space<semaphore_mem>>)
    %dma_start3A_55 = arith.constant 0 : i32
    %dma_start3A_56 = arith.constant 2 : i32
    %dma_start3A_57 = arith.constant 0 : i32
    %dma_start3A_58 = arith.constant 0 : i32
    %dma_start3A_59 = tpu.memref_slice %arg13[%dma_start3A_55, %dma_start3A_56, %dma_start3A_57, %dma_start3A_58] : memref<2x8x64x32xf32, #tpu.memory_space<vmem>> -> memref<1x1x64x32xf32, #tpu.memory_space<vmem>>
    %dma_start3A_60 = tpu.memref_squeeze %dma_start3A_59 : memref<1x1x64x32xf32, #tpu.memory_space<vmem>> -> memref<64x32xf32, #tpu.memory_space<vmem>>
    %dma_start3A_61 = arith.constant 128 : i32
    %dma_start3A_62 = tpu.memref_slice %arg11[%dma_start3A_61] : memref<2048xi32, #tpu.memory_space<vmem>> -> memref<64xi32, #tpu.memory_space<vmem>>
    %dma_start3A_63 = arith.constant 0 : i32
    %dma_start3A_64 = arith.constant 0 : i32
    %dma_start3A_65 = tpu.memref_slice %arg4[%dma_start3A_63, %dma_start3A_64] : memref<262144x32xf32, #tpu.memory_space<hbm>> -> memref<262144x32xf32, #tpu.memory_space<hbm>>
    tpu.enqueue_indirect_dma source(%dma_start3A_65 : memref<262144x32xf32, #tpu.memory_space<hbm>>) target(%dma_start3A_60 : memref<64x32xf32, #tpu.memory_space<vmem>>) offsets(%dma_start3A_62 : memref<64xi32, #tpu.memory_space<vmem>>) semaphore(%arg17 : memref<!tpu.dma_semaphore, #tpu.memory_space<semaphore_mem>>)
    %dma_start3A_66 = arith.constant 0 : i32
    %dma_start3A_67 = arith.constant 3 : i32
    %dma_start3A_68 = arith.constant 0 : i32
    %dma_start3A_69 = arith.constant 0 : i32
    %dma_start3A_70 = tpu.memref_slice %arg13[%dma_start3A_66, %dma_start3A_67, %dma_start3A_68, %dma_start3A_69] : memref<2x8x64x32xf32, #tpu.memory_space<vmem>> -> memref<1x1x64x32xf32, #tpu.memory_space<vmem>>
    %dma_start3A_71 = tpu.memref_squeeze %dma_start3A_70 : memref<1x1x64x32xf32, #tpu.memory_space<vmem>> -> memref<64x32xf32, #tpu.memory_space<vmem>>
    %dma_start3A_72 = arith.constant 192 : i32
    %dma_start3A_73 = tpu.memref_slice %arg11[%dma_start3A_72] : memref<2048xi32, #tpu.memory_space<vmem>> -> memref<64xi32, #tpu.memory_space<vmem>>
    %dma_start3A_74 = arith.constant 0 : i32
    %dma_start3A_75 = arith.constant 0 : i32
    %dma_start3A_76 = tpu.memref_slice %arg4[%dma_start3A_74, %dma_start3A_75] : memref<262144x32xf32, #tpu.memory_space<hbm>> -> memref<262144x32xf32, #tpu.memory_space<hbm>>
    tpu.enqueue_indirect_dma source(%dma_start3A_76 : memref<262144x32xf32, #tpu.memory_space<hbm>>) target(%dma_start3A_71 : memref<64x32xf32, #tpu.memory_space<vmem>>) offsets(%dma_start3A_73 : memref<64xi32, #tpu.memory_space<vmem>>) semaphore(%arg17 : memref<!tpu.dma_semaphore, #tpu.memory_space<semaphore_mem>>)
    %dma_start3A_77 = arith.constant 0 : i32
    %dma_start3A_78 = arith.constant 4 : i32
    %dma_start3A_79 = arith.constant 0 : i32
    %dma_start3A_80 = arith.constant 0 : i32
    %dma_start3A_81 = tpu.memref_slice %arg13[%dma_start3A_77, %dma_start3A_78, %dma_start3A_79, %dma_start3A_80] : memref<2x8x64x32xf32, #tpu.memory_space<vmem>> -> memref<1x1x64x32xf32, #tpu.memory_space<vmem>>
    %dma_start3A_82 = tpu.memref_squeeze %dma_start3A_81 : memref<1x1x64x32xf32, #tpu.memory_space<vmem>> -> memref<64x32xf32, #tpu.memory_space<vmem>>
    %dma_start3A_83 = arith.constant 256 : i32
    %dma_start3A_84 = tpu.memref_slice %arg11[%dma_start3A_83] : memref<2048xi32, #tpu.memory_space<vmem>> -> memref<64xi32, #tpu.memory_space<vmem>>
    %dma_start3A_85 = arith.constant 0 : i32
    %dma_start3A_86 = arith.constant 0 : i32
    %dma_start3A_87 = tpu.memref_slice %arg5[%dma_start3A_85, %dma_start3A_86] : memref<65536x32xf32, #tpu.memory_space<hbm>> -> memref<65536x32xf32, #tpu.memory_space<hbm>>
    tpu.enqueue_indirect_dma source(%dma_start3A_87 : memref<65536x32xf32, #tpu.memory_space<hbm>>) target(%dma_start3A_82 : memref<64x32xf32, #tpu.memory_space<vmem>>) offsets(%dma_start3A_84 : memref<64xi32, #tpu.memory_space<vmem>>) semaphore(%arg17 : memref<!tpu.dma_semaphore, #tpu.memory_space<semaphore_mem>>)
    %dma_start3A_88 = arith.constant 0 : i32
    %dma_start3A_89 = arith.constant 5 : i32
    %dma_start3A_90 = arith.constant 0 : i32
    %dma_start3A_91 = arith.constant 0 : i32
    %dma_start3A_92 = tpu.memref_slice %arg13[%dma_start3A_88, %dma_start3A_89, %dma_start3A_90, %dma_start3A_91] : memref<2x8x64x32xf32, #tpu.memory_space<vmem>> -> memref<1x1x64x32xf32, #tpu.memory_space<vmem>>
    %dma_start3A_93 = tpu.memref_squeeze %dma_start3A_92 : memref<1x1x64x32xf32, #tpu.memory_space<vmem>> -> memref<64x32xf32, #tpu.memory_space<vmem>>
    %dma_start3A_94 = arith.constant 320 : i32
    %dma_start3A_95 = tpu.memref_slice %arg11[%dma_start3A_94] : memref<2048xi32, #tpu.memory_space<vmem>> -> memref<64xi32, #tpu.memory_space<vmem>>
    %dma_start3A_96 = arith.constant 0 : i32
    %dma_start3A_97 = arith.constant 0 : i32
    %dma_start3A_98 = tpu.memref_slice %arg5[%dma_start3A_96, %dma_start3A_97] : memref<65536x32xf32, #tpu.memory_space<hbm>> -> memref<65536x32xf32, #tpu.memory_space<hbm>>
    tpu.enqueue_indirect_dma source(%dma_start3A_98 : memref<65536x32xf32, #tpu.memory_space<hbm>>) target(%dma_start3A_93 : memref<64x32xf32, #tpu.memory_space<vmem>>) offsets(%dma_start3A_95 : memref<64xi32, #tpu.memory_space<vmem>>) semaphore(%arg17 : memref<!tpu.dma_semaphore, #tpu.memory_space<semaphore_mem>>)
    %dma_start3A_99 = arith.constant 0 : i32
    %dma_start3A_100 = arith.constant 6 : i32
    %dma_start3A_101 = arith.constant 0 : i32
    %dma_start3A_102 = arith.constant 0 : i32
    %dma_start3A_103 = tpu.memref_slice %arg13[%dma_start3A_99, %dma_start3A_100, %dma_start3A_101, %dma_start3A_102] : memref<2x8x64x32xf32, #tpu.memory_space<vmem>> -> memref<1x1x64x32xf32, #tpu.memory_space<vmem>>
    %dma_start3A_104 = tpu.memref_squeeze %dma_start3A_103 : memref<1x1x64x32xf32, #tpu.memory_space<vmem>> -> memref<64x32xf32, #tpu.memory_space<vmem>>
    %dma_start3A_105 = arith.constant 384 : i32
    %dma_start3A_106 = tpu.memref_slice %arg11[%dma_start3A_105] : memref<2048xi32, #tpu.memory_space<vmem>> -> memref<64xi32, #tpu.memory_space<vmem>>
    %dma_start3A_107 = arith.constant 0 : i32
    %dma_start3A_108 = arith.constant 0 : i32
    %dma_start3A_109 = tpu.memref_slice %arg5[%dma_start3A_107, %dma_start3A_108] : memref<65536x32xf32, #tpu.memory_space<hbm>> -> memref<65536x32xf32, #tpu.memory_space<hbm>>
    tpu.enqueue_indirect_dma source(%dma_start3A_109 : memref<65536x32xf32, #tpu.memory_space<hbm>>) target(%dma_start3A_104 : memref<64x32xf32, #tpu.memory_space<vmem>>) offsets(%dma_start3A_106 : memref<64xi32, #tpu.memory_space<vmem>>) semaphore(%arg17 : memref<!tpu.dma_semaphore, #tpu.memory_space<semaphore_mem>>)
    %dma_start3A_110 = arith.constant 0 : i32
    %dma_start3A_111 = arith.constant 7 : i32
    %dma_start3A_112 = arith.constant 0 : i32
    %dma_start3A_113 = arith.constant 0 : i32
    %dma_start3A_114 = tpu.memref_slice %arg13[%dma_start3A_110, %dma_start3A_111, %dma_start3A_112, %dma_start3A_113] : memref<2x8x64x32xf32, #tpu.memory_space<vmem>> -> memref<1x1x64x32xf32, #tpu.memory_space<vmem>>
    %dma_start3A_115 = tpu.memref_squeeze %dma_start3A_114 : memref<1x1x64x32xf32, #tpu.memory_space<vmem>> -> memref<64x32xf32, #tpu.memory_space<vmem>>
    %dma_start3A_116 = arith.constant 448 : i32
    %dma_start3A_117 = tpu.memref_slice %arg11[%dma_start3A_116] : memref<2048xi32, #tpu.memory_space<vmem>> -> memref<64xi32, #tpu.memory_space<vmem>>
    %dma_start3A_118 = arith.constant 0 : i32
    %dma_start3A_119 = arith.constant 0 : i32
    %dma_start3A_120 = tpu.memref_slice %arg5[%dma_start3A_118, %dma_start3A_119] : memref<65536x32xf32, #tpu.memory_space<hbm>> -> memref<65536x32xf32, #tpu.memory_space<hbm>>
    tpu.enqueue_indirect_dma source(%dma_start3A_120 : memref<65536x32xf32, #tpu.memory_space<hbm>>) target(%dma_start3A_115 : memref<64x32xf32, #tpu.memory_space<vmem>>) offsets(%dma_start3A_117 : memref<64xi32, #tpu.memory_space<vmem>>) semaphore(%arg17 : memref<!tpu.dma_semaphore, #tpu.memory_space<semaphore_mem>>)
    %scan3A_121 = arith.constant 0 : i32
    %scan3A_122 = arith.constant 0 : i32
    %scan3A_123 = arith.constant 64 : i32
    %scan3A_124 = arith.addi %scan3A_122, %scan3A_123 : i32
    %scan3A_125 = arith.constant 1 : i32
    scf.for %scan3A_160 = %scan3A_122 to %scan3A_124 step %scan3A_125  : i32 {
      %mul3A_161 = arith.constant 2 : i32
      %mul3A_162 = arith.muli %mul3A_161, %scan3A_160 : i32
      %add3A_163 = arith.constant 0 : i32
      %add3A_164 = arith.addi %mul3A_162, %add3A_163 : i32
      %add3A_165 = arith.constant 1 : i32
      %add3A_166 = arith.addi %add3A_164, %add3A_165 : i32
      %lt3A = arith.constant 128 : i32
      %lt3A_167 = arith.cmpi slt, %add3A_166, %lt3A : i32
      %convert_element_type3A = arith.extui %lt3A_167 : i1 to i32
      %cond3A = arith.constant 0 : i32
      %cond3A_168 = arith.cmpi ne, %convert_element_type3A, %cond3A : i32
      scf.if %cond3A_168 {
        %mul3A_413 = arith.constant 64 : i32
        %mul3A_414 = arith.muli %add3A_166, %mul3A_413 : i32
        %scan3A_415 = arith.constant 0 : i32
        %scan3A_416 = arith.constant 0 : i32
        %scan3A_417 = arith.constant 4 : i32
        %scan3A_418 = arith.addi %scan3A_416, %scan3A_417 : i32
        %scan3A_419 = arith.constant 1 : i32
        scf.for %scan3A_509 = %scan3A_416 to %scan3A_418 step %scan3A_419  : i32 {
          %mul3A_510 = arith.constant 16 : i32
          %mul3A_511 = arith.muli %scan3A_509, %mul3A_510 : i32
          %add3A_512 = arith.addi %mul3A_414, %mul3A_511 : i32
          %mul3A_513 = arith.constant 16 : i32
          %mul3A_514 = arith.muli %scan3A_509, %mul3A_513 : i32
          %get3A_515 = arith.constant 0 : i32
          %get3A_516 = arith.index_cast %get3A_515 : i32 to index
          %get3A_517 = arith.index_cast %add3A_512 : i32 to index
          %get3A_518 = tpu.vector_load %arg9[%get3A_516, %get3A_517] {strides = array<i32>} : memref<3x8192xf32, #tpu.memory_space<vmem>>, vector<16xf32>,
          %bitcast3A_519 = vector.bitcast %get3A_518 : vector<16xf32> to vector<16xi32>
          %add3A_520 = arith.constant 32767 : i32
          %add3A_521 = vector.broadcast %add3A_520 : i32 to vector<16xi32>
          %add3A_522 = arith.addi %bitcast3A_519, %add3A_521 : vector<16xi32>
          %shift_right_logical3A_523 = arith.constant 16 : i32
          %shift_right_logical3A_524 = vector.broadcast %shift_right_logical3A_523 : i32 to vector<16xi32>
          %shift_right_logical3A_525 = arith.shrui %bitcast3A_519, %shift_right_logical3A_524 : vector<16xi32>
          %and3A_526 = arith.constant 1 : i32
          %and3A_527 = vector.broadcast %and3A_526 : i32 to vector<16xi32>
          %and3A_528 = arith.andi %shift_right_logical3A_525, %and3A_527 : vector<16xi32>
          %add3A_529 = arith.addi %add3A_522, %and3A_528 : vector<16xi32>
          %and3A_530 = arith.constant -65536 : i32
          %and3A_531 = vector.broadcast %and3A_530 : i32 to vector<16xi32>
          %and3A_532 = arith.andi %add3A_529, %and3A_531 : vector<16xi32>
          %bitcast3A_533 = vector.bitcast %and3A_532 : vector<16xi32> to vector<16xf32>
          %get3A_534 = arith.constant 1 : i32
          %get3A_535 = arith.index_cast %get3A_534 : i32 to index
          %get3A_536 = arith.index_cast %add3A_512 : i32 to index
          %get3A_537 = tpu.vector_load %arg9[%get3A_535, %get3A_536] {strides = array<i32>} : memref<3x8192xf32, #tpu.memory_space<vmem>>, vector<16xf32>,
          %bitcast3A_538 = vector.bitcast %get3A_537 : vector<16xf32> to vector<16xi32>
          %add3A_539 = arith.constant 32767 : i32
          %add3A_540 = vector.broadcast %add3A_539 : i32 to vector<16xi32>
          %add3A_541 = arith.addi %bitcast3A_538, %add3A_540 : vector<16xi32>
          %shift_right_logical3A_542 = arith.constant 16 : i32
          %shift_right_logical3A_543 = vector.broadcast %shift_right_logical3A_542 : i32 to vector<16xi32>
          %shift_right_logical3A_544 = arith.shrui %bitcast3A_538, %shift_right_logical3A_543 : vector<16xi32>
          %and3A_545 = arith.constant 1 : i32
          %and3A_546 = vector.broadcast %and3A_545 : i32 to vector<16xi32>
          %and3A_547 = arith.andi %shift_right_logical3A_544, %and3A_546 : vector<16xi32>
          %add3A_548 = arith.addi %add3A_541, %and3A_547 : vector<16xi32>
          %and3A_549 = arith.constant -65536 : i32
          %and3A_550 = vector.broadcast %and3A_549 : i32 to vector<16xi32>
          %and3A_551 = arith.andi %add3A_548, %and3A_550 : vector<16xi32>
          %bitcast3A_552 = vector.bitcast %and3A_551 : vector<16xi32> to vector<16xf32>
          %get3A_553 = arith.constant 2 : i32
          %get3A_554 = arith.index_cast %get3A_553 : i32 to index
          %get3A_555 = arith.index_cast %add3A_512 : i32 to index
          %get3A_556 = tpu.vector_load %arg9[%get3A_554, %get3A_555] {strides = array<i32>} : memref<3x8192xf32, #tpu.memory_space<vmem>>, vector<16xf32>,
          %bitcast3A_557 = vector.bitcast %get3A_556 : vector<16xf32> to vector<16xi32>
          %add3A_558 = arith.constant 32767 : i32
          %add3A_559 = vector.broadcast %add3A_558 : i32 to vector<16xi32>
          %add3A_560 = arith.addi %bitcast3A_557, %add3A_559 : vector<16xi32>
          %shift_right_logical3A_561 = arith.constant 16 : i32
          %shift_right_logical3A_562 = vector.broadcast %shift_right_logical3A_561 : i32 to vector<16xi32>
          %shift_right_logical3A_563 = arith.shrui %bitcast3A_557, %shift_right_logical3A_562 : vector<16xi32>
          %and3A_564 = arith.constant 1 : i32
          %and3A_565 = vector.broadcast %and3A_564 : i32 to vector<16xi32>
          %and3A_566 = arith.andi %shift_right_logical3A_563, %and3A_565 : vector<16xi32>
          %add3A_567 = arith.addi %add3A_560, %and3A_566 : vector<16xi32>
          %and3A_568 = arith.constant -65536 : i32
          %and3A_569 = vector.broadcast %and3A_568 : i32 to vector<16xi32>
          %and3A_570 = arith.andi %add3A_567, %and3A_569 : vector<16xi32>
          %bitcast3A_571 = vector.bitcast %and3A_570 : vector<16xi32> to vector<16xf32>
          %mul3A_572 = vector.broadcast %squeeze3A : f32 to vector<16xf32>
          %mul3A_573 = arith.mulf %bitcast3A_533, %mul3A_572 : vector<16xf32>
          %mul3A_574 = vector.broadcast %squeeze3A_20 : f32 to vector<16xf32>
          %mul3A_575 = arith.mulf %bitcast3A_552, %mul3A_574 : vector<16xf32>
          %add3A_576 = arith.addf %mul3A_573, %mul3A_575 : vector<16xf32>
          %mul3A_577 = vector.broadcast %squeeze3A_22 : f32 to vector<16xf32>
          %mul3A_578 = arith.mulf %bitcast3A_571, %mul3A_577 : vector<16xf32>
          %add3A_579 = arith.addf %add3A_576, %mul3A_578 : vector<16xf32>
          %mul3A_580 = vector.broadcast %squeeze3A_24 : f32 to vector<16xf32>
          %mul3A_581 = arith.mulf %bitcast3A_533, %mul3A_580 : vector<16xf32>
          %mul3A_582 = vector.broadcast %squeeze3A_26 : f32 to vector<16xf32>
          %mul3A_583 = arith.mulf %bitcast3A_552, %mul3A_582 : vector<16xf32>
          %add3A_584 = arith.addf %mul3A_581, %mul3A_583 : vector<16xf32>
          %mul3A_585 = vector.broadcast %squeeze3A_28 : f32 to vector<16xf32>
          %mul3A_586 = arith.mulf %bitcast3A_571, %mul3A_585 : vector<16xf32>
          %add3A_587 = arith.addf %add3A_584, %mul3A_586 : vector<16xf32>
          %add3A_588 = arith.constant 1.000000e+00 : f32
          %add3A_589 = vector.broadcast %add3A_588 : f32 to vector<16xf32>
          %add3A_590 = arith.addf %add3A_579, %add3A_589 : vector<16xf32>
          %mul3A_591 = arith.constant 5.000000e-01 : f32
          %mul3A_592 = vector.broadcast %mul3A_591 : f32 to vector<16xf32>
          %mul3A_593 = arith.mulf %add3A_590, %mul3A_592 : vector<16xf32>
          %mul3A_594 = arith.constant 1.270000e+02 : f32
          %mul3A_595 = vector.broadcast %mul3A_594 : f32 to vector<16xf32>
          %mul3A_596 = arith.mulf %mul3A_593, %mul3A_595 : vector<16xf32>
          %jit3A = arith.constant 0.000000e+00 : f32
          %jit3A_597 = arith.constant 1.270000e+02 : f32
          %max3A = vector.broadcast %jit3A : f32 to vector<16xf32>
          %max3A_598 = arith.maximumf %max3A, %mul3A_596 : vector<16xf32>
          %min3A = vector.broadcast %jit3A_597 : f32 to vector<16xf32>
          %min3A_599 = arith.minimumf %min3A, %max3A_598 : vector<16xf32>
          %add3A_600 = arith.constant 1.000000e+00 : f32
          %add3A_601 = vector.broadcast %add3A_600 : f32 to vector<16xf32>
          %add3A_602 = arith.addf %add3A_587, %add3A_601 : vector<16xf32>
          %mul3A_603 = arith.constant 5.000000e-01 : f32
          %mul3A_604 = vector.broadcast %mul3A_603 : f32 to vector<16xf32>
          %mul3A_605 = arith.mulf %add3A_602, %mul3A_604 : vector<16xf32>
          %mul3A_606 = arith.constant 1.270000e+02 : f32
          %mul3A_607 = vector.broadcast %mul3A_606 : f32 to vector<16xf32>
          %mul3A_608 = arith.mulf %mul3A_605, %mul3A_607 : vector<16xf32>
          %jit3A_609 = arith.constant 0.000000e+00 : f32
          %jit3A_610 = arith.constant 1.270000e+02 : f32
          %max3A_611 = vector.broadcast %jit3A_609 : f32 to vector<16xf32>
          %max3A_612 = arith.maximumf %max3A_611, %mul3A_608 : vector<16xf32>
          %min3A_613 = vector.broadcast %jit3A_610 : f32 to vector<16xf32>
          %min3A_614 = arith.minimumf %min3A_613, %max3A_612 : vector<16xf32>
          %convert_element_type3A_615 = arith.fptosi %min3A_599 : vector<16xf32> to vector<16xi32>
          %convert_element_type3A_616 = arith.fptosi %min3A_614 : vector<16xf32> to vector<16xi32>
          %convert_element_type3A_617 = arith.sitofp %convert_element_type3A_615 : vector<16xi32> to vector<16xf32>
          %sub3A = arith.subf %min3A_599, %convert_element_type3A_617 : vector<16xf32>
          %convert_element_type3A_618 = arith.sitofp %convert_element_type3A_616 : vector<16xi32> to vector<16xf32>
          %sub3A_619 = arith.subf %min3A_614, %convert_element_type3A_618 : vector<16xf32>
          %add3A_620 = arith.constant 1 : i32
          %add3A_621 = vector.broadcast %add3A_620 : i32 to vector<16xi32>
          %add3A_622 = arith.addi %convert_element_type3A_615, %add3A_621 : vector<16xi32>
          %min3A_623 = arith.constant 127 : i32
          %min3A_624 = vector.broadcast %min3A_623 : i32 to vector<16xi32>
          %min3A_625 = arith.minsi %add3A_622, %min3A_624 : vector<16xi32>
          %add3A_626 = arith.constant 1 : i32
          %add3A_627 = vector.broadcast %add3A_626 : i32 to vector<16xi32>
          %add3A_628 = arith.addi %convert_element_type3A_616, %add3A_627 : vector<16xi32>
          %min3A_629 = arith.constant 127 : i32
          %min3A_630 = vector.broadcast %min3A_629 : i32 to vector<16xi32>
          %min3A_631 = arith.minsi %add3A_628, %min3A_630 : vector<16xi32>
          %mul3A_632 = arith.constant 16384 : i32
          %mul3A_633 = arith.muli %rem3A_1, %mul3A_632 : i32
          %mul3A_634 = arith.constant 128 : i32
          %mul3A_635 = vector.broadcast %mul3A_634 : i32 to vector<16xi32>
          %mul3A_636 = arith.muli %convert_element_type3A_616, %mul3A_635 : vector<16xi32>
          %add3A_637 = vector.broadcast %mul3A_633 : i32 to vector<16xi32>
          %add3A_638 = arith.addi %add3A_637, %mul3A_636 : vector<16xi32>
          %mul3A_639 = arith.constant 128 : i32
          %mul3A_640 = vector.broadcast %mul3A_639 : i32 to vector<16xi32>
          %mul3A_641 = arith.muli %min3A_631, %mul3A_640 : vector<16xi32>
          %add3A_642 = vector.broadcast %mul3A_633 : i32 to vector<16xi32>
          %add3A_643 = arith.addi %add3A_642, %mul3A_641 : vector<16xi32>
          %add3A_644 = arith.addi %add3A_638, %convert_element_type3A_615 : vector<16xi32>
          %add3A_645 = arith.constant 1024 : i32
          %add3A_646 = arith.addi %add3A_645, %mul3A_514 : i32
          %swap3A = arith.index_cast %add3A_646 : i32 to index
          %swap3A_647 = tpu.vector_load %arg11[%swap3A] {strides = array<i32>} : memref<2048xi32, #tpu.memory_space<vmem>>, vector<16xi32>,
          tpu.vector_store %arg11[%swap3A], %add3A_644 {strides = array<i32>} : memref<2048xi32, #tpu.memory_space<vmem>>, vector<16xi32>,
          %add3A_648 = arith.addi %add3A_638, %min3A_625 : vector<16xi32>
          %add3A_649 = arith.constant 1088 : i32
          %add3A_650 = arith.addi %add3A_649, %mul3A_514 : i32
          %swap3A_651 = arith.index_cast %add3A_650 : i32 to index
          %swap3A_652 = tpu.vector_load %arg11[%swap3A_651] {strides = array<i32>} : memref<2048xi32, #tpu.memory_space<vmem>>, vector<16xi32>,
          tpu.vector_store %arg11[%swap3A_651], %add3A_648 {strides = array<i32>} : memref<2048xi32, #tpu.memory_space<vmem>>, vector<16xi32>,
          %add3A_653 = arith.addi %add3A_643, %convert_element_type3A_615 : vector<16xi32>
          %add3A_654 = arith.constant 1152 : i32
          %add3A_655 = arith.addi %add3A_654, %mul3A_514 : i32
          %swap3A_656 = arith.index_cast %add3A_655 : i32 to index
          %swap3A_657 = tpu.vector_load %arg11[%swap3A_656] {strides = array<i32>} : memref<2048xi32, #tpu.memory_space<vmem>>, vector<16xi32>,
          tpu.vector_store %arg11[%swap3A_656], %add3A_653 {strides = array<i32>} : memref<2048xi32, #tpu.memory_space<vmem>>, vector<16xi32>,
          %add3A_658 = arith.addi %add3A_643, %min3A_625 : vector<16xi32>
          %add3A_659 = arith.constant 1216 : i32
          %add3A_660 = arith.addi %add3A_659, %mul3A_514 : i32
          %swap3A_661 = arith.index_cast %add3A_660 : i32 to index
          %swap3A_662 = tpu.vector_load %arg11[%swap3A_661] {strides = array<i32>} : memref<2048xi32, #tpu.memory_space<vmem>>, vector<16xi32>,
          tpu.vector_store %arg11[%swap3A_661], %add3A_658 {strides = array<i32>} : memref<2048xi32, #tpu.memory_space<vmem>>, vector<16xi32>,
          %sub3A_663 = arith.constant 1.000000e+00 : f32
          %sub3A_664 = vector.broadcast %sub3A_663 : f32 to vector<16xf32>
          %sub3A_665 = arith.subf %sub3A_664, %sub3A : vector<16xf32>
          %sub3A_666 = arith.constant 1.000000e+00 : f32
          %sub3A_667 = vector.broadcast %sub3A_666 : f32 to vector<16xf32>
          %sub3A_668 = arith.subf %sub3A_667, %sub3A_619 : vector<16xf32>
          %mul3A_669 = arith.mulf %sub3A_665, %sub3A_668 : vector<16xf32>
          %add3A_670 = arith.constant 1024 : i32
          %add3A_671 = arith.addi %add3A_670, %mul3A_514 : i32
          %swap3A_672 = arith.index_cast %add3A_671 : i32 to index
          %swap3A_673 = tpu.vector_load %arg12[%swap3A_672] {strides = array<i32>} : memref<2048xf32, #tpu.memory_space<vmem>>, vector<16xf32>,
          tpu.vector_store %arg12[%swap3A_672], %mul3A_669 {strides = array<i32>} : memref<2048xf32, #tpu.memory_space<vmem>>, vector<16xf32>,
          %sub3A_674 = arith.constant 1.000000e+00 : f32
          %sub3A_675 = vector.broadcast %sub3A_674 : f32 to vector<16xf32>
          %sub3A_676 = arith.subf %sub3A_675, %sub3A_619 : vector<16xf32>
          %mul3A_677 = arith.mulf %sub3A, %sub3A_676 : vector<16xf32>
          %add3A_678 = arith.constant 1088 : i32
          %add3A_679 = arith.addi %add3A_678, %mul3A_514 : i32
          %swap3A_680 = arith.index_cast %add3A_679 : i32 to index
          %swap3A_681 = tpu.vector_load %arg12[%swap3A_680] {strides = array<i32>} : memref<2048xf32, #tpu.memory_space<vmem>>, vector<16xf32>,
          tpu.vector_store %arg12[%swap3A_680], %mul3A_677 {strides = array<i32>} : memref<2048xf32, #tpu.memory_space<vmem>>, vector<16xf32>,
          %sub3A_682 = arith.constant 1.000000e+00 : f32
          %sub3A_683 = vector.broadcast %sub3A_682 : f32 to vector<16xf32>
          %sub3A_684 = arith.subf %sub3A_683, %sub3A : vector<16xf32>
          %mul3A_685 = arith.mulf %sub3A_684, %sub3A_619 : vector<16xf32>
          %add3A_686 = arith.constant 1152 : i32
          %add3A_687 = arith.addi %add3A_686, %mul3A_514 : i32
          %swap3A_688 = arith.index_cast %add3A_687 : i32 to index
          %swap3A_689 = tpu.vector_load %arg12[%swap3A_688] {strides = array<i32>} : memref<2048xf32, #tpu.memory_space<vmem>>, vector<16xf32>,
          tpu.vector_store %arg12[%swap3A_688], %mul3A_685 {strides = array<i32>} : memref<2048xf32, #tpu.memory_space<vmem>>, vector<16xf32>,
          %mul3A_690 = arith.mulf %sub3A, %sub3A_619 : vector<16xf32>
          %add3A_691 = arith.constant 1216 : i32
          %add3A_692 = arith.addi %add3A_691, %mul3A_514 : i32
          %swap3A_693 = arith.index_cast %add3A_692 : i32 to index
          %swap3A_694 = tpu.vector_load %arg12[%swap3A_693] {strides = array<i32>} : memref<2048xf32, #tpu.memory_space<vmem>>, vector<16xf32>,
          tpu.vector_store %arg12[%swap3A_693], %mul3A_690 {strides = array<i32>} : memref<2048xf32, #tpu.memory_space<vmem>>, vector<16xf32>,
          %add3A_695 = arith.constant 1.000000e+00 : f32
          %add3A_696 = vector.broadcast %add3A_695 : f32 to vector<16xf32>
          %add3A_697 = arith.addf %add3A_579, %add3A_696 : vector<16xf32>
          %mul3A_698 = arith.constant 5.000000e-01 : f32
          %mul3A_699 = vector.broadcast %mul3A_698 : f32 to vector<16xf32>
          %mul3A_700 = arith.mulf %add3A_697, %mul3A_699 : vector<16xf32>
          %mul3A_701 = arith.constant 6.300000e+01 : f32
          %mul3A_702 = vector.broadcast %mul3A_701 : f32 to vector<16xf32>
          %mul3A_703 = arith.mulf %mul3A_700, %mul3A_702 : vector<16xf32>
          %jit3A_704 = arith.constant 0.000000e+00 : f32
          %jit3A_705 = arith.constant 6.300000e+01 : f32
          %max3A_706 = vector.broadcast %jit3A_704 : f32 to vector<16xf32>
          %max3A_707 = arith.maximumf %max3A_706, %mul3A_703 : vector<16xf32>
          %min3A_708 = vector.broadcast %jit3A_705 : f32 to vector<16xf32>
          %min3A_709 = arith.minimumf %min3A_708, %max3A_707 : vector<16xf32>
          %add3A_710 = arith.constant 1.000000e+00 : f32
          %add3A_711 = vector.broadcast %add3A_710 : f32 to vector<16xf32>
          %add3A_712 = arith.addf %add3A_587, %add3A_711 : vector<16xf32>
          %mul3A_713 = arith.constant 5.000000e-01 : f32
          %mul3A_714 = vector.broadcast %mul3A_713 : f32 to vector<16xf32>
          %mul3A_715 = arith.mulf %add3A_712, %mul3A_714 : vector<16xf32>
          %mul3A_716 = arith.constant 6.300000e+01 : f32
          %mul3A_717 = vector.broadcast %mul3A_716 : f32 to vector<16xf32>
          %mul3A_718 = arith.mulf %mul3A_715, %mul3A_717 : vector<16xf32>
          %jit3A_719 = arith.constant 0.000000e+00 : f32
          %jit3A_720 = arith.constant 6.300000e+01 : f32
          %max3A_721 = vector.broadcast %jit3A_719 : f32 to vector<16xf32>
          %max3A_722 = arith.maximumf %max3A_721, %mul3A_718 : vector<16xf32>
          %min3A_723 = vector.broadcast %jit3A_720 : f32 to vector<16xf32>
          %min3A_724 = arith.minimumf %min3A_723, %max3A_722 : vector<16xf32>
          %convert_element_type3A_725 = arith.fptosi %min3A_709 : vector<16xf32> to vector<16xi32>
          %convert_element_type3A_726 = arith.fptosi %min3A_724 : vector<16xf32> to vector<16xi32>
          %convert_element_type3A_727 = arith.sitofp %convert_element_type3A_725 : vector<16xi32> to vector<16xf32>
          %sub3A_728 = arith.subf %min3A_709, %convert_element_type3A_727 : vector<16xf32>
          %convert_element_type3A_729 = arith.sitofp %convert_element_type3A_726 : vector<16xi32> to vector<16xf32>
          %sub3A_730 = arith.subf %min3A_724, %convert_element_type3A_729 : vector<16xf32>
          %add3A_731 = arith.constant 1 : i32
          %add3A_732 = vector.broadcast %add3A_731 : i32 to vector<16xi32>
          %add3A_733 = arith.addi %convert_element_type3A_725, %add3A_732 : vector<16xi32>
          %min3A_734 = arith.constant 63 : i32
          %min3A_735 = vector.broadcast %min3A_734 : i32 to vector<16xi32>
          %min3A_736 = arith.minsi %add3A_733, %min3A_735 : vector<16xi32>
          %add3A_737 = arith.constant 1 : i32
          %add3A_738 = vector.broadcast %add3A_737 : i32 to vector<16xi32>
          %add3A_739 = arith.addi %convert_element_type3A_726, %add3A_738 : vector<16xi32>
          %min3A_740 = arith.constant 63 : i32
          %min3A_741 = vector.broadcast %min3A_740 : i32 to vector<16xi32>
          %min3A_742 = arith.minsi %add3A_739, %min3A_741 : vector<16xi32>
          %mul3A_743 = arith.constant 4096 : i32
          %mul3A_744 = arith.muli %rem3A_1, %mul3A_743 : i32
          %mul3A_745 = arith.constant 64 : i32
          %mul3A_746 = vector.broadcast %mul3A_745 : i32 to vector<16xi32>
          %mul3A_747 = arith.muli %convert_element_type3A_726, %mul3A_746 : vector<16xi32>
          %add3A_748 = vector.broadcast %mul3A_744 : i32 to vector<16xi32>
          %add3A_749 = arith.addi %add3A_748, %mul3A_747 : vector<16xi32>
          %mul3A_750 = arith.constant 64 : i32
          %mul3A_751 = vector.broadcast %mul3A_750 : i32 to vector<16xi32>
          %mul3A_752 = arith.muli %min3A_742, %mul3A_751 : vector<16xi32>
          %add3A_753 = vector.broadcast %mul3A_744 : i32 to vector<16xi32>
          %add3A_754 = arith.addi %add3A_753, %mul3A_752 : vector<16xi32>
          %add3A_755 = arith.addi %add3A_749, %convert_element_type3A_725 : vector<16xi32>
          %add3A_756 = arith.constant 1280 : i32
          %add3A_757 = arith.addi %add3A_756, %mul3A_514 : i32
          %swap3A_758 = arith.index_cast %add3A_757 : i32 to index
          %swap3A_759 = tpu.vector_load %arg11[%swap3A_758] {strides = array<i32>} : memref<2048xi32, #tpu.memory_space<vmem>>, vector<16xi32>,
          tpu.vector_store %arg11[%swap3A_758], %add3A_755 {strides = array<i32>} : memref<2048xi32, #tpu.memory_space<vmem>>, vector<16xi32>,
          %add3A_760 = arith.addi %add3A_749, %min3A_736 : vector<16xi32>
          %add3A_761 = arith.constant 1344 : i32
          %add3A_762 = arith.addi %add3A_761, %mul3A_514 : i32
          %swap3A_763 = arith.index_cast %add3A_762 : i32 to index
          %swap3A_764 = tpu.vector_load %arg11[%swap3A_763] {strides = array<i32>} : memref<2048xi32, #tpu.memory_space<vmem>>, vector<16xi32>,
          tpu.vector_store %arg11[%swap3A_763], %add3A_760 {strides = array<i32>} : memref<2048xi32, #tpu.memory_space<vmem>>, vector<16xi32>,
          %add3A_765 = arith.addi %add3A_754, %convert_element_type3A_725 : vector<16xi32>
          %add3A_766 = arith.constant 1408 : i32
          %add3A_767 = arith.addi %add3A_766, %mul3A_514 : i32
          %swap3A_768 = arith.index_cast %add3A_767 : i32 to index
          %swap3A_769 = tpu.vector_load %arg11[%swap3A_768] {strides = array<i32>} : memref<2048xi32, #tpu.memory_space<vmem>>, vector<16xi32>,
          tpu.vector_store %arg11[%swap3A_768], %add3A_765 {strides = array<i32>} : memref<2048xi32, #tpu.memory_space<vmem>>, vector<16xi32>,
          %add3A_770 = arith.addi %add3A_754, %min3A_736 : vector<16xi32>
          %add3A_771 = arith.constant 1472 : i32
          %add3A_772 = arith.addi %add3A_771, %mul3A_514 : i32
          %swap3A_773 = arith.index_cast %add3A_772 : i32 to index
          %swap3A_774 = tpu.vector_load %arg11[%swap3A_773] {strides = array<i32>} : memref<2048xi32, #tpu.memory_space<vmem>>, vector<16xi32>,
          tpu.vector_store %arg11[%swap3A_773], %add3A_770 {strides = array<i32>} : memref<2048xi32, #tpu.memory_space<vmem>>, vector<16xi32>,
          %sub3A_775 = arith.constant 1.000000e+00 : f32
          %sub3A_776 = vector.broadcast %sub3A_775 : f32 to vector<16xf32>
          %sub3A_777 = arith.subf %sub3A_776, %sub3A_728 : vector<16xf32>
          %sub3A_778 = arith.constant 1.000000e+00 : f32
          %sub3A_779 = vector.broadcast %sub3A_778 : f32 to vector<16xf32>
          %sub3A_780 = arith.subf %sub3A_779, %sub3A_730 : vector<16xf32>
          %mul3A_781 = arith.mulf %sub3A_777, %sub3A_780 : vector<16xf32>
          %add3A_782 = arith.constant 1280 : i32
          %add3A_783 = arith.addi %add3A_782, %mul3A_514 : i32
          %swap3A_784 = arith.index_cast %add3A_783 : i32 to index
          %swap3A_785 = tpu.vector_load %arg12[%swap3A_784] {strides = array<i32>} : memref<2048xf32, #tpu.memory_space<vmem>>, vector<16xf32>,
          tpu.vector_store %arg12[%swap3A_784], %mul3A_781 {strides = array<i32>} : memref<2048xf32, #tpu.memory_space<vmem>>, vector<16xf32>,
          %sub3A_786 = arith.constant 1.000000e+00 : f32
          %sub3A_787 = vector.broadcast %sub3A_786 : f32 to vector<16xf32>
          %sub3A_788 = arith.subf %sub3A_787, %sub3A_730 : vector<16xf32>
          %mul3A_789 = arith.mulf %sub3A_728, %sub3A_788 : vector<16xf32>
          %add3A_790 = arith.constant 1344 : i32
          %add3A_791 = arith.addi %add3A_790, %mul3A_514 : i32
          %swap3A_792 = arith.index_cast %add3A_791 : i32 to index
          %swap3A_793 = tpu.vector_load %arg12[%swap3A_792] {strides = array<i32>} : memref<2048xf32, #tpu.memory_space<vmem>>, vector<16xf32>,
          tpu.vector_store %arg12[%swap3A_792], %mul3A_789 {strides = array<i32>} : memref<2048xf32, #tpu.memory_space<vmem>>, vector<16xf32>,
          %sub3A_794 = arith.constant 1.000000e+00 : f32
          %sub3A_795 = vector.broadcast %sub3A_794 : f32 to vector<16xf32>
          %sub3A_796 = arith.subf %sub3A_795, %sub3A_728 : vector<16xf32>
          %mul3A_797 = arith.mulf %sub3A_796, %sub3A_730 : vector<16xf32>
          %add3A_798 = arith.constant 1408 : i32
          %add3A_799 = arith.addi %add3A_798, %mul3A_514 : i32
          %swap3A_800 = arith.index_cast %add3A_799 : i32 to index
          %swap3A_801 = tpu.vector_load %arg12[%swap3A_800] {strides = array<i32>} : memref<2048xf32, #tpu.memory_space<vmem>>, vector<16xf32>,
          tpu.vector_store %arg12[%swap3A_800], %mul3A_797 {strides = array<i32>} : memref<2048xf32, #tpu.memory_space<vmem>>, vector<16xf32>,
          %mul3A_802 = arith.mulf %sub3A_728, %sub3A_730 : vector<16xf32>
          %add3A_803 = arith.constant 1472 : i32
          %add3A_804 = arith.addi %add3A_803, %mul3A_514 : i32
          %swap3A_805 = arith.index_cast %add3A_804 : i32 to index
          %swap3A_806 = tpu.vector_load %arg12[%swap3A_805] {strides = array<i32>} : memref<2048xf32, #tpu.memory_space<vmem>>, vector<16xf32>,
          tpu.vector_store %arg12[%swap3A_805], %mul3A_802 {strides = array<i32>} : memref<2048xf32, #tpu.memory_space<vmem>>, vector<16xf32>,
          %add3A_807 = arith.constant 1.000000e+00 : f32
          %add3A_808 = vector.broadcast %add3A_807 : f32 to vector<16xf32>
          %add3A_809 = arith.addf %add3A_579, %add3A_808 : vector<16xf32>
          %mul3A_810 = arith.constant 5.000000e-01 : f32
          %mul3A_811 = vector.broadcast %mul3A_810 : f32 to vector<16xf32>
          %mul3A_812 = arith.mulf %add3A_809, %mul3A_811 : vector<16xf32>
          %mul3A_813 = arith.constant 3.100000e+01 : f32
          %mul3A_814 = vector.broadcast %mul3A_813 : f32 to vector<16xf32>
          %mul3A_815 = arith.mulf %mul3A_812, %mul3A_814 : vector<16xf32>
          %jit3A_816 = arith.constant 0.000000e+00 : f32
          %jit3A_817 = arith.constant 3.100000e+01 : f32
          %max3A_818 = vector.broadcast %jit3A_816 : f32 to vector<16xf32>
          %max3A_819 = arith.maximumf %max3A_818, %mul3A_815 : vector<16xf32>
          %min3A_820 = vector.broadcast %jit3A_817 : f32 to vector<16xf32>
          %min3A_821 = arith.minimumf %min3A_820, %max3A_819 : vector<16xf32>
          %add3A_822 = arith.constant 1.000000e+00 : f32
          %add3A_823 = vector.broadcast %add3A_822 : f32 to vector<16xf32>
          %add3A_824 = arith.addf %add3A_587, %add3A_823 : vector<16xf32>
          %mul3A_825 = arith.constant 5.000000e-01 : f32
          %mul3A_826 = vector.broadcast %mul3A_825 : f32 to vector<16xf32>
          %mul3A_827 = arith.mulf %add3A_824, %mul3A_826 : vector<16xf32>
          %mul3A_828 = arith.constant 3.100000e+01 : f32
          %mul3A_829 = vector.broadcast %mul3A_828 : f32 to vector<16xf32>
          %mul3A_830 = arith.mulf %mul3A_827, %mul3A_829 : vector<16xf32>
          %jit3A_831 = arith.constant 0.000000e+00 : f32
          %jit3A_832 = arith.constant 3.100000e+01 : f32
          %max3A_833 = vector.broadcast %jit3A_831 : f32 to vector<16xf32>
          %max3A_834 = arith.maximumf %max3A_833, %mul3A_830 : vector<16xf32>
          %min3A_835 = vector.broadcast %jit3A_832 : f32 to vector<16xf32>
          %min3A_836 = arith.minimumf %min3A_835, %max3A_834 : vector<16xf32>
          %convert_element_type3A_837 = arith.fptosi %min3A_821 : vector<16xf32> to vector<16xi32>
          %convert_element_type3A_838 = arith.fptosi %min3A_836 : vector<16xf32> to vector<16xi32>
          %convert_element_type3A_839 = arith.sitofp %convert_element_type3A_837 : vector<16xi32> to vector<16xf32>
          %sub3A_840 = arith.subf %min3A_821, %convert_element_type3A_839 : vector<16xf32>
          %convert_element_type3A_841 = arith.sitofp %convert_element_type3A_838 : vector<16xi32> to vector<16xf32>
          %sub3A_842 = arith.subf %min3A_836, %convert_element_type3A_841 : vector<16xf32>
          %add3A_843 = arith.constant 1 : i32
          %add3A_844 = vector.broadcast %add3A_843 : i32 to vector<16xi32>
          %add3A_845 = arith.addi %convert_element_type3A_837, %add3A_844 : vector<16xi32>
          %min3A_846 = arith.constant 31 : i32
          %min3A_847 = vector.broadcast %min3A_846 : i32 to vector<16xi32>
          %min3A_848 = arith.minsi %add3A_845, %min3A_847 : vector<16xi32>
          %add3A_849 = arith.constant 1 : i32
          %add3A_850 = vector.broadcast %add3A_849 : i32 to vector<16xi32>
          %add3A_851 = arith.addi %convert_element_type3A_838, %add3A_850 : vector<16xi32>
          %min3A_852 = arith.constant 31 : i32
          %min3A_853 = vector.broadcast %min3A_852 : i32 to vector<16xi32>
          %min3A_854 = arith.minsi %add3A_851, %min3A_853 : vector<16xi32>
          %mul3A_855 = arith.constant 32 : i32
          %mul3A_856 = vector.broadcast %mul3A_855 : i32 to vector<16xi32>
          %mul3A_857 = arith.muli %convert_element_type3A_838, %mul3A_856 : vector<16xi32>
          %add3A_858 = arith.constant 0 : i32
          %add3A_859 = vector.broadcast %add3A_858 : i32 to vector<16xi32>
          %add3A_860 = arith.addi %add3A_859, %mul3A_857 : vector<16xi32>
          %mul3A_861 = arith.constant 32 : i32
          %mul3A_862 = vector.broadcast %mul3A_861 : i32 to vector<16xi32>
          %mul3A_863 = arith.muli %min3A_854, %mul3A_862 : vector<16xi32>
          %add3A_864 = arith.constant 0 : i32
          %add3A_865 = vector.broadcast %add3A_864 : i32 to vector<16xi32>
          %add3A_866 = arith.addi %add3A_865, %mul3A_863 : vector<16xi32>
          %add3A_867 = arith.addi %add3A_860, %convert_element_type3A_837 : vector<16xi32>
          %add3A_868 = arith.constant 1536 : i32
          %add3A_869 = arith.addi %add3A_868, %mul3A_514 : i32
          %swap3A_870 = arith.index_cast %add3A_869 : i32 to index
          %swap3A_871 = tpu.vector_load %arg11[%swap3A_870] {strides = array<i32>} : memref<2048xi32, #tpu.memory_space<vmem>>, vector<16xi32>,
          tpu.vector_store %arg11[%swap3A_870], %add3A_867 {strides = array<i32>} : memref<2048xi32, #tpu.memory_space<vmem>>, vector<16xi32>,
          %add3A_872 = arith.addi %add3A_860, %min3A_848 : vector<16xi32>
          %add3A_873 = arith.constant 1600 : i32
          %add3A_874 = arith.addi %add3A_873, %mul3A_514 : i32
          %swap3A_875 = arith.index_cast %add3A_874 : i32 to index
          %swap3A_876 = tpu.vector_load %arg11[%swap3A_875] {strides = array<i32>} : memref<2048xi32, #tpu.memory_space<vmem>>, vector<16xi32>,
          tpu.vector_store %arg11[%swap3A_875], %add3A_872 {strides = array<i32>} : memref<2048xi32, #tpu.memory_space<vmem>>, vector<16xi32>,
          %add3A_877 = arith.addi %add3A_866, %convert_element_type3A_837 : vector<16xi32>
          %add3A_878 = arith.constant 1664 : i32
          %add3A_879 = arith.addi %add3A_878, %mul3A_514 : i32
          %swap3A_880 = arith.index_cast %add3A_879 : i32 to index
          %swap3A_881 = tpu.vector_load %arg11[%swap3A_880] {strides = array<i32>} : memref<2048xi32, #tpu.memory_space<vmem>>, vector<16xi32>,
          tpu.vector_store %arg11[%swap3A_880], %add3A_877 {strides = array<i32>} : memref<2048xi32, #tpu.memory_space<vmem>>, vector<16xi32>,
          %add3A_882 = arith.addi %add3A_866, %min3A_848 : vector<16xi32>
          %add3A_883 = arith.constant 1728 : i32
          %add3A_884 = arith.addi %add3A_883, %mul3A_514 : i32
          %swap3A_885 = arith.index_cast %add3A_884 : i32 to index
          %swap3A_886 = tpu.vector_load %arg11[%swap3A_885] {strides = array<i32>} : memref<2048xi32, #tpu.memory_space<vmem>>, vector<16xi32>,
          tpu.vector_store %arg11[%swap3A_885], %add3A_882 {strides = array<i32>} : memref<2048xi32, #tpu.memory_space<vmem>>, vector<16xi32>,
          %sub3A_887 = arith.constant 1.000000e+00 : f32
          %sub3A_888 = vector.broadcast %sub3A_887 : f32 to vector<16xf32>
          %sub3A_889 = arith.subf %sub3A_888, %sub3A_840 : vector<16xf32>
          %sub3A_890 = arith.constant 1.000000e+00 : f32
          %sub3A_891 = vector.broadcast %sub3A_890 : f32 to vector<16xf32>
          %sub3A_892 = arith.subf %sub3A_891, %sub3A_842 : vector<16xf32>
          %mul3A_893 = arith.mulf %sub3A_889, %sub3A_892 : vector<16xf32>
          %add3A_894 = arith.constant 1536 : i32
          %add3A_895 = arith.addi %add3A_894, %mul3A_514 : i32
          %swap3A_896 = arith.index_cast %add3A_895 : i32 to index
          %swap3A_897 = tpu.vector_load %arg12[%swap3A_896] {strides = array<i32>} : memref<2048xf32, #tpu.memory_space<vmem>>, vector<16xf32>,
          tpu.vector_store %arg12[%swap3A_896], %mul3A_893 {strides = array<i32>} : memref<2048xf32, #tpu.memory_space<vmem>>, vector<16xf32>,
          %sub3A_898 = arith.constant 1.000000e+00 : f32
          %sub3A_899 = vector.broadcast %sub3A_898 : f32 to vector<16xf32>
          %sub3A_900 = arith.subf %sub3A_899, %sub3A_842 : vector<16xf32>
          %mul3A_901 = arith.mulf %sub3A_840, %sub3A_900 : vector<16xf32>
          %add3A_902 = arith.constant 1600 : i32
          %add3A_903 = arith.addi %add3A_902, %mul3A_514 : i32
          %swap3A_904 = arith.index_cast %add3A_903 : i32 to index
          %swap3A_905 = tpu.vector_load %arg12[%swap3A_904] {strides = array<i32>} : memref<2048xf32, #tpu.memory_space<vmem>>, vector<16xf32>,
          tpu.vector_store %arg12[%swap3A_904], %mul3A_901 {strides = array<i32>} : memref<2048xf32, #tpu.memory_space<vmem>>, vector<16xf32>,
          %sub3A_906 = arith.constant 1.000000e+00 : f32
          %sub3A_907 = vector.broadcast %sub3A_906 : f32 to vector<16xf32>
          %sub3A_908 = arith.subf %sub3A_907, %sub3A_840 : vector<16xf32>
          %mul3A_909 = arith.mulf %sub3A_908, %sub3A_842 : vector<16xf32>
          %add3A_910 = arith.constant 1664 : i32
          %add3A_911 = arith.addi %add3A_910, %mul3A_514 : i32
          %swap3A_912 = arith.index_cast %add3A_911 : i32 to index
          %swap3A_913 = tpu.vector_load %arg12[%swap3A_912] {strides = array<i32>} : memref<2048xf32, #tpu.memory_space<vmem>>, vector<16xf32>,
          tpu.vector_store %arg12[%swap3A_912], %mul3A_909 {strides = array<i32>} : memref<2048xf32, #tpu.memory_space<vmem>>, vector<16xf32>,
          %mul3A_914 = arith.mulf %sub3A_840, %sub3A_842 : vector<16xf32>
          %add3A_915 = arith.constant 1728 : i32
          %add3A_916 = arith.addi %add3A_915, %mul3A_514 : i32
          %swap3A_917 = arith.index_cast %add3A_916 : i32 to index
          %swap3A_918 = tpu.vector_load %arg12[%swap3A_917] {strides = array<i32>} : memref<2048xf32, #tpu.memory_space<vmem>>, vector<16xf32>,
          tpu.vector_store %arg12[%swap3A_917], %mul3A_914 {strides = array<i32>} : memref<2048xf32, #tpu.memory_space<vmem>>, vector<16xf32>,
          %add3A_919 = arith.constant 1.000000e+00 : f32
          %add3A_920 = vector.broadcast %add3A_919 : f32 to vector<16xf32>
          %add3A_921 = arith.addf %add3A_579, %add3A_920 : vector<16xf32>
          %mul3A_922 = arith.constant 5.000000e-01 : f32
          %mul3A_923 = vector.broadcast %mul3A_922 : f32 to vector<16xf32>
          %mul3A_924 = arith.mulf %add3A_921, %mul3A_923 : vector<16xf32>
          %mul3A_925 = arith.constant 1.500000e+01 : f32
          %mul3A_926 = vector.broadcast %mul3A_925 : f32 to vector<16xf32>
          %mul3A_927 = arith.mulf %mul3A_924, %mul3A_926 : vector<16xf32>
          %jit3A_928 = arith.constant 0.000000e+00 : f32
          %jit3A_929 = arith.constant 1.500000e+01 : f32
          %max3A_930 = vector.broadcast %jit3A_928 : f32 to vector<16xf32>
          %max3A_931 = arith.maximumf %max3A_930, %mul3A_927 : vector<16xf32>
          %min3A_932 = vector.broadcast %jit3A_929 : f32 to vector<16xf32>
          %min3A_933 = arith.minimumf %min3A_932, %max3A_931 : vector<16xf32>
          %add3A_934 = arith.constant 1.000000e+00 : f32
          %add3A_935 = vector.broadcast %add3A_934 : f32 to vector<16xf32>
          %add3A_936 = arith.addf %add3A_587, %add3A_935 : vector<16xf32>
          %mul3A_937 = arith.constant 5.000000e-01 : f32
          %mul3A_938 = vector.broadcast %mul3A_937 : f32 to vector<16xf32>
          %mul3A_939 = arith.mulf %add3A_936, %mul3A_938 : vector<16xf32>
          %mul3A_940 = arith.constant 1.500000e+01 : f32
          %mul3A_941 = vector.broadcast %mul3A_940 : f32 to vector<16xf32>
          %mul3A_942 = arith.mulf %mul3A_939, %mul3A_941 : vector<16xf32>
          %jit3A_943 = arith.constant 0.000000e+00 : f32
          %jit3A_944 = arith.constant 1.500000e+01 : f32
          %max3A_945 = vector.broadcast %jit3A_943 : f32 to vector<16xf32>
          %max3A_946 = arith.maximumf %max3A_945, %mul3A_942 : vector<16xf32>
          %min3A_947 = vector.broadcast %jit3A_944 : f32 to vector<16xf32>
          %min3A_948 = arith.minimumf %min3A_947, %max3A_946 : vector<16xf32>
          %convert_element_type3A_949 = arith.fptosi %min3A_933 : vector<16xf32> to vector<16xi32>
          %convert_element_type3A_950 = arith.fptosi %min3A_948 : vector<16xf32> to vector<16xi32>
          %convert_element_type3A_951 = arith.sitofp %convert_element_type3A_949 : vector<16xi32> to vector<16xf32>
          %sub3A_952 = arith.subf %min3A_933, %convert_element_type3A_951 : vector<16xf32>
          %convert_element_type3A_953 = arith.sitofp %convert_element_type3A_950 : vector<16xi32> to vector<16xf32>
          %sub3A_954 = arith.subf %min3A_948, %convert_element_type3A_953 : vector<16xf32>
          %add3A_955 = arith.constant 1 : i32
          %add3A_956 = vector.broadcast %add3A_955 : i32 to vector<16xi32>
          %add3A_957 = arith.addi %convert_element_type3A_949, %add3A_956 : vector<16xi32>
          %min3A_958 = arith.constant 15 : i32
          %min3A_959 = vector.broadcast %min3A_958 : i32 to vector<16xi32>
          %min3A_960 = arith.minsi %add3A_957, %min3A_959 : vector<16xi32>
          %add3A_961 = arith.constant 1 : i32
          %add3A_962 = vector.broadcast %add3A_961 : i32 to vector<16xi32>
          %add3A_963 = arith.addi %convert_element_type3A_950, %add3A_962 : vector<16xi32>
          %min3A_964 = arith.constant 15 : i32
          %min3A_965 = vector.broadcast %min3A_964 : i32 to vector<16xi32>
          %min3A_966 = arith.minsi %add3A_963, %min3A_965 : vector<16xi32>
          %mul3A_967 = arith.constant 16 : i32
          %mul3A_968 = vector.broadcast %mul3A_967 : i32 to vector<16xi32>
          %mul3A_969 = arith.muli %convert_element_type3A_950, %mul3A_968 : vector<16xi32>
          %add3A_970 = arith.constant 0 : i32
          %add3A_971 = vector.broadcast %add3A_970 : i32 to vector<16xi32>
          %add3A_972 = arith.addi %add3A_971, %mul3A_969 : vector<16xi32>
          %mul3A_973 = arith.constant 16 : i32
          %mul3A_974 = vector.broadcast %mul3A_973 : i32 to vector<16xi32>
          %mul3A_975 = arith.muli %min3A_966, %mul3A_974 : vector<16xi32>
          %add3A_976 = arith.constant 0 : i32
          %add3A_977 = vector.broadcast %add3A_976 : i32 to vector<16xi32>
          %add3A_978 = arith.addi %add3A_977, %mul3A_975 : vector<16xi32>
          %add3A_979 = arith.addi %add3A_972, %convert_element_type3A_949 : vector<16xi32>
          %add3A_980 = arith.constant 1792 : i32
          %add3A_981 = arith.addi %add3A_980, %mul3A_514 : i32
          %swap3A_982 = arith.index_cast %add3A_981 : i32 to index
          %swap3A_983 = tpu.vector_load %arg11[%swap3A_982] {strides = array<i32>} : memref<2048xi32, #tpu.memory_space<vmem>>, vector<16xi32>,
          tpu.vector_store %arg11[%swap3A_982], %add3A_979 {strides = array<i32>} : memref<2048xi32, #tpu.memory_space<vmem>>, vector<16xi32>,
          %add3A_984 = arith.addi %add3A_972, %min3A_960 : vector<16xi32>
          %add3A_985 = arith.constant 1856 : i32
          %add3A_986 = arith.addi %add3A_985, %mul3A_514 : i32
          %swap3A_987 = arith.index_cast %add3A_986 : i32 to index
          %swap3A_988 = tpu.vector_load %arg11[%swap3A_987] {strides = array<i32>} : memref<2048xi32, #tpu.memory_space<vmem>>, vector<16xi32>,
          tpu.vector_store %arg11[%swap3A_987], %add3A_984 {strides = array<i32>} : memref<2048xi32, #tpu.memory_space<vmem>>, vector<16xi32>,
          %add3A_989 = arith.addi %add3A_978, %convert_element_type3A_949 : vector<16xi32>
          %add3A_990 = arith.constant 1920 : i32
          %add3A_991 = arith.addi %add3A_990, %mul3A_514 : i32
          %swap3A_992 = arith.index_cast %add3A_991 : i32 to index
          %swap3A_993 = tpu.vector_load %arg11[%swap3A_992] {strides = array<i32>} : memref<2048xi32, #tpu.memory_space<vmem>>, vector<16xi32>,
          tpu.vector_store %arg11[%swap3A_992], %add3A_989 {strides = array<i32>} : memref<2048xi32, #tpu.memory_space<vmem>>, vector<16xi32>,
          %add3A_994 = arith.addi %add3A_978, %min3A_960 : vector<16xi32>
          %add3A_995 = arith.constant 1984 : i32
          %add3A_996 = arith.addi %add3A_995, %mul3A_514 : i32
          %swap3A_997 = arith.index_cast %add3A_996 : i32 to index
          %swap3A_998 = tpu.vector_load %arg11[%swap3A_997] {strides = array<i32>} : memref<2048xi32, #tpu.memory_space<vmem>>, vector<16xi32>,
          tpu.vector_store %arg11[%swap3A_997], %add3A_994 {strides = array<i32>} : memref<2048xi32, #tpu.memory_space<vmem>>, vector<16xi32>,
          %sub3A_999 = arith.constant 1.000000e+00 : f32
          %sub3A_1000 = vector.broadcast %sub3A_999 : f32 to vector<16xf32>
          %sub3A_1001 = arith.subf %sub3A_1000, %sub3A_952 : vector<16xf32>
          %sub3A_1002 = arith.constant 1.000000e+00 : f32
          %sub3A_1003 = vector.broadcast %sub3A_1002 : f32 to vector<16xf32>
          %sub3A_1004 = arith.subf %sub3A_1003, %sub3A_954 : vector<16xf32>
          %mul3A_1005 = arith.mulf %sub3A_1001, %sub3A_1004 : vector<16xf32>
          %add3A_1006 = arith.constant 1792 : i32
          %add3A_1007 = arith.addi %add3A_1006, %mul3A_514 : i32
          %swap3A_1008 = arith.index_cast %add3A_1007 : i32 to index
          %swap3A_1009 = tpu.vector_load %arg12[%swap3A_1008] {strides = array<i32>} : memref<2048xf32, #tpu.memory_space<vmem>>, vector<16xf32>,
          tpu.vector_store %arg12[%swap3A_1008], %mul3A_1005 {strides = array<i32>} : memref<2048xf32, #tpu.memory_space<vmem>>, vector<16xf32>,
          %sub3A_1010 = arith.constant 1.000000e+00 : f32
          %sub3A_1011 = vector.broadcast %sub3A_1010 : f32 to vector<16xf32>
          %sub3A_1012 = arith.subf %sub3A_1011, %sub3A_954 : vector<16xf32>
          %mul3A_1013 = arith.mulf %sub3A_952, %sub3A_1012 : vector<16xf32>
          %add3A_1014 = arith.constant 1856 : i32
          %add3A_1015 = arith.addi %add3A_1014, %mul3A_514 : i32
          %swap3A_1016 = arith.index_cast %add3A_1015 : i32 to index
          %swap3A_1017 = tpu.vector_load %arg12[%swap3A_1016] {strides = array<i32>} : memref<2048xf32, #tpu.memory_space<vmem>>, vector<16xf32>,
          tpu.vector_store %arg12[%swap3A_1016], %mul3A_1013 {strides = array<i32>} : memref<2048xf32, #tpu.memory_space<vmem>>, vector<16xf32>,
          %sub3A_1018 = arith.constant 1.000000e+00 : f32
          %sub3A_1019 = vector.broadcast %sub3A_1018 : f32 to vector<16xf32>
          %sub3A_1020 = arith.subf %sub3A_1019, %sub3A_952 : vector<16xf32>
          %mul3A_1021 = arith.mulf %sub3A_1020, %sub3A_954 : vector<16xf32>
          %add3A_1022 = arith.constant 1920 : i32
          %add3A_1023 = arith.addi %add3A_1022, %mul3A_514 : i32
          %swap3A_1024 = arith.index_cast %add3A_1023 : i32 to index
          %swap3A_1025 = tpu.vector_load %arg12[%swap3A_1024] {strides = array<i32>} : memref<2048xf32, #tpu.memory_space<vmem>>, vector<16xf32>,
          tpu.vector_store %arg12[%swap3A_1024], %mul3A_1021 {strides = array<i32>} : memref<2048xf32, #tpu.memory_space<vmem>>, vector<16xf32>,
          %mul3A_1026 = arith.mulf %sub3A_952, %sub3A_954 : vector<16xf32>
          %add3A_1027 = arith.constant 1984 : i32
          %add3A_1028 = arith.addi %add3A_1027, %mul3A_514 : i32
          %swap3A_1029 = arith.index_cast %add3A_1028 : i32 to index
          %swap3A_1030 = tpu.vector_load %arg12[%swap3A_1029] {strides = array<i32>} : memref<2048xf32, #tpu.memory_space<vmem>>, vector<16xf32>,
          tpu.vector_store %arg12[%swap3A_1029], %mul3A_1026 {strides = array<i32>} : memref<2048xf32, #tpu.memory_space<vmem>>, vector<16xf32>,
        }
        %scan3A_420 = arith.constant 4 : i32
        %dma_start3A_421 = arith.constant 1 : i32
        %dma_start3A_422 = arith.constant 0 : i32
        %dma_start3A_423 = arith.constant 0 : i32
        %dma_start3A_424 = arith.constant 0 : i32
        %dma_start3A_425 = tpu.memref_slice %arg13[%dma_start3A_421, %dma_start3A_422, %dma_start3A_423, %dma_start3A_424] : memref<2x8x64x32xf32, #tpu.memory_space<vmem>> -> memref<1x1x64x32xf32, #tpu.memory_space<vmem>>
        %dma_start3A_426 = tpu.memref_squeeze %dma_start3A_425 : memref<1x1x64x32xf32, #tpu.memory_space<vmem>> -> memref<64x32xf32, #tpu.memory_space<vmem>>
        %dma_start3A_427 = arith.constant 1024 : i32
        %dma_start3A_428 = tpu.memref_slice %arg11[%dma_start3A_427] : memref<2048xi32, #tpu.memory_space<vmem>> -> memref<64xi32, #tpu.memory_space<vmem>>
        %dma_start3A_429 = arith.constant 0 : i32
        %dma_start3A_430 = arith.constant 0 : i32
        %dma_start3A_431 = tpu.memref_slice %arg4[%dma_start3A_429, %dma_start3A_430] : memref<262144x32xf32, #tpu.memory_space<hbm>> -> memref<262144x32xf32, #tpu.memory_space<hbm>>
        tpu.enqueue_indirect_dma source(%dma_start3A_431 : memref<262144x32xf32, #tpu.memory_space<hbm>>) target(%dma_start3A_426 : memref<64x32xf32, #tpu.memory_space<vmem>>) offsets(%dma_start3A_428 : memref<64xi32, #tpu.memory_space<vmem>>) semaphore(%arg18 : memref<!tpu.dma_semaphore, #tpu.memory_space<semaphore_mem>>)
        %dma_start3A_432 = arith.constant 1 : i32
        %dma_start3A_433 = arith.constant 1 : i32
        %dma_start3A_434 = arith.constant 0 : i32
        %dma_start3A_435 = arith.constant 0 : i32
        %dma_start3A_436 = tpu.memref_slice %arg13[%dma_start3A_432, %dma_start3A_433, %dma_start3A_434, %dma_start3A_435] : memref<2x8x64x32xf32, #tpu.memory_space<vmem>> -> memref<1x1x64x32xf32, #tpu.memory_space<vmem>>
        %dma_start3A_437 = tpu.memref_squeeze %dma_start3A_436 : memref<1x1x64x32xf32, #tpu.memory_space<vmem>> -> memref<64x32xf32, #tpu.memory_space<vmem>>
        %dma_start3A_438 = arith.constant 1088 : i32
        %dma_start3A_439 = tpu.memref_slice %arg11[%dma_start3A_438] : memref<2048xi32, #tpu.memory_space<vmem>> -> memref<64xi32, #tpu.memory_space<vmem>>
        %dma_start3A_440 = arith.constant 0 : i32
        %dma_start3A_441 = arith.constant 0 : i32
        %dma_start3A_442 = tpu.memref_slice %arg4[%dma_start3A_440, %dma_start3A_441] : memref<262144x32xf32, #tpu.memory_space<hbm>> -> memref<262144x32xf32, #tpu.memory_space<hbm>>
        tpu.enqueue_indirect_dma source(%dma_start3A_442 : memref<262144x32xf32, #tpu.memory_space<hbm>>) target(%dma_start3A_437 : memref<64x32xf32, #tpu.memory_space<vmem>>) offsets(%dma_start3A_439 : memref<64xi32, #tpu.memory_space<vmem>>) semaphore(%arg18 : memref<!tpu.dma_semaphore, #tpu.memory_space<semaphore_mem>>)
        %dma_start3A_443 = arith.constant 1 : i32
        %dma_start3A_444 = arith.constant 2 : i32
        %dma_start3A_445 = arith.constant 0 : i32
        %dma_start3A_446 = arith.constant 0 : i32
        %dma_start3A_447 = tpu.memref_slice %arg13[%dma_start3A_443, %dma_start3A_444, %dma_start3A_445, %dma_start3A_446] : memref<2x8x64x32xf32, #tpu.memory_space<vmem>> -> memref<1x1x64x32xf32, #tpu.memory_space<vmem>>
        %dma_start3A_448 = tpu.memref_squeeze %dma_start3A_447 : memref<1x1x64x32xf32, #tpu.memory_space<vmem>> -> memref<64x32xf32, #tpu.memory_space<vmem>>
        %dma_start3A_449 = arith.constant 1152 : i32
        %dma_start3A_450 = tpu.memref_slice %arg11[%dma_start3A_449] : memref<2048xi32, #tpu.memory_space<vmem>> -> memref<64xi32, #tpu.memory_space<vmem>>
        %dma_start3A_451 = arith.constant 0 : i32
        %dma_start3A_452 = arith.constant 0 : i32
        %dma_start3A_453 = tpu.memref_slice %arg4[%dma_start3A_451, %dma_start3A_452] : memref<262144x32xf32, #tpu.memory_space<hbm>> -> memref<262144x32xf32, #tpu.memory_space<hbm>>
        tpu.enqueue_indirect_dma source(%dma_start3A_453 : memref<262144x32xf32, #tpu.memory_space<hbm>>) target(%dma_start3A_448 : memref<64x32xf32, #tpu.memory_space<vmem>>) offsets(%dma_start3A_450 : memref<64xi32, #tpu.memory_space<vmem>>) semaphore(%arg18 : memref<!tpu.dma_semaphore, #tpu.memory_space<semaphore_mem>>)
        %dma_start3A_454 = arith.constant 1 : i32
        %dma_start3A_455 = arith.constant 3 : i32
        %dma_start3A_456 = arith.constant 0 : i32
        %dma_start3A_457 = arith.constant 0 : i32
        %dma_start3A_458 = tpu.memref_slice %arg13[%dma_start3A_454, %dma_start3A_455, %dma_start3A_456, %dma_start3A_457] : memref<2x8x64x32xf32, #tpu.memory_space<vmem>> -> memref<1x1x64x32xf32, #tpu.memory_space<vmem>>
        %dma_start3A_459 = tpu.memref_squeeze %dma_start3A_458 : memref<1x1x64x32xf32, #tpu.memory_space<vmem>> -> memref<64x32xf32, #tpu.memory_space<vmem>>
        %dma_start3A_460 = arith.constant 1216 : i32
        %dma_start3A_461 = tpu.memref_slice %arg11[%dma_start3A_460] : memref<2048xi32, #tpu.memory_space<vmem>> -> memref<64xi32, #tpu.memory_space<vmem>>
        %dma_start3A_462 = arith.constant 0 : i32
        %dma_start3A_463 = arith.constant 0 : i32
        %dma_start3A_464 = tpu.memref_slice %arg4[%dma_start3A_462, %dma_start3A_463] : memref<262144x32xf32, #tpu.memory_space<hbm>> -> memref<262144x32xf32, #tpu.memory_space<hbm>>
        tpu.enqueue_indirect_dma source(%dma_start3A_464 : memref<262144x32xf32, #tpu.memory_space<hbm>>) target(%dma_start3A_459 : memref<64x32xf32, #tpu.memory_space<vmem>>) offsets(%dma_start3A_461 : memref<64xi32, #tpu.memory_space<vmem>>) semaphore(%arg18 : memref<!tpu.dma_semaphore, #tpu.memory_space<semaphore_mem>>)
        %dma_start3A_465 = arith.constant 1 : i32
        %dma_start3A_466 = arith.constant 4 : i32
        %dma_start3A_467 = arith.constant 0 : i32
        %dma_start3A_468 = arith.constant 0 : i32
        %dma_start3A_469 = tpu.memref_slice %arg13[%dma_start3A_465, %dma_start3A_466, %dma_start3A_467, %dma_start3A_468] : memref<2x8x64x32xf32, #tpu.memory_space<vmem>> -> memref<1x1x64x32xf32, #tpu.memory_space<vmem>>
        %dma_start3A_470 = tpu.memref_squeeze %dma_start3A_469 : memref<1x1x64x32xf32, #tpu.memory_space<vmem>> -> memref<64x32xf32, #tpu.memory_space<vmem>>
        %dma_start3A_471 = arith.constant 1280 : i32
        %dma_start3A_472 = tpu.memref_slice %arg11[%dma_start3A_471] : memref<2048xi32, #tpu.memory_space<vmem>> -> memref<64xi32, #tpu.memory_space<vmem>>
        %dma_start3A_473 = arith.constant 0 : i32
        %dma_start3A_474 = arith.constant 0 : i32
        %dma_start3A_475 = tpu.memref_slice %arg5[%dma_start3A_473, %dma_start3A_474] : memref<65536x32xf32, #tpu.memory_space<hbm>> -> memref<65536x32xf32, #tpu.memory_space<hbm>>
        tpu.enqueue_indirect_dma source(%dma_start3A_475 : memref<65536x32xf32, #tpu.memory_space<hbm>>) target(%dma_start3A_470 : memref<64x32xf32, #tpu.memory_space<vmem>>) offsets(%dma_start3A_472 : memref<64xi32, #tpu.memory_space<vmem>>) semaphore(%arg18 : memref<!tpu.dma_semaphore, #tpu.memory_space<semaphore_mem>>)
        %dma_start3A_476 = arith.constant 1 : i32
        %dma_start3A_477 = arith.constant 5 : i32
        %dma_start3A_478 = arith.constant 0 : i32
        %dma_start3A_479 = arith.constant 0 : i32
        %dma_start3A_480 = tpu.memref_slice %arg13[%dma_start3A_476, %dma_start3A_477, %dma_start3A_478, %dma_start3A_479] : memref<2x8x64x32xf32, #tpu.memory_space<vmem>> -> memref<1x1x64x32xf32, #tpu.memory_space<vmem>>
        %dma_start3A_481 = tpu.memref_squeeze %dma_start3A_480 : memref<1x1x64x32xf32, #tpu.memory_space<vmem>> -> memref<64x32xf32, #tpu.memory_space<vmem>>
        %dma_start3A_482 = arith.constant 1344 : i32
        %dma_start3A_483 = tpu.memref_slice %arg11[%dma_start3A_482] : memref<2048xi32, #tpu.memory_space<vmem>> -> memref<64xi32, #tpu.memory_space<vmem>>
        %dma_start3A_484 = arith.constant 0 : i32
        %dma_start3A_485 = arith.constant 0 : i32
        %dma_start3A_486 = tpu.memref_slice %arg5[%dma_start3A_484, %dma_start3A_485] : memref<65536x32xf32, #tpu.memory_space<hbm>> -> memref<65536x32xf32, #tpu.memory_space<hbm>>
        tpu.enqueue_indirect_dma source(%dma_start3A_486 : memref<65536x32xf32, #tpu.memory_space<hbm>>) target(%dma_start3A_481 : memref<64x32xf32, #tpu.memory_space<vmem>>) offsets(%dma_start3A_483 : memref<64xi32, #tpu.memory_space<vmem>>) semaphore(%arg18 : memref<!tpu.dma_semaphore, #tpu.memory_space<semaphore_mem>>)
        %dma_start3A_487 = arith.constant 1 : i32
        %dma_start3A_488 = arith.constant 6 : i32
        %dma_start3A_489 = arith.constant 0 : i32
        %dma_start3A_490 = arith.constant 0 : i32
        %dma_start3A_491 = tpu.memref_slice %arg13[%dma_start3A_487, %dma_start3A_488, %dma_start3A_489, %dma_start3A_490] : memref<2x8x64x32xf32, #tpu.memory_space<vmem>> -> memref<1x1x64x32xf32, #tpu.memory_space<vmem>>
        %dma_start3A_492 = tpu.memref_squeeze %dma_start3A_491 : memref<1x1x64x32xf32, #tpu.memory_space<vmem>> -> memref<64x32xf32, #tpu.memory_space<vmem>>
        %dma_start3A_493 = arith.constant 1408 : i32
        %dma_start3A_494 = tpu.memref_slice %arg11[%dma_start3A_493] : memref<2048xi32, #tpu.memory_space<vmem>> -> memref<64xi32, #tpu.memory_space<vmem>>
        %dma_start3A_495 = arith.constant 0 : i32
        %dma_start3A_496 = arith.constant 0 : i32
        %dma_start3A_497 = tpu.memref_slice %arg5[%dma_start3A_495, %dma_start3A_496] : memref<65536x32xf32, #tpu.memory_space<hbm>> -> memref<65536x32xf32, #tpu.memory_space<hbm>>
        tpu.enqueue_indirect_dma source(%dma_start3A_497 : memref<65536x32xf32, #tpu.memory_space<hbm>>) target(%dma_start3A_492 : memref<64x32xf32, #tpu.memory_space<vmem>>) offsets(%dma_start3A_494 : memref<64xi32, #tpu.memory_space<vmem>>) semaphore(%arg18 : memref<!tpu.dma_semaphore, #tpu.memory_space<semaphore_mem>>)
        %dma_start3A_498 = arith.constant 1 : i32
        %dma_start3A_499 = arith.constant 7 : i32
        %dma_start3A_500 = arith.constant 0 : i32
        %dma_start3A_501 = arith.constant 0 : i32
        %dma_start3A_502 = tpu.memref_slice %arg13[%dma_start3A_498, %dma_start3A_499, %dma_start3A_500, %dma_start3A_501] : memref<2x8x64x32xf32, #tpu.memory_space<vmem>> -> memref<1x1x64x32xf32, #tpu.memory_space<vmem>>
        %dma_start3A_503 = tpu.memref_squeeze %dma_start3A_502 : memref<1x1x64x32xf32, #tpu.memory_space<vmem>> -> memref<64x32xf32, #tpu.memory_space<vmem>>
        %dma_start3A_504 = arith.constant 1472 : i32
        %dma_start3A_505 = tpu.memref_slice %arg11[%dma_start3A_504] : memref<2048xi32, #tpu.memory_space<vmem>> -> memref<64xi32, #tpu.memory_space<vmem>>
        %dma_start3A_506 = arith.constant 0 : i32
        %dma_start3A_507 = arith.constant 0 : i32
        %dma_start3A_508 = tpu.memref_slice %arg5[%dma_start3A_506, %dma_start3A_507] : memref<65536x32xf32, #tpu.memory_space<hbm>> -> memref<65536x32xf32, #tpu.memory_space<hbm>>
        tpu.enqueue_indirect_dma source(%dma_start3A_508 : memref<65536x32xf32, #tpu.memory_space<hbm>>) target(%dma_start3A_503 : memref<64x32xf32, #tpu.memory_space<vmem>>) offsets(%dma_start3A_505 : memref<64xi32, #tpu.memory_space<vmem>>) semaphore(%arg18 : memref<!tpu.dma_semaphore, #tpu.memory_space<semaphore_mem>>)
      } else {
      }
      %dma_wait3A_169 = arith.constant 0 : i32
      %dma_wait3A_170 = arith.constant 0 : i32
      %dma_wait3A_171 = arith.constant 0 : i32
      %dma_wait3A_172 = arith.constant 0 : i32
      %dma_wait3A_173 = tpu.memref_slice %arg13[%dma_wait3A_169, %dma_wait3A_170, %dma_wait3A_171, %dma_wait3A_172] : memref<2x8x64x32xf32, #tpu.memory_space<vmem>> -> memref<1x1x64x32xf32, #tpu.memory_space<vmem>>
      %dma_wait3A_174 = tpu.memref_squeeze %dma_wait3A_173 : memref<1x1x64x32xf32, #tpu.memory_space<vmem>> -> memref<64x32xf32, #tpu.memory_space<vmem>>
      %dma_wait3A_175 = arith.constant 0 : i32
      %dma_wait3A_176 = tpu.memref_slice %arg11[%dma_wait3A_175] : memref<2048xi32, #tpu.memory_space<vmem>> -> memref<64xi32, #tpu.memory_space<vmem>>
      %dma_wait3A_177 = arith.constant 0 : i32
      %dma_wait3A_178 = arith.constant 0 : i32
      %dma_wait3A_179 = tpu.memref_slice %arg4[%dma_wait3A_177, %dma_wait3A_178] : memref<262144x32xf32, #tpu.memory_space<hbm>> -> memref<262144x32xf32, #tpu.memory_space<hbm>>
      tpu.wait_indirect_dma semaphore(%arg17 : memref<!tpu.dma_semaphore, #tpu.memory_space<semaphore_mem>>) src(%dma_wait3A_179 : memref<262144x32xf32, #tpu.memory_space<hbm>>) dst(%dma_wait3A_174 : memref<64x32xf32, #tpu.memory_space<vmem>>)
      %dma_wait3A_180 = arith.constant 0 : i32
      %dma_wait3A_181 = arith.constant 1 : i32
      %dma_wait3A_182 = arith.constant 0 : i32
      %dma_wait3A_183 = arith.constant 0 : i32
      %dma_wait3A_184 = tpu.memref_slice %arg13[%dma_wait3A_180, %dma_wait3A_181, %dma_wait3A_182, %dma_wait3A_183] : memref<2x8x64x32xf32, #tpu.memory_space<vmem>> -> memref<1x1x64x32xf32, #tpu.memory_space<vmem>>
      %dma_wait3A_185 = tpu.memref_squeeze %dma_wait3A_184 : memref<1x1x64x32xf32, #tpu.memory_space<vmem>> -> memref<64x32xf32, #tpu.memory_space<vmem>>
      %dma_wait3A_186 = arith.constant 64 : i32
      %dma_wait3A_187 = tpu.memref_slice %arg11[%dma_wait3A_186] : memref<2048xi32, #tpu.memory_space<vmem>> -> memref<64xi32, #tpu.memory_space<vmem>>
      %dma_wait3A_188 = arith.constant 0 : i32
      %dma_wait3A_189 = arith.constant 0 : i32
      %dma_wait3A_190 = tpu.memref_slice %arg4[%dma_wait3A_188, %dma_wait3A_189] : memref<262144x32xf32, #tpu.memory_space<hbm>> -> memref<262144x32xf32, #tpu.memory_space<hbm>>
      tpu.wait_indirect_dma semaphore(%arg17 : memref<!tpu.dma_semaphore, #tpu.memory_space<semaphore_mem>>) src(%dma_wait3A_190 : memref<262144x32xf32, #tpu.memory_space<hbm>>) dst(%dma_wait3A_185 : memref<64x32xf32, #tpu.memory_space<vmem>>)
      %dma_wait3A_191 = arith.constant 0 : i32
      %dma_wait3A_192 = arith.constant 2 : i32
      %dma_wait3A_193 = arith.constant 0 : i32
      %dma_wait3A_194 = arith.constant 0 : i32
      %dma_wait3A_195 = tpu.memref_slice %arg13[%dma_wait3A_191, %dma_wait3A_192, %dma_wait3A_193, %dma_wait3A_194] : memref<2x8x64x32xf32, #tpu.memory_space<vmem>> -> memref<1x1x64x32xf32, #tpu.memory_space<vmem>>
      %dma_wait3A_196 = tpu.memref_squeeze %dma_wait3A_195 : memref<1x1x64x32xf32, #tpu.memory_space<vmem>> -> memref<64x32xf32, #tpu.memory_space<vmem>>
      %dma_wait3A_197 = arith.constant 128 : i32
      %dma_wait3A_198 = tpu.memref_slice %arg11[%dma_wait3A_197] : memref<2048xi32, #tpu.memory_space<vmem>> -> memref<64xi32, #tpu.memory_space<vmem>>
      %dma_wait3A_199 = arith.constant 0 : i32
      %dma_wait3A_200 = arith.constant 0 : i32
      %dma_wait3A_201 = tpu.memref_slice %arg4[%dma_wait3A_199, %dma_wait3A_200] : memref<262144x32xf32, #tpu.memory_space<hbm>> -> memref<262144x32xf32, #tpu.memory_space<hbm>>
      tpu.wait_indirect_dma semaphore(%arg17 : memref<!tpu.dma_semaphore, #tpu.memory_space<semaphore_mem>>) src(%dma_wait3A_201 : memref<262144x32xf32, #tpu.memory_space<hbm>>) dst(%dma_wait3A_196 : memref<64x32xf32, #tpu.memory_space<vmem>>)
      %dma_wait3A_202 = arith.constant 0 : i32
      %dma_wait3A_203 = arith.constant 3 : i32
      %dma_wait3A_204 = arith.constant 0 : i32
      %dma_wait3A_205 = arith.constant 0 : i32
      %dma_wait3A_206 = tpu.memref_slice %arg13[%dma_wait3A_202, %dma_wait3A_203, %dma_wait3A_204, %dma_wait3A_205] : memref<2x8x64x32xf32, #tpu.memory_space<vmem>> -> memref<1x1x64x32xf32, #tpu.memory_space<vmem>>
      %dma_wait3A_207 = tpu.memref_squeeze %dma_wait3A_206 : memref<1x1x64x32xf32, #tpu.memory_space<vmem>> -> memref<64x32xf32, #tpu.memory_space<vmem>>
      %dma_wait3A_208 = arith.constant 192 : i32
      %dma_wait3A_209 = tpu.memref_slice %arg11[%dma_wait3A_208] : memref<2048xi32, #tpu.memory_space<vmem>> -> memref<64xi32, #tpu.memory_space<vmem>>
      %dma_wait3A_210 = arith.constant 0 : i32
      %dma_wait3A_211 = arith.constant 0 : i32
      %dma_wait3A_212 = tpu.memref_slice %arg4[%dma_wait3A_210, %dma_wait3A_211] : memref<262144x32xf32, #tpu.memory_space<hbm>> -> memref<262144x32xf32, #tpu.memory_space<hbm>>
      tpu.wait_indirect_dma semaphore(%arg17 : memref<!tpu.dma_semaphore, #tpu.memory_space<semaphore_mem>>) src(%dma_wait3A_212 : memref<262144x32xf32, #tpu.memory_space<hbm>>) dst(%dma_wait3A_207 : memref<64x32xf32, #tpu.memory_space<vmem>>)
      %dma_wait3A_213 = arith.constant 0 : i32
      %dma_wait3A_214 = arith.constant 4 : i32
      %dma_wait3A_215 = arith.constant 0 : i32
      %dma_wait3A_216 = arith.constant 0 : i32
      %dma_wait3A_217 = tpu.memref_slice %arg13[%dma_wait3A_213, %dma_wait3A_214, %dma_wait3A_215, %dma_wait3A_216] : memref<2x8x64x32xf32, #tpu.memory_space<vmem>> -> memref<1x1x64x32xf32, #tpu.memory_space<vmem>>
      %dma_wait3A_218 = tpu.memref_squeeze %dma_wait3A_217 : memref<1x1x64x32xf32, #tpu.memory_space<vmem>> -> memref<64x32xf32, #tpu.memory_space<vmem>>
      %dma_wait3A_219 = arith.constant 256 : i32
      %dma_wait3A_220 = tpu.memref_slice %arg11[%dma_wait3A_219] : memref<2048xi32, #tpu.memory_space<vmem>> -> memref<64xi32, #tpu.memory_space<vmem>>
      %dma_wait3A_221 = arith.constant 0 : i32
      %dma_wait3A_222 = arith.constant 0 : i32
      %dma_wait3A_223 = tpu.memref_slice %arg5[%dma_wait3A_221, %dma_wait3A_222] : memref<65536x32xf32, #tpu.memory_space<hbm>> -> memref<65536x32xf32, #tpu.memory_space<hbm>>
      tpu.wait_indirect_dma semaphore(%arg17 : memref<!tpu.dma_semaphore, #tpu.memory_space<semaphore_mem>>) src(%dma_wait3A_223 : memref<65536x32xf32, #tpu.memory_space<hbm>>) dst(%dma_wait3A_218 : memref<64x32xf32, #tpu.memory_space<vmem>>)
      %dma_wait3A_224 = arith.constant 0 : i32
      %dma_wait3A_225 = arith.constant 5 : i32
      %dma_wait3A_226 = arith.constant 0 : i32
      %dma_wait3A_227 = arith.constant 0 : i32
      %dma_wait3A_228 = tpu.memref_slice %arg13[%dma_wait3A_224, %dma_wait3A_225, %dma_wait3A_226, %dma_wait3A_227] : memref<2x8x64x32xf32, #tpu.memory_space<vmem>> -> memref<1x1x64x32xf32, #tpu.memory_space<vmem>>
      %dma_wait3A_229 = tpu.memref_squeeze %dma_wait3A_228 : memref<1x1x64x32xf32, #tpu.memory_space<vmem>> -> memref<64x32xf32, #tpu.memory_space<vmem>>
      %dma_wait3A_230 = arith.constant 320 : i32
      %dma_wait3A_231 = tpu.memref_slice %arg11[%dma_wait3A_230] : memref<2048xi32, #tpu.memory_space<vmem>> -> memref<64xi32, #tpu.memory_space<vmem>>
      %dma_wait3A_232 = arith.constant 0 : i32
      %dma_wait3A_233 = arith.constant 0 : i32
      %dma_wait3A_234 = tpu.memref_slice %arg5[%dma_wait3A_232, %dma_wait3A_233] : memref<65536x32xf32, #tpu.memory_space<hbm>> -> memref<65536x32xf32, #tpu.memory_space<hbm>>
      tpu.wait_indirect_dma semaphore(%arg17 : memref<!tpu.dma_semaphore, #tpu.memory_space<semaphore_mem>>) src(%dma_wait3A_234 : memref<65536x32xf32, #tpu.memory_space<hbm>>) dst(%dma_wait3A_229 : memref<64x32xf32, #tpu.memory_space<vmem>>)
      %dma_wait3A_235 = arith.constant 0 : i32
      %dma_wait3A_236 = arith.constant 6 : i32
      %dma_wait3A_237 = arith.constant 0 : i32
      %dma_wait3A_238 = arith.constant 0 : i32
      %dma_wait3A_239 = tpu.memref_slice %arg13[%dma_wait3A_235, %dma_wait3A_236, %dma_wait3A_237, %dma_wait3A_238] : memref<2x8x64x32xf32, #tpu.memory_space<vmem>> -> memref<1x1x64x32xf32, #tpu.memory_space<vmem>>
      %dma_wait3A_240 = tpu.memref_squeeze %dma_wait3A_239 : memref<1x1x64x32xf32, #tpu.memory_space<vmem>> -> memref<64x32xf32, #tpu.memory_space<vmem>>
      %dma_wait3A_241 = arith.constant 384 : i32
      %dma_wait3A_242 = tpu.memref_slice %arg11[%dma_wait3A_241] : memref<2048xi32, #tpu.memory_space<vmem>> -> memref<64xi32, #tpu.memory_space<vmem>>
      %dma_wait3A_243 = arith.constant 0 : i32
      %dma_wait3A_244 = arith.constant 0 : i32
      %dma_wait3A_245 = tpu.memref_slice %arg5[%dma_wait3A_243, %dma_wait3A_244] : memref<65536x32xf32, #tpu.memory_space<hbm>> -> memref<65536x32xf32, #tpu.memory_space<hbm>>
      tpu.wait_indirect_dma semaphore(%arg17 : memref<!tpu.dma_semaphore, #tpu.memory_space<semaphore_mem>>) src(%dma_wait3A_245 : memref<65536x32xf32, #tpu.memory_space<hbm>>) dst(%dma_wait3A_240 : memref<64x32xf32, #tpu.memory_space<vmem>>)
      %dma_wait3A_246 = arith.constant 0 : i32
      %dma_wait3A_247 = arith.constant 7 : i32
      %dma_wait3A_248 = arith.constant 0 : i32
      %dma_wait3A_249 = arith.constant 0 : i32
      %dma_wait3A_250 = tpu.memref_slice %arg13[%dma_wait3A_246, %dma_wait3A_247, %dma_wait3A_248, %dma_wait3A_249] : memref<2x8x64x32xf32, #tpu.memory_space<vmem>> -> memref<1x1x64x32xf32, #tpu.memory_space<vmem>>
      %dma_wait3A_251 = tpu.memref_squeeze %dma_wait3A_250 : memref<1x1x64x32xf32, #tpu.memory_space<vmem>> -> memref<64x32xf32, #tpu.memory_space<vmem>>
      %dma_wait3A_252 = arith.constant 448 : i32
      %dma_wait3A_253 = tpu.memref_slice %arg11[%dma_wait3A_252] : memref<2048xi32, #tpu.memory_space<vmem>> -> memref<64xi32, #tpu.memory_space<vmem>>
      %dma_wait3A_254 = arith.constant 0 : i32
      %dma_wait3A_255 = arith.constant 0 : i32
      %dma_wait3A_256 = tpu.memref_slice %arg5[%dma_wait3A_254, %dma_wait3A_255] : memref<65536x32xf32, #tpu.memory_space<hbm>> -> memref<65536x32xf32, #tpu.memory_space<hbm>>
      tpu.wait_indirect_dma semaphore(%arg17 : memref<!tpu.dma_semaphore, #tpu.memory_space<semaphore_mem>>) src(%dma_wait3A_256 : memref<65536x32xf32, #tpu.memory_space<hbm>>) dst(%dma_wait3A_251 : memref<64x32xf32, #tpu.memory_space<vmem>>)
      %ge3A = arith.constant 2 : i32
      %ge3A_257 = arith.cmpi sge, %add3A_164, %ge3A : i32
      %convert_element_type3A_258 = arith.extui %ge3A_257 : i1 to i32
      %cond3A_259 = arith.constant 0 : i32
      %cond3A_260 = arith.cmpi ne, %convert_element_type3A_258, %cond3A_259 : i32
      scf.if %cond3A_260 {
        %mul3A_413 = arith.constant 8192 : i32
        %mul3A_414 = arith.muli %add3A, %mul3A_413 : i32
        %sub3A = arith.constant 2 : i32
        %sub3A_415 = arith.subi %add3A_164, %sub3A : i32
        %mul3A_416 = arith.constant 64 : i32
        %mul3A_417 = arith.muli %sub3A_415, %mul3A_416 : i32
        %add3A_418 = arith.addi %mul3A_414, %mul3A_417 : i32
        %dma_wait3A_419 = arith.constant 0 : i32
        %dma_wait3A_420 = arith.constant 0 : i32
        %dma_wait3A_421 = arith.constant 0 : i32
        %dma_wait3A_422 = tpu.memref_slice %arg14[%dma_wait3A_419, %dma_wait3A_420, %dma_wait3A_421] : memref<2x64x32xf32, #tpu.memory_space<vmem>> -> memref<1x64x32xf32, #tpu.memory_space<vmem>>
        %dma_wait3A_423 = tpu.memref_squeeze %dma_wait3A_422 : memref<1x64x32xf32, #tpu.memory_space<vmem>> -> memref<64x32xf32, #tpu.memory_space<vmem>>
        %dma_wait3A_424 = arith.constant 0 : i32
        %dma_wait3A_425 = tpu.memref_slice %arg8[%add3A_418, %dma_wait3A_424] : memref<262144x32xf32, #tpu.memory_space<hbm>> -> memref<64x32xf32, #tpu.memory_space<hbm>>
        %dma_wait3A_426 = arith.constant 0 : i32
        %dma_wait3A_427 = tpu.memref_slice %arg8[%add3A_418, %dma_wait3A_426] : memref<262144x32xf32, #tpu.memory_space<hbm>> -> memref<64x32xf32, #tpu.memory_space<hbm>>
        %dma_wait3A_428 = arith.constant 0 : i32
        %dma_wait3A_429 = arith.constant 0 : i32
        %dma_wait3A_430 = tpu.memref_slice %arg14[%dma_wait3A_419, %dma_wait3A_428, %dma_wait3A_429] : memref<2x64x32xf32, #tpu.memory_space<vmem>> -> memref<1x64x32xf32, #tpu.memory_space<vmem>>
        %dma_wait3A_431 = tpu.memref_squeeze %dma_wait3A_430 : memref<1x64x32xf32, #tpu.memory_space<vmem>> -> memref<64x32xf32, #tpu.memory_space<vmem>>
        tpu.wait_dma2 semaphore(%arg19 : memref<!tpu.dma_semaphore, #tpu.memory_space<semaphore_mem>>) src(%dma_wait3A_431 : memref<64x32xf32, #tpu.memory_space<vmem>>) dst(%dma_wait3A_427 : memref<64x32xf32, #tpu.memory_space<hbm>>)
      } else {
      }
      %scan3A_261 = arith.constant 0 : i32
      %scan3A_262 = arith.constant 0 : i32
      %scan3A_263 = arith.constant 32 : i32
      %scan3A_264 = arith.addi %scan3A_262, %scan3A_263 : i32
      %scan3A_265 = arith.constant 1 : i32
      scf.for %scan3A_413 = %scan3A_262 to %scan3A_264 step %scan3A_265  : i32 {
        %mul3A_414 = arith.constant 2 : i32
        %mul3A_415 = arith.muli %mul3A_414, %scan3A_413 : i32
        %mul3A_416 = arith.constant 64 : i32
        %mul3A_417 = vector.broadcast %mul3A_416 : i32 to vector<16xi32>
        %mul3A_418 = arith.muli %iota3A, %mul3A_417 : vector<16xi32>
        %add3A_419 = arith.constant 0 : i32
        %add3A_420 = vector.broadcast %add3A_419 : i32 to vector<16xi32>
        %add3A_421 = arith.addi %add3A_420, %mul3A_418 : vector<16xi32>
        %add3A_422 = vector.broadcast %mul3A_415 : i32 to vector<16xi32>
        %add3A_423 = arith.addi %add3A_421, %add3A_422 : vector<16xi32>
        %gather3A = tpu.vector_load_idx %arg12[%add3A_423] : memref<2048xf32, #tpu.memory_space<vmem>>[vector<16xi32>], vector<16xf32>,
        %mul3A_424 = arith.constant 64 : i32
        %mul3A_425 = vector.broadcast %mul3A_424 : i32 to vector<16xi32>
        %mul3A_426 = arith.muli %iota3A, %mul3A_425 : vector<16xi32>
        %add3A_427 = arith.constant 0 : i32
        %add3A_428 = vector.broadcast %add3A_427 : i32 to vector<16xi32>
        %add3A_429 = arith.addi %add3A_428, %mul3A_426 : vector<16xi32>
        %add3A_430 = vector.broadcast %mul3A_415 : i32 to vector<16xi32>
        %add3A_431 = arith.addi %add3A_429, %add3A_430 : vector<16xi32>
        %gather3A_432 = tpu.vector_load_idx %arg11[%add3A_431] : memref<2048xi32, #tpu.memory_space<vmem>>[vector<16xi32>], vector<16xi32>,
        %broadcast_in_dim3A = arith.constant 0.000000e+00 : f32
        %broadcast_in_dim3A_433 = vector.broadcast %broadcast_in_dim3A : f32 to vector<16xf32>
        %broadcast_in_dim3A_434 = arith.constant 0.000000e+00 : f32
        %broadcast_in_dim3A_435 = vector.broadcast %broadcast_in_dim3A_434 : f32 to vector<16xf32>
        %slice3A_436 = vector.extract_strided_slice %gather3A {offsets = [0], sizes = [1], strides = [1]} : vector<16xf32> to vector<1xf32>
        %squeeze3A_437 = vector.extract %slice3A_436[0] : f32 from vector<1xf32>
        %get3A_438 = arith.constant 0 : i32
        %get3A_439 = arith.constant 0 : i32
        %get3A_440 = arith.index_cast %get3A_438 : i32 to index
        %get3A_441 = arith.index_cast %get3A_439 : i32 to index
        %get3A_442 = arith.index_cast %mul3A_415 : i32 to index
        %get3A_443 = arith.constant 0 : index
        %get3A_444 = tpu.vector_load %arg13[%get3A_440, %get3A_441, %get3A_442, %get3A_443] {strides = array<i32>} : memref<2x8x64x32xf32, #tpu.memory_space<vmem>>, vector<16xf32>,
        %mul3A_445 = vector.broadcast %squeeze3A_437 : f32 to vector<16xf32>
        %mul3A_446 = arith.mulf %mul3A_445, %get3A_444 : vector<16xf32>
        %add3A_447 = arith.addf %broadcast_in_dim3A_433, %mul3A_446 : vector<16xf32>
        %get3A_448 = arith.constant 0 : i32
        %get3A_449 = arith.constant 0 : i32
        %get3A_450 = arith.index_cast %get3A_448 : i32 to index
        %get3A_451 = arith.index_cast %get3A_449 : i32 to index
        %get3A_452 = arith.index_cast %mul3A_415 : i32 to index
        %get3A_453 = arith.constant 16 : index
        %get3A_454 = tpu.vector_load %arg13[%get3A_450, %get3A_451, %get3A_452, %get3A_453] {strides = array<i32>} : memref<2x8x64x32xf32, #tpu.memory_space<vmem>>, vector<16xf32>,
        %mul3A_455 = vector.broadcast %squeeze3A_437 : f32 to vector<16xf32>
        %mul3A_456 = arith.mulf %mul3A_455, %get3A_454 : vector<16xf32>
        %add3A_457 = arith.addf %broadcast_in_dim3A_435, %mul3A_456 : vector<16xf32>
        %slice3A_458 = vector.extract_strided_slice %gather3A {offsets = [1], sizes = [1], strides = [1]} : vector<16xf32> to vector<1xf32>
        %squeeze3A_459 = vector.extract %slice3A_458[0] : f32 from vector<1xf32>
        %get3A_460 = arith.constant 0 : i32
        %get3A_461 = arith.constant 1 : i32
        %get3A_462 = arith.index_cast %get3A_460 : i32 to index
        %get3A_463 = arith.index_cast %get3A_461 : i32 to index
        %get3A_464 = arith.index_cast %mul3A_415 : i32 to index
        %get3A_465 = arith.constant 0 : index
        %get3A_466 = tpu.vector_load %arg13[%get3A_462, %get3A_463, %get3A_464, %get3A_465] {strides = array<i32>} : memref<2x8x64x32xf32, #tpu.memory_space<vmem>>, vector<16xf32>,
        %mul3A_467 = vector.broadcast %squeeze3A_459 : f32 to vector<16xf32>
        %mul3A_468 = arith.mulf %mul3A_467, %get3A_466 : vector<16xf32>
        %add3A_469 = arith.addf %add3A_447, %mul3A_468 : vector<16xf32>
        %get3A_470 = arith.constant 0 : i32
        %get3A_471 = arith.constant 1 : i32
        %get3A_472 = arith.index_cast %get3A_470 : i32 to index
        %get3A_473 = arith.index_cast %get3A_471 : i32 to index
        %get3A_474 = arith.index_cast %mul3A_415 : i32 to index
        %get3A_475 = arith.constant 16 : index
        %get3A_476 = tpu.vector_load %arg13[%get3A_472, %get3A_473, %get3A_474, %get3A_475] {strides = array<i32>} : memref<2x8x64x32xf32, #tpu.memory_space<vmem>>, vector<16xf32>,
        %mul3A_477 = vector.broadcast %squeeze3A_459 : f32 to vector<16xf32>
        %mul3A_478 = arith.mulf %mul3A_477, %get3A_476 : vector<16xf32>
        %add3A_479 = arith.addf %add3A_457, %mul3A_478 : vector<16xf32>
        %slice3A_480 = vector.extract_strided_slice %gather3A {offsets = [2], sizes = [1], strides = [1]} : vector<16xf32> to vector<1xf32>
        %squeeze3A_481 = vector.extract %slice3A_480[0] : f32 from vector<1xf32>
        %get3A_482 = arith.constant 0 : i32
        %get3A_483 = arith.constant 2 : i32
        %get3A_484 = arith.index_cast %get3A_482 : i32 to index
        %get3A_485 = arith.index_cast %get3A_483 : i32 to index
        %get3A_486 = arith.index_cast %mul3A_415 : i32 to index
        %get3A_487 = arith.constant 0 : index
        %get3A_488 = tpu.vector_load %arg13[%get3A_484, %get3A_485, %get3A_486, %get3A_487] {strides = array<i32>} : memref<2x8x64x32xf32, #tpu.memory_space<vmem>>, vector<16xf32>,
        %mul3A_489 = vector.broadcast %squeeze3A_481 : f32 to vector<16xf32>
        %mul3A_490 = arith.mulf %mul3A_489, %get3A_488 : vector<16xf32>
        %add3A_491 = arith.addf %add3A_469, %mul3A_490 : vector<16xf32>
        %get3A_492 = arith.constant 0 : i32
        %get3A_493 = arith.constant 2 : i32
        %get3A_494 = arith.index_cast %get3A_492 : i32 to index
        %get3A_495 = arith.index_cast %get3A_493 : i32 to index
        %get3A_496 = arith.index_cast %mul3A_415 : i32 to index
        %get3A_497 = arith.constant 16 : index
        %get3A_498 = tpu.vector_load %arg13[%get3A_494, %get3A_495, %get3A_496, %get3A_497] {strides = array<i32>} : memref<2x8x64x32xf32, #tpu.memory_space<vmem>>, vector<16xf32>,
        %mul3A_499 = vector.broadcast %squeeze3A_481 : f32 to vector<16xf32>
        %mul3A_500 = arith.mulf %mul3A_499, %get3A_498 : vector<16xf32>
        %add3A_501 = arith.addf %add3A_479, %mul3A_500 : vector<16xf32>
        %slice3A_502 = vector.extract_strided_slice %gather3A {offsets = [3], sizes = [1], strides = [1]} : vector<16xf32> to vector<1xf32>
        %squeeze3A_503 = vector.extract %slice3A_502[0] : f32 from vector<1xf32>
        %get3A_504 = arith.constant 0 : i32
        %get3A_505 = arith.constant 3 : i32
        %get3A_506 = arith.index_cast %get3A_504 : i32 to index
        %get3A_507 = arith.index_cast %get3A_505 : i32 to index
        %get3A_508 = arith.index_cast %mul3A_415 : i32 to index
        %get3A_509 = arith.constant 0 : index
        %get3A_510 = tpu.vector_load %arg13[%get3A_506, %get3A_507, %get3A_508, %get3A_509] {strides = array<i32>} : memref<2x8x64x32xf32, #tpu.memory_space<vmem>>, vector<16xf32>,
        %mul3A_511 = vector.broadcast %squeeze3A_503 : f32 to vector<16xf32>
        %mul3A_512 = arith.mulf %mul3A_511, %get3A_510 : vector<16xf32>
        %add3A_513 = arith.addf %add3A_491, %mul3A_512 : vector<16xf32>
        %get3A_514 = arith.constant 0 : i32
        %get3A_515 = arith.constant 3 : i32
        %get3A_516 = arith.index_cast %get3A_514 : i32 to index
        %get3A_517 = arith.index_cast %get3A_515 : i32 to index
        %get3A_518 = arith.index_cast %mul3A_415 : i32 to index
        %get3A_519 = arith.constant 16 : index
        %get3A_520 = tpu.vector_load %arg13[%get3A_516, %get3A_517, %get3A_518, %get3A_519] {strides = array<i32>} : memref<2x8x64x32xf32, #tpu.memory_space<vmem>>, vector<16xf32>,
        %mul3A_521 = vector.broadcast %squeeze3A_503 : f32 to vector<16xf32>
        %mul3A_522 = arith.mulf %mul3A_521, %get3A_520 : vector<16xf32>
        %add3A_523 = arith.addf %add3A_501, %mul3A_522 : vector<16xf32>
        %slice3A_524 = vector.extract_strided_slice %gather3A {offsets = [4], sizes = [1], strides = [1]} : vector<16xf32> to vector<1xf32>
        %squeeze3A_525 = vector.extract %slice3A_524[0] : f32 from vector<1xf32>
        %get3A_526 = arith.constant 0 : i32
        %get3A_527 = arith.constant 4 : i32
        %get3A_528 = arith.index_cast %get3A_526 : i32 to index
        %get3A_529 = arith.index_cast %get3A_527 : i32 to index
        %get3A_530 = arith.index_cast %mul3A_415 : i32 to index
        %get3A_531 = arith.constant 0 : index
        %get3A_532 = tpu.vector_load %arg13[%get3A_528, %get3A_529, %get3A_530, %get3A_531] {strides = array<i32>} : memref<2x8x64x32xf32, #tpu.memory_space<vmem>>, vector<16xf32>,
        %mul3A_533 = vector.broadcast %squeeze3A_525 : f32 to vector<16xf32>
        %mul3A_534 = arith.mulf %mul3A_533, %get3A_532 : vector<16xf32>
        %add3A_535 = arith.addf %add3A_513, %mul3A_534 : vector<16xf32>
        %get3A_536 = arith.constant 0 : i32
        %get3A_537 = arith.constant 4 : i32
        %get3A_538 = arith.index_cast %get3A_536 : i32 to index
        %get3A_539 = arith.index_cast %get3A_537 : i32 to index
        %get3A_540 = arith.index_cast %mul3A_415 : i32 to index
        %get3A_541 = arith.constant 16 : index
        %get3A_542 = tpu.vector_load %arg13[%get3A_538, %get3A_539, %get3A_540, %get3A_541] {strides = array<i32>} : memref<2x8x64x32xf32, #tpu.memory_space<vmem>>, vector<16xf32>,
        %mul3A_543 = vector.broadcast %squeeze3A_525 : f32 to vector<16xf32>
        %mul3A_544 = arith.mulf %mul3A_543, %get3A_542 : vector<16xf32>
        %add3A_545 = arith.addf %add3A_523, %mul3A_544 : vector<16xf32>
        %slice3A_546 = vector.extract_strided_slice %gather3A {offsets = [5], sizes = [1], strides = [1]} : vector<16xf32> to vector<1xf32>
        %squeeze3A_547 = vector.extract %slice3A_546[0] : f32 from vector<1xf32>
        %get3A_548 = arith.constant 0 : i32
        %get3A_549 = arith.constant 5 : i32
        %get3A_550 = arith.index_cast %get3A_548 : i32 to index
        %get3A_551 = arith.index_cast %get3A_549 : i32 to index
        %get3A_552 = arith.index_cast %mul3A_415 : i32 to index
        %get3A_553 = arith.constant 0 : index
        %get3A_554 = tpu.vector_load %arg13[%get3A_550, %get3A_551, %get3A_552, %get3A_553] {strides = array<i32>} : memref<2x8x64x32xf32, #tpu.memory_space<vmem>>, vector<16xf32>,
        %mul3A_555 = vector.broadcast %squeeze3A_547 : f32 to vector<16xf32>
        %mul3A_556 = arith.mulf %mul3A_555, %get3A_554 : vector<16xf32>
        %add3A_557 = arith.addf %add3A_535, %mul3A_556 : vector<16xf32>
        %get3A_558 = arith.constant 0 : i32
        %get3A_559 = arith.constant 5 : i32
        %get3A_560 = arith.index_cast %get3A_558 : i32 to index
        %get3A_561 = arith.index_cast %get3A_559 : i32 to index
        %get3A_562 = arith.index_cast %mul3A_415 : i32 to index
        %get3A_563 = arith.constant 16 : index
        %get3A_564 = tpu.vector_load %arg13[%get3A_560, %get3A_561, %get3A_562, %get3A_563] {strides = array<i32>} : memref<2x8x64x32xf32, #tpu.memory_space<vmem>>, vector<16xf32>,
        %mul3A_565 = vector.broadcast %squeeze3A_547 : f32 to vector<16xf32>
        %mul3A_566 = arith.mulf %mul3A_565, %get3A_564 : vector<16xf32>
        %add3A_567 = arith.addf %add3A_545, %mul3A_566 : vector<16xf32>
        %slice3A_568 = vector.extract_strided_slice %gather3A {offsets = [6], sizes = [1], strides = [1]} : vector<16xf32> to vector<1xf32>
        %squeeze3A_569 = vector.extract %slice3A_568[0] : f32 from vector<1xf32>
        %get3A_570 = arith.constant 0 : i32
        %get3A_571 = arith.constant 6 : i32
        %get3A_572 = arith.index_cast %get3A_570 : i32 to index
        %get3A_573 = arith.index_cast %get3A_571 : i32 to index
        %get3A_574 = arith.index_cast %mul3A_415 : i32 to index
        %get3A_575 = arith.constant 0 : index
        %get3A_576 = tpu.vector_load %arg13[%get3A_572, %get3A_573, %get3A_574, %get3A_575] {strides = array<i32>} : memref<2x8x64x32xf32, #tpu.memory_space<vmem>>, vector<16xf32>,
        %mul3A_577 = vector.broadcast %squeeze3A_569 : f32 to vector<16xf32>
        %mul3A_578 = arith.mulf %mul3A_577, %get3A_576 : vector<16xf32>
        %add3A_579 = arith.addf %add3A_557, %mul3A_578 : vector<16xf32>
        %get3A_580 = arith.constant 0 : i32
        %get3A_581 = arith.constant 6 : i32
        %get3A_582 = arith.index_cast %get3A_580 : i32 to index
        %get3A_583 = arith.index_cast %get3A_581 : i32 to index
        %get3A_584 = arith.index_cast %mul3A_415 : i32 to index
        %get3A_585 = arith.constant 16 : index
        %get3A_586 = tpu.vector_load %arg13[%get3A_582, %get3A_583, %get3A_584, %get3A_585] {strides = array<i32>} : memref<2x8x64x32xf32, #tpu.memory_space<vmem>>, vector<16xf32>,
        %mul3A_587 = vector.broadcast %squeeze3A_569 : f32 to vector<16xf32>
        %mul3A_588 = arith.mulf %mul3A_587, %get3A_586 : vector<16xf32>
        %add3A_589 = arith.addf %add3A_567, %mul3A_588 : vector<16xf32>
        %slice3A_590 = vector.extract_strided_slice %gather3A {offsets = [7], sizes = [1], strides = [1]} : vector<16xf32> to vector<1xf32>
        %squeeze3A_591 = vector.extract %slice3A_590[0] : f32 from vector<1xf32>
        %get3A_592 = arith.constant 0 : i32
        %get3A_593 = arith.constant 7 : i32
        %get3A_594 = arith.index_cast %get3A_592 : i32 to index
        %get3A_595 = arith.index_cast %get3A_593 : i32 to index
        %get3A_596 = arith.index_cast %mul3A_415 : i32 to index
        %get3A_597 = arith.constant 0 : index
        %get3A_598 = tpu.vector_load %arg13[%get3A_594, %get3A_595, %get3A_596, %get3A_597] {strides = array<i32>} : memref<2x8x64x32xf32, #tpu.memory_space<vmem>>, vector<16xf32>,
        %mul3A_599 = vector.broadcast %squeeze3A_591 : f32 to vector<16xf32>
        %mul3A_600 = arith.mulf %mul3A_599, %get3A_598 : vector<16xf32>
        %add3A_601 = arith.addf %add3A_579, %mul3A_600 : vector<16xf32>
        %get3A_602 = arith.constant 0 : i32
        %get3A_603 = arith.constant 7 : i32
        %get3A_604 = arith.index_cast %get3A_602 : i32 to index
        %get3A_605 = arith.index_cast %get3A_603 : i32 to index
        %get3A_606 = arith.index_cast %mul3A_415 : i32 to index
        %get3A_607 = arith.constant 16 : index
        %get3A_608 = tpu.vector_load %arg13[%get3A_604, %get3A_605, %get3A_606, %get3A_607] {strides = array<i32>} : memref<2x8x64x32xf32, #tpu.memory_space<vmem>>, vector<16xf32>,
        %mul3A_609 = vector.broadcast %squeeze3A_591 : f32 to vector<16xf32>
        %mul3A_610 = arith.mulf %mul3A_609, %get3A_608 : vector<16xf32>
        %add3A_611 = arith.addf %add3A_589, %mul3A_610 : vector<16xf32>
        %slice3A_612 = vector.extract_strided_slice %gather3A {offsets = [8], sizes = [1], strides = [1]} : vector<16xf32> to vector<1xf32>
        %squeeze3A_613 = vector.extract %slice3A_612[0] : f32 from vector<1xf32>
        %slice3A_614 = vector.extract_strided_slice %gather3A_432 {offsets = [8], sizes = [1], strides = [1]} : vector<16xi32> to vector<1xi32>
        %squeeze3A_615 = vector.extract %slice3A_614[0] : i32 from vector<1xi32>
        %get3A_616 = arith.index_cast %squeeze3A_615 : i32 to index
        %get3A_617 = arith.constant 0 : index
        %get3A_618 = tpu.vector_load %arg15[%get3A_616, %get3A_617] {strides = array<i32>} : memref<1024x32xf32, #tpu.memory_space<vmem>>, vector<16xf32>,
        %mul3A_619 = vector.broadcast %squeeze3A_613 : f32 to vector<16xf32>
        %mul3A_620 = arith.mulf %mul3A_619, %get3A_618 : vector<16xf32>
        %add3A_621 = arith.addf %add3A_601, %mul3A_620 : vector<16xf32>
        %get3A_622 = arith.index_cast %squeeze3A_615 : i32 to index
        %get3A_623 = arith.constant 16 : index
        %get3A_624 = tpu.vector_load %arg15[%get3A_622, %get3A_623] {strides = array<i32>} : memref<1024x32xf32, #tpu.memory_space<vmem>>, vector<16xf32>,
        %mul3A_625 = vector.broadcast %squeeze3A_613 : f32 to vector<16xf32>
        %mul3A_626 = arith.mulf %mul3A_625, %get3A_624 : vector<16xf32>
        %add3A_627 = arith.addf %add3A_611, %mul3A_626 : vector<16xf32>
        %slice3A_628 = vector.extract_strided_slice %gather3A {offsets = [9], sizes = [1], strides = [1]} : vector<16xf32> to vector<1xf32>
        %squeeze3A_629 = vector.extract %slice3A_628[0] : f32 from vector<1xf32>
        %slice3A_630 = vector.extract_strided_slice %gather3A_432 {offsets = [9], sizes = [1], strides = [1]} : vector<16xi32> to vector<1xi32>
        %squeeze3A_631 = vector.extract %slice3A_630[0] : i32 from vector<1xi32>
        %get3A_632 = arith.index_cast %squeeze3A_631 : i32 to index
        %get3A_633 = arith.constant 0 : index
        %get3A_634 = tpu.vector_load %arg15[%get3A_632, %get3A_633] {strides = array<i32>} : memref<1024x32xf32, #tpu.memory_space<vmem>>, vector<16xf32>,
        %mul3A_635 = vector.broadcast %squeeze3A_629 : f32 to vector<16xf32>
        %mul3A_636 = arith.mulf %mul3A_635, %get3A_634 : vector<16xf32>
        %add3A_637 = arith.addf %add3A_621, %mul3A_636 : vector<16xf32>
        %get3A_638 = arith.index_cast %squeeze3A_631 : i32 to index
        %get3A_639 = arith.constant 16 : index
        %get3A_640 = tpu.vector_load %arg15[%get3A_638, %get3A_639] {strides = array<i32>} : memref<1024x32xf32, #tpu.memory_space<vmem>>, vector<16xf32>,
        %mul3A_641 = vector.broadcast %squeeze3A_629 : f32 to vector<16xf32>
        %mul3A_642 = arith.mulf %mul3A_641, %get3A_640 : vector<16xf32>
        %add3A_643 = arith.addf %add3A_627, %mul3A_642 : vector<16xf32>
        %slice3A_644 = vector.extract_strided_slice %gather3A {offsets = [10], sizes = [1], strides = [1]} : vector<16xf32> to vector<1xf32>
        %squeeze3A_645 = vector.extract %slice3A_644[0] : f32 from vector<1xf32>
        %slice3A_646 = vector.extract_strided_slice %gather3A_432 {offsets = [10], sizes = [1], strides = [1]} : vector<16xi32> to vector<1xi32>
        %squeeze3A_647 = vector.extract %slice3A_646[0] : i32 from vector<1xi32>
        %get3A_648 = arith.index_cast %squeeze3A_647 : i32 to index
        %get3A_649 = arith.constant 0 : index
        %get3A_650 = tpu.vector_load %arg15[%get3A_648, %get3A_649] {strides = array<i32>} : memref<1024x32xf32, #tpu.memory_space<vmem>>, vector<16xf32>,
        %mul3A_651 = vector.broadcast %squeeze3A_645 : f32 to vector<16xf32>
        %mul3A_652 = arith.mulf %mul3A_651, %get3A_650 : vector<16xf32>
        %add3A_653 = arith.addf %add3A_637, %mul3A_652 : vector<16xf32>
        %get3A_654 = arith.index_cast %squeeze3A_647 : i32 to index
        %get3A_655 = arith.constant 16 : index
        %get3A_656 = tpu.vector_load %arg15[%get3A_654, %get3A_655] {strides = array<i32>} : memref<1024x32xf32, #tpu.memory_space<vmem>>, vector<16xf32>,
        %mul3A_657 = vector.broadcast %squeeze3A_645 : f32 to vector<16xf32>
        %mul3A_658 = arith.mulf %mul3A_657, %get3A_656 : vector<16xf32>
        %add3A_659 = arith.addf %add3A_643, %mul3A_658 : vector<16xf32>
        %slice3A_660 = vector.extract_strided_slice %gather3A {offsets = [11], sizes = [1], strides = [1]} : vector<16xf32> to vector<1xf32>
        %squeeze3A_661 = vector.extract %slice3A_660[0] : f32 from vector<1xf32>
        %slice3A_662 = vector.extract_strided_slice %gather3A_432 {offsets = [11], sizes = [1], strides = [1]} : vector<16xi32> to vector<1xi32>
        %squeeze3A_663 = vector.extract %slice3A_662[0] : i32 from vector<1xi32>
        %get3A_664 = arith.index_cast %squeeze3A_663 : i32 to index
        %get3A_665 = arith.constant 0 : index
        %get3A_666 = tpu.vector_load %arg15[%get3A_664, %get3A_665] {strides = array<i32>} : memref<1024x32xf32, #tpu.memory_space<vmem>>, vector<16xf32>,
        %mul3A_667 = vector.broadcast %squeeze3A_661 : f32 to vector<16xf32>
        %mul3A_668 = arith.mulf %mul3A_667, %get3A_666 : vector<16xf32>
        %add3A_669 = arith.addf %add3A_653, %mul3A_668 : vector<16xf32>
        %get3A_670 = arith.index_cast %squeeze3A_663 : i32 to index
        %get3A_671 = arith.constant 16 : index
        %get3A_672 = tpu.vector_load %arg15[%get3A_670, %get3A_671] {strides = array<i32>} : memref<1024x32xf32, #tpu.memory_space<vmem>>, vector<16xf32>,
        %mul3A_673 = vector.broadcast %squeeze3A_661 : f32 to vector<16xf32>
        %mul3A_674 = arith.mulf %mul3A_673, %get3A_672 : vector<16xf32>
        %add3A_675 = arith.addf %add3A_659, %mul3A_674 : vector<16xf32>
        %slice3A_676 = vector.extract_strided_slice %gather3A {offsets = [12], sizes = [1], strides = [1]} : vector<16xf32> to vector<1xf32>
        %squeeze3A_677 = vector.extract %slice3A_676[0] : f32 from vector<1xf32>
        %slice3A_678 = vector.extract_strided_slice %gather3A_432 {offsets = [12], sizes = [1], strides = [1]} : vector<16xi32> to vector<1xi32>
        %squeeze3A_679 = vector.extract %slice3A_678[0] : i32 from vector<1xi32>
        %get3A_680 = arith.index_cast %squeeze3A_679 : i32 to index
        %get3A_681 = arith.constant 0 : index
        %get3A_682 = tpu.vector_load %arg16[%get3A_680, %get3A_681] {strides = array<i32>} : memref<256x32xf32, #tpu.memory_space<vmem>>, vector<16xf32>,
        %mul3A_683 = vector.broadcast %squeeze3A_677 : f32 to vector<16xf32>
        %mul3A_684 = arith.mulf %mul3A_683, %get3A_682 : vector<16xf32>
        %add3A_685 = arith.addf %add3A_669, %mul3A_684 : vector<16xf32>
        %get3A_686 = arith.index_cast %squeeze3A_679 : i32 to index
        %get3A_687 = arith.constant 16 : index
        %get3A_688 = tpu.vector_load %arg16[%get3A_686, %get3A_687] {strides = array<i32>} : memref<256x32xf32, #tpu.memory_space<vmem>>, vector<16xf32>,
        %mul3A_689 = vector.broadcast %squeeze3A_677 : f32 to vector<16xf32>
        %mul3A_690 = arith.mulf %mul3A_689, %get3A_688 : vector<16xf32>
        %add3A_691 = arith.addf %add3A_675, %mul3A_690 : vector<16xf32>
        %slice3A_692 = vector.extract_strided_slice %gather3A {offsets = [13], sizes = [1], strides = [1]} : vector<16xf32> to vector<1xf32>
        %squeeze3A_693 = vector.extract %slice3A_692[0] : f32 from vector<1xf32>
        %slice3A_694 = vector.extract_strided_slice %gather3A_432 {offsets = [13], sizes = [1], strides = [1]} : vector<16xi32> to vector<1xi32>
        %squeeze3A_695 = vector.extract %slice3A_694[0] : i32 from vector<1xi32>
        %get3A_696 = arith.index_cast %squeeze3A_695 : i32 to index
        %get3A_697 = arith.constant 0 : index
        %get3A_698 = tpu.vector_load %arg16[%get3A_696, %get3A_697] {strides = array<i32>} : memref<256x32xf32, #tpu.memory_space<vmem>>, vector<16xf32>,
        %mul3A_699 = vector.broadcast %squeeze3A_693 : f32 to vector<16xf32>
        %mul3A_700 = arith.mulf %mul3A_699, %get3A_698 : vector<16xf32>
        %add3A_701 = arith.addf %add3A_685, %mul3A_700 : vector<16xf32>
        %get3A_702 = arith.index_cast %squeeze3A_695 : i32 to index
        %get3A_703 = arith.constant 16 : index
        %get3A_704 = tpu.vector_load %arg16[%get3A_702, %get3A_703] {strides = array<i32>} : memref<256x32xf32, #tpu.memory_space<vmem>>, vector<16xf32>,
        %mul3A_705 = vector.broadcast %squeeze3A_693 : f32 to vector<16xf32>
        %mul3A_706 = arith.mulf %mul3A_705, %get3A_704 : vector<16xf32>
        %add3A_707 = arith.addf %add3A_691, %mul3A_706 : vector<16xf32>
        %slice3A_708 = vector.extract_strided_slice %gather3A {offsets = [14], sizes = [1], strides = [1]} : vector<16xf32> to vector<1xf32>
        %squeeze3A_709 = vector.extract %slice3A_708[0] : f32 from vector<1xf32>
        %slice3A_710 = vector.extract_strided_slice %gather3A_432 {offsets = [14], sizes = [1], strides = [1]} : vector<16xi32> to vector<1xi32>
        %squeeze3A_711 = vector.extract %slice3A_710[0] : i32 from vector<1xi32>
        %get3A_712 = arith.index_cast %squeeze3A_711 : i32 to index
        %get3A_713 = arith.constant 0 : index
        %get3A_714 = tpu.vector_load %arg16[%get3A_712, %get3A_713] {strides = array<i32>} : memref<256x32xf32, #tpu.memory_space<vmem>>, vector<16xf32>,
        %mul3A_715 = vector.broadcast %squeeze3A_709 : f32 to vector<16xf32>
        %mul3A_716 = arith.mulf %mul3A_715, %get3A_714 : vector<16xf32>
        %add3A_717 = arith.addf %add3A_701, %mul3A_716 : vector<16xf32>
        %get3A_718 = arith.index_cast %squeeze3A_711 : i32 to index
        %get3A_719 = arith.constant 16 : index
        %get3A_720 = tpu.vector_load %arg16[%get3A_718, %get3A_719] {strides = array<i32>} : memref<256x32xf32, #tpu.memory_space<vmem>>, vector<16xf32>,
        %mul3A_721 = vector.broadcast %squeeze3A_709 : f32 to vector<16xf32>
        %mul3A_722 = arith.mulf %mul3A_721, %get3A_720 : vector<16xf32>
        %add3A_723 = arith.addf %add3A_707, %mul3A_722 : vector<16xf32>
        %slice3A_724 = vector.extract_strided_slice %gather3A {offsets = [15], sizes = [1], strides = [1]} : vector<16xf32> to vector<1xf32>
        %squeeze3A_725 = vector.extract %slice3A_724[0] : f32 from vector<1xf32>
        %slice3A_726 = vector.extract_strided_slice %gather3A_432 {offsets = [15], sizes = [1], strides = [1]} : vector<16xi32> to vector<1xi32>
        %squeeze3A_727 = vector.extract %slice3A_726[0] : i32 from vector<1xi32>
        %get3A_728 = arith.index_cast %squeeze3A_727 : i32 to index
        %get3A_729 = arith.constant 0 : index
        %get3A_730 = tpu.vector_load %arg16[%get3A_728, %get3A_729] {strides = array<i32>} : memref<256x32xf32, #tpu.memory_space<vmem>>, vector<16xf32>,
        %mul3A_731 = vector.broadcast %squeeze3A_725 : f32 to vector<16xf32>
        %mul3A_732 = arith.mulf %mul3A_731, %get3A_730 : vector<16xf32>
        %add3A_733 = arith.addf %add3A_717, %mul3A_732 : vector<16xf32>
        %get3A_734 = arith.index_cast %squeeze3A_727 : i32 to index
        %get3A_735 = arith.constant 16 : index
        %get3A_736 = tpu.vector_load %arg16[%get3A_734, %get3A_735] {strides = array<i32>} : memref<256x32xf32, #tpu.memory_space<vmem>>, vector<16xf32>,
        %mul3A_737 = vector.broadcast %squeeze3A_725 : f32 to vector<16xf32>
        %mul3A_738 = arith.mulf %mul3A_737, %get3A_736 : vector<16xf32>
        %add3A_739 = arith.addf %add3A_723, %mul3A_738 : vector<16xf32>
        %swap3A = arith.constant 0 : i32
        %swap3A_740 = arith.index_cast %swap3A : i32 to index
        %swap3A_741 = arith.index_cast %mul3A_415 : i32 to index
        %swap3A_742 = arith.constant 0 : index
        %swap3A_743 = tpu.vector_load %arg14[%swap3A_740, %swap3A_741, %swap3A_742] {strides = array<i32>} : memref<2x64x32xf32, #tpu.memory_space<vmem>>, vector<16xf32>,
        tpu.vector_store %arg14[%swap3A_740, %swap3A_741, %swap3A_742], %add3A_733 {strides = array<i32>} : memref<2x64x32xf32, #tpu.memory_space<vmem>>, vector<16xf32>,
        %swap3A_744 = arith.constant 0 : i32
        %swap3A_745 = arith.index_cast %swap3A_744 : i32 to index
        %swap3A_746 = arith.index_cast %mul3A_415 : i32 to index
        %swap3A_747 = arith.constant 16 : index
        %swap3A_748 = tpu.vector_load %arg14[%swap3A_745, %swap3A_746, %swap3A_747] {strides = array<i32>} : memref<2x64x32xf32, #tpu.memory_space<vmem>>, vector<16xf32>,
        tpu.vector_store %arg14[%swap3A_745, %swap3A_746, %swap3A_747], %add3A_739 {strides = array<i32>} : memref<2x64x32xf32, #tpu.memory_space<vmem>>, vector<16xf32>,
        %mul3A_749 = arith.constant 2 : i32
        %mul3A_750 = arith.muli %mul3A_749, %scan3A_413 : i32
        %add3A_751 = arith.constant 1 : i32
        %add3A_752 = arith.addi %mul3A_750, %add3A_751 : i32
        %mul3A_753 = arith.constant 64 : i32
        %mul3A_754 = vector.broadcast %mul3A_753 : i32 to vector<16xi32>
        %mul3A_755 = arith.muli %iota3A, %mul3A_754 : vector<16xi32>
        %add3A_756 = arith.constant 0 : i32
        %add3A_757 = vector.broadcast %add3A_756 : i32 to vector<16xi32>
        %add3A_758 = arith.addi %add3A_757, %mul3A_755 : vector<16xi32>
        %add3A_759 = vector.broadcast %add3A_752 : i32 to vector<16xi32>
        %add3A_760 = arith.addi %add3A_758, %add3A_759 : vector<16xi32>
        %gather3A_761 = tpu.vector_load_idx %arg12[%add3A_760] : memref<2048xf32, #tpu.memory_space<vmem>>[vector<16xi32>], vector<16xf32>,
        %mul3A_762 = arith.constant 64 : i32
        %mul3A_763 = vector.broadcast %mul3A_762 : i32 to vector<16xi32>
        %mul3A_764 = arith.muli %iota3A, %mul3A_763 : vector<16xi32>
        %add3A_765 = arith.constant 0 : i32
        %add3A_766 = vector.broadcast %add3A_765 : i32 to vector<16xi32>
        %add3A_767 = arith.addi %add3A_766, %mul3A_764 : vector<16xi32>
        %add3A_768 = vector.broadcast %add3A_752 : i32 to vector<16xi32>
        %add3A_769 = arith.addi %add3A_767, %add3A_768 : vector<16xi32>
        %gather3A_770 = tpu.vector_load_idx %arg11[%add3A_769] : memref<2048xi32, #tpu.memory_space<vmem>>[vector<16xi32>], vector<16xi32>,
        %broadcast_in_dim3A_771 = arith.constant 0.000000e+00 : f32
        %broadcast_in_dim3A_772 = vector.broadcast %broadcast_in_dim3A_771 : f32 to vector<16xf32>
        %broadcast_in_dim3A_773 = arith.constant 0.000000e+00 : f32
        %broadcast_in_dim3A_774 = vector.broadcast %broadcast_in_dim3A_773 : f32 to vector<16xf32>
        %slice3A_775 = vector.extract_strided_slice %gather3A_761 {offsets = [0], sizes = [1], strides = [1]} : vector<16xf32> to vector<1xf32>
        %squeeze3A_776 = vector.extract %slice3A_775[0] : f32 from vector<1xf32>
        %get3A_777 = arith.constant 0 : i32
        %get3A_778 = arith.constant 0 : i32
        %get3A_779 = arith.index_cast %get3A_777 : i32 to index
        %get3A_780 = arith.index_cast %get3A_778 : i32 to index
        %get3A_781 = arith.index_cast %add3A_752 : i32 to index
        %get3A_782 = arith.constant 0 : index
        %get3A_783 = tpu.vector_load %arg13[%get3A_779, %get3A_780, %get3A_781, %get3A_782] {strides = array<i32>} : memref<2x8x64x32xf32, #tpu.memory_space<vmem>>, vector<16xf32>,
        %mul3A_784 = vector.broadcast %squeeze3A_776 : f32 to vector<16xf32>
        %mul3A_785 = arith.mulf %mul3A_784, %get3A_783 : vector<16xf32>
        %add3A_786 = arith.addf %broadcast_in_dim3A_772, %mul3A_785 : vector<16xf32>
        %get3A_787 = arith.constant 0 : i32
        %get3A_788 = arith.constant 0 : i32
        %get3A_789 = arith.index_cast %get3A_787 : i32 to index
        %get3A_790 = arith.index_cast %get3A_788 : i32 to index
        %get3A_791 = arith.index_cast %add3A_752 : i32 to index
        %get3A_792 = arith.constant 16 : index
        %get3A_793 = tpu.vector_load %arg13[%get3A_789, %get3A_790, %get3A_791, %get3A_792] {strides = array<i32>} : memref<2x8x64x32xf32, #tpu.memory_space<vmem>>, vector<16xf32>,
        %mul3A_794 = vector.broadcast %squeeze3A_776 : f32 to vector<16xf32>
        %mul3A_795 = arith.mulf %mul3A_794, %get3A_793 : vector<16xf32>
        %add3A_796 = arith.addf %broadcast_in_dim3A_774, %mul3A_795 : vector<16xf32>
        %slice3A_797 = vector.extract_strided_slice %gather3A_761 {offsets = [1], sizes = [1], strides = [1]} : vector<16xf32> to vector<1xf32>
        %squeeze3A_798 = vector.extract %slice3A_797[0] : f32 from vector<1xf32>
        %get3A_799 = arith.constant 0 : i32
        %get3A_800 = arith.constant 1 : i32
        %get3A_801 = arith.index_cast %get3A_799 : i32 to index
        %get3A_802 = arith.index_cast %get3A_800 : i32 to index
        %get3A_803 = arith.index_cast %add3A_752 : i32 to index
        %get3A_804 = arith.constant 0 : index
        %get3A_805 = tpu.vector_load %arg13[%get3A_801, %get3A_802, %get3A_803, %get3A_804] {strides = array<i32>} : memref<2x8x64x32xf32, #tpu.memory_space<vmem>>, vector<16xf32>,
        %mul3A_806 = vector.broadcast %squeeze3A_798 : f32 to vector<16xf32>
        %mul3A_807 = arith.mulf %mul3A_806, %get3A_805 : vector<16xf32>
        %add3A_808 = arith.addf %add3A_786, %mul3A_807 : vector<16xf32>
        %get3A_809 = arith.constant 0 : i32
        %get3A_810 = arith.constant 1 : i32
        %get3A_811 = arith.index_cast %get3A_809 : i32 to index
        %get3A_812 = arith.index_cast %get3A_810 : i32 to index
        %get3A_813 = arith.index_cast %add3A_752 : i32 to index
        %get3A_814 = arith.constant 16 : index
        %get3A_815 = tpu.vector_load %arg13[%get3A_811, %get3A_812, %get3A_813, %get3A_814] {strides = array<i32>} : memref<2x8x64x32xf32, #tpu.memory_space<vmem>>, vector<16xf32>,
        %mul3A_816 = vector.broadcast %squeeze3A_798 : f32 to vector<16xf32>
        %mul3A_817 = arith.mulf %mul3A_816, %get3A_815 : vector<16xf32>
        %add3A_818 = arith.addf %add3A_796, %mul3A_817 : vector<16xf32>
        %slice3A_819 = vector.extract_strided_slice %gather3A_761 {offsets = [2], sizes = [1], strides = [1]} : vector<16xf32> to vector<1xf32>
        %squeeze3A_820 = vector.extract %slice3A_819[0] : f32 from vector<1xf32>
        %get3A_821 = arith.constant 0 : i32
        %get3A_822 = arith.constant 2 : i32
        %get3A_823 = arith.index_cast %get3A_821 : i32 to index
        %get3A_824 = arith.index_cast %get3A_822 : i32 to index
        %get3A_825 = arith.index_cast %add3A_752 : i32 to index
        %get3A_826 = arith.constant 0 : index
        %get3A_827 = tpu.vector_load %arg13[%get3A_823, %get3A_824, %get3A_825, %get3A_826] {strides = array<i32>} : memref<2x8x64x32xf32, #tpu.memory_space<vmem>>, vector<16xf32>,
        %mul3A_828 = vector.broadcast %squeeze3A_820 : f32 to vector<16xf32>
        %mul3A_829 = arith.mulf %mul3A_828, %get3A_827 : vector<16xf32>
        %add3A_830 = arith.addf %add3A_808, %mul3A_829 : vector<16xf32>
        %get3A_831 = arith.constant 0 : i32
        %get3A_832 = arith.constant 2 : i32
        %get3A_833 = arith.index_cast %get3A_831 : i32 to index
        %get3A_834 = arith.index_cast %get3A_832 : i32 to index
        %get3A_835 = arith.index_cast %add3A_752 : i32 to index
        %get3A_836 = arith.constant 16 : index
        %get3A_837 = tpu.vector_load %arg13[%get3A_833, %get3A_834, %get3A_835, %get3A_836] {strides = array<i32>} : memref<2x8x64x32xf32, #tpu.memory_space<vmem>>, vector<16xf32>,
        %mul3A_838 = vector.broadcast %squeeze3A_820 : f32 to vector<16xf32>
        %mul3A_839 = arith.mulf %mul3A_838, %get3A_837 : vector<16xf32>
        %add3A_840 = arith.addf %add3A_818, %mul3A_839 : vector<16xf32>
        %slice3A_841 = vector.extract_strided_slice %gather3A_761 {offsets = [3], sizes = [1], strides = [1]} : vector<16xf32> to vector<1xf32>
        %squeeze3A_842 = vector.extract %slice3A_841[0] : f32 from vector<1xf32>
        %get3A_843 = arith.constant 0 : i32
        %get3A_844 = arith.constant 3 : i32
        %get3A_845 = arith.index_cast %get3A_843 : i32 to index
        %get3A_846 = arith.index_cast %get3A_844 : i32 to index
        %get3A_847 = arith.index_cast %add3A_752 : i32 to index
        %get3A_848 = arith.constant 0 : index
        %get3A_849 = tpu.vector_load %arg13[%get3A_845, %get3A_846, %get3A_847, %get3A_848] {strides = array<i32>} : memref<2x8x64x32xf32, #tpu.memory_space<vmem>>, vector<16xf32>,
        %mul3A_850 = vector.broadcast %squeeze3A_842 : f32 to vector<16xf32>
        %mul3A_851 = arith.mulf %mul3A_850, %get3A_849 : vector<16xf32>
        %add3A_852 = arith.addf %add3A_830, %mul3A_851 : vector<16xf32>
        %get3A_853 = arith.constant 0 : i32
        %get3A_854 = arith.constant 3 : i32
        %get3A_855 = arith.index_cast %get3A_853 : i32 to index
        %get3A_856 = arith.index_cast %get3A_854 : i32 to index
        %get3A_857 = arith.index_cast %add3A_752 : i32 to index
        %get3A_858 = arith.constant 16 : index
        %get3A_859 = tpu.vector_load %arg13[%get3A_855, %get3A_856, %get3A_857, %get3A_858] {strides = array<i32>} : memref<2x8x64x32xf32, #tpu.memory_space<vmem>>, vector<16xf32>,
        %mul3A_860 = vector.broadcast %squeeze3A_842 : f32 to vector<16xf32>
        %mul3A_861 = arith.mulf %mul3A_860, %get3A_859 : vector<16xf32>
        %add3A_862 = arith.addf %add3A_840, %mul3A_861 : vector<16xf32>
        %slice3A_863 = vector.extract_strided_slice %gather3A_761 {offsets = [4], sizes = [1], strides = [1]} : vector<16xf32> to vector<1xf32>
        %squeeze3A_864 = vector.extract %slice3A_863[0] : f32 from vector<1xf32>
        %get3A_865 = arith.constant 0 : i32
        %get3A_866 = arith.constant 4 : i32
        %get3A_867 = arith.index_cast %get3A_865 : i32 to index
        %get3A_868 = arith.index_cast %get3A_866 : i32 to index
        %get3A_869 = arith.index_cast %add3A_752 : i32 to index
        %get3A_870 = arith.constant 0 : index
        %get3A_871 = tpu.vector_load %arg13[%get3A_867, %get3A_868, %get3A_869, %get3A_870] {strides = array<i32>} : memref<2x8x64x32xf32, #tpu.memory_space<vmem>>, vector<16xf32>,
        %mul3A_872 = vector.broadcast %squeeze3A_864 : f32 to vector<16xf32>
        %mul3A_873 = arith.mulf %mul3A_872, %get3A_871 : vector<16xf32>
        %add3A_874 = arith.addf %add3A_852, %mul3A_873 : vector<16xf32>
        %get3A_875 = arith.constant 0 : i32
        %get3A_876 = arith.constant 4 : i32
        %get3A_877 = arith.index_cast %get3A_875 : i32 to index
        %get3A_878 = arith.index_cast %get3A_876 : i32 to index
        %get3A_879 = arith.index_cast %add3A_752 : i32 to index
        %get3A_880 = arith.constant 16 : index
        %get3A_881 = tpu.vector_load %arg13[%get3A_877, %get3A_878, %get3A_879, %get3A_880] {strides = array<i32>} : memref<2x8x64x32xf32, #tpu.memory_space<vmem>>, vector<16xf32>,
        %mul3A_882 = vector.broadcast %squeeze3A_864 : f32 to vector<16xf32>
        %mul3A_883 = arith.mulf %mul3A_882, %get3A_881 : vector<16xf32>
        %add3A_884 = arith.addf %add3A_862, %mul3A_883 : vector<16xf32>
        %slice3A_885 = vector.extract_strided_slice %gather3A_761 {offsets = [5], sizes = [1], strides = [1]} : vector<16xf32> to vector<1xf32>
        %squeeze3A_886 = vector.extract %slice3A_885[0] : f32 from vector<1xf32>
        %get3A_887 = arith.constant 0 : i32
        %get3A_888 = arith.constant 5 : i32
        %get3A_889 = arith.index_cast %get3A_887 : i32 to index
        %get3A_890 = arith.index_cast %get3A_888 : i32 to index
        %get3A_891 = arith.index_cast %add3A_752 : i32 to index
        %get3A_892 = arith.constant 0 : index
        %get3A_893 = tpu.vector_load %arg13[%get3A_889, %get3A_890, %get3A_891, %get3A_892] {strides = array<i32>} : memref<2x8x64x32xf32, #tpu.memory_space<vmem>>, vector<16xf32>,
        %mul3A_894 = vector.broadcast %squeeze3A_886 : f32 to vector<16xf32>
        %mul3A_895 = arith.mulf %mul3A_894, %get3A_893 : vector<16xf32>
        %add3A_896 = arith.addf %add3A_874, %mul3A_895 : vector<16xf32>
        %get3A_897 = arith.constant 0 : i32
        %get3A_898 = arith.constant 5 : i32
        %get3A_899 = arith.index_cast %get3A_897 : i32 to index
        %get3A_900 = arith.index_cast %get3A_898 : i32 to index
        %get3A_901 = arith.index_cast %add3A_752 : i32 to index
        %get3A_902 = arith.constant 16 : index
        %get3A_903 = tpu.vector_load %arg13[%get3A_899, %get3A_900, %get3A_901, %get3A_902] {strides = array<i32>} : memref<2x8x64x32xf32, #tpu.memory_space<vmem>>, vector<16xf32>,
        %mul3A_904 = vector.broadcast %squeeze3A_886 : f32 to vector<16xf32>
        %mul3A_905 = arith.mulf %mul3A_904, %get3A_903 : vector<16xf32>
        %add3A_906 = arith.addf %add3A_884, %mul3A_905 : vector<16xf32>
        %slice3A_907 = vector.extract_strided_slice %gather3A_761 {offsets = [6], sizes = [1], strides = [1]} : vector<16xf32> to vector<1xf32>
        %squeeze3A_908 = vector.extract %slice3A_907[0] : f32 from vector<1xf32>
        %get3A_909 = arith.constant 0 : i32
        %get3A_910 = arith.constant 6 : i32
        %get3A_911 = arith.index_cast %get3A_909 : i32 to index
        %get3A_912 = arith.index_cast %get3A_910 : i32 to index
        %get3A_913 = arith.index_cast %add3A_752 : i32 to index
        %get3A_914 = arith.constant 0 : index
        %get3A_915 = tpu.vector_load %arg13[%get3A_911, %get3A_912, %get3A_913, %get3A_914] {strides = array<i32>} : memref<2x8x64x32xf32, #tpu.memory_space<vmem>>, vector<16xf32>,
        %mul3A_916 = vector.broadcast %squeeze3A_908 : f32 to vector<16xf32>
        %mul3A_917 = arith.mulf %mul3A_916, %get3A_915 : vector<16xf32>
        %add3A_918 = arith.addf %add3A_896, %mul3A_917 : vector<16xf32>
        %get3A_919 = arith.constant 0 : i32
        %get3A_920 = arith.constant 6 : i32
        %get3A_921 = arith.index_cast %get3A_919 : i32 to index
        %get3A_922 = arith.index_cast %get3A_920 : i32 to index
        %get3A_923 = arith.index_cast %add3A_752 : i32 to index
        %get3A_924 = arith.constant 16 : index
        %get3A_925 = tpu.vector_load %arg13[%get3A_921, %get3A_922, %get3A_923, %get3A_924] {strides = array<i32>} : memref<2x8x64x32xf32, #tpu.memory_space<vmem>>, vector<16xf32>,
        %mul3A_926 = vector.broadcast %squeeze3A_908 : f32 to vector<16xf32>
        %mul3A_927 = arith.mulf %mul3A_926, %get3A_925 : vector<16xf32>
        %add3A_928 = arith.addf %add3A_906, %mul3A_927 : vector<16xf32>
        %slice3A_929 = vector.extract_strided_slice %gather3A_761 {offsets = [7], sizes = [1], strides = [1]} : vector<16xf32> to vector<1xf32>
        %squeeze3A_930 = vector.extract %slice3A_929[0] : f32 from vector<1xf32>
        %get3A_931 = arith.constant 0 : i32
        %get3A_932 = arith.constant 7 : i32
        %get3A_933 = arith.index_cast %get3A_931 : i32 to index
        %get3A_934 = arith.index_cast %get3A_932 : i32 to index
        %get3A_935 = arith.index_cast %add3A_752 : i32 to index
        %get3A_936 = arith.constant 0 : index
        %get3A_937 = tpu.vector_load %arg13[%get3A_933, %get3A_934, %get3A_935, %get3A_936] {strides = array<i32>} : memref<2x8x64x32xf32, #tpu.memory_space<vmem>>, vector<16xf32>,
        %mul3A_938 = vector.broadcast %squeeze3A_930 : f32 to vector<16xf32>
        %mul3A_939 = arith.mulf %mul3A_938, %get3A_937 : vector<16xf32>
        %add3A_940 = arith.addf %add3A_918, %mul3A_939 : vector<16xf32>
        %get3A_941 = arith.constant 0 : i32
        %get3A_942 = arith.constant 7 : i32
        %get3A_943 = arith.index_cast %get3A_941 : i32 to index
        %get3A_944 = arith.index_cast %get3A_942 : i32 to index
        %get3A_945 = arith.index_cast %add3A_752 : i32 to index
        %get3A_946 = arith.constant 16 : index
        %get3A_947 = tpu.vector_load %arg13[%get3A_943, %get3A_944, %get3A_945, %get3A_946] {strides = array<i32>} : memref<2x8x64x32xf32, #tpu.memory_space<vmem>>, vector<16xf32>,
        %mul3A_948 = vector.broadcast %squeeze3A_930 : f32 to vector<16xf32>
        %mul3A_949 = arith.mulf %mul3A_948, %get3A_947 : vector<16xf32>
        %add3A_950 = arith.addf %add3A_928, %mul3A_949 : vector<16xf32>
        %slice3A_951 = vector.extract_strided_slice %gather3A_761 {offsets = [8], sizes = [1], strides = [1]} : vector<16xf32> to vector<1xf32>
        %squeeze3A_952 = vector.extract %slice3A_951[0] : f32 from vector<1xf32>
        %slice3A_953 = vector.extract_strided_slice %gather3A_770 {offsets = [8], sizes = [1], strides = [1]} : vector<16xi32> to vector<1xi32>
        %squeeze3A_954 = vector.extract %slice3A_953[0] : i32 from vector<1xi32>
        %get3A_955 = arith.index_cast %squeeze3A_954 : i32 to index
        %get3A_956 = arith.constant 0 : index
        %get3A_957 = tpu.vector_load %arg15[%get3A_955, %get3A_956] {strides = array<i32>} : memref<1024x32xf32, #tpu.memory_space<vmem>>, vector<16xf32>,
        %mul3A_958 = vector.broadcast %squeeze3A_952 : f32 to vector<16xf32>
        %mul3A_959 = arith.mulf %mul3A_958, %get3A_957 : vector<16xf32>
        %add3A_960 = arith.addf %add3A_940, %mul3A_959 : vector<16xf32>
        %get3A_961 = arith.index_cast %squeeze3A_954 : i32 to index
        %get3A_962 = arith.constant 16 : index
        %get3A_963 = tpu.vector_load %arg15[%get3A_961, %get3A_962] {strides = array<i32>} : memref<1024x32xf32, #tpu.memory_space<vmem>>, vector<16xf32>,
        %mul3A_964 = vector.broadcast %squeeze3A_952 : f32 to vector<16xf32>
        %mul3A_965 = arith.mulf %mul3A_964, %get3A_963 : vector<16xf32>
        %add3A_966 = arith.addf %add3A_950, %mul3A_965 : vector<16xf32>
        %slice3A_967 = vector.extract_strided_slice %gather3A_761 {offsets = [9], sizes = [1], strides = [1]} : vector<16xf32> to vector<1xf32>
        %squeeze3A_968 = vector.extract %slice3A_967[0] : f32 from vector<1xf32>
        %slice3A_969 = vector.extract_strided_slice %gather3A_770 {offsets = [9], sizes = [1], strides = [1]} : vector<16xi32> to vector<1xi32>
        %squeeze3A_970 = vector.extract %slice3A_969[0] : i32 from vector<1xi32>
        %get3A_971 = arith.index_cast %squeeze3A_970 : i32 to index
        %get3A_972 = arith.constant 0 : index
        %get3A_973 = tpu.vector_load %arg15[%get3A_971, %get3A_972] {strides = array<i32>} : memref<1024x32xf32, #tpu.memory_space<vmem>>, vector<16xf32>,
        %mul3A_974 = vector.broadcast %squeeze3A_968 : f32 to vector<16xf32>
        %mul3A_975 = arith.mulf %mul3A_974, %get3A_973 : vector<16xf32>
        %add3A_976 = arith.addf %add3A_960, %mul3A_975 : vector<16xf32>
        %get3A_977 = arith.index_cast %squeeze3A_970 : i32 to index
        %get3A_978 = arith.constant 16 : index
        %get3A_979 = tpu.vector_load %arg15[%get3A_977, %get3A_978] {strides = array<i32>} : memref<1024x32xf32, #tpu.memory_space<vmem>>, vector<16xf32>,
        %mul3A_980 = vector.broadcast %squeeze3A_968 : f32 to vector<16xf32>
        %mul3A_981 = arith.mulf %mul3A_980, %get3A_979 : vector<16xf32>
        %add3A_982 = arith.addf %add3A_966, %mul3A_981 : vector<16xf32>
        %slice3A_983 = vector.extract_strided_slice %gather3A_761 {offsets = [10], sizes = [1], strides = [1]} : vector<16xf32> to vector<1xf32>
        %squeeze3A_984 = vector.extract %slice3A_983[0] : f32 from vector<1xf32>
        %slice3A_985 = vector.extract_strided_slice %gather3A_770 {offsets = [10], sizes = [1], strides = [1]} : vector<16xi32> to vector<1xi32>
        %squeeze3A_986 = vector.extract %slice3A_985[0] : i32 from vector<1xi32>
        %get3A_987 = arith.index_cast %squeeze3A_986 : i32 to index
        %get3A_988 = arith.constant 0 : index
        %get3A_989 = tpu.vector_load %arg15[%get3A_987, %get3A_988] {strides = array<i32>} : memref<1024x32xf32, #tpu.memory_space<vmem>>, vector<16xf32>,
        %mul3A_990 = vector.broadcast %squeeze3A_984 : f32 to vector<16xf32>
        %mul3A_991 = arith.mulf %mul3A_990, %get3A_989 : vector<16xf32>
        %add3A_992 = arith.addf %add3A_976, %mul3A_991 : vector<16xf32>
        %get3A_993 = arith.index_cast %squeeze3A_986 : i32 to index
        %get3A_994 = arith.constant 16 : index
        %get3A_995 = tpu.vector_load %arg15[%get3A_993, %get3A_994] {strides = array<i32>} : memref<1024x32xf32, #tpu.memory_space<vmem>>, vector<16xf32>,
        %mul3A_996 = vector.broadcast %squeeze3A_984 : f32 to vector<16xf32>
        %mul3A_997 = arith.mulf %mul3A_996, %get3A_995 : vector<16xf32>
        %add3A_998 = arith.addf %add3A_982, %mul3A_997 : vector<16xf32>
        %slice3A_999 = vector.extract_strided_slice %gather3A_761 {offsets = [11], sizes = [1], strides = [1]} : vector<16xf32> to vector<1xf32>
        %squeeze3A_1000 = vector.extract %slice3A_999[0] : f32 from vector<1xf32>
        %slice3A_1001 = vector.extract_strided_slice %gather3A_770 {offsets = [11], sizes = [1], strides = [1]} : vector<16xi32> to vector<1xi32>
        %squeeze3A_1002 = vector.extract %slice3A_1001[0] : i32 from vector<1xi32>
        %get3A_1003 = arith.index_cast %squeeze3A_1002 : i32 to index
        %get3A_1004 = arith.constant 0 : index
        %get3A_1005 = tpu.vector_load %arg15[%get3A_1003, %get3A_1004] {strides = array<i32>} : memref<1024x32xf32, #tpu.memory_space<vmem>>, vector<16xf32>,
        %mul3A_1006 = vector.broadcast %squeeze3A_1000 : f32 to vector<16xf32>
        %mul3A_1007 = arith.mulf %mul3A_1006, %get3A_1005 : vector<16xf32>
        %add3A_1008 = arith.addf %add3A_992, %mul3A_1007 : vector<16xf32>
        %get3A_1009 = arith.index_cast %squeeze3A_1002 : i32 to index
        %get3A_1010 = arith.constant 16 : index
        %get3A_1011 = tpu.vector_load %arg15[%get3A_1009, %get3A_1010] {strides = array<i32>} : memref<1024x32xf32, #tpu.memory_space<vmem>>, vector<16xf32>,
        %mul3A_1012 = vector.broadcast %squeeze3A_1000 : f32 to vector<16xf32>
        %mul3A_1013 = arith.mulf %mul3A_1012, %get3A_1011 : vector<16xf32>
        %add3A_1014 = arith.addf %add3A_998, %mul3A_1013 : vector<16xf32>
        %slice3A_1015 = vector.extract_strided_slice %gather3A_761 {offsets = [12], sizes = [1], strides = [1]} : vector<16xf32> to vector<1xf32>
        %squeeze3A_1016 = vector.extract %slice3A_1015[0] : f32 from vector<1xf32>
        %slice3A_1017 = vector.extract_strided_slice %gather3A_770 {offsets = [12], sizes = [1], strides = [1]} : vector<16xi32> to vector<1xi32>
        %squeeze3A_1018 = vector.extract %slice3A_1017[0] : i32 from vector<1xi32>
        %get3A_1019 = arith.index_cast %squeeze3A_1018 : i32 to index
        %get3A_1020 = arith.constant 0 : index
        %get3A_1021 = tpu.vector_load %arg16[%get3A_1019, %get3A_1020] {strides = array<i32>} : memref<256x32xf32, #tpu.memory_space<vmem>>, vector<16xf32>,
        %mul3A_1022 = vector.broadcast %squeeze3A_1016 : f32 to vector<16xf32>
        %mul3A_1023 = arith.mulf %mul3A_1022, %get3A_1021 : vector<16xf32>
        %add3A_1024 = arith.addf %add3A_1008, %mul3A_1023 : vector<16xf32>
        %get3A_1025 = arith.index_cast %squeeze3A_1018 : i32 to index
        %get3A_1026 = arith.constant 16 : index
        %get3A_1027 = tpu.vector_load %arg16[%get3A_1025, %get3A_1026] {strides = array<i32>} : memref<256x32xf32, #tpu.memory_space<vmem>>, vector<16xf32>,
        %mul3A_1028 = vector.broadcast %squeeze3A_1016 : f32 to vector<16xf32>
        %mul3A_1029 = arith.mulf %mul3A_1028, %get3A_1027 : vector<16xf32>
        %add3A_1030 = arith.addf %add3A_1014, %mul3A_1029 : vector<16xf32>
        %slice3A_1031 = vector.extract_strided_slice %gather3A_761 {offsets = [13], sizes = [1], strides = [1]} : vector<16xf32> to vector<1xf32>
        %squeeze3A_1032 = vector.extract %slice3A_1031[0] : f32 from vector<1xf32>
        %slice3A_1033 = vector.extract_strided_slice %gather3A_770 {offsets = [13], sizes = [1], strides = [1]} : vector<16xi32> to vector<1xi32>
        %squeeze3A_1034 = vector.extract %slice3A_1033[0] : i32 from vector<1xi32>
        %get3A_1035 = arith.index_cast %squeeze3A_1034 : i32 to index
        %get3A_1036 = arith.constant 0 : index
        %get3A_1037 = tpu.vector_load %arg16[%get3A_1035, %get3A_1036] {strides = array<i32>} : memref<256x32xf32, #tpu.memory_space<vmem>>, vector<16xf32>,
        %mul3A_1038 = vector.broadcast %squeeze3A_1032 : f32 to vector<16xf32>
        %mul3A_1039 = arith.mulf %mul3A_1038, %get3A_1037 : vector<16xf32>
        %add3A_1040 = arith.addf %add3A_1024, %mul3A_1039 : vector<16xf32>
        %get3A_1041 = arith.index_cast %squeeze3A_1034 : i32 to index
        %get3A_1042 = arith.constant 16 : index
        %get3A_1043 = tpu.vector_load %arg16[%get3A_1041, %get3A_1042] {strides = array<i32>} : memref<256x32xf32, #tpu.memory_space<vmem>>, vector<16xf32>,
        %mul3A_1044 = vector.broadcast %squeeze3A_1032 : f32 to vector<16xf32>
        %mul3A_1045 = arith.mulf %mul3A_1044, %get3A_1043 : vector<16xf32>
        %add3A_1046 = arith.addf %add3A_1030, %mul3A_1045 : vector<16xf32>
        %slice3A_1047 = vector.extract_strided_slice %gather3A_761 {offsets = [14], sizes = [1], strides = [1]} : vector<16xf32> to vector<1xf32>
        %squeeze3A_1048 = vector.extract %slice3A_1047[0] : f32 from vector<1xf32>
        %slice3A_1049 = vector.extract_strided_slice %gather3A_770 {offsets = [14], sizes = [1], strides = [1]} : vector<16xi32> to vector<1xi32>
        %squeeze3A_1050 = vector.extract %slice3A_1049[0] : i32 from vector<1xi32>
        %get3A_1051 = arith.index_cast %squeeze3A_1050 : i32 to index
        %get3A_1052 = arith.constant 0 : index
        %get3A_1053 = tpu.vector_load %arg16[%get3A_1051, %get3A_1052] {strides = array<i32>} : memref<256x32xf32, #tpu.memory_space<vmem>>, vector<16xf32>,
        %mul3A_1054 = vector.broadcast %squeeze3A_1048 : f32 to vector<16xf32>
        %mul3A_1055 = arith.mulf %mul3A_1054, %get3A_1053 : vector<16xf32>
        %add3A_1056 = arith.addf %add3A_1040, %mul3A_1055 : vector<16xf32>
        %get3A_1057 = arith.index_cast %squeeze3A_1050 : i32 to index
        %get3A_1058 = arith.constant 16 : index
        %get3A_1059 = tpu.vector_load %arg16[%get3A_1057, %get3A_1058] {strides = array<i32>} : memref<256x32xf32, #tpu.memory_space<vmem>>, vector<16xf32>,
        %mul3A_1060 = vector.broadcast %squeeze3A_1048 : f32 to vector<16xf32>
        %mul3A_1061 = arith.mulf %mul3A_1060, %get3A_1059 : vector<16xf32>
        %add3A_1062 = arith.addf %add3A_1046, %mul3A_1061 : vector<16xf32>
        %slice3A_1063 = vector.extract_strided_slice %gather3A_761 {offsets = [15], sizes = [1], strides = [1]} : vector<16xf32> to vector<1xf32>
        %squeeze3A_1064 = vector.extract %slice3A_1063[0] : f32 from vector<1xf32>
        %slice3A_1065 = vector.extract_strided_slice %gather3A_770 {offsets = [15], sizes = [1], strides = [1]} : vector<16xi32> to vector<1xi32>
        %squeeze3A_1066 = vector.extract %slice3A_1065[0] : i32 from vector<1xi32>
        %get3A_1067 = arith.index_cast %squeeze3A_1066 : i32 to index
        %get3A_1068 = arith.constant 0 : index
        %get3A_1069 = tpu.vector_load %arg16[%get3A_1067, %get3A_1068] {strides = array<i32>} : memref<256x32xf32, #tpu.memory_space<vmem>>, vector<16xf32>,
        %mul3A_1070 = vector.broadcast %squeeze3A_1064 : f32 to vector<16xf32>
        %mul3A_1071 = arith.mulf %mul3A_1070, %get3A_1069 : vector<16xf32>
        %add3A_1072 = arith.addf %add3A_1056, %mul3A_1071 : vector<16xf32>
        %get3A_1073 = arith.index_cast %squeeze3A_1066 : i32 to index
        %get3A_1074 = arith.constant 16 : index
        %get3A_1075 = tpu.vector_load %arg16[%get3A_1073, %get3A_1074] {strides = array<i32>} : memref<256x32xf32, #tpu.memory_space<vmem>>, vector<16xf32>,
        %mul3A_1076 = vector.broadcast %squeeze3A_1064 : f32 to vector<16xf32>
        %mul3A_1077 = arith.mulf %mul3A_1076, %get3A_1075 : vector<16xf32>
        %add3A_1078 = arith.addf %add3A_1062, %mul3A_1077 : vector<16xf32>
        %swap3A_1079 = arith.constant 0 : i32
        %swap3A_1080 = arith.index_cast %swap3A_1079 : i32 to index
        %swap3A_1081 = arith.index_cast %add3A_752 : i32 to index
        %swap3A_1082 = arith.constant 0 : index
        %swap3A_1083 = tpu.vector_load %arg14[%swap3A_1080, %swap3A_1081, %swap3A_1082] {strides = array<i32>} : memref<2x64x32xf32, #tpu.memory_space<vmem>>, vector<16xf32>,
        tpu.vector_store %arg14[%swap3A_1080, %swap3A_1081, %swap3A_1082], %add3A_1072 {strides = array<i32>} : memref<2x64x32xf32, #tpu.memory_space<vmem>>, vector<16xf32>,
        %swap3A_1084 = arith.constant 0 : i32
        %swap3A_1085 = arith.index_cast %swap3A_1084 : i32 to index
        %swap3A_1086 = arith.index_cast %add3A_752 : i32 to index
        %swap3A_1087 = arith.constant 16 : index
        %swap3A_1088 = tpu.vector_load %arg14[%swap3A_1085, %swap3A_1086, %swap3A_1087] {strides = array<i32>} : memref<2x64x32xf32, #tpu.memory_space<vmem>>, vector<16xf32>,
        tpu.vector_store %arg14[%swap3A_1085, %swap3A_1086, %swap3A_1087], %add3A_1078 {strides = array<i32>} : memref<2x64x32xf32, #tpu.memory_space<vmem>>, vector<16xf32>,
      }
      %scan3A_266 = arith.constant 32 : i32
      %mul3A_267 = arith.constant 8192 : i32
      %mul3A_268 = arith.muli %add3A, %mul3A_267 : i32
      %mul3A_269 = arith.constant 64 : i32
      %mul3A_270 = arith.muli %add3A_164, %mul3A_269 : i32
      %add3A_271 = arith.addi %mul3A_268, %mul3A_270 : i32
      %dma_start3A_272 = arith.constant 0 : i32
      %dma_start3A_273 = arith.constant 0 : i32
      %dma_start3A_274 = arith.constant 0 : i32
      %dma_start3A_275 = tpu.memref_slice %arg14[%dma_start3A_272, %dma_start3A_273, %dma_start3A_274] : memref<2x64x32xf32, #tpu.memory_space<vmem>> -> memref<1x64x32xf32, #tpu.memory_space<vmem>>
      %dma_start3A_276 = tpu.memref_squeeze %dma_start3A_275 : memref<1x64x32xf32, #tpu.memory_space<vmem>> -> memref<64x32xf32, #tpu.memory_space<vmem>>
      %dma_start3A_277 = arith.constant 0 : i32
      %dma_start3A_278 = tpu.memref_slice %arg8[%add3A_271, %dma_start3A_277] : memref<262144x32xf32, #tpu.memory_space<hbm>> -> memref<64x32xf32, #tpu.memory_space<hbm>>
      %dma_start3A_279 = arith.constant 0 : i32
      %dma_start3A_280 = tpu.memref_slice %arg8[%add3A_271, %dma_start3A_279] : memref<262144x32xf32, #tpu.memory_space<hbm>> -> memref<64x32xf32, #tpu.memory_space<hbm>>
      %dma_start3A_281 = arith.constant 0 : i32
      %dma_start3A_282 = arith.constant 0 : i32
      %dma_start3A_283 = tpu.memref_slice %arg14[%dma_start3A_272, %dma_start3A_281, %dma_start3A_282] : memref<2x64x32xf32, #tpu.memory_space<vmem>> -> memref<1x64x32xf32, #tpu.memory_space<vmem>>
      %dma_start3A_284 = tpu.memref_squeeze %dma_start3A_283 : memref<1x64x32xf32, #tpu.memory_space<vmem>> -> memref<64x32xf32, #tpu.memory_space<vmem>>
      tpu.enqueue_dma source(%dma_start3A_284 : memref<64x32xf32, #tpu.memory_space<vmem>>) target(%dma_start3A_280 : memref<64x32xf32, #tpu.memory_space<hbm>>) target_semaphore(%arg19 : memref<!tpu.dma_semaphore, #tpu.memory_space<semaphore_mem>>)
      %mul3A_285 = arith.constant 2 : i32
      %mul3A_286 = arith.muli %mul3A_285, %scan3A_160 : i32
      %add3A_287 = arith.constant 1 : i32
      %add3A_288 = arith.addi %mul3A_286, %add3A_287 : i32
      %add3A_289 = arith.constant 1 : i32
      %add3A_290 = arith.addi %add3A_288, %add3A_289 : i32
      %lt3A_291 = arith.constant 128 : i32
      %lt3A_292 = arith.cmpi slt, %add3A_290, %lt3A_291 : i32
      %convert_element_type3A_293 = arith.extui %lt3A_292 : i1 to i32
      %cond3A_294 = arith.constant 0 : i32
      %cond3A_295 = arith.cmpi ne, %convert_element_type3A_293, %cond3A_294 : i32
      scf.if %cond3A_295 {
        %mul3A_413 = arith.constant 64 : i32
        %mul3A_414 = arith.muli %add3A_290, %mul3A_413 : i32
        %scan3A_415 = arith.constant 0 : i32
        %scan3A_416 = arith.constant 0 : i32
        %scan3A_417 = arith.constant 4 : i32
        %scan3A_418 = arith.addi %scan3A_416, %scan3A_417 : i32
        %scan3A_419 = arith.constant 1 : i32
        scf.for %scan3A_509 = %scan3A_416 to %scan3A_418 step %scan3A_419  : i32 {
          %mul3A_510 = arith.constant 16 : i32
          %mul3A_511 = arith.muli %scan3A_509, %mul3A_510 : i32
          %add3A_512 = arith.addi %mul3A_414, %mul3A_511 : i32
          %mul3A_513 = arith.constant 16 : i32
          %mul3A_514 = arith.muli %scan3A_509, %mul3A_513 : i32
          %get3A_515 = arith.constant 0 : i32
          %get3A_516 = arith.index_cast %get3A_515 : i32 to index
          %get3A_517 = arith.index_cast %add3A_512 : i32 to index
          %get3A_518 = tpu.vector_load %arg9[%get3A_516, %get3A_517] {strides = array<i32>} : memref<3x8192xf32, #tpu.memory_space<vmem>>, vector<16xf32>,
          %bitcast3A_519 = vector.bitcast %get3A_518 : vector<16xf32> to vector<16xi32>
          %add3A_520 = arith.constant 32767 : i32
          %add3A_521 = vector.broadcast %add3A_520 : i32 to vector<16xi32>
          %add3A_522 = arith.addi %bitcast3A_519, %add3A_521 : vector<16xi32>
          %shift_right_logical3A_523 = arith.constant 16 : i32
          %shift_right_logical3A_524 = vector.broadcast %shift_right_logical3A_523 : i32 to vector<16xi32>
          %shift_right_logical3A_525 = arith.shrui %bitcast3A_519, %shift_right_logical3A_524 : vector<16xi32>
          %and3A_526 = arith.constant 1 : i32
          %and3A_527 = vector.broadcast %and3A_526 : i32 to vector<16xi32>
          %and3A_528 = arith.andi %shift_right_logical3A_525, %and3A_527 : vector<16xi32>
          %add3A_529 = arith.addi %add3A_522, %and3A_528 : vector<16xi32>
          %and3A_530 = arith.constant -65536 : i32
          %and3A_531 = vector.broadcast %and3A_530 : i32 to vector<16xi32>
          %and3A_532 = arith.andi %add3A_529, %and3A_531 : vector<16xi32>
          %bitcast3A_533 = vector.bitcast %and3A_532 : vector<16xi32> to vector<16xf32>
          %get3A_534 = arith.constant 1 : i32
          %get3A_535 = arith.index_cast %get3A_534 : i32 to index
          %get3A_536 = arith.index_cast %add3A_512 : i32 to index
          %get3A_537 = tpu.vector_load %arg9[%get3A_535, %get3A_536] {strides = array<i32>} : memref<3x8192xf32, #tpu.memory_space<vmem>>, vector<16xf32>,
          %bitcast3A_538 = vector.bitcast %get3A_537 : vector<16xf32> to vector<16xi32>
          %add3A_539 = arith.constant 32767 : i32
          %add3A_540 = vector.broadcast %add3A_539 : i32 to vector<16xi32>
          %add3A_541 = arith.addi %bitcast3A_538, %add3A_540 : vector<16xi32>
          %shift_right_logical3A_542 = arith.constant 16 : i32
          %shift_right_logical3A_543 = vector.broadcast %shift_right_logical3A_542 : i32 to vector<16xi32>
          %shift_right_logical3A_544 = arith.shrui %bitcast3A_538, %shift_right_logical3A_543 : vector<16xi32>
          %and3A_545 = arith.constant 1 : i32
          %and3A_546 = vector.broadcast %and3A_545 : i32 to vector<16xi32>
          %and3A_547 = arith.andi %shift_right_logical3A_544, %and3A_546 : vector<16xi32>
          %add3A_548 = arith.addi %add3A_541, %and3A_547 : vector<16xi32>
          %and3A_549 = arith.constant -65536 : i32
          %and3A_550 = vector.broadcast %and3A_549 : i32 to vector<16xi32>
          %and3A_551 = arith.andi %add3A_548, %and3A_550 : vector<16xi32>
          %bitcast3A_552 = vector.bitcast %and3A_551 : vector<16xi32> to vector<16xf32>
          %get3A_553 = arith.constant 2 : i32
          %get3A_554 = arith.index_cast %get3A_553 : i32 to index
          %get3A_555 = arith.index_cast %add3A_512 : i32 to index
          %get3A_556 = tpu.vector_load %arg9[%get3A_554, %get3A_555] {strides = array<i32>} : memref<3x8192xf32, #tpu.memory_space<vmem>>, vector<16xf32>,
          %bitcast3A_557 = vector.bitcast %get3A_556 : vector<16xf32> to vector<16xi32>
          %add3A_558 = arith.constant 32767 : i32
          %add3A_559 = vector.broadcast %add3A_558 : i32 to vector<16xi32>
          %add3A_560 = arith.addi %bitcast3A_557, %add3A_559 : vector<16xi32>
          %shift_right_logical3A_561 = arith.constant 16 : i32
          %shift_right_logical3A_562 = vector.broadcast %shift_right_logical3A_561 : i32 to vector<16xi32>
          %shift_right_logical3A_563 = arith.shrui %bitcast3A_557, %shift_right_logical3A_562 : vector<16xi32>
          %and3A_564 = arith.constant 1 : i32
          %and3A_565 = vector.broadcast %and3A_564 : i32 to vector<16xi32>
          %and3A_566 = arith.andi %shift_right_logical3A_563, %and3A_565 : vector<16xi32>
          %add3A_567 = arith.addi %add3A_560, %and3A_566 : vector<16xi32>
          %and3A_568 = arith.constant -65536 : i32
          %and3A_569 = vector.broadcast %and3A_568 : i32 to vector<16xi32>
          %and3A_570 = arith.andi %add3A_567, %and3A_569 : vector<16xi32>
          %bitcast3A_571 = vector.bitcast %and3A_570 : vector<16xi32> to vector<16xf32>
          %mul3A_572 = vector.broadcast %squeeze3A : f32 to vector<16xf32>
          %mul3A_573 = arith.mulf %bitcast3A_533, %mul3A_572 : vector<16xf32>
          %mul3A_574 = vector.broadcast %squeeze3A_20 : f32 to vector<16xf32>
          %mul3A_575 = arith.mulf %bitcast3A_552, %mul3A_574 : vector<16xf32>
          %add3A_576 = arith.addf %mul3A_573, %mul3A_575 : vector<16xf32>
          %mul3A_577 = vector.broadcast %squeeze3A_22 : f32 to vector<16xf32>
          %mul3A_578 = arith.mulf %bitcast3A_571, %mul3A_577 : vector<16xf32>
          %add3A_579 = arith.addf %add3A_576, %mul3A_578 : vector<16xf32>
          %mul3A_580 = vector.broadcast %squeeze3A_24 : f32 to vector<16xf32>
          %mul3A_581 = arith.mulf %bitcast3A_533, %mul3A_580 : vector<16xf32>
          %mul3A_582 = vector.broadcast %squeeze3A_26 : f32 to vector<16xf32>
          %mul3A_583 = arith.mulf %bitcast3A_552, %mul3A_582 : vector<16xf32>
          %add3A_584 = arith.addf %mul3A_581, %mul3A_583 : vector<16xf32>
          %mul3A_585 = vector.broadcast %squeeze3A_28 : f32 to vector<16xf32>
          %mul3A_586 = arith.mulf %bitcast3A_571, %mul3A_585 : vector<16xf32>
          %add3A_587 = arith.addf %add3A_584, %mul3A_586 : vector<16xf32>
          %add3A_588 = arith.constant 1.000000e+00 : f32
          %add3A_589 = vector.broadcast %add3A_588 : f32 to vector<16xf32>
          %add3A_590 = arith.addf %add3A_579, %add3A_589 : vector<16xf32>
          %mul3A_591 = arith.constant 5.000000e-01 : f32
          %mul3A_592 = vector.broadcast %mul3A_591 : f32 to vector<16xf32>
          %mul3A_593 = arith.mulf %add3A_590, %mul3A_592 : vector<16xf32>
          %mul3A_594 = arith.constant 1.270000e+02 : f32
          %mul3A_595 = vector.broadcast %mul3A_594 : f32 to vector<16xf32>
          %mul3A_596 = arith.mulf %mul3A_593, %mul3A_595 : vector<16xf32>
          %jit3A = arith.constant 0.000000e+00 : f32
          %jit3A_597 = arith.constant 1.270000e+02 : f32
          %max3A = vector.broadcast %jit3A : f32 to vector<16xf32>
          %max3A_598 = arith.maximumf %max3A, %mul3A_596 : vector<16xf32>
          %min3A = vector.broadcast %jit3A_597 : f32 to vector<16xf32>
          %min3A_599 = arith.minimumf %min3A, %max3A_598 : vector<16xf32>
          %add3A_600 = arith.constant 1.000000e+00 : f32
          %add3A_601 = vector.broadcast %add3A_600 : f32 to vector<16xf32>
          %add3A_602 = arith.addf %add3A_587, %add3A_601 : vector<16xf32>
          %mul3A_603 = arith.constant 5.000000e-01 : f32
          %mul3A_604 = vector.broadcast %mul3A_603 : f32 to vector<16xf32>
          %mul3A_605 = arith.mulf %add3A_602, %mul3A_604 : vector<16xf32>
          %mul3A_606 = arith.constant 1.270000e+02 : f32
          %mul3A_607 = vector.broadcast %mul3A_606 : f32 to vector<16xf32>
          %mul3A_608 = arith.mulf %mul3A_605, %mul3A_607 : vector<16xf32>
          %jit3A_609 = arith.constant 0.000000e+00 : f32
          %jit3A_610 = arith.constant 1.270000e+02 : f32
          %max3A_611 = vector.broadcast %jit3A_609 : f32 to vector<16xf32>
          %max3A_612 = arith.maximumf %max3A_611, %mul3A_608 : vector<16xf32>
          %min3A_613 = vector.broadcast %jit3A_610 : f32 to vector<16xf32>
          %min3A_614 = arith.minimumf %min3A_613, %max3A_612 : vector<16xf32>
          %convert_element_type3A_615 = arith.fptosi %min3A_599 : vector<16xf32> to vector<16xi32>
          %convert_element_type3A_616 = arith.fptosi %min3A_614 : vector<16xf32> to vector<16xi32>
          %convert_element_type3A_617 = arith.sitofp %convert_element_type3A_615 : vector<16xi32> to vector<16xf32>
          %sub3A = arith.subf %min3A_599, %convert_element_type3A_617 : vector<16xf32>
          %convert_element_type3A_618 = arith.sitofp %convert_element_type3A_616 : vector<16xi32> to vector<16xf32>
          %sub3A_619 = arith.subf %min3A_614, %convert_element_type3A_618 : vector<16xf32>
          %add3A_620 = arith.constant 1 : i32
          %add3A_621 = vector.broadcast %add3A_620 : i32 to vector<16xi32>
          %add3A_622 = arith.addi %convert_element_type3A_615, %add3A_621 : vector<16xi32>
          %min3A_623 = arith.constant 127 : i32
          %min3A_624 = vector.broadcast %min3A_623 : i32 to vector<16xi32>
          %min3A_625 = arith.minsi %add3A_622, %min3A_624 : vector<16xi32>
          %add3A_626 = arith.constant 1 : i32
          %add3A_627 = vector.broadcast %add3A_626 : i32 to vector<16xi32>
          %add3A_628 = arith.addi %convert_element_type3A_616, %add3A_627 : vector<16xi32>
          %min3A_629 = arith.constant 127 : i32
          %min3A_630 = vector.broadcast %min3A_629 : i32 to vector<16xi32>
          %min3A_631 = arith.minsi %add3A_628, %min3A_630 : vector<16xi32>
          %mul3A_632 = arith.constant 16384 : i32
          %mul3A_633 = arith.muli %rem3A_1, %mul3A_632 : i32
          %mul3A_634 = arith.constant 128 : i32
          %mul3A_635 = vector.broadcast %mul3A_634 : i32 to vector<16xi32>
          %mul3A_636 = arith.muli %convert_element_type3A_616, %mul3A_635 : vector<16xi32>
          %add3A_637 = vector.broadcast %mul3A_633 : i32 to vector<16xi32>
          %add3A_638 = arith.addi %add3A_637, %mul3A_636 : vector<16xi32>
          %mul3A_639 = arith.constant 128 : i32
          %mul3A_640 = vector.broadcast %mul3A_639 : i32 to vector<16xi32>
          %mul3A_641 = arith.muli %min3A_631, %mul3A_640 : vector<16xi32>
          %add3A_642 = vector.broadcast %mul3A_633 : i32 to vector<16xi32>
          %add3A_643 = arith.addi %add3A_642, %mul3A_641 : vector<16xi32>
          %add3A_644 = arith.addi %add3A_638, %convert_element_type3A_615 : vector<16xi32>
          %add3A_645 = arith.constant 0 : i32
          %add3A_646 = arith.addi %add3A_645, %mul3A_514 : i32
          %swap3A = arith.index_cast %add3A_646 : i32 to index
          %swap3A_647 = tpu.vector_load %arg11[%swap3A] {strides = array<i32>} : memref<2048xi32, #tpu.memory_space<vmem>>, vector<16xi32>,
          tpu.vector_store %arg11[%swap3A], %add3A_644 {strides = array<i32>} : memref<2048xi32, #tpu.memory_space<vmem>>, vector<16xi32>,
          %add3A_648 = arith.addi %add3A_638, %min3A_625 : vector<16xi32>
          %add3A_649 = arith.constant 64 : i32
          %add3A_650 = arith.addi %add3A_649, %mul3A_514 : i32
          %swap3A_651 = arith.index_cast %add3A_650 : i32 to index
          %swap3A_652 = tpu.vector_load %arg11[%swap3A_651] {strides = array<i32>} : memref<2048xi32, #tpu.memory_space<vmem>>, vector<16xi32>,
          tpu.vector_store %arg11[%swap3A_651], %add3A_648 {strides = array<i32>} : memref<2048xi32, #tpu.memory_space<vmem>>, vector<16xi32>,
          %add3A_653 = arith.addi %add3A_643, %convert_element_type3A_615 : vector<16xi32>
          %add3A_654 = arith.constant 128 : i32
          %add3A_655 = arith.addi %add3A_654, %mul3A_514 : i32
          %swap3A_656 = arith.index_cast %add3A_655 : i32 to index
          %swap3A_657 = tpu.vector_load %arg11[%swap3A_656] {strides = array<i32>} : memref<2048xi32, #tpu.memory_space<vmem>>, vector<16xi32>,
          tpu.vector_store %arg11[%swap3A_656], %add3A_653 {strides = array<i32>} : memref<2048xi32, #tpu.memory_space<vmem>>, vector<16xi32>,
          %add3A_658 = arith.addi %add3A_643, %min3A_625 : vector<16xi32>
          %add3A_659 = arith.constant 192 : i32
          %add3A_660 = arith.addi %add3A_659, %mul3A_514 : i32
          %swap3A_661 = arith.index_cast %add3A_660 : i32 to index
          %swap3A_662 = tpu.vector_load %arg11[%swap3A_661] {strides = array<i32>} : memref<2048xi32, #tpu.memory_space<vmem>>, vector<16xi32>,
          tpu.vector_store %arg11[%swap3A_661], %add3A_658 {strides = array<i32>} : memref<2048xi32, #tpu.memory_space<vmem>>, vector<16xi32>,
          %sub3A_663 = arith.constant 1.000000e+00 : f32
          %sub3A_664 = vector.broadcast %sub3A_663 : f32 to vector<16xf32>
          %sub3A_665 = arith.subf %sub3A_664, %sub3A : vector<16xf32>
          %sub3A_666 = arith.constant 1.000000e+00 : f32
          %sub3A_667 = vector.broadcast %sub3A_666 : f32 to vector<16xf32>
          %sub3A_668 = arith.subf %sub3A_667, %sub3A_619 : vector<16xf32>
          %mul3A_669 = arith.mulf %sub3A_665, %sub3A_668 : vector<16xf32>
          %add3A_670 = arith.constant 0 : i32
          %add3A_671 = arith.addi %add3A_670, %mul3A_514 : i32
          %swap3A_672 = arith.index_cast %add3A_671 : i32 to index
          %swap3A_673 = tpu.vector_load %arg12[%swap3A_672] {strides = array<i32>} : memref<2048xf32, #tpu.memory_space<vmem>>, vector<16xf32>,
          tpu.vector_store %arg12[%swap3A_672], %mul3A_669 {strides = array<i32>} : memref<2048xf32, #tpu.memory_space<vmem>>, vector<16xf32>,
          %sub3A_674 = arith.constant 1.000000e+00 : f32
          %sub3A_675 = vector.broadcast %sub3A_674 : f32 to vector<16xf32>
          %sub3A_676 = arith.subf %sub3A_675, %sub3A_619 : vector<16xf32>
          %mul3A_677 = arith.mulf %sub3A, %sub3A_676 : vector<16xf32>
          %add3A_678 = arith.constant 64 : i32
          %add3A_679 = arith.addi %add3A_678, %mul3A_514 : i32
          %swap3A_680 = arith.index_cast %add3A_679 : i32 to index
          %swap3A_681 = tpu.vector_load %arg12[%swap3A_680] {strides = array<i32>} : memref<2048xf32, #tpu.memory_space<vmem>>, vector<16xf32>,
          tpu.vector_store %arg12[%swap3A_680], %mul3A_677 {strides = array<i32>} : memref<2048xf32, #tpu.memory_space<vmem>>, vector<16xf32>,
          %sub3A_682 = arith.constant 1.000000e+00 : f32
          %sub3A_683 = vector.broadcast %sub3A_682 : f32 to vector<16xf32>
          %sub3A_684 = arith.subf %sub3A_683, %sub3A : vector<16xf32>
          %mul3A_685 = arith.mulf %sub3A_684, %sub3A_619 : vector<16xf32>
          %add3A_686 = arith.constant 128 : i32
          %add3A_687 = arith.addi %add3A_686, %mul3A_514 : i32
          %swap3A_688 = arith.index_cast %add3A_687 : i32 to index
          %swap3A_689 = tpu.vector_load %arg12[%swap3A_688] {strides = array<i32>} : memref<2048xf32, #tpu.memory_space<vmem>>, vector<16xf32>,
          tpu.vector_store %arg12[%swap3A_688], %mul3A_685 {strides = array<i32>} : memref<2048xf32, #tpu.memory_space<vmem>>, vector<16xf32>,
          %mul3A_690 = arith.mulf %sub3A, %sub3A_619 : vector<16xf32>
          %add3A_691 = arith.constant 192 : i32
          %add3A_692 = arith.addi %add3A_691, %mul3A_514 : i32
          %swap3A_693 = arith.index_cast %add3A_692 : i32 to index
          %swap3A_694 = tpu.vector_load %arg12[%swap3A_693] {strides = array<i32>} : memref<2048xf32, #tpu.memory_space<vmem>>, vector<16xf32>,
          tpu.vector_store %arg12[%swap3A_693], %mul3A_690 {strides = array<i32>} : memref<2048xf32, #tpu.memory_space<vmem>>, vector<16xf32>,
          %add3A_695 = arith.constant 1.000000e+00 : f32
          %add3A_696 = vector.broadcast %add3A_695 : f32 to vector<16xf32>
          %add3A_697 = arith.addf %add3A_579, %add3A_696 : vector<16xf32>
          %mul3A_698 = arith.constant 5.000000e-01 : f32
          %mul3A_699 = vector.broadcast %mul3A_698 : f32 to vector<16xf32>
          %mul3A_700 = arith.mulf %add3A_697, %mul3A_699 : vector<16xf32>
          %mul3A_701 = arith.constant 6.300000e+01 : f32
          %mul3A_702 = vector.broadcast %mul3A_701 : f32 to vector<16xf32>
          %mul3A_703 = arith.mulf %mul3A_700, %mul3A_702 : vector<16xf32>
          %jit3A_704 = arith.constant 0.000000e+00 : f32
          %jit3A_705 = arith.constant 6.300000e+01 : f32
          %max3A_706 = vector.broadcast %jit3A_704 : f32 to vector<16xf32>
          %max3A_707 = arith.maximumf %max3A_706, %mul3A_703 : vector<16xf32>
          %min3A_708 = vector.broadcast %jit3A_705 : f32 to vector<16xf32>
          %min3A_709 = arith.minimumf %min3A_708, %max3A_707 : vector<16xf32>
          %add3A_710 = arith.constant 1.000000e+00 : f32
          %add3A_711 = vector.broadcast %add3A_710 : f32 to vector<16xf32>
          %add3A_712 = arith.addf %add3A_587, %add3A_711 : vector<16xf32>
          %mul3A_713 = arith.constant 5.000000e-01 : f32
          %mul3A_714 = vector.broadcast %mul3A_713 : f32 to vector<16xf32>
          %mul3A_715 = arith.mulf %add3A_712, %mul3A_714 : vector<16xf32>
          %mul3A_716 = arith.constant 6.300000e+01 : f32
          %mul3A_717 = vector.broadcast %mul3A_716 : f32 to vector<16xf32>
          %mul3A_718 = arith.mulf %mul3A_715, %mul3A_717 : vector<16xf32>
          %jit3A_719 = arith.constant 0.000000e+00 : f32
          %jit3A_720 = arith.constant 6.300000e+01 : f32
          %max3A_721 = vector.broadcast %jit3A_719 : f32 to vector<16xf32>
          %max3A_722 = arith.maximumf %max3A_721, %mul3A_718 : vector<16xf32>
          %min3A_723 = vector.broadcast %jit3A_720 : f32 to vector<16xf32>
          %min3A_724 = arith.minimumf %min3A_723, %max3A_722 : vector<16xf32>
          %convert_element_type3A_725 = arith.fptosi %min3A_709 : vector<16xf32> to vector<16xi32>
          %convert_element_type3A_726 = arith.fptosi %min3A_724 : vector<16xf32> to vector<16xi32>
          %convert_element_type3A_727 = arith.sitofp %convert_element_type3A_725 : vector<16xi32> to vector<16xf32>
          %sub3A_728 = arith.subf %min3A_709, %convert_element_type3A_727 : vector<16xf32>
          %convert_element_type3A_729 = arith.sitofp %convert_element_type3A_726 : vector<16xi32> to vector<16xf32>
          %sub3A_730 = arith.subf %min3A_724, %convert_element_type3A_729 : vector<16xf32>
          %add3A_731 = arith.constant 1 : i32
          %add3A_732 = vector.broadcast %add3A_731 : i32 to vector<16xi32>
          %add3A_733 = arith.addi %convert_element_type3A_725, %add3A_732 : vector<16xi32>
          %min3A_734 = arith.constant 63 : i32
          %min3A_735 = vector.broadcast %min3A_734 : i32 to vector<16xi32>
          %min3A_736 = arith.minsi %add3A_733, %min3A_735 : vector<16xi32>
          %add3A_737 = arith.constant 1 : i32
          %add3A_738 = vector.broadcast %add3A_737 : i32 to vector<16xi32>
          %add3A_739 = arith.addi %convert_element_type3A_726, %add3A_738 : vector<16xi32>
          %min3A_740 = arith.constant 63 : i32
          %min3A_741 = vector.broadcast %min3A_740 : i32 to vector<16xi32>
          %min3A_742 = arith.minsi %add3A_739, %min3A_741 : vector<16xi32>
          %mul3A_743 = arith.constant 4096 : i32
          %mul3A_744 = arith.muli %rem3A_1, %mul3A_743 : i32
          %mul3A_745 = arith.constant 64 : i32
          %mul3A_746 = vector.broadcast %mul3A_745 : i32 to vector<16xi32>
          %mul3A_747 = arith.muli %convert_element_type3A_726, %mul3A_746 : vector<16xi32>
          %add3A_748 = vector.broadcast %mul3A_744 : i32 to vector<16xi32>
          %add3A_749 = arith.addi %add3A_748, %mul3A_747 : vector<16xi32>
          %mul3A_750 = arith.constant 64 : i32
          %mul3A_751 = vector.broadcast %mul3A_750 : i32 to vector<16xi32>
          %mul3A_752 = arith.muli %min3A_742, %mul3A_751 : vector<16xi32>
          %add3A_753 = vector.broadcast %mul3A_744 : i32 to vector<16xi32>
          %add3A_754 = arith.addi %add3A_753, %mul3A_752 : vector<16xi32>
          %add3A_755 = arith.addi %add3A_749, %convert_element_type3A_725 : vector<16xi32>
          %add3A_756 = arith.constant 256 : i32
          %add3A_757 = arith.addi %add3A_756, %mul3A_514 : i32
          %swap3A_758 = arith.index_cast %add3A_757 : i32 to index
          %swap3A_759 = tpu.vector_load %arg11[%swap3A_758] {strides = array<i32>} : memref<2048xi32, #tpu.memory_space<vmem>>, vector<16xi32>,
          tpu.vector_store %arg11[%swap3A_758], %add3A_755 {strides = array<i32>} : memref<2048xi32, #tpu.memory_space<vmem>>, vector<16xi32>,
          %add3A_760 = arith.addi %add3A_749, %min3A_736 : vector<16xi32>
          %add3A_761 = arith.constant 320 : i32
          %add3A_762 = arith.addi %add3A_761, %mul3A_514 : i32
          %swap3A_763 = arith.index_cast %add3A_762 : i32 to index
          %swap3A_764 = tpu.vector_load %arg11[%swap3A_763] {strides = array<i32>} : memref<2048xi32, #tpu.memory_space<vmem>>, vector<16xi32>,
          tpu.vector_store %arg11[%swap3A_763], %add3A_760 {strides = array<i32>} : memref<2048xi32, #tpu.memory_space<vmem>>, vector<16xi32>,
          %add3A_765 = arith.addi %add3A_754, %convert_element_type3A_725 : vector<16xi32>
          %add3A_766 = arith.constant 384 : i32
          %add3A_767 = arith.addi %add3A_766, %mul3A_514 : i32
          %swap3A_768 = arith.index_cast %add3A_767 : i32 to index
          %swap3A_769 = tpu.vector_load %arg11[%swap3A_768] {strides = array<i32>} : memref<2048xi32, #tpu.memory_space<vmem>>, vector<16xi32>,
          tpu.vector_store %arg11[%swap3A_768], %add3A_765 {strides = array<i32>} : memref<2048xi32, #tpu.memory_space<vmem>>, vector<16xi32>,
          %add3A_770 = arith.addi %add3A_754, %min3A_736 : vector<16xi32>
          %add3A_771 = arith.constant 448 : i32
          %add3A_772 = arith.addi %add3A_771, %mul3A_514 : i32
          %swap3A_773 = arith.index_cast %add3A_772 : i32 to index
          %swap3A_774 = tpu.vector_load %arg11[%swap3A_773] {strides = array<i32>} : memref<2048xi32, #tpu.memory_space<vmem>>, vector<16xi32>,
          tpu.vector_store %arg11[%swap3A_773], %add3A_770 {strides = array<i32>} : memref<2048xi32, #tpu.memory_space<vmem>>, vector<16xi32>,
          %sub3A_775 = arith.constant 1.000000e+00 : f32
          %sub3A_776 = vector.broadcast %sub3A_775 : f32 to vector<16xf32>
          %sub3A_777 = arith.subf %sub3A_776, %sub3A_728 : vector<16xf32>
          %sub3A_778 = arith.constant 1.000000e+00 : f32
          %sub3A_779 = vector.broadcast %sub3A_778 : f32 to vector<16xf32>
          %sub3A_780 = arith.subf %sub3A_779, %sub3A_730 : vector<16xf32>
          %mul3A_781 = arith.mulf %sub3A_777, %sub3A_780 : vector<16xf32>
          %add3A_782 = arith.constant 256 : i32
          %add3A_783 = arith.addi %add3A_782, %mul3A_514 : i32
          %swap3A_784 = arith.index_cast %add3A_783 : i32 to index
          %swap3A_785 = tpu.vector_load %arg12[%swap3A_784] {strides = array<i32>} : memref<2048xf32, #tpu.memory_space<vmem>>, vector<16xf32>,
          tpu.vector_store %arg12[%swap3A_784], %mul3A_781 {strides = array<i32>} : memref<2048xf32, #tpu.memory_space<vmem>>, vector<16xf32>,
          %sub3A_786 = arith.constant 1.000000e+00 : f32
          %sub3A_787 = vector.broadcast %sub3A_786 : f32 to vector<16xf32>
          %sub3A_788 = arith.subf %sub3A_787, %sub3A_730 : vector<16xf32>
          %mul3A_789 = arith.mulf %sub3A_728, %sub3A_788 : vector<16xf32>
          %add3A_790 = arith.constant 320 : i32
          %add3A_791 = arith.addi %add3A_790, %mul3A_514 : i32
          %swap3A_792 = arith.index_cast %add3A_791 : i32 to index
          %swap3A_793 = tpu.vector_load %arg12[%swap3A_792] {strides = array<i32>} : memref<2048xf32, #tpu.memory_space<vmem>>, vector<16xf32>,
          tpu.vector_store %arg12[%swap3A_792], %mul3A_789 {strides = array<i32>} : memref<2048xf32, #tpu.memory_space<vmem>>, vector<16xf32>,
          %sub3A_794 = arith.constant 1.000000e+00 : f32
          %sub3A_795 = vector.broadcast %sub3A_794 : f32 to vector<16xf32>
          %sub3A_796 = arith.subf %sub3A_795, %sub3A_728 : vector<16xf32>
          %mul3A_797 = arith.mulf %sub3A_796, %sub3A_730 : vector<16xf32>
          %add3A_798 = arith.constant 384 : i32
          %add3A_799 = arith.addi %add3A_798, %mul3A_514 : i32
          %swap3A_800 = arith.index_cast %add3A_799 : i32 to index
          %swap3A_801 = tpu.vector_load %arg12[%swap3A_800] {strides = array<i32>} : memref<2048xf32, #tpu.memory_space<vmem>>, vector<16xf32>,
          tpu.vector_store %arg12[%swap3A_800], %mul3A_797 {strides = array<i32>} : memref<2048xf32, #tpu.memory_space<vmem>>, vector<16xf32>,
          %mul3A_802 = arith.mulf %sub3A_728, %sub3A_730 : vector<16xf32>
          %add3A_803 = arith.constant 448 : i32
          %add3A_804 = arith.addi %add3A_803, %mul3A_514 : i32
          %swap3A_805 = arith.index_cast %add3A_804 : i32 to index
          %swap3A_806 = tpu.vector_load %arg12[%swap3A_805] {strides = array<i32>} : memref<2048xf32, #tpu.memory_space<vmem>>, vector<16xf32>,
          tpu.vector_store %arg12[%swap3A_805], %mul3A_802 {strides = array<i32>} : memref<2048xf32, #tpu.memory_space<vmem>>, vector<16xf32>,
          %add3A_807 = arith.constant 1.000000e+00 : f32
          %add3A_808 = vector.broadcast %add3A_807 : f32 to vector<16xf32>
          %add3A_809 = arith.addf %add3A_579, %add3A_808 : vector<16xf32>
          %mul3A_810 = arith.constant 5.000000e-01 : f32
          %mul3A_811 = vector.broadcast %mul3A_810 : f32 to vector<16xf32>
          %mul3A_812 = arith.mulf %add3A_809, %mul3A_811 : vector<16xf32>
          %mul3A_813 = arith.constant 3.100000e+01 : f32
          %mul3A_814 = vector.broadcast %mul3A_813 : f32 to vector<16xf32>
          %mul3A_815 = arith.mulf %mul3A_812, %mul3A_814 : vector<16xf32>
          %jit3A_816 = arith.constant 0.000000e+00 : f32
          %jit3A_817 = arith.constant 3.100000e+01 : f32
          %max3A_818 = vector.broadcast %jit3A_816 : f32 to vector<16xf32>
          %max3A_819 = arith.maximumf %max3A_818, %mul3A_815 : vector<16xf32>
          %min3A_820 = vector.broadcast %jit3A_817 : f32 to vector<16xf32>
          %min3A_821 = arith.minimumf %min3A_820, %max3A_819 : vector<16xf32>
          %add3A_822 = arith.constant 1.000000e+00 : f32
          %add3A_823 = vector.broadcast %add3A_822 : f32 to vector<16xf32>
          %add3A_824 = arith.addf %add3A_587, %add3A_823 : vector<16xf32>
          %mul3A_825 = arith.constant 5.000000e-01 : f32
          %mul3A_826 = vector.broadcast %mul3A_825 : f32 to vector<16xf32>
          %mul3A_827 = arith.mulf %add3A_824, %mul3A_826 : vector<16xf32>
          %mul3A_828 = arith.constant 3.100000e+01 : f32
          %mul3A_829 = vector.broadcast %mul3A_828 : f32 to vector<16xf32>
          %mul3A_830 = arith.mulf %mul3A_827, %mul3A_829 : vector<16xf32>
          %jit3A_831 = arith.constant 0.000000e+00 : f32
          %jit3A_832 = arith.constant 3.100000e+01 : f32
          %max3A_833 = vector.broadcast %jit3A_831 : f32 to vector<16xf32>
          %max3A_834 = arith.maximumf %max3A_833, %mul3A_830 : vector<16xf32>
          %min3A_835 = vector.broadcast %jit3A_832 : f32 to vector<16xf32>
          %min3A_836 = arith.minimumf %min3A_835, %max3A_834 : vector<16xf32>
          %convert_element_type3A_837 = arith.fptosi %min3A_821 : vector<16xf32> to vector<16xi32>
          %convert_element_type3A_838 = arith.fptosi %min3A_836 : vector<16xf32> to vector<16xi32>
          %convert_element_type3A_839 = arith.sitofp %convert_element_type3A_837 : vector<16xi32> to vector<16xf32>
          %sub3A_840 = arith.subf %min3A_821, %convert_element_type3A_839 : vector<16xf32>
          %convert_element_type3A_841 = arith.sitofp %convert_element_type3A_838 : vector<16xi32> to vector<16xf32>
          %sub3A_842 = arith.subf %min3A_836, %convert_element_type3A_841 : vector<16xf32>
          %add3A_843 = arith.constant 1 : i32
          %add3A_844 = vector.broadcast %add3A_843 : i32 to vector<16xi32>
          %add3A_845 = arith.addi %convert_element_type3A_837, %add3A_844 : vector<16xi32>
          %min3A_846 = arith.constant 31 : i32
          %min3A_847 = vector.broadcast %min3A_846 : i32 to vector<16xi32>
          %min3A_848 = arith.minsi %add3A_845, %min3A_847 : vector<16xi32>
          %add3A_849 = arith.constant 1 : i32
          %add3A_850 = vector.broadcast %add3A_849 : i32 to vector<16xi32>
          %add3A_851 = arith.addi %convert_element_type3A_838, %add3A_850 : vector<16xi32>
          %min3A_852 = arith.constant 31 : i32
          %min3A_853 = vector.broadcast %min3A_852 : i32 to vector<16xi32>
          %min3A_854 = arith.minsi %add3A_851, %min3A_853 : vector<16xi32>
          %mul3A_855 = arith.constant 32 : i32
          %mul3A_856 = vector.broadcast %mul3A_855 : i32 to vector<16xi32>
          %mul3A_857 = arith.muli %convert_element_type3A_838, %mul3A_856 : vector<16xi32>
          %add3A_858 = arith.constant 0 : i32
          %add3A_859 = vector.broadcast %add3A_858 : i32 to vector<16xi32>
          %add3A_860 = arith.addi %add3A_859, %mul3A_857 : vector<16xi32>
          %mul3A_861 = arith.constant 32 : i32
          %mul3A_862 = vector.broadcast %mul3A_861 : i32 to vector<16xi32>
          %mul3A_863 = arith.muli %min3A_854, %mul3A_862 : vector<16xi32>
          %add3A_864 = arith.constant 0 : i32
          %add3A_865 = vector.broadcast %add3A_864 : i32 to vector<16xi32>
          %add3A_866 = arith.addi %add3A_865, %mul3A_863 : vector<16xi32>
          %add3A_867 = arith.addi %add3A_860, %convert_element_type3A_837 : vector<16xi32>
          %add3A_868 = arith.constant 512 : i32
          %add3A_869 = arith.addi %add3A_868, %mul3A_514 : i32
          %swap3A_870 = arith.index_cast %add3A_869 : i32 to index
          %swap3A_871 = tpu.vector_load %arg11[%swap3A_870] {strides = array<i32>} : memref<2048xi32, #tpu.memory_space<vmem>>, vector<16xi32>,
          tpu.vector_store %arg11[%swap3A_870], %add3A_867 {strides = array<i32>} : memref<2048xi32, #tpu.memory_space<vmem>>, vector<16xi32>,
          %add3A_872 = arith.addi %add3A_860, %min3A_848 : vector<16xi32>
          %add3A_873 = arith.constant 576 : i32
          %add3A_874 = arith.addi %add3A_873, %mul3A_514 : i32
          %swap3A_875 = arith.index_cast %add3A_874 : i32 to index
          %swap3A_876 = tpu.vector_load %arg11[%swap3A_875] {strides = array<i32>} : memref<2048xi32, #tpu.memory_space<vmem>>, vector<16xi32>,
          tpu.vector_store %arg11[%swap3A_875], %add3A_872 {strides = array<i32>} : memref<2048xi32, #tpu.memory_space<vmem>>, vector<16xi32>,
          %add3A_877 = arith.addi %add3A_866, %convert_element_type3A_837 : vector<16xi32>
          %add3A_878 = arith.constant 640 : i32
          %add3A_879 = arith.addi %add3A_878, %mul3A_514 : i32
          %swap3A_880 = arith.index_cast %add3A_879 : i32 to index
          %swap3A_881 = tpu.vector_load %arg11[%swap3A_880] {strides = array<i32>} : memref<2048xi32, #tpu.memory_space<vmem>>, vector<16xi32>,
          tpu.vector_store %arg11[%swap3A_880], %add3A_877 {strides = array<i32>} : memref<2048xi32, #tpu.memory_space<vmem>>, vector<16xi32>,
          %add3A_882 = arith.addi %add3A_866, %min3A_848 : vector<16xi32>
          %add3A_883 = arith.constant 704 : i32
          %add3A_884 = arith.addi %add3A_883, %mul3A_514 : i32
          %swap3A_885 = arith.index_cast %add3A_884 : i32 to index
          %swap3A_886 = tpu.vector_load %arg11[%swap3A_885] {strides = array<i32>} : memref<2048xi32, #tpu.memory_space<vmem>>, vector<16xi32>,
          tpu.vector_store %arg11[%swap3A_885], %add3A_882 {strides = array<i32>} : memref<2048xi32, #tpu.memory_space<vmem>>, vector<16xi32>,
          %sub3A_887 = arith.constant 1.000000e+00 : f32
          %sub3A_888 = vector.broadcast %sub3A_887 : f32 to vector<16xf32>
          %sub3A_889 = arith.subf %sub3A_888, %sub3A_840 : vector<16xf32>
          %sub3A_890 = arith.constant 1.000000e+00 : f32
          %sub3A_891 = vector.broadcast %sub3A_890 : f32 to vector<16xf32>
          %sub3A_892 = arith.subf %sub3A_891, %sub3A_842 : vector<16xf32>
          %mul3A_893 = arith.mulf %sub3A_889, %sub3A_892 : vector<16xf32>
          %add3A_894 = arith.constant 512 : i32
          %add3A_895 = arith.addi %add3A_894, %mul3A_514 : i32
          %swap3A_896 = arith.index_cast %add3A_895 : i32 to index
          %swap3A_897 = tpu.vector_load %arg12[%swap3A_896] {strides = array<i32>} : memref<2048xf32, #tpu.memory_space<vmem>>, vector<16xf32>,
          tpu.vector_store %arg12[%swap3A_896], %mul3A_893 {strides = array<i32>} : memref<2048xf32, #tpu.memory_space<vmem>>, vector<16xf32>,
          %sub3A_898 = arith.constant 1.000000e+00 : f32
          %sub3A_899 = vector.broadcast %sub3A_898 : f32 to vector<16xf32>
          %sub3A_900 = arith.subf %sub3A_899, %sub3A_842 : vector<16xf32>
          %mul3A_901 = arith.mulf %sub3A_840, %sub3A_900 : vector<16xf32>
          %add3A_902 = arith.constant 576 : i32
          %add3A_903 = arith.addi %add3A_902, %mul3A_514 : i32
          %swap3A_904 = arith.index_cast %add3A_903 : i32 to index
          %swap3A_905 = tpu.vector_load %arg12[%swap3A_904] {strides = array<i32>} : memref<2048xf32, #tpu.memory_space<vmem>>, vector<16xf32>,
          tpu.vector_store %arg12[%swap3A_904], %mul3A_901 {strides = array<i32>} : memref<2048xf32, #tpu.memory_space<vmem>>, vector<16xf32>,
          %sub3A_906 = arith.constant 1.000000e+00 : f32
          %sub3A_907 = vector.broadcast %sub3A_906 : f32 to vector<16xf32>
          %sub3A_908 = arith.subf %sub3A_907, %sub3A_840 : vector<16xf32>
          %mul3A_909 = arith.mulf %sub3A_908, %sub3A_842 : vector<16xf32>
          %add3A_910 = arith.constant 640 : i32
          %add3A_911 = arith.addi %add3A_910, %mul3A_514 : i32
          %swap3A_912 = arith.index_cast %add3A_911 : i32 to index
          %swap3A_913 = tpu.vector_load %arg12[%swap3A_912] {strides = array<i32>} : memref<2048xf32, #tpu.memory_space<vmem>>, vector<16xf32>,
          tpu.vector_store %arg12[%swap3A_912], %mul3A_909 {strides = array<i32>} : memref<2048xf32, #tpu.memory_space<vmem>>, vector<16xf32>,
          %mul3A_914 = arith.mulf %sub3A_840, %sub3A_842 : vector<16xf32>
          %add3A_915 = arith.constant 704 : i32
          %add3A_916 = arith.addi %add3A_915, %mul3A_514 : i32
          %swap3A_917 = arith.index_cast %add3A_916 : i32 to index
          %swap3A_918 = tpu.vector_load %arg12[%swap3A_917] {strides = array<i32>} : memref<2048xf32, #tpu.memory_space<vmem>>, vector<16xf32>,
          tpu.vector_store %arg12[%swap3A_917], %mul3A_914 {strides = array<i32>} : memref<2048xf32, #tpu.memory_space<vmem>>, vector<16xf32>,
          %add3A_919 = arith.constant 1.000000e+00 : f32
          %add3A_920 = vector.broadcast %add3A_919 : f32 to vector<16xf32>
          %add3A_921 = arith.addf %add3A_579, %add3A_920 : vector<16xf32>
          %mul3A_922 = arith.constant 5.000000e-01 : f32
          %mul3A_923 = vector.broadcast %mul3A_922 : f32 to vector<16xf32>
          %mul3A_924 = arith.mulf %add3A_921, %mul3A_923 : vector<16xf32>
          %mul3A_925 = arith.constant 1.500000e+01 : f32
          %mul3A_926 = vector.broadcast %mul3A_925 : f32 to vector<16xf32>
          %mul3A_927 = arith.mulf %mul3A_924, %mul3A_926 : vector<16xf32>
          %jit3A_928 = arith.constant 0.000000e+00 : f32
          %jit3A_929 = arith.constant 1.500000e+01 : f32
          %max3A_930 = vector.broadcast %jit3A_928 : f32 to vector<16xf32>
          %max3A_931 = arith.maximumf %max3A_930, %mul3A_927 : vector<16xf32>
          %min3A_932 = vector.broadcast %jit3A_929 : f32 to vector<16xf32>
          %min3A_933 = arith.minimumf %min3A_932, %max3A_931 : vector<16xf32>
          %add3A_934 = arith.constant 1.000000e+00 : f32
          %add3A_935 = vector.broadcast %add3A_934 : f32 to vector<16xf32>
          %add3A_936 = arith.addf %add3A_587, %add3A_935 : vector<16xf32>
          %mul3A_937 = arith.constant 5.000000e-01 : f32
          %mul3A_938 = vector.broadcast %mul3A_937 : f32 to vector<16xf32>
          %mul3A_939 = arith.mulf %add3A_936, %mul3A_938 : vector<16xf32>
          %mul3A_940 = arith.constant 1.500000e+01 : f32
          %mul3A_941 = vector.broadcast %mul3A_940 : f32 to vector<16xf32>
          %mul3A_942 = arith.mulf %mul3A_939, %mul3A_941 : vector<16xf32>
          %jit3A_943 = arith.constant 0.000000e+00 : f32
          %jit3A_944 = arith.constant 1.500000e+01 : f32
          %max3A_945 = vector.broadcast %jit3A_943 : f32 to vector<16xf32>
          %max3A_946 = arith.maximumf %max3A_945, %mul3A_942 : vector<16xf32>
          %min3A_947 = vector.broadcast %jit3A_944 : f32 to vector<16xf32>
          %min3A_948 = arith.minimumf %min3A_947, %max3A_946 : vector<16xf32>
          %convert_element_type3A_949 = arith.fptosi %min3A_933 : vector<16xf32> to vector<16xi32>
          %convert_element_type3A_950 = arith.fptosi %min3A_948 : vector<16xf32> to vector<16xi32>
          %convert_element_type3A_951 = arith.sitofp %convert_element_type3A_949 : vector<16xi32> to vector<16xf32>
          %sub3A_952 = arith.subf %min3A_933, %convert_element_type3A_951 : vector<16xf32>
          %convert_element_type3A_953 = arith.sitofp %convert_element_type3A_950 : vector<16xi32> to vector<16xf32>
          %sub3A_954 = arith.subf %min3A_948, %convert_element_type3A_953 : vector<16xf32>
          %add3A_955 = arith.constant 1 : i32
          %add3A_956 = vector.broadcast %add3A_955 : i32 to vector<16xi32>
          %add3A_957 = arith.addi %convert_element_type3A_949, %add3A_956 : vector<16xi32>
          %min3A_958 = arith.constant 15 : i32
          %min3A_959 = vector.broadcast %min3A_958 : i32 to vector<16xi32>
          %min3A_960 = arith.minsi %add3A_957, %min3A_959 : vector<16xi32>
          %add3A_961 = arith.constant 1 : i32
          %add3A_962 = vector.broadcast %add3A_961 : i32 to vector<16xi32>
          %add3A_963 = arith.addi %convert_element_type3A_950, %add3A_962 : vector<16xi32>
          %min3A_964 = arith.constant 15 : i32
          %min3A_965 = vector.broadcast %min3A_964 : i32 to vector<16xi32>
          %min3A_966 = arith.minsi %add3A_963, %min3A_965 : vector<16xi32>
          %mul3A_967 = arith.constant 16 : i32
          %mul3A_968 = vector.broadcast %mul3A_967 : i32 to vector<16xi32>
          %mul3A_969 = arith.muli %convert_element_type3A_950, %mul3A_968 : vector<16xi32>
          %add3A_970 = arith.constant 0 : i32
          %add3A_971 = vector.broadcast %add3A_970 : i32 to vector<16xi32>
          %add3A_972 = arith.addi %add3A_971, %mul3A_969 : vector<16xi32>
          %mul3A_973 = arith.constant 16 : i32
          %mul3A_974 = vector.broadcast %mul3A_973 : i32 to vector<16xi32>
          %mul3A_975 = arith.muli %min3A_966, %mul3A_974 : vector<16xi32>
          %add3A_976 = arith.constant 0 : i32
          %add3A_977 = vector.broadcast %add3A_976 : i32 to vector<16xi32>
          %add3A_978 = arith.addi %add3A_977, %mul3A_975 : vector<16xi32>
          %add3A_979 = arith.addi %add3A_972, %convert_element_type3A_949 : vector<16xi32>
          %add3A_980 = arith.constant 768 : i32
          %add3A_981 = arith.addi %add3A_980, %mul3A_514 : i32
          %swap3A_982 = arith.index_cast %add3A_981 : i32 to index
          %swap3A_983 = tpu.vector_load %arg11[%swap3A_982] {strides = array<i32>} : memref<2048xi32, #tpu.memory_space<vmem>>, vector<16xi32>,
          tpu.vector_store %arg11[%swap3A_982], %add3A_979 {strides = array<i32>} : memref<2048xi32, #tpu.memory_space<vmem>>, vector<16xi32>,
          %add3A_984 = arith.addi %add3A_972, %min3A_960 : vector<16xi32>
          %add3A_985 = arith.constant 832 : i32
          %add3A_986 = arith.addi %add3A_985, %mul3A_514 : i32
          %swap3A_987 = arith.index_cast %add3A_986 : i32 to index
          %swap3A_988 = tpu.vector_load %arg11[%swap3A_987] {strides = array<i32>} : memref<2048xi32, #tpu.memory_space<vmem>>, vector<16xi32>,
          tpu.vector_store %arg11[%swap3A_987], %add3A_984 {strides = array<i32>} : memref<2048xi32, #tpu.memory_space<vmem>>, vector<16xi32>,
          %add3A_989 = arith.addi %add3A_978, %convert_element_type3A_949 : vector<16xi32>
          %add3A_990 = arith.constant 896 : i32
          %add3A_991 = arith.addi %add3A_990, %mul3A_514 : i32
          %swap3A_992 = arith.index_cast %add3A_991 : i32 to index
          %swap3A_993 = tpu.vector_load %arg11[%swap3A_992] {strides = array<i32>} : memref<2048xi32, #tpu.memory_space<vmem>>, vector<16xi32>,
          tpu.vector_store %arg11[%swap3A_992], %add3A_989 {strides = array<i32>} : memref<2048xi32, #tpu.memory_space<vmem>>, vector<16xi32>,
          %add3A_994 = arith.addi %add3A_978, %min3A_960 : vector<16xi32>
          %add3A_995 = arith.constant 960 : i32
          %add3A_996 = arith.addi %add3A_995, %mul3A_514 : i32
          %swap3A_997 = arith.index_cast %add3A_996 : i32 to index
          %swap3A_998 = tpu.vector_load %arg11[%swap3A_997] {strides = array<i32>} : memref<2048xi32, #tpu.memory_space<vmem>>, vector<16xi32>,
          tpu.vector_store %arg11[%swap3A_997], %add3A_994 {strides = array<i32>} : memref<2048xi32, #tpu.memory_space<vmem>>, vector<16xi32>,
          %sub3A_999 = arith.constant 1.000000e+00 : f32
          %sub3A_1000 = vector.broadcast %sub3A_999 : f32 to vector<16xf32>
          %sub3A_1001 = arith.subf %sub3A_1000, %sub3A_952 : vector<16xf32>
          %sub3A_1002 = arith.constant 1.000000e+00 : f32
          %sub3A_1003 = vector.broadcast %sub3A_1002 : f32 to vector<16xf32>
          %sub3A_1004 = arith.subf %sub3A_1003, %sub3A_954 : vector<16xf32>
          %mul3A_1005 = arith.mulf %sub3A_1001, %sub3A_1004 : vector<16xf32>
          %add3A_1006 = arith.constant 768 : i32
          %add3A_1007 = arith.addi %add3A_1006, %mul3A_514 : i32
          %swap3A_1008 = arith.index_cast %add3A_1007 : i32 to index
          %swap3A_1009 = tpu.vector_load %arg12[%swap3A_1008] {strides = array<i32>} : memref<2048xf32, #tpu.memory_space<vmem>>, vector<16xf32>,
          tpu.vector_store %arg12[%swap3A_1008], %mul3A_1005 {strides = array<i32>} : memref<2048xf32, #tpu.memory_space<vmem>>, vector<16xf32>,
          %sub3A_1010 = arith.constant 1.000000e+00 : f32
          %sub3A_1011 = vector.broadcast %sub3A_1010 : f32 to vector<16xf32>
          %sub3A_1012 = arith.subf %sub3A_1011, %sub3A_954 : vector<16xf32>
          %mul3A_1013 = arith.mulf %sub3A_952, %sub3A_1012 : vector<16xf32>
          %add3A_1014 = arith.constant 832 : i32
          %add3A_1015 = arith.addi %add3A_1014, %mul3A_514 : i32
          %swap3A_1016 = arith.index_cast %add3A_1015 : i32 to index
          %swap3A_1017 = tpu.vector_load %arg12[%swap3A_1016] {strides = array<i32>} : memref<2048xf32, #tpu.memory_space<vmem>>, vector<16xf32>,
          tpu.vector_store %arg12[%swap3A_1016], %mul3A_1013 {strides = array<i32>} : memref<2048xf32, #tpu.memory_space<vmem>>, vector<16xf32>,
          %sub3A_1018 = arith.constant 1.000000e+00 : f32
          %sub3A_1019 = vector.broadcast %sub3A_1018 : f32 to vector<16xf32>
          %sub3A_1020 = arith.subf %sub3A_1019, %sub3A_952 : vector<16xf32>
          %mul3A_1021 = arith.mulf %sub3A_1020, %sub3A_954 : vector<16xf32>
          %add3A_1022 = arith.constant 896 : i32
          %add3A_1023 = arith.addi %add3A_1022, %mul3A_514 : i32
          %swap3A_1024 = arith.index_cast %add3A_1023 : i32 to index
          %swap3A_1025 = tpu.vector_load %arg12[%swap3A_1024] {strides = array<i32>} : memref<2048xf32, #tpu.memory_space<vmem>>, vector<16xf32>,
          tpu.vector_store %arg12[%swap3A_1024], %mul3A_1021 {strides = array<i32>} : memref<2048xf32, #tpu.memory_space<vmem>>, vector<16xf32>,
          %mul3A_1026 = arith.mulf %sub3A_952, %sub3A_954 : vector<16xf32>
          %add3A_1027 = arith.constant 960 : i32
          %add3A_1028 = arith.addi %add3A_1027, %mul3A_514 : i32
          %swap3A_1029 = arith.index_cast %add3A_1028 : i32 to index
          %swap3A_1030 = tpu.vector_load %arg12[%swap3A_1029] {strides = array<i32>} : memref<2048xf32, #tpu.memory_space<vmem>>, vector<16xf32>,
          tpu.vector_store %arg12[%swap3A_1029], %mul3A_1026 {strides = array<i32>} : memref<2048xf32, #tpu.memory_space<vmem>>, vector<16xf32>,
        }
        %scan3A_420 = arith.constant 4 : i32
        %dma_start3A_421 = arith.constant 0 : i32
        %dma_start3A_422 = arith.constant 0 : i32
        %dma_start3A_423 = arith.constant 0 : i32
        %dma_start3A_424 = arith.constant 0 : i32
        %dma_start3A_425 = tpu.memref_slice %arg13[%dma_start3A_421, %dma_start3A_422, %dma_start3A_423, %dma_start3A_424] : memref<2x8x64x32xf32, #tpu.memory_space<vmem>> -> memref<1x1x64x32xf32, #tpu.memory_space<vmem>>
        %dma_start3A_426 = tpu.memref_squeeze %dma_start3A_425 : memref<1x1x64x32xf32, #tpu.memory_space<vmem>> -> memref<64x32xf32, #tpu.memory_space<vmem>>
        %dma_start3A_427 = arith.constant 0 : i32
        %dma_start3A_428 = tpu.memref_slice %arg11[%dma_start3A_427] : memref<2048xi32, #tpu.memory_space<vmem>> -> memref<64xi32, #tpu.memory_space<vmem>>
        %dma_start3A_429 = arith.constant 0 : i32
        %dma_start3A_430 = arith.constant 0 : i32
        %dma_start3A_431 = tpu.memref_slice %arg4[%dma_start3A_429, %dma_start3A_430] : memref<262144x32xf32, #tpu.memory_space<hbm>> -> memref<262144x32xf32, #tpu.memory_space<hbm>>
        tpu.enqueue_indirect_dma source(%dma_start3A_431 : memref<262144x32xf32, #tpu.memory_space<hbm>>) target(%dma_start3A_426 : memref<64x32xf32, #tpu.memory_space<vmem>>) offsets(%dma_start3A_428 : memref<64xi32, #tpu.memory_space<vmem>>) semaphore(%arg17 : memref<!tpu.dma_semaphore, #tpu.memory_space<semaphore_mem>>)
        %dma_start3A_432 = arith.constant 0 : i32
        %dma_start3A_433 = arith.constant 1 : i32
        %dma_start3A_434 = arith.constant 0 : i32
        %dma_start3A_435 = arith.constant 0 : i32
        %dma_start3A_436 = tpu.memref_slice %arg13[%dma_start3A_432, %dma_start3A_433, %dma_start3A_434, %dma_start3A_435] : memref<2x8x64x32xf32, #tpu.memory_space<vmem>> -> memref<1x1x64x32xf32, #tpu.memory_space<vmem>>
        %dma_start3A_437 = tpu.memref_squeeze %dma_start3A_436 : memref<1x1x64x32xf32, #tpu.memory_space<vmem>> -> memref<64x32xf32, #tpu.memory_space<vmem>>
        %dma_start3A_438 = arith.constant 64 : i32
        %dma_start3A_439 = tpu.memref_slice %arg11[%dma_start3A_438] : memref<2048xi32, #tpu.memory_space<vmem>> -> memref<64xi32, #tpu.memory_space<vmem>>
        %dma_start3A_440 = arith.constant 0 : i32
        %dma_start3A_441 = arith.constant 0 : i32
        %dma_start3A_442 = tpu.memref_slice %arg4[%dma_start3A_440, %dma_start3A_441] : memref<262144x32xf32, #tpu.memory_space<hbm>> -> memref<262144x32xf32, #tpu.memory_space<hbm>>
        tpu.enqueue_indirect_dma source(%dma_start3A_442 : memref<262144x32xf32, #tpu.memory_space<hbm>>) target(%dma_start3A_437 : memref<64x32xf32, #tpu.memory_space<vmem>>) offsets(%dma_start3A_439 : memref<64xi32, #tpu.memory_space<vmem>>) semaphore(%arg17 : memref<!tpu.dma_semaphore, #tpu.memory_space<semaphore_mem>>)
        %dma_start3A_443 = arith.constant 0 : i32
        %dma_start3A_444 = arith.constant 2 : i32
        %dma_start3A_445 = arith.constant 0 : i32
        %dma_start3A_446 = arith.constant 0 : i32
        %dma_start3A_447 = tpu.memref_slice %arg13[%dma_start3A_443, %dma_start3A_444, %dma_start3A_445, %dma_start3A_446] : memref<2x8x64x32xf32, #tpu.memory_space<vmem>> -> memref<1x1x64x32xf32, #tpu.memory_space<vmem>>
        %dma_start3A_448 = tpu.memref_squeeze %dma_start3A_447 : memref<1x1x64x32xf32, #tpu.memory_space<vmem>> -> memref<64x32xf32, #tpu.memory_space<vmem>>
        %dma_start3A_449 = arith.constant 128 : i32
        %dma_start3A_450 = tpu.memref_slice %arg11[%dma_start3A_449] : memref<2048xi32, #tpu.memory_space<vmem>> -> memref<64xi32, #tpu.memory_space<vmem>>
        %dma_start3A_451 = arith.constant 0 : i32
        %dma_start3A_452 = arith.constant 0 : i32
        %dma_start3A_453 = tpu.memref_slice %arg4[%dma_start3A_451, %dma_start3A_452] : memref<262144x32xf32, #tpu.memory_space<hbm>> -> memref<262144x32xf32, #tpu.memory_space<hbm>>
        tpu.enqueue_indirect_dma source(%dma_start3A_453 : memref<262144x32xf32, #tpu.memory_space<hbm>>) target(%dma_start3A_448 : memref<64x32xf32, #tpu.memory_space<vmem>>) offsets(%dma_start3A_450 : memref<64xi32, #tpu.memory_space<vmem>>) semaphore(%arg17 : memref<!tpu.dma_semaphore, #tpu.memory_space<semaphore_mem>>)
        %dma_start3A_454 = arith.constant 0 : i32
        %dma_start3A_455 = arith.constant 3 : i32
        %dma_start3A_456 = arith.constant 0 : i32
        %dma_start3A_457 = arith.constant 0 : i32
        %dma_start3A_458 = tpu.memref_slice %arg13[%dma_start3A_454, %dma_start3A_455, %dma_start3A_456, %dma_start3A_457] : memref<2x8x64x32xf32, #tpu.memory_space<vmem>> -> memref<1x1x64x32xf32, #tpu.memory_space<vmem>>
        %dma_start3A_459 = tpu.memref_squeeze %dma_start3A_458 : memref<1x1x64x32xf32, #tpu.memory_space<vmem>> -> memref<64x32xf32, #tpu.memory_space<vmem>>
        %dma_start3A_460 = arith.constant 192 : i32
        %dma_start3A_461 = tpu.memref_slice %arg11[%dma_start3A_460] : memref<2048xi32, #tpu.memory_space<vmem>> -> memref<64xi32, #tpu.memory_space<vmem>>
        %dma_start3A_462 = arith.constant 0 : i32
        %dma_start3A_463 = arith.constant 0 : i32
        %dma_start3A_464 = tpu.memref_slice %arg4[%dma_start3A_462, %dma_start3A_463] : memref<262144x32xf32, #tpu.memory_space<hbm>> -> memref<262144x32xf32, #tpu.memory_space<hbm>>
        tpu.enqueue_indirect_dma source(%dma_start3A_464 : memref<262144x32xf32, #tpu.memory_space<hbm>>) target(%dma_start3A_459 : memref<64x32xf32, #tpu.memory_space<vmem>>) offsets(%dma_start3A_461 : memref<64xi32, #tpu.memory_space<vmem>>) semaphore(%arg17 : memref<!tpu.dma_semaphore, #tpu.memory_space<semaphore_mem>>)
        %dma_start3A_465 = arith.constant 0 : i32
        %dma_start3A_466 = arith.constant 4 : i32
        %dma_start3A_467 = arith.constant 0 : i32
        %dma_start3A_468 = arith.constant 0 : i32
        %dma_start3A_469 = tpu.memref_slice %arg13[%dma_start3A_465, %dma_start3A_466, %dma_start3A_467, %dma_start3A_468] : memref<2x8x64x32xf32, #tpu.memory_space<vmem>> -> memref<1x1x64x32xf32, #tpu.memory_space<vmem>>
        %dma_start3A_470 = tpu.memref_squeeze %dma_start3A_469 : memref<1x1x64x32xf32, #tpu.memory_space<vmem>> -> memref<64x32xf32, #tpu.memory_space<vmem>>
        %dma_start3A_471 = arith.constant 256 : i32
        %dma_start3A_472 = tpu.memref_slice %arg11[%dma_start3A_471] : memref<2048xi32, #tpu.memory_space<vmem>> -> memref<64xi32, #tpu.memory_space<vmem>>
        %dma_start3A_473 = arith.constant 0 : i32
        %dma_start3A_474 = arith.constant 0 : i32
        %dma_start3A_475 = tpu.memref_slice %arg5[%dma_start3A_473, %dma_start3A_474] : memref<65536x32xf32, #tpu.memory_space<hbm>> -> memref<65536x32xf32, #tpu.memory_space<hbm>>
        tpu.enqueue_indirect_dma source(%dma_start3A_475 : memref<65536x32xf32, #tpu.memory_space<hbm>>) target(%dma_start3A_470 : memref<64x32xf32, #tpu.memory_space<vmem>>) offsets(%dma_start3A_472 : memref<64xi32, #tpu.memory_space<vmem>>) semaphore(%arg17 : memref<!tpu.dma_semaphore, #tpu.memory_space<semaphore_mem>>)
        %dma_start3A_476 = arith.constant 0 : i32
        %dma_start3A_477 = arith.constant 5 : i32
        %dma_start3A_478 = arith.constant 0 : i32
        %dma_start3A_479 = arith.constant 0 : i32
        %dma_start3A_480 = tpu.memref_slice %arg13[%dma_start3A_476, %dma_start3A_477, %dma_start3A_478, %dma_start3A_479] : memref<2x8x64x32xf32, #tpu.memory_space<vmem>> -> memref<1x1x64x32xf32, #tpu.memory_space<vmem>>
        %dma_start3A_481 = tpu.memref_squeeze %dma_start3A_480 : memref<1x1x64x32xf32, #tpu.memory_space<vmem>> -> memref<64x32xf32, #tpu.memory_space<vmem>>
        %dma_start3A_482 = arith.constant 320 : i32
        %dma_start3A_483 = tpu.memref_slice %arg11[%dma_start3A_482] : memref<2048xi32, #tpu.memory_space<vmem>> -> memref<64xi32, #tpu.memory_space<vmem>>
        %dma_start3A_484 = arith.constant 0 : i32
        %dma_start3A_485 = arith.constant 0 : i32
        %dma_start3A_486 = tpu.memref_slice %arg5[%dma_start3A_484, %dma_start3A_485] : memref<65536x32xf32, #tpu.memory_space<hbm>> -> memref<65536x32xf32, #tpu.memory_space<hbm>>
        tpu.enqueue_indirect_dma source(%dma_start3A_486 : memref<65536x32xf32, #tpu.memory_space<hbm>>) target(%dma_start3A_481 : memref<64x32xf32, #tpu.memory_space<vmem>>) offsets(%dma_start3A_483 : memref<64xi32, #tpu.memory_space<vmem>>) semaphore(%arg17 : memref<!tpu.dma_semaphore, #tpu.memory_space<semaphore_mem>>)
        %dma_start3A_487 = arith.constant 0 : i32
        %dma_start3A_488 = arith.constant 6 : i32
        %dma_start3A_489 = arith.constant 0 : i32
        %dma_start3A_490 = arith.constant 0 : i32
        %dma_start3A_491 = tpu.memref_slice %arg13[%dma_start3A_487, %dma_start3A_488, %dma_start3A_489, %dma_start3A_490] : memref<2x8x64x32xf32, #tpu.memory_space<vmem>> -> memref<1x1x64x32xf32, #tpu.memory_space<vmem>>
        %dma_start3A_492 = tpu.memref_squeeze %dma_start3A_491 : memref<1x1x64x32xf32, #tpu.memory_space<vmem>> -> memref<64x32xf32, #tpu.memory_space<vmem>>
        %dma_start3A_493 = arith.constant 384 : i32
        %dma_start3A_494 = tpu.memref_slice %arg11[%dma_start3A_493] : memref<2048xi32, #tpu.memory_space<vmem>> -> memref<64xi32, #tpu.memory_space<vmem>>
        %dma_start3A_495 = arith.constant 0 : i32
        %dma_start3A_496 = arith.constant 0 : i32
        %dma_start3A_497 = tpu.memref_slice %arg5[%dma_start3A_495, %dma_start3A_496] : memref<65536x32xf32, #tpu.memory_space<hbm>> -> memref<65536x32xf32, #tpu.memory_space<hbm>>
        tpu.enqueue_indirect_dma source(%dma_start3A_497 : memref<65536x32xf32, #tpu.memory_space<hbm>>) target(%dma_start3A_492 : memref<64x32xf32, #tpu.memory_space<vmem>>) offsets(%dma_start3A_494 : memref<64xi32, #tpu.memory_space<vmem>>) semaphore(%arg17 : memref<!tpu.dma_semaphore, #tpu.memory_space<semaphore_mem>>)
        %dma_start3A_498 = arith.constant 0 : i32
        %dma_start3A_499 = arith.constant 7 : i32
        %dma_start3A_500 = arith.constant 0 : i32
        %dma_start3A_501 = arith.constant 0 : i32
        %dma_start3A_502 = tpu.memref_slice %arg13[%dma_start3A_498, %dma_start3A_499, %dma_start3A_500, %dma_start3A_501] : memref<2x8x64x32xf32, #tpu.memory_space<vmem>> -> memref<1x1x64x32xf32, #tpu.memory_space<vmem>>
        %dma_start3A_503 = tpu.memref_squeeze %dma_start3A_502 : memref<1x1x64x32xf32, #tpu.memory_space<vmem>> -> memref<64x32xf32, #tpu.memory_space<vmem>>
        %dma_start3A_504 = arith.constant 448 : i32
        %dma_start3A_505 = tpu.memref_slice %arg11[%dma_start3A_504] : memref<2048xi32, #tpu.memory_space<vmem>> -> memref<64xi32, #tpu.memory_space<vmem>>
        %dma_start3A_506 = arith.constant 0 : i32
        %dma_start3A_507 = arith.constant 0 : i32
        %dma_start3A_508 = tpu.memref_slice %arg5[%dma_start3A_506, %dma_start3A_507] : memref<65536x32xf32, #tpu.memory_space<hbm>> -> memref<65536x32xf32, #tpu.memory_space<hbm>>
        tpu.enqueue_indirect_dma source(%dma_start3A_508 : memref<65536x32xf32, #tpu.memory_space<hbm>>) target(%dma_start3A_503 : memref<64x32xf32, #tpu.memory_space<vmem>>) offsets(%dma_start3A_505 : memref<64xi32, #tpu.memory_space<vmem>>) semaphore(%arg17 : memref<!tpu.dma_semaphore, #tpu.memory_space<semaphore_mem>>)
      } else {
      }
      %dma_wait3A_296 = arith.constant 1 : i32
      %dma_wait3A_297 = arith.constant 0 : i32
      %dma_wait3A_298 = arith.constant 0 : i32
      %dma_wait3A_299 = arith.constant 0 : i32
      %dma_wait3A_300 = tpu.memref_slice %arg13[%dma_wait3A_296, %dma_wait3A_297, %dma_wait3A_298, %dma_wait3A_299] : memref<2x8x64x32xf32, #tpu.memory_space<vmem>> -> memref<1x1x64x32xf32, #tpu.memory_space<vmem>>
      %dma_wait3A_301 = tpu.memref_squeeze %dma_wait3A_300 : memref<1x1x64x32xf32, #tpu.memory_space<vmem>> -> memref<64x32xf32, #tpu.memory_space<vmem>>
      %dma_wait3A_302 = arith.constant 1024 : i32
      %dma_wait3A_303 = tpu.memref_slice %arg11[%dma_wait3A_302] : memref<2048xi32, #tpu.memory_space<vmem>> -> memref<64xi32, #tpu.memory_space<vmem>>
      %dma_wait3A_304 = arith.constant 0 : i32
      %dma_wait3A_305 = arith.constant 0 : i32
      %dma_wait3A_306 = tpu.memref_slice %arg4[%dma_wait3A_304, %dma_wait3A_305] : memref<262144x32xf32, #tpu.memory_space<hbm>> -> memref<262144x32xf32, #tpu.memory_space<hbm>>
      tpu.wait_indirect_dma semaphore(%arg18 : memref<!tpu.dma_semaphore, #tpu.memory_space<semaphore_mem>>) src(%dma_wait3A_306 : memref<262144x32xf32, #tpu.memory_space<hbm>>) dst(%dma_wait3A_301 : memref<64x32xf32, #tpu.memory_space<vmem>>)
      %dma_wait3A_307 = arith.constant 1 : i32
      %dma_wait3A_308 = arith.constant 1 : i32
      %dma_wait3A_309 = arith.constant 0 : i32
      %dma_wait3A_310 = arith.constant 0 : i32
      %dma_wait3A_311 = tpu.memref_slice %arg13[%dma_wait3A_307, %dma_wait3A_308, %dma_wait3A_309, %dma_wait3A_310] : memref<2x8x64x32xf32, #tpu.memory_space<vmem>> -> memref<1x1x64x32xf32, #tpu.memory_space<vmem>>
      %dma_wait3A_312 = tpu.memref_squeeze %dma_wait3A_311 : memref<1x1x64x32xf32, #tpu.memory_space<vmem>> -> memref<64x32xf32, #tpu.memory_space<vmem>>
      %dma_wait3A_313 = arith.constant 1088 : i32
      %dma_wait3A_314 = tpu.memref_slice %arg11[%dma_wait3A_313] : memref<2048xi32, #tpu.memory_space<vmem>> -> memref<64xi32, #tpu.memory_space<vmem>>
      %dma_wait3A_315 = arith.constant 0 : i32
      %dma_wait3A_316 = arith.constant 0 : i32
      %dma_wait3A_317 = tpu.memref_slice %arg4[%dma_wait3A_315, %dma_wait3A_316] : memref<262144x32xf32, #tpu.memory_space<hbm>> -> memref<262144x32xf32, #tpu.memory_space<hbm>>
      tpu.wait_indirect_dma semaphore(%arg18 : memref<!tpu.dma_semaphore, #tpu.memory_space<semaphore_mem>>) src(%dma_wait3A_317 : memref<262144x32xf32, #tpu.memory_space<hbm>>) dst(%dma_wait3A_312 : memref<64x32xf32, #tpu.memory_space<vmem>>)
      %dma_wait3A_318 = arith.constant 1 : i32
      %dma_wait3A_319 = arith.constant 2 : i32
      %dma_wait3A_320 = arith.constant 0 : i32
      %dma_wait3A_321 = arith.constant 0 : i32
      %dma_wait3A_322 = tpu.memref_slice %arg13[%dma_wait3A_318, %dma_wait3A_319, %dma_wait3A_320, %dma_wait3A_321] : memref<2x8x64x32xf32, #tpu.memory_space<vmem>> -> memref<1x1x64x32xf32, #tpu.memory_space<vmem>>
      %dma_wait3A_323 = tpu.memref_squeeze %dma_wait3A_322 : memref<1x1x64x32xf32, #tpu.memory_space<vmem>> -> memref<64x32xf32, #tpu.memory_space<vmem>>
      %dma_wait3A_324 = arith.constant 1152 : i32
      %dma_wait3A_325 = tpu.memref_slice %arg11[%dma_wait3A_324] : memref<2048xi32, #tpu.memory_space<vmem>> -> memref<64xi32, #tpu.memory_space<vmem>>
      %dma_wait3A_326 = arith.constant 0 : i32
      %dma_wait3A_327 = arith.constant 0 : i32
      %dma_wait3A_328 = tpu.memref_slice %arg4[%dma_wait3A_326, %dma_wait3A_327] : memref<262144x32xf32, #tpu.memory_space<hbm>> -> memref<262144x32xf32, #tpu.memory_space<hbm>>
      tpu.wait_indirect_dma semaphore(%arg18 : memref<!tpu.dma_semaphore, #tpu.memory_space<semaphore_mem>>) src(%dma_wait3A_328 : memref<262144x32xf32, #tpu.memory_space<hbm>>) dst(%dma_wait3A_323 : memref<64x32xf32, #tpu.memory_space<vmem>>)
      %dma_wait3A_329 = arith.constant 1 : i32
      %dma_wait3A_330 = arith.constant 3 : i32
      %dma_wait3A_331 = arith.constant 0 : i32
      %dma_wait3A_332 = arith.constant 0 : i32
      %dma_wait3A_333 = tpu.memref_slice %arg13[%dma_wait3A_329, %dma_wait3A_330, %dma_wait3A_331, %dma_wait3A_332] : memref<2x8x64x32xf32, #tpu.memory_space<vmem>> -> memref<1x1x64x32xf32, #tpu.memory_space<vmem>>
      %dma_wait3A_334 = tpu.memref_squeeze %dma_wait3A_333 : memref<1x1x64x32xf32, #tpu.memory_space<vmem>> -> memref<64x32xf32, #tpu.memory_space<vmem>>
      %dma_wait3A_335 = arith.constant 1216 : i32
      %dma_wait3A_336 = tpu.memref_slice %arg11[%dma_wait3A_335] : memref<2048xi32, #tpu.memory_space<vmem>> -> memref<64xi32, #tpu.memory_space<vmem>>
      %dma_wait3A_337 = arith.constant 0 : i32
      %dma_wait3A_338 = arith.constant 0 : i32
      %dma_wait3A_339 = tpu.memref_slice %arg4[%dma_wait3A_337, %dma_wait3A_338] : memref<262144x32xf32, #tpu.memory_space<hbm>> -> memref<262144x32xf32, #tpu.memory_space<hbm>>
      tpu.wait_indirect_dma semaphore(%arg18 : memref<!tpu.dma_semaphore, #tpu.memory_space<semaphore_mem>>) src(%dma_wait3A_339 : memref<262144x32xf32, #tpu.memory_space<hbm>>) dst(%dma_wait3A_334 : memref<64x32xf32, #tpu.memory_space<vmem>>)
      %dma_wait3A_340 = arith.constant 1 : i32
      %dma_wait3A_341 = arith.constant 4 : i32
      %dma_wait3A_342 = arith.constant 0 : i32
      %dma_wait3A_343 = arith.constant 0 : i32
      %dma_wait3A_344 = tpu.memref_slice %arg13[%dma_wait3A_340, %dma_wait3A_341, %dma_wait3A_342, %dma_wait3A_343] : memref<2x8x64x32xf32, #tpu.memory_space<vmem>> -> memref<1x1x64x32xf32, #tpu.memory_space<vmem>>
      %dma_wait3A_345 = tpu.memref_squeeze %dma_wait3A_344 : memref<1x1x64x32xf32, #tpu.memory_space<vmem>> -> memref<64x32xf32, #tpu.memory_space<vmem>>
      %dma_wait3A_346 = arith.constant 1280 : i32
      %dma_wait3A_347 = tpu.memref_slice %arg11[%dma_wait3A_346] : memref<2048xi32, #tpu.memory_space<vmem>> -> memref<64xi32, #tpu.memory_space<vmem>>
      %dma_wait3A_348 = arith.constant 0 : i32
      %dma_wait3A_349 = arith.constant 0 : i32
      %dma_wait3A_350 = tpu.memref_slice %arg5[%dma_wait3A_348, %dma_wait3A_349] : memref<65536x32xf32, #tpu.memory_space<hbm>> -> memref<65536x32xf32, #tpu.memory_space<hbm>>
      tpu.wait_indirect_dma semaphore(%arg18 : memref<!tpu.dma_semaphore, #tpu.memory_space<semaphore_mem>>) src(%dma_wait3A_350 : memref<65536x32xf32, #tpu.memory_space<hbm>>) dst(%dma_wait3A_345 : memref<64x32xf32, #tpu.memory_space<vmem>>)
      %dma_wait3A_351 = arith.constant 1 : i32
      %dma_wait3A_352 = arith.constant 5 : i32
      %dma_wait3A_353 = arith.constant 0 : i32
      %dma_wait3A_354 = arith.constant 0 : i32
      %dma_wait3A_355 = tpu.memref_slice %arg13[%dma_wait3A_351, %dma_wait3A_352, %dma_wait3A_353, %dma_wait3A_354] : memref<2x8x64x32xf32, #tpu.memory_space<vmem>> -> memref<1x1x64x32xf32, #tpu.memory_space<vmem>>
      %dma_wait3A_356 = tpu.memref_squeeze %dma_wait3A_355 : memref<1x1x64x32xf32, #tpu.memory_space<vmem>> -> memref<64x32xf32, #tpu.memory_space<vmem>>
      %dma_wait3A_357 = arith.constant 1344 : i32
      %dma_wait3A_358 = tpu.memref_slice %arg11[%dma_wait3A_357] : memref<2048xi32, #tpu.memory_space<vmem>> -> memref<64xi32, #tpu.memory_space<vmem>>
      %dma_wait3A_359 = arith.constant 0 : i32
      %dma_wait3A_360 = arith.constant 0 : i32
      %dma_wait3A_361 = tpu.memref_slice %arg5[%dma_wait3A_359, %dma_wait3A_360] : memref<65536x32xf32, #tpu.memory_space<hbm>> -> memref<65536x32xf32, #tpu.memory_space<hbm>>
      tpu.wait_indirect_dma semaphore(%arg18 : memref<!tpu.dma_semaphore, #tpu.memory_space<semaphore_mem>>) src(%dma_wait3A_361 : memref<65536x32xf32, #tpu.memory_space<hbm>>) dst(%dma_wait3A_356 : memref<64x32xf32, #tpu.memory_space<vmem>>)
      %dma_wait3A_362 = arith.constant 1 : i32
      %dma_wait3A_363 = arith.constant 6 : i32
      %dma_wait3A_364 = arith.constant 0 : i32
      %dma_wait3A_365 = arith.constant 0 : i32
      %dma_wait3A_366 = tpu.memref_slice %arg13[%dma_wait3A_362, %dma_wait3A_363, %dma_wait3A_364, %dma_wait3A_365] : memref<2x8x64x32xf32, #tpu.memory_space<vmem>> -> memref<1x1x64x32xf32, #tpu.memory_space<vmem>>
      %dma_wait3A_367 = tpu.memref_squeeze %dma_wait3A_366 : memref<1x1x64x32xf32, #tpu.memory_space<vmem>> -> memref<64x32xf32, #tpu.memory_space<vmem>>
      %dma_wait3A_368 = arith.constant 1408 : i32
      %dma_wait3A_369 = tpu.memref_slice %arg11[%dma_wait3A_368] : memref<2048xi32, #tpu.memory_space<vmem>> -> memref<64xi32, #tpu.memory_space<vmem>>
      %dma_wait3A_370 = arith.constant 0 : i32
      %dma_wait3A_371 = arith.constant 0 : i32
      %dma_wait3A_372 = tpu.memref_slice %arg5[%dma_wait3A_370, %dma_wait3A_371] : memref<65536x32xf32, #tpu.memory_space<hbm>> -> memref<65536x32xf32, #tpu.memory_space<hbm>>
      tpu.wait_indirect_dma semaphore(%arg18 : memref<!tpu.dma_semaphore, #tpu.memory_space<semaphore_mem>>) src(%dma_wait3A_372 : memref<65536x32xf32, #tpu.memory_space<hbm>>) dst(%dma_wait3A_367 : memref<64x32xf32, #tpu.memory_space<vmem>>)
      %dma_wait3A_373 = arith.constant 1 : i32
      %dma_wait3A_374 = arith.constant 7 : i32
      %dma_wait3A_375 = arith.constant 0 : i32
      %dma_wait3A_376 = arith.constant 0 : i32
      %dma_wait3A_377 = tpu.memref_slice %arg13[%dma_wait3A_373, %dma_wait3A_374, %dma_wait3A_375, %dma_wait3A_376] : memref<2x8x64x32xf32, #tpu.memory_space<vmem>> -> memref<1x1x64x32xf32, #tpu.memory_space<vmem>>
      %dma_wait3A_378 = tpu.memref_squeeze %dma_wait3A_377 : memref<1x1x64x32xf32, #tpu.memory_space<vmem>> -> memref<64x32xf32, #tpu.memory_space<vmem>>
      %dma_wait3A_379 = arith.constant 1472 : i32
      %dma_wait3A_380 = tpu.memref_slice %arg11[%dma_wait3A_379] : memref<2048xi32, #tpu.memory_space<vmem>> -> memref<64xi32, #tpu.memory_space<vmem>>
      %dma_wait3A_381 = arith.constant 0 : i32
      %dma_wait3A_382 = arith.constant 0 : i32
      %dma_wait3A_383 = tpu.memref_slice %arg5[%dma_wait3A_381, %dma_wait3A_382] : memref<65536x32xf32, #tpu.memory_space<hbm>> -> memref<65536x32xf32, #tpu.memory_space<hbm>>
      tpu.wait_indirect_dma semaphore(%arg18 : memref<!tpu.dma_semaphore, #tpu.memory_space<semaphore_mem>>) src(%dma_wait3A_383 : memref<65536x32xf32, #tpu.memory_space<hbm>>) dst(%dma_wait3A_378 : memref<64x32xf32, #tpu.memory_space<vmem>>)
      %ge3A_384 = arith.constant 2 : i32
      %ge3A_385 = arith.cmpi sge, %add3A_288, %ge3A_384 : i32
      %convert_element_type3A_386 = arith.extui %ge3A_385 : i1 to i32
      %cond3A_387 = arith.constant 0 : i32
      %cond3A_388 = arith.cmpi ne, %convert_element_type3A_386, %cond3A_387 : i32
      scf.if %cond3A_388 {
        %mul3A_413 = arith.constant 8192 : i32
        %mul3A_414 = arith.muli %add3A, %mul3A_413 : i32
        %sub3A = arith.constant 2 : i32
        %sub3A_415 = arith.subi %add3A_288, %sub3A : i32
        %mul3A_416 = arith.constant 64 : i32
        %mul3A_417 = arith.muli %sub3A_415, %mul3A_416 : i32
        %add3A_418 = arith.addi %mul3A_414, %mul3A_417 : i32
        %dma_wait3A_419 = arith.constant 1 : i32
        %dma_wait3A_420 = arith.constant 0 : i32
        %dma_wait3A_421 = arith.constant 0 : i32
        %dma_wait3A_422 = tpu.memref_slice %arg14[%dma_wait3A_419, %dma_wait3A_420, %dma_wait3A_421] : memref<2x64x32xf32, #tpu.memory_space<vmem>> -> memref<1x64x32xf32, #tpu.memory_space<vmem>>
        %dma_wait3A_423 = tpu.memref_squeeze %dma_wait3A_422 : memref<1x64x32xf32, #tpu.memory_space<vmem>> -> memref<64x32xf32, #tpu.memory_space<vmem>>
        %dma_wait3A_424 = arith.constant 0 : i32
        %dma_wait3A_425 = tpu.memref_slice %arg8[%add3A_418, %dma_wait3A_424] : memref<262144x32xf32, #tpu.memory_space<hbm>> -> memref<64x32xf32, #tpu.memory_space<hbm>>
        %dma_wait3A_426 = arith.constant 0 : i32
        %dma_wait3A_427 = tpu.memref_slice %arg8[%add3A_418, %dma_wait3A_426] : memref<262144x32xf32, #tpu.memory_space<hbm>> -> memref<64x32xf32, #tpu.memory_space<hbm>>
        %dma_wait3A_428 = arith.constant 0 : i32
        %dma_wait3A_429 = arith.constant 0 : i32
        %dma_wait3A_430 = tpu.memref_slice %arg14[%dma_wait3A_419, %dma_wait3A_428, %dma_wait3A_429] : memref<2x64x32xf32, #tpu.memory_space<vmem>> -> memref<1x64x32xf32, #tpu.memory_space<vmem>>
        %dma_wait3A_431 = tpu.memref_squeeze %dma_wait3A_430 : memref<1x64x32xf32, #tpu.memory_space<vmem>> -> memref<64x32xf32, #tpu.memory_space<vmem>>
        tpu.wait_dma2 semaphore(%arg20 : memref<!tpu.dma_semaphore, #tpu.memory_space<semaphore_mem>>) src(%dma_wait3A_431 : memref<64x32xf32, #tpu.memory_space<vmem>>) dst(%dma_wait3A_427 : memref<64x32xf32, #tpu.memory_space<hbm>>)
      } else {
      }
      %scan3A_389 = arith.constant 0 : i32
      %scan3A_390 = arith.constant 0 : i32
      %scan3A_391 = arith.constant 32 : i32
      %scan3A_392 = arith.addi %scan3A_390, %scan3A_391 : i32
      %scan3A_393 = arith.constant 1 : i32
      scf.for %scan3A_413 = %scan3A_390 to %scan3A_392 step %scan3A_393  : i32 {
        %mul3A_414 = arith.constant 2 : i32
        %mul3A_415 = arith.muli %mul3A_414, %scan3A_413 : i32
        %mul3A_416 = arith.constant 64 : i32
        %mul3A_417 = vector.broadcast %mul3A_416 : i32 to vector<16xi32>
        %mul3A_418 = arith.muli %iota3A, %mul3A_417 : vector<16xi32>
        %add3A_419 = arith.constant 1024 : i32
        %add3A_420 = vector.broadcast %add3A_419 : i32 to vector<16xi32>
        %add3A_421 = arith.addi %add3A_420, %mul3A_418 : vector<16xi32>
        %add3A_422 = vector.broadcast %mul3A_415 : i32 to vector<16xi32>
        %add3A_423 = arith.addi %add3A_421, %add3A_422 : vector<16xi32>
        %gather3A = tpu.vector_load_idx %arg12[%add3A_423] : memref<2048xf32, #tpu.memory_space<vmem>>[vector<16xi32>], vector<16xf32>,
        %mul3A_424 = arith.constant 64 : i32
        %mul3A_425 = vector.broadcast %mul3A_424 : i32 to vector<16xi32>
        %mul3A_426 = arith.muli %iota3A, %mul3A_425 : vector<16xi32>
        %add3A_427 = arith.constant 1024 : i32
        %add3A_428 = vector.broadcast %add3A_427 : i32 to vector<16xi32>
        %add3A_429 = arith.addi %add3A_428, %mul3A_426 : vector<16xi32>
        %add3A_430 = vector.broadcast %mul3A_415 : i32 to vector<16xi32>
        %add3A_431 = arith.addi %add3A_429, %add3A_430 : vector<16xi32>
        %gather3A_432 = tpu.vector_load_idx %arg11[%add3A_431] : memref<2048xi32, #tpu.memory_space<vmem>>[vector<16xi32>], vector<16xi32>,
        %broadcast_in_dim3A = arith.constant 0.000000e+00 : f32
        %broadcast_in_dim3A_433 = vector.broadcast %broadcast_in_dim3A : f32 to vector<16xf32>
        %broadcast_in_dim3A_434 = arith.constant 0.000000e+00 : f32
        %broadcast_in_dim3A_435 = vector.broadcast %broadcast_in_dim3A_434 : f32 to vector<16xf32>
        %slice3A_436 = vector.extract_strided_slice %gather3A {offsets = [0], sizes = [1], strides = [1]} : vector<16xf32> to vector<1xf32>
        %squeeze3A_437 = vector.extract %slice3A_436[0] : f32 from vector<1xf32>
        %get3A_438 = arith.constant 1 : i32
        %get3A_439 = arith.constant 0 : i32
        %get3A_440 = arith.index_cast %get3A_438 : i32 to index
        %get3A_441 = arith.index_cast %get3A_439 : i32 to index
        %get3A_442 = arith.index_cast %mul3A_415 : i32 to index
        %get3A_443 = arith.constant 0 : index
        %get3A_444 = tpu.vector_load %arg13[%get3A_440, %get3A_441, %get3A_442, %get3A_443] {strides = array<i32>} : memref<2x8x64x32xf32, #tpu.memory_space<vmem>>, vector<16xf32>,
        %mul3A_445 = vector.broadcast %squeeze3A_437 : f32 to vector<16xf32>
        %mul3A_446 = arith.mulf %mul3A_445, %get3A_444 : vector<16xf32>
        %add3A_447 = arith.addf %broadcast_in_dim3A_433, %mul3A_446 : vector<16xf32>
        %get3A_448 = arith.constant 1 : i32
        %get3A_449 = arith.constant 0 : i32
        %get3A_450 = arith.index_cast %get3A_448 : i32 to index
        %get3A_451 = arith.index_cast %get3A_449 : i32 to index
        %get3A_452 = arith.index_cast %mul3A_415 : i32 to index
        %get3A_453 = arith.constant 16 : index
        %get3A_454 = tpu.vector_load %arg13[%get3A_450, %get3A_451, %get3A_452, %get3A_453] {strides = array<i32>} : memref<2x8x64x32xf32, #tpu.memory_space<vmem>>, vector<16xf32>,
        %mul3A_455 = vector.broadcast %squeeze3A_437 : f32 to vector<16xf32>
        %mul3A_456 = arith.mulf %mul3A_455, %get3A_454 : vector<16xf32>
        %add3A_457 = arith.addf %broadcast_in_dim3A_435, %mul3A_456 : vector<16xf32>
        %slice3A_458 = vector.extract_strided_slice %gather3A {offsets = [1], sizes = [1], strides = [1]} : vector<16xf32> to vector<1xf32>
        %squeeze3A_459 = vector.extract %slice3A_458[0] : f32 from vector<1xf32>
        %get3A_460 = arith.constant 1 : i32
        %get3A_461 = arith.constant 1 : i32
        %get3A_462 = arith.index_cast %get3A_460 : i32 to index
        %get3A_463 = arith.index_cast %get3A_461 : i32 to index
        %get3A_464 = arith.index_cast %mul3A_415 : i32 to index
        %get3A_465 = arith.constant 0 : index
        %get3A_466 = tpu.vector_load %arg13[%get3A_462, %get3A_463, %get3A_464, %get3A_465] {strides = array<i32>} : memref<2x8x64x32xf32, #tpu.memory_space<vmem>>, vector<16xf32>,
        %mul3A_467 = vector.broadcast %squeeze3A_459 : f32 to vector<16xf32>
        %mul3A_468 = arith.mulf %mul3A_467, %get3A_466 : vector<16xf32>
        %add3A_469 = arith.addf %add3A_447, %mul3A_468 : vector<16xf32>
        %get3A_470 = arith.constant 1 : i32
        %get3A_471 = arith.constant 1 : i32
        %get3A_472 = arith.index_cast %get3A_470 : i32 to index
        %get3A_473 = arith.index_cast %get3A_471 : i32 to index
        %get3A_474 = arith.index_cast %mul3A_415 : i32 to index
        %get3A_475 = arith.constant 16 : index
        %get3A_476 = tpu.vector_load %arg13[%get3A_472, %get3A_473, %get3A_474, %get3A_475] {strides = array<i32>} : memref<2x8x64x32xf32, #tpu.memory_space<vmem>>, vector<16xf32>,
        %mul3A_477 = vector.broadcast %squeeze3A_459 : f32 to vector<16xf32>
        %mul3A_478 = arith.mulf %mul3A_477, %get3A_476 : vector<16xf32>
        %add3A_479 = arith.addf %add3A_457, %mul3A_478 : vector<16xf32>
        %slice3A_480 = vector.extract_strided_slice %gather3A {offsets = [2], sizes = [1], strides = [1]} : vector<16xf32> to vector<1xf32>
        %squeeze3A_481 = vector.extract %slice3A_480[0] : f32 from vector<1xf32>
        %get3A_482 = arith.constant 1 : i32
        %get3A_483 = arith.constant 2 : i32
        %get3A_484 = arith.index_cast %get3A_482 : i32 to index
        %get3A_485 = arith.index_cast %get3A_483 : i32 to index
        %get3A_486 = arith.index_cast %mul3A_415 : i32 to index
        %get3A_487 = arith.constant 0 : index
        %get3A_488 = tpu.vector_load %arg13[%get3A_484, %get3A_485, %get3A_486, %get3A_487] {strides = array<i32>} : memref<2x8x64x32xf32, #tpu.memory_space<vmem>>, vector<16xf32>,
        %mul3A_489 = vector.broadcast %squeeze3A_481 : f32 to vector<16xf32>
        %mul3A_490 = arith.mulf %mul3A_489, %get3A_488 : vector<16xf32>
        %add3A_491 = arith.addf %add3A_469, %mul3A_490 : vector<16xf32>
        %get3A_492 = arith.constant 1 : i32
        %get3A_493 = arith.constant 2 : i32
        %get3A_494 = arith.index_cast %get3A_492 : i32 to index
        %get3A_495 = arith.index_cast %get3A_493 : i32 to index
        %get3A_496 = arith.index_cast %mul3A_415 : i32 to index
        %get3A_497 = arith.constant 16 : index
        %get3A_498 = tpu.vector_load %arg13[%get3A_494, %get3A_495, %get3A_496, %get3A_497] {strides = array<i32>} : memref<2x8x64x32xf32, #tpu.memory_space<vmem>>, vector<16xf32>,
        %mul3A_499 = vector.broadcast %squeeze3A_481 : f32 to vector<16xf32>
        %mul3A_500 = arith.mulf %mul3A_499, %get3A_498 : vector<16xf32>
        %add3A_501 = arith.addf %add3A_479, %mul3A_500 : vector<16xf32>
        %slice3A_502 = vector.extract_strided_slice %gather3A {offsets = [3], sizes = [1], strides = [1]} : vector<16xf32> to vector<1xf32>
        %squeeze3A_503 = vector.extract %slice3A_502[0] : f32 from vector<1xf32>
        %get3A_504 = arith.constant 1 : i32
        %get3A_505 = arith.constant 3 : i32
        %get3A_506 = arith.index_cast %get3A_504 : i32 to index
        %get3A_507 = arith.index_cast %get3A_505 : i32 to index
        %get3A_508 = arith.index_cast %mul3A_415 : i32 to index
        %get3A_509 = arith.constant 0 : index
        %get3A_510 = tpu.vector_load %arg13[%get3A_506, %get3A_507, %get3A_508, %get3A_509] {strides = array<i32>} : memref<2x8x64x32xf32, #tpu.memory_space<vmem>>, vector<16xf32>,
        %mul3A_511 = vector.broadcast %squeeze3A_503 : f32 to vector<16xf32>
        %mul3A_512 = arith.mulf %mul3A_511, %get3A_510 : vector<16xf32>
        %add3A_513 = arith.addf %add3A_491, %mul3A_512 : vector<16xf32>
        %get3A_514 = arith.constant 1 : i32
        %get3A_515 = arith.constant 3 : i32
        %get3A_516 = arith.index_cast %get3A_514 : i32 to index
        %get3A_517 = arith.index_cast %get3A_515 : i32 to index
        %get3A_518 = arith.index_cast %mul3A_415 : i32 to index
        %get3A_519 = arith.constant 16 : index
        %get3A_520 = tpu.vector_load %arg13[%get3A_516, %get3A_517, %get3A_518, %get3A_519] {strides = array<i32>} : memref<2x8x64x32xf32, #tpu.memory_space<vmem>>, vector<16xf32>,
        %mul3A_521 = vector.broadcast %squeeze3A_503 : f32 to vector<16xf32>
        %mul3A_522 = arith.mulf %mul3A_521, %get3A_520 : vector<16xf32>
        %add3A_523 = arith.addf %add3A_501, %mul3A_522 : vector<16xf32>
        %slice3A_524 = vector.extract_strided_slice %gather3A {offsets = [4], sizes = [1], strides = [1]} : vector<16xf32> to vector<1xf32>
        %squeeze3A_525 = vector.extract %slice3A_524[0] : f32 from vector<1xf32>
        %get3A_526 = arith.constant 1 : i32
        %get3A_527 = arith.constant 4 : i32
        %get3A_528 = arith.index_cast %get3A_526 : i32 to index
        %get3A_529 = arith.index_cast %get3A_527 : i32 to index
        %get3A_530 = arith.index_cast %mul3A_415 : i32 to index
        %get3A_531 = arith.constant 0 : index
        %get3A_532 = tpu.vector_load %arg13[%get3A_528, %get3A_529, %get3A_530, %get3A_531] {strides = array<i32>} : memref<2x8x64x32xf32, #tpu.memory_space<vmem>>, vector<16xf32>,
        %mul3A_533 = vector.broadcast %squeeze3A_525 : f32 to vector<16xf32>
        %mul3A_534 = arith.mulf %mul3A_533, %get3A_532 : vector<16xf32>
        %add3A_535 = arith.addf %add3A_513, %mul3A_534 : vector<16xf32>
        %get3A_536 = arith.constant 1 : i32
        %get3A_537 = arith.constant 4 : i32
        %get3A_538 = arith.index_cast %get3A_536 : i32 to index
        %get3A_539 = arith.index_cast %get3A_537 : i32 to index
        %get3A_540 = arith.index_cast %mul3A_415 : i32 to index
        %get3A_541 = arith.constant 16 : index
        %get3A_542 = tpu.vector_load %arg13[%get3A_538, %get3A_539, %get3A_540, %get3A_541] {strides = array<i32>} : memref<2x8x64x32xf32, #tpu.memory_space<vmem>>, vector<16xf32>,
        %mul3A_543 = vector.broadcast %squeeze3A_525 : f32 to vector<16xf32>
        %mul3A_544 = arith.mulf %mul3A_543, %get3A_542 : vector<16xf32>
        %add3A_545 = arith.addf %add3A_523, %mul3A_544 : vector<16xf32>
        %slice3A_546 = vector.extract_strided_slice %gather3A {offsets = [5], sizes = [1], strides = [1]} : vector<16xf32> to vector<1xf32>
        %squeeze3A_547 = vector.extract %slice3A_546[0] : f32 from vector<1xf32>
        %get3A_548 = arith.constant 1 : i32
        %get3A_549 = arith.constant 5 : i32
        %get3A_550 = arith.index_cast %get3A_548 : i32 to index
        %get3A_551 = arith.index_cast %get3A_549 : i32 to index
        %get3A_552 = arith.index_cast %mul3A_415 : i32 to index
        %get3A_553 = arith.constant 0 : index
        %get3A_554 = tpu.vector_load %arg13[%get3A_550, %get3A_551, %get3A_552, %get3A_553] {strides = array<i32>} : memref<2x8x64x32xf32, #tpu.memory_space<vmem>>, vector<16xf32>,
        %mul3A_555 = vector.broadcast %squeeze3A_547 : f32 to vector<16xf32>
        %mul3A_556 = arith.mulf %mul3A_555, %get3A_554 : vector<16xf32>
        %add3A_557 = arith.addf %add3A_535, %mul3A_556 : vector<16xf32>
        %get3A_558 = arith.constant 1 : i32
        %get3A_559 = arith.constant 5 : i32
        %get3A_560 = arith.index_cast %get3A_558 : i32 to index
        %get3A_561 = arith.index_cast %get3A_559 : i32 to index
        %get3A_562 = arith.index_cast %mul3A_415 : i32 to index
        %get3A_563 = arith.constant 16 : index
        %get3A_564 = tpu.vector_load %arg13[%get3A_560, %get3A_561, %get3A_562, %get3A_563] {strides = array<i32>} : memref<2x8x64x32xf32, #tpu.memory_space<vmem>>, vector<16xf32>,
        %mul3A_565 = vector.broadcast %squeeze3A_547 : f32 to vector<16xf32>
        %mul3A_566 = arith.mulf %mul3A_565, %get3A_564 : vector<16xf32>
        %add3A_567 = arith.addf %add3A_545, %mul3A_566 : vector<16xf32>
        %slice3A_568 = vector.extract_strided_slice %gather3A {offsets = [6], sizes = [1], strides = [1]} : vector<16xf32> to vector<1xf32>
        %squeeze3A_569 = vector.extract %slice3A_568[0] : f32 from vector<1xf32>
        %get3A_570 = arith.constant 1 : i32
        %get3A_571 = arith.constant 6 : i32
        %get3A_572 = arith.index_cast %get3A_570 : i32 to index
        %get3A_573 = arith.index_cast %get3A_571 : i32 to index
        %get3A_574 = arith.index_cast %mul3A_415 : i32 to index
        %get3A_575 = arith.constant 0 : index
        %get3A_576 = tpu.vector_load %arg13[%get3A_572, %get3A_573, %get3A_574, %get3A_575] {strides = array<i32>} : memref<2x8x64x32xf32, #tpu.memory_space<vmem>>, vector<16xf32>,
        %mul3A_577 = vector.broadcast %squeeze3A_569 : f32 to vector<16xf32>
        %mul3A_578 = arith.mulf %mul3A_577, %get3A_576 : vector<16xf32>
        %add3A_579 = arith.addf %add3A_557, %mul3A_578 : vector<16xf32>
        %get3A_580 = arith.constant 1 : i32
        %get3A_581 = arith.constant 6 : i32
        %get3A_582 = arith.index_cast %get3A_580 : i32 to index
        %get3A_583 = arith.index_cast %get3A_581 : i32 to index
        %get3A_584 = arith.index_cast %mul3A_415 : i32 to index
        %get3A_585 = arith.constant 16 : index
        %get3A_586 = tpu.vector_load %arg13[%get3A_582, %get3A_583, %get3A_584, %get3A_585] {strides = array<i32>} : memref<2x8x64x32xf32, #tpu.memory_space<vmem>>, vector<16xf32>,
        %mul3A_587 = vector.broadcast %squeeze3A_569 : f32 to vector<16xf32>
        %mul3A_588 = arith.mulf %mul3A_587, %get3A_586 : vector<16xf32>
        %add3A_589 = arith.addf %add3A_567, %mul3A_588 : vector<16xf32>
        %slice3A_590 = vector.extract_strided_slice %gather3A {offsets = [7], sizes = [1], strides = [1]} : vector<16xf32> to vector<1xf32>
        %squeeze3A_591 = vector.extract %slice3A_590[0] : f32 from vector<1xf32>
        %get3A_592 = arith.constant 1 : i32
        %get3A_593 = arith.constant 7 : i32
        %get3A_594 = arith.index_cast %get3A_592 : i32 to index
        %get3A_595 = arith.index_cast %get3A_593 : i32 to index
        %get3A_596 = arith.index_cast %mul3A_415 : i32 to index
        %get3A_597 = arith.constant 0 : index
        %get3A_598 = tpu.vector_load %arg13[%get3A_594, %get3A_595, %get3A_596, %get3A_597] {strides = array<i32>} : memref<2x8x64x32xf32, #tpu.memory_space<vmem>>, vector<16xf32>,
        %mul3A_599 = vector.broadcast %squeeze3A_591 : f32 to vector<16xf32>
        %mul3A_600 = arith.mulf %mul3A_599, %get3A_598 : vector<16xf32>
        %add3A_601 = arith.addf %add3A_579, %mul3A_600 : vector<16xf32>
        %get3A_602 = arith.constant 1 : i32
        %get3A_603 = arith.constant 7 : i32
        %get3A_604 = arith.index_cast %get3A_602 : i32 to index
        %get3A_605 = arith.index_cast %get3A_603 : i32 to index
        %get3A_606 = arith.index_cast %mul3A_415 : i32 to index
        %get3A_607 = arith.constant 16 : index
        %get3A_608 = tpu.vector_load %arg13[%get3A_604, %get3A_605, %get3A_606, %get3A_607] {strides = array<i32>} : memref<2x8x64x32xf32, #tpu.memory_space<vmem>>, vector<16xf32>,
        %mul3A_609 = vector.broadcast %squeeze3A_591 : f32 to vector<16xf32>
        %mul3A_610 = arith.mulf %mul3A_609, %get3A_608 : vector<16xf32>
        %add3A_611 = arith.addf %add3A_589, %mul3A_610 : vector<16xf32>
        %slice3A_612 = vector.extract_strided_slice %gather3A {offsets = [8], sizes = [1], strides = [1]} : vector<16xf32> to vector<1xf32>
        %squeeze3A_613 = vector.extract %slice3A_612[0] : f32 from vector<1xf32>
        %slice3A_614 = vector.extract_strided_slice %gather3A_432 {offsets = [8], sizes = [1], strides = [1]} : vector<16xi32> to vector<1xi32>
        %squeeze3A_615 = vector.extract %slice3A_614[0] : i32 from vector<1xi32>
        %get3A_616 = arith.index_cast %squeeze3A_615 : i32 to index
        %get3A_617 = arith.constant 0 : index
        %get3A_618 = tpu.vector_load %arg15[%get3A_616, %get3A_617] {strides = array<i32>} : memref<1024x32xf32, #tpu.memory_space<vmem>>, vector<16xf32>,
        %mul3A_619 = vector.broadcast %squeeze3A_613 : f32 to vector<16xf32>
        %mul3A_620 = arith.mulf %mul3A_619, %get3A_618 : vector<16xf32>
        %add3A_621 = arith.addf %add3A_601, %mul3A_620 : vector<16xf32>
        %get3A_622 = arith.index_cast %squeeze3A_615 : i32 to index
        %get3A_623 = arith.constant 16 : index
        %get3A_624 = tpu.vector_load %arg15[%get3A_622, %get3A_623] {strides = array<i32>} : memref<1024x32xf32, #tpu.memory_space<vmem>>, vector<16xf32>,
        %mul3A_625 = vector.broadcast %squeeze3A_613 : f32 to vector<16xf32>
        %mul3A_626 = arith.mulf %mul3A_625, %get3A_624 : vector<16xf32>
        %add3A_627 = arith.addf %add3A_611, %mul3A_626 : vector<16xf32>
        %slice3A_628 = vector.extract_strided_slice %gather3A {offsets = [9], sizes = [1], strides = [1]} : vector<16xf32> to vector<1xf32>
        %squeeze3A_629 = vector.extract %slice3A_628[0] : f32 from vector<1xf32>
        %slice3A_630 = vector.extract_strided_slice %gather3A_432 {offsets = [9], sizes = [1], strides = [1]} : vector<16xi32> to vector<1xi32>
        %squeeze3A_631 = vector.extract %slice3A_630[0] : i32 from vector<1xi32>
        %get3A_632 = arith.index_cast %squeeze3A_631 : i32 to index
        %get3A_633 = arith.constant 0 : index
        %get3A_634 = tpu.vector_load %arg15[%get3A_632, %get3A_633] {strides = array<i32>} : memref<1024x32xf32, #tpu.memory_space<vmem>>, vector<16xf32>,
        %mul3A_635 = vector.broadcast %squeeze3A_629 : f32 to vector<16xf32>
        %mul3A_636 = arith.mulf %mul3A_635, %get3A_634 : vector<16xf32>
        %add3A_637 = arith.addf %add3A_621, %mul3A_636 : vector<16xf32>
        %get3A_638 = arith.index_cast %squeeze3A_631 : i32 to index
        %get3A_639 = arith.constant 16 : index
        %get3A_640 = tpu.vector_load %arg15[%get3A_638, %get3A_639] {strides = array<i32>} : memref<1024x32xf32, #tpu.memory_space<vmem>>, vector<16xf32>,
        %mul3A_641 = vector.broadcast %squeeze3A_629 : f32 to vector<16xf32>
        %mul3A_642 = arith.mulf %mul3A_641, %get3A_640 : vector<16xf32>
        %add3A_643 = arith.addf %add3A_627, %mul3A_642 : vector<16xf32>
        %slice3A_644 = vector.extract_strided_slice %gather3A {offsets = [10], sizes = [1], strides = [1]} : vector<16xf32> to vector<1xf32>
        %squeeze3A_645 = vector.extract %slice3A_644[0] : f32 from vector<1xf32>
        %slice3A_646 = vector.extract_strided_slice %gather3A_432 {offsets = [10], sizes = [1], strides = [1]} : vector<16xi32> to vector<1xi32>
        %squeeze3A_647 = vector.extract %slice3A_646[0] : i32 from vector<1xi32>
        %get3A_648 = arith.index_cast %squeeze3A_647 : i32 to index
        %get3A_649 = arith.constant 0 : index
        %get3A_650 = tpu.vector_load %arg15[%get3A_648, %get3A_649] {strides = array<i32>} : memref<1024x32xf32, #tpu.memory_space<vmem>>, vector<16xf32>,
        %mul3A_651 = vector.broadcast %squeeze3A_645 : f32 to vector<16xf32>
        %mul3A_652 = arith.mulf %mul3A_651, %get3A_650 : vector<16xf32>
        %add3A_653 = arith.addf %add3A_637, %mul3A_652 : vector<16xf32>
        %get3A_654 = arith.index_cast %squeeze3A_647 : i32 to index
        %get3A_655 = arith.constant 16 : index
        %get3A_656 = tpu.vector_load %arg15[%get3A_654, %get3A_655] {strides = array<i32>} : memref<1024x32xf32, #tpu.memory_space<vmem>>, vector<16xf32>,
        %mul3A_657 = vector.broadcast %squeeze3A_645 : f32 to vector<16xf32>
        %mul3A_658 = arith.mulf %mul3A_657, %get3A_656 : vector<16xf32>
        %add3A_659 = arith.addf %add3A_643, %mul3A_658 : vector<16xf32>
        %slice3A_660 = vector.extract_strided_slice %gather3A {offsets = [11], sizes = [1], strides = [1]} : vector<16xf32> to vector<1xf32>
        %squeeze3A_661 = vector.extract %slice3A_660[0] : f32 from vector<1xf32>
        %slice3A_662 = vector.extract_strided_slice %gather3A_432 {offsets = [11], sizes = [1], strides = [1]} : vector<16xi32> to vector<1xi32>
        %squeeze3A_663 = vector.extract %slice3A_662[0] : i32 from vector<1xi32>
        %get3A_664 = arith.index_cast %squeeze3A_663 : i32 to index
        %get3A_665 = arith.constant 0 : index
        %get3A_666 = tpu.vector_load %arg15[%get3A_664, %get3A_665] {strides = array<i32>} : memref<1024x32xf32, #tpu.memory_space<vmem>>, vector<16xf32>,
        %mul3A_667 = vector.broadcast %squeeze3A_661 : f32 to vector<16xf32>
        %mul3A_668 = arith.mulf %mul3A_667, %get3A_666 : vector<16xf32>
        %add3A_669 = arith.addf %add3A_653, %mul3A_668 : vector<16xf32>
        %get3A_670 = arith.index_cast %squeeze3A_663 : i32 to index
        %get3A_671 = arith.constant 16 : index
        %get3A_672 = tpu.vector_load %arg15[%get3A_670, %get3A_671] {strides = array<i32>} : memref<1024x32xf32, #tpu.memory_space<vmem>>, vector<16xf32>,
        %mul3A_673 = vector.broadcast %squeeze3A_661 : f32 to vector<16xf32>
        %mul3A_674 = arith.mulf %mul3A_673, %get3A_672 : vector<16xf32>
        %add3A_675 = arith.addf %add3A_659, %mul3A_674 : vector<16xf32>
        %slice3A_676 = vector.extract_strided_slice %gather3A {offsets = [12], sizes = [1], strides = [1]} : vector<16xf32> to vector<1xf32>
        %squeeze3A_677 = vector.extract %slice3A_676[0] : f32 from vector<1xf32>
        %slice3A_678 = vector.extract_strided_slice %gather3A_432 {offsets = [12], sizes = [1], strides = [1]} : vector<16xi32> to vector<1xi32>
        %squeeze3A_679 = vector.extract %slice3A_678[0] : i32 from vector<1xi32>
        %get3A_680 = arith.index_cast %squeeze3A_679 : i32 to index
        %get3A_681 = arith.constant 0 : index
        %get3A_682 = tpu.vector_load %arg16[%get3A_680, %get3A_681] {strides = array<i32>} : memref<256x32xf32, #tpu.memory_space<vmem>>, vector<16xf32>,
        %mul3A_683 = vector.broadcast %squeeze3A_677 : f32 to vector<16xf32>
        %mul3A_684 = arith.mulf %mul3A_683, %get3A_682 : vector<16xf32>
        %add3A_685 = arith.addf %add3A_669, %mul3A_684 : vector<16xf32>
        %get3A_686 = arith.index_cast %squeeze3A_679 : i32 to index
        %get3A_687 = arith.constant 16 : index
        %get3A_688 = tpu.vector_load %arg16[%get3A_686, %get3A_687] {strides = array<i32>} : memref<256x32xf32, #tpu.memory_space<vmem>>, vector<16xf32>,
        %mul3A_689 = vector.broadcast %squeeze3A_677 : f32 to vector<16xf32>
        %mul3A_690 = arith.mulf %mul3A_689, %get3A_688 : vector<16xf32>
        %add3A_691 = arith.addf %add3A_675, %mul3A_690 : vector<16xf32>
        %slice3A_692 = vector.extract_strided_slice %gather3A {offsets = [13], sizes = [1], strides = [1]} : vector<16xf32> to vector<1xf32>
        %squeeze3A_693 = vector.extract %slice3A_692[0] : f32 from vector<1xf32>
        %slice3A_694 = vector.extract_strided_slice %gather3A_432 {offsets = [13], sizes = [1], strides = [1]} : vector<16xi32> to vector<1xi32>
        %squeeze3A_695 = vector.extract %slice3A_694[0] : i32 from vector<1xi32>
        %get3A_696 = arith.index_cast %squeeze3A_695 : i32 to index
        %get3A_697 = arith.constant 0 : index
        %get3A_698 = tpu.vector_load %arg16[%get3A_696, %get3A_697] {strides = array<i32>} : memref<256x32xf32, #tpu.memory_space<vmem>>, vector<16xf32>,
        %mul3A_699 = vector.broadcast %squeeze3A_693 : f32 to vector<16xf32>
        %mul3A_700 = arith.mulf %mul3A_699, %get3A_698 : vector<16xf32>
        %add3A_701 = arith.addf %add3A_685, %mul3A_700 : vector<16xf32>
        %get3A_702 = arith.index_cast %squeeze3A_695 : i32 to index
        %get3A_703 = arith.constant 16 : index
        %get3A_704 = tpu.vector_load %arg16[%get3A_702, %get3A_703] {strides = array<i32>} : memref<256x32xf32, #tpu.memory_space<vmem>>, vector<16xf32>,
        %mul3A_705 = vector.broadcast %squeeze3A_693 : f32 to vector<16xf32>
        %mul3A_706 = arith.mulf %mul3A_705, %get3A_704 : vector<16xf32>
        %add3A_707 = arith.addf %add3A_691, %mul3A_706 : vector<16xf32>
        %slice3A_708 = vector.extract_strided_slice %gather3A {offsets = [14], sizes = [1], strides = [1]} : vector<16xf32> to vector<1xf32>
        %squeeze3A_709 = vector.extract %slice3A_708[0] : f32 from vector<1xf32>
        %slice3A_710 = vector.extract_strided_slice %gather3A_432 {offsets = [14], sizes = [1], strides = [1]} : vector<16xi32> to vector<1xi32>
        %squeeze3A_711 = vector.extract %slice3A_710[0] : i32 from vector<1xi32>
        %get3A_712 = arith.index_cast %squeeze3A_711 : i32 to index
        %get3A_713 = arith.constant 0 : index
        %get3A_714 = tpu.vector_load %arg16[%get3A_712, %get3A_713] {strides = array<i32>} : memref<256x32xf32, #tpu.memory_space<vmem>>, vector<16xf32>,
        %mul3A_715 = vector.broadcast %squeeze3A_709 : f32 to vector<16xf32>
        %mul3A_716 = arith.mulf %mul3A_715, %get3A_714 : vector<16xf32>
        %add3A_717 = arith.addf %add3A_701, %mul3A_716 : vector<16xf32>
        %get3A_718 = arith.index_cast %squeeze3A_711 : i32 to index
        %get3A_719 = arith.constant 16 : index
        %get3A_720 = tpu.vector_load %arg16[%get3A_718, %get3A_719] {strides = array<i32>} : memref<256x32xf32, #tpu.memory_space<vmem>>, vector<16xf32>,
        %mul3A_721 = vector.broadcast %squeeze3A_709 : f32 to vector<16xf32>
        %mul3A_722 = arith.mulf %mul3A_721, %get3A_720 : vector<16xf32>
        %add3A_723 = arith.addf %add3A_707, %mul3A_722 : vector<16xf32>
        %slice3A_724 = vector.extract_strided_slice %gather3A {offsets = [15], sizes = [1], strides = [1]} : vector<16xf32> to vector<1xf32>
        %squeeze3A_725 = vector.extract %slice3A_724[0] : f32 from vector<1xf32>
        %slice3A_726 = vector.extract_strided_slice %gather3A_432 {offsets = [15], sizes = [1], strides = [1]} : vector<16xi32> to vector<1xi32>
        %squeeze3A_727 = vector.extract %slice3A_726[0] : i32 from vector<1xi32>
        %get3A_728 = arith.index_cast %squeeze3A_727 : i32 to index
        %get3A_729 = arith.constant 0 : index
        %get3A_730 = tpu.vector_load %arg16[%get3A_728, %get3A_729] {strides = array<i32>} : memref<256x32xf32, #tpu.memory_space<vmem>>, vector<16xf32>,
        %mul3A_731 = vector.broadcast %squeeze3A_725 : f32 to vector<16xf32>
        %mul3A_732 = arith.mulf %mul3A_731, %get3A_730 : vector<16xf32>
        %add3A_733 = arith.addf %add3A_717, %mul3A_732 : vector<16xf32>
        %get3A_734 = arith.index_cast %squeeze3A_727 : i32 to index
        %get3A_735 = arith.constant 16 : index
        %get3A_736 = tpu.vector_load %arg16[%get3A_734, %get3A_735] {strides = array<i32>} : memref<256x32xf32, #tpu.memory_space<vmem>>, vector<16xf32>,
        %mul3A_737 = vector.broadcast %squeeze3A_725 : f32 to vector<16xf32>
        %mul3A_738 = arith.mulf %mul3A_737, %get3A_736 : vector<16xf32>
        %add3A_739 = arith.addf %add3A_723, %mul3A_738 : vector<16xf32>
        %swap3A = arith.constant 1 : i32
        %swap3A_740 = arith.index_cast %swap3A : i32 to index
        %swap3A_741 = arith.index_cast %mul3A_415 : i32 to index
        %swap3A_742 = arith.constant 0 : index
        %swap3A_743 = tpu.vector_load %arg14[%swap3A_740, %swap3A_741, %swap3A_742] {strides = array<i32>} : memref<2x64x32xf32, #tpu.memory_space<vmem>>, vector<16xf32>,
        tpu.vector_store %arg14[%swap3A_740, %swap3A_741, %swap3A_742], %add3A_733 {strides = array<i32>} : memref<2x64x32xf32, #tpu.memory_space<vmem>>, vector<16xf32>,
        %swap3A_744 = arith.constant 1 : i32
        %swap3A_745 = arith.index_cast %swap3A_744 : i32 to index
        %swap3A_746 = arith.index_cast %mul3A_415 : i32 to index
        %swap3A_747 = arith.constant 16 : index
        %swap3A_748 = tpu.vector_load %arg14[%swap3A_745, %swap3A_746, %swap3A_747] {strides = array<i32>} : memref<2x64x32xf32, #tpu.memory_space<vmem>>, vector<16xf32>,
        tpu.vector_store %arg14[%swap3A_745, %swap3A_746, %swap3A_747], %add3A_739 {strides = array<i32>} : memref<2x64x32xf32, #tpu.memory_space<vmem>>, vector<16xf32>,
        %mul3A_749 = arith.constant 2 : i32
        %mul3A_750 = arith.muli %mul3A_749, %scan3A_413 : i32
        %add3A_751 = arith.constant 1 : i32
        %add3A_752 = arith.addi %mul3A_750, %add3A_751 : i32
        %mul3A_753 = arith.constant 64 : i32
        %mul3A_754 = vector.broadcast %mul3A_753 : i32 to vector<16xi32>
        %mul3A_755 = arith.muli %iota3A, %mul3A_754 : vector<16xi32>
        %add3A_756 = arith.constant 1024 : i32
        %add3A_757 = vector.broadcast %add3A_756 : i32 to vector<16xi32>
        %add3A_758 = arith.addi %add3A_757, %mul3A_755 : vector<16xi32>
        %add3A_759 = vector.broadcast %add3A_752 : i32 to vector<16xi32>
        %add3A_760 = arith.addi %add3A_758, %add3A_759 : vector<16xi32>
        %gather3A_761 = tpu.vector_load_idx %arg12[%add3A_760] : memref<2048xf32, #tpu.memory_space<vmem>>[vector<16xi32>], vector<16xf32>,
        %mul3A_762 = arith.constant 64 : i32
        %mul3A_763 = vector.broadcast %mul3A_762 : i32 to vector<16xi32>
        %mul3A_764 = arith.muli %iota3A, %mul3A_763 : vector<16xi32>
        %add3A_765 = arith.constant 1024 : i32
        %add3A_766 = vector.broadcast %add3A_765 : i32 to vector<16xi32>
        %add3A_767 = arith.addi %add3A_766, %mul3A_764 : vector<16xi32>
        %add3A_768 = vector.broadcast %add3A_752 : i32 to vector<16xi32>
        %add3A_769 = arith.addi %add3A_767, %add3A_768 : vector<16xi32>
        %gather3A_770 = tpu.vector_load_idx %arg11[%add3A_769] : memref<2048xi32, #tpu.memory_space<vmem>>[vector<16xi32>], vector<16xi32>,
        %broadcast_in_dim3A_771 = arith.constant 0.000000e+00 : f32
        %broadcast_in_dim3A_772 = vector.broadcast %broadcast_in_dim3A_771 : f32 to vector<16xf32>
        %broadcast_in_dim3A_773 = arith.constant 0.000000e+00 : f32
        %broadcast_in_dim3A_774 = vector.broadcast %broadcast_in_dim3A_773 : f32 to vector<16xf32>
        %slice3A_775 = vector.extract_strided_slice %gather3A_761 {offsets = [0], sizes = [1], strides = [1]} : vector<16xf32> to vector<1xf32>
        %squeeze3A_776 = vector.extract %slice3A_775[0] : f32 from vector<1xf32>
        %get3A_777 = arith.constant 1 : i32
        %get3A_778 = arith.constant 0 : i32
        %get3A_779 = arith.index_cast %get3A_777 : i32 to index
        %get3A_780 = arith.index_cast %get3A_778 : i32 to index
        %get3A_781 = arith.index_cast %add3A_752 : i32 to index
        %get3A_782 = arith.constant 0 : index
        %get3A_783 = tpu.vector_load %arg13[%get3A_779, %get3A_780, %get3A_781, %get3A_782] {strides = array<i32>} : memref<2x8x64x32xf32, #tpu.memory_space<vmem>>, vector<16xf32>,
        %mul3A_784 = vector.broadcast %squeeze3A_776 : f32 to vector<16xf32>
        %mul3A_785 = arith.mulf %mul3A_784, %get3A_783 : vector<16xf32>
        %add3A_786 = arith.addf %broadcast_in_dim3A_772, %mul3A_785 : vector<16xf32>
        %get3A_787 = arith.constant 1 : i32
        %get3A_788 = arith.constant 0 : i32
        %get3A_789 = arith.index_cast %get3A_787 : i32 to index
        %get3A_790 = arith.index_cast %get3A_788 : i32 to index
        %get3A_791 = arith.index_cast %add3A_752 : i32 to index
        %get3A_792 = arith.constant 16 : index
        %get3A_793 = tpu.vector_load %arg13[%get3A_789, %get3A_790, %get3A_791, %get3A_792] {strides = array<i32>} : memref<2x8x64x32xf32, #tpu.memory_space<vmem>>, vector<16xf32>,
        %mul3A_794 = vector.broadcast %squeeze3A_776 : f32 to vector<16xf32>
        %mul3A_795 = arith.mulf %mul3A_794, %get3A_793 : vector<16xf32>
        %add3A_796 = arith.addf %broadcast_in_dim3A_774, %mul3A_795 : vector<16xf32>
        %slice3A_797 = vector.extract_strided_slice %gather3A_761 {offsets = [1], sizes = [1], strides = [1]} : vector<16xf32> to vector<1xf32>
        %squeeze3A_798 = vector.extract %slice3A_797[0] : f32 from vector<1xf32>
        %get3A_799 = arith.constant 1 : i32
        %get3A_800 = arith.constant 1 : i32
        %get3A_801 = arith.index_cast %get3A_799 : i32 to index
        %get3A_802 = arith.index_cast %get3A_800 : i32 to index
        %get3A_803 = arith.index_cast %add3A_752 : i32 to index
        %get3A_804 = arith.constant 0 : index
        %get3A_805 = tpu.vector_load %arg13[%get3A_801, %get3A_802, %get3A_803, %get3A_804] {strides = array<i32>} : memref<2x8x64x32xf32, #tpu.memory_space<vmem>>, vector<16xf32>,
        %mul3A_806 = vector.broadcast %squeeze3A_798 : f32 to vector<16xf32>
        %mul3A_807 = arith.mulf %mul3A_806, %get3A_805 : vector<16xf32>
        %add3A_808 = arith.addf %add3A_786, %mul3A_807 : vector<16xf32>
        %get3A_809 = arith.constant 1 : i32
        %get3A_810 = arith.constant 1 : i32
        %get3A_811 = arith.index_cast %get3A_809 : i32 to index
        %get3A_812 = arith.index_cast %get3A_810 : i32 to index
        %get3A_813 = arith.index_cast %add3A_752 : i32 to index
        %get3A_814 = arith.constant 16 : index
        %get3A_815 = tpu.vector_load %arg13[%get3A_811, %get3A_812, %get3A_813, %get3A_814] {strides = array<i32>} : memref<2x8x64x32xf32, #tpu.memory_space<vmem>>, vector<16xf32>,
        %mul3A_816 = vector.broadcast %squeeze3A_798 : f32 to vector<16xf32>
        %mul3A_817 = arith.mulf %mul3A_816, %get3A_815 : vector<16xf32>
        %add3A_818 = arith.addf %add3A_796, %mul3A_817 : vector<16xf32>
        %slice3A_819 = vector.extract_strided_slice %gather3A_761 {offsets = [2], sizes = [1], strides = [1]} : vector<16xf32> to vector<1xf32>
        %squeeze3A_820 = vector.extract %slice3A_819[0] : f32 from vector<1xf32>
        %get3A_821 = arith.constant 1 : i32
        %get3A_822 = arith.constant 2 : i32
        %get3A_823 = arith.index_cast %get3A_821 : i32 to index
        %get3A_824 = arith.index_cast %get3A_822 : i32 to index
        %get3A_825 = arith.index_cast %add3A_752 : i32 to index
        %get3A_826 = arith.constant 0 : index
        %get3A_827 = tpu.vector_load %arg13[%get3A_823, %get3A_824, %get3A_825, %get3A_826] {strides = array<i32>} : memref<2x8x64x32xf32, #tpu.memory_space<vmem>>, vector<16xf32>,
        %mul3A_828 = vector.broadcast %squeeze3A_820 : f32 to vector<16xf32>
        %mul3A_829 = arith.mulf %mul3A_828, %get3A_827 : vector<16xf32>
        %add3A_830 = arith.addf %add3A_808, %mul3A_829 : vector<16xf32>
        %get3A_831 = arith.constant 1 : i32
        %get3A_832 = arith.constant 2 : i32
        %get3A_833 = arith.index_cast %get3A_831 : i32 to index
        %get3A_834 = arith.index_cast %get3A_832 : i32 to index
        %get3A_835 = arith.index_cast %add3A_752 : i32 to index
        %get3A_836 = arith.constant 16 : index
        %get3A_837 = tpu.vector_load %arg13[%get3A_833, %get3A_834, %get3A_835, %get3A_836] {strides = array<i32>} : memref<2x8x64x32xf32, #tpu.memory_space<vmem>>, vector<16xf32>,
        %mul3A_838 = vector.broadcast %squeeze3A_820 : f32 to vector<16xf32>
        %mul3A_839 = arith.mulf %mul3A_838, %get3A_837 : vector<16xf32>
        %add3A_840 = arith.addf %add3A_818, %mul3A_839 : vector<16xf32>
        %slice3A_841 = vector.extract_strided_slice %gather3A_761 {offsets = [3], sizes = [1], strides = [1]} : vector<16xf32> to vector<1xf32>
        %squeeze3A_842 = vector.extract %slice3A_841[0] : f32 from vector<1xf32>
        %get3A_843 = arith.constant 1 : i32
        %get3A_844 = arith.constant 3 : i32
        %get3A_845 = arith.index_cast %get3A_843 : i32 to index
        %get3A_846 = arith.index_cast %get3A_844 : i32 to index
        %get3A_847 = arith.index_cast %add3A_752 : i32 to index
        %get3A_848 = arith.constant 0 : index
        %get3A_849 = tpu.vector_load %arg13[%get3A_845, %get3A_846, %get3A_847, %get3A_848] {strides = array<i32>} : memref<2x8x64x32xf32, #tpu.memory_space<vmem>>, vector<16xf32>,
        %mul3A_850 = vector.broadcast %squeeze3A_842 : f32 to vector<16xf32>
        %mul3A_851 = arith.mulf %mul3A_850, %get3A_849 : vector<16xf32>
        %add3A_852 = arith.addf %add3A_830, %mul3A_851 : vector<16xf32>
        %get3A_853 = arith.constant 1 : i32
        %get3A_854 = arith.constant 3 : i32
        %get3A_855 = arith.index_cast %get3A_853 : i32 to index
        %get3A_856 = arith.index_cast %get3A_854 : i32 to index
        %get3A_857 = arith.index_cast %add3A_752 : i32 to index
        %get3A_858 = arith.constant 16 : index
        %get3A_859 = tpu.vector_load %arg13[%get3A_855, %get3A_856, %get3A_857, %get3A_858] {strides = array<i32>} : memref<2x8x64x32xf32, #tpu.memory_space<vmem>>, vector<16xf32>,
        %mul3A_860 = vector.broadcast %squeeze3A_842 : f32 to vector<16xf32>
        %mul3A_861 = arith.mulf %mul3A_860, %get3A_859 : vector<16xf32>
        %add3A_862 = arith.addf %add3A_840, %mul3A_861 : vector<16xf32>
        %slice3A_863 = vector.extract_strided_slice %gather3A_761 {offsets = [4], sizes = [1], strides = [1]} : vector<16xf32> to vector<1xf32>
        %squeeze3A_864 = vector.extract %slice3A_863[0] : f32 from vector<1xf32>
        %get3A_865 = arith.constant 1 : i32
        %get3A_866 = arith.constant 4 : i32
        %get3A_867 = arith.index_cast %get3A_865 : i32 to index
        %get3A_868 = arith.index_cast %get3A_866 : i32 to index
        %get3A_869 = arith.index_cast %add3A_752 : i32 to index
        %get3A_870 = arith.constant 0 : index
        %get3A_871 = tpu.vector_load %arg13[%get3A_867, %get3A_868, %get3A_869, %get3A_870] {strides = array<i32>} : memref<2x8x64x32xf32, #tpu.memory_space<vmem>>, vector<16xf32>,
        %mul3A_872 = vector.broadcast %squeeze3A_864 : f32 to vector<16xf32>
        %mul3A_873 = arith.mulf %mul3A_872, %get3A_871 : vector<16xf32>
        %add3A_874 = arith.addf %add3A_852, %mul3A_873 : vector<16xf32>
        %get3A_875 = arith.constant 1 : i32
        %get3A_876 = arith.constant 4 : i32
        %get3A_877 = arith.index_cast %get3A_875 : i32 to index
        %get3A_878 = arith.index_cast %get3A_876 : i32 to index
        %get3A_879 = arith.index_cast %add3A_752 : i32 to index
        %get3A_880 = arith.constant 16 : index
        %get3A_881 = tpu.vector_load %arg13[%get3A_877, %get3A_878, %get3A_879, %get3A_880] {strides = array<i32>} : memref<2x8x64x32xf32, #tpu.memory_space<vmem>>, vector<16xf32>,
        %mul3A_882 = vector.broadcast %squeeze3A_864 : f32 to vector<16xf32>
        %mul3A_883 = arith.mulf %mul3A_882, %get3A_881 : vector<16xf32>
        %add3A_884 = arith.addf %add3A_862, %mul3A_883 : vector<16xf32>
        %slice3A_885 = vector.extract_strided_slice %gather3A_761 {offsets = [5], sizes = [1], strides = [1]} : vector<16xf32> to vector<1xf32>
        %squeeze3A_886 = vector.extract %slice3A_885[0] : f32 from vector<1xf32>
        %get3A_887 = arith.constant 1 : i32
        %get3A_888 = arith.constant 5 : i32
        %get3A_889 = arith.index_cast %get3A_887 : i32 to index
        %get3A_890 = arith.index_cast %get3A_888 : i32 to index
        %get3A_891 = arith.index_cast %add3A_752 : i32 to index
        %get3A_892 = arith.constant 0 : index
        %get3A_893 = tpu.vector_load %arg13[%get3A_889, %get3A_890, %get3A_891, %get3A_892] {strides = array<i32>} : memref<2x8x64x32xf32, #tpu.memory_space<vmem>>, vector<16xf32>,
        %mul3A_894 = vector.broadcast %squeeze3A_886 : f32 to vector<16xf32>
        %mul3A_895 = arith.mulf %mul3A_894, %get3A_893 : vector<16xf32>
        %add3A_896 = arith.addf %add3A_874, %mul3A_895 : vector<16xf32>
        %get3A_897 = arith.constant 1 : i32
        %get3A_898 = arith.constant 5 : i32
        %get3A_899 = arith.index_cast %get3A_897 : i32 to index
        %get3A_900 = arith.index_cast %get3A_898 : i32 to index
        %get3A_901 = arith.index_cast %add3A_752 : i32 to index
        %get3A_902 = arith.constant 16 : index
        %get3A_903 = tpu.vector_load %arg13[%get3A_899, %get3A_900, %get3A_901, %get3A_902] {strides = array<i32>} : memref<2x8x64x32xf32, #tpu.memory_space<vmem>>, vector<16xf32>,
        %mul3A_904 = vector.broadcast %squeeze3A_886 : f32 to vector<16xf32>
        %mul3A_905 = arith.mulf %mul3A_904, %get3A_903 : vector<16xf32>
        %add3A_906 = arith.addf %add3A_884, %mul3A_905 : vector<16xf32>
        %slice3A_907 = vector.extract_strided_slice %gather3A_761 {offsets = [6], sizes = [1], strides = [1]} : vector<16xf32> to vector<1xf32>
        %squeeze3A_908 = vector.extract %slice3A_907[0] : f32 from vector<1xf32>
        %get3A_909 = arith.constant 1 : i32
        %get3A_910 = arith.constant 6 : i32
        %get3A_911 = arith.index_cast %get3A_909 : i32 to index
        %get3A_912 = arith.index_cast %get3A_910 : i32 to index
        %get3A_913 = arith.index_cast %add3A_752 : i32 to index
        %get3A_914 = arith.constant 0 : index
        %get3A_915 = tpu.vector_load %arg13[%get3A_911, %get3A_912, %get3A_913, %get3A_914] {strides = array<i32>} : memref<2x8x64x32xf32, #tpu.memory_space<vmem>>, vector<16xf32>,
        %mul3A_916 = vector.broadcast %squeeze3A_908 : f32 to vector<16xf32>
        %mul3A_917 = arith.mulf %mul3A_916, %get3A_915 : vector<16xf32>
        %add3A_918 = arith.addf %add3A_896, %mul3A_917 : vector<16xf32>
        %get3A_919 = arith.constant 1 : i32
        %get3A_920 = arith.constant 6 : i32
        %get3A_921 = arith.index_cast %get3A_919 : i32 to index
        %get3A_922 = arith.index_cast %get3A_920 : i32 to index
        %get3A_923 = arith.index_cast %add3A_752 : i32 to index
        %get3A_924 = arith.constant 16 : index
        %get3A_925 = tpu.vector_load %arg13[%get3A_921, %get3A_922, %get3A_923, %get3A_924] {strides = array<i32>} : memref<2x8x64x32xf32, #tpu.memory_space<vmem>>, vector<16xf32>,
        %mul3A_926 = vector.broadcast %squeeze3A_908 : f32 to vector<16xf32>
        %mul3A_927 = arith.mulf %mul3A_926, %get3A_925 : vector<16xf32>
        %add3A_928 = arith.addf %add3A_906, %mul3A_927 : vector<16xf32>
        %slice3A_929 = vector.extract_strided_slice %gather3A_761 {offsets = [7], sizes = [1], strides = [1]} : vector<16xf32> to vector<1xf32>
        %squeeze3A_930 = vector.extract %slice3A_929[0] : f32 from vector<1xf32>
        %get3A_931 = arith.constant 1 : i32
        %get3A_932 = arith.constant 7 : i32
        %get3A_933 = arith.index_cast %get3A_931 : i32 to index
        %get3A_934 = arith.index_cast %get3A_932 : i32 to index
        %get3A_935 = arith.index_cast %add3A_752 : i32 to index
        %get3A_936 = arith.constant 0 : index
        %get3A_937 = tpu.vector_load %arg13[%get3A_933, %get3A_934, %get3A_935, %get3A_936] {strides = array<i32>} : memref<2x8x64x32xf32, #tpu.memory_space<vmem>>, vector<16xf32>,
        %mul3A_938 = vector.broadcast %squeeze3A_930 : f32 to vector<16xf32>
        %mul3A_939 = arith.mulf %mul3A_938, %get3A_937 : vector<16xf32>
        %add3A_940 = arith.addf %add3A_918, %mul3A_939 : vector<16xf32>
        %get3A_941 = arith.constant 1 : i32
        %get3A_942 = arith.constant 7 : i32
        %get3A_943 = arith.index_cast %get3A_941 : i32 to index
        %get3A_944 = arith.index_cast %get3A_942 : i32 to index
        %get3A_945 = arith.index_cast %add3A_752 : i32 to index
        %get3A_946 = arith.constant 16 : index
        %get3A_947 = tpu.vector_load %arg13[%get3A_943, %get3A_944, %get3A_945, %get3A_946] {strides = array<i32>} : memref<2x8x64x32xf32, #tpu.memory_space<vmem>>, vector<16xf32>,
        %mul3A_948 = vector.broadcast %squeeze3A_930 : f32 to vector<16xf32>
        %mul3A_949 = arith.mulf %mul3A_948, %get3A_947 : vector<16xf32>
        %add3A_950 = arith.addf %add3A_928, %mul3A_949 : vector<16xf32>
        %slice3A_951 = vector.extract_strided_slice %gather3A_761 {offsets = [8], sizes = [1], strides = [1]} : vector<16xf32> to vector<1xf32>
        %squeeze3A_952 = vector.extract %slice3A_951[0] : f32 from vector<1xf32>
        %slice3A_953 = vector.extract_strided_slice %gather3A_770 {offsets = [8], sizes = [1], strides = [1]} : vector<16xi32> to vector<1xi32>
        %squeeze3A_954 = vector.extract %slice3A_953[0] : i32 from vector<1xi32>
        %get3A_955 = arith.index_cast %squeeze3A_954 : i32 to index
        %get3A_956 = arith.constant 0 : index
        %get3A_957 = tpu.vector_load %arg15[%get3A_955, %get3A_956] {strides = array<i32>} : memref<1024x32xf32, #tpu.memory_space<vmem>>, vector<16xf32>,
        %mul3A_958 = vector.broadcast %squeeze3A_952 : f32 to vector<16xf32>
        %mul3A_959 = arith.mulf %mul3A_958, %get3A_957 : vector<16xf32>
        %add3A_960 = arith.addf %add3A_940, %mul3A_959 : vector<16xf32>
        %get3A_961 = arith.index_cast %squeeze3A_954 : i32 to index
        %get3A_962 = arith.constant 16 : index
        %get3A_963 = tpu.vector_load %arg15[%get3A_961, %get3A_962] {strides = array<i32>} : memref<1024x32xf32, #tpu.memory_space<vmem>>, vector<16xf32>,
        %mul3A_964 = vector.broadcast %squeeze3A_952 : f32 to vector<16xf32>
        %mul3A_965 = arith.mulf %mul3A_964, %get3A_963 : vector<16xf32>
        %add3A_966 = arith.addf %add3A_950, %mul3A_965 : vector<16xf32>
        %slice3A_967 = vector.extract_strided_slice %gather3A_761 {offsets = [9], sizes = [1], strides = [1]} : vector<16xf32> to vector<1xf32>
        %squeeze3A_968 = vector.extract %slice3A_967[0] : f32 from vector<1xf32>
        %slice3A_969 = vector.extract_strided_slice %gather3A_770 {offsets = [9], sizes = [1], strides = [1]} : vector<16xi32> to vector<1xi32>
        %squeeze3A_970 = vector.extract %slice3A_969[0] : i32 from vector<1xi32>
        %get3A_971 = arith.index_cast %squeeze3A_970 : i32 to index
        %get3A_972 = arith.constant 0 : index
        %get3A_973 = tpu.vector_load %arg15[%get3A_971, %get3A_972] {strides = array<i32>} : memref<1024x32xf32, #tpu.memory_space<vmem>>, vector<16xf32>,
        %mul3A_974 = vector.broadcast %squeeze3A_968 : f32 to vector<16xf32>
        %mul3A_975 = arith.mulf %mul3A_974, %get3A_973 : vector<16xf32>
        %add3A_976 = arith.addf %add3A_960, %mul3A_975 : vector<16xf32>
        %get3A_977 = arith.index_cast %squeeze3A_970 : i32 to index
        %get3A_978 = arith.constant 16 : index
        %get3A_979 = tpu.vector_load %arg15[%get3A_977, %get3A_978] {strides = array<i32>} : memref<1024x32xf32, #tpu.memory_space<vmem>>, vector<16xf32>,
        %mul3A_980 = vector.broadcast %squeeze3A_968 : f32 to vector<16xf32>
        %mul3A_981 = arith.mulf %mul3A_980, %get3A_979 : vector<16xf32>
        %add3A_982 = arith.addf %add3A_966, %mul3A_981 : vector<16xf32>
        %slice3A_983 = vector.extract_strided_slice %gather3A_761 {offsets = [10], sizes = [1], strides = [1]} : vector<16xf32> to vector<1xf32>
        %squeeze3A_984 = vector.extract %slice3A_983[0] : f32 from vector<1xf32>
        %slice3A_985 = vector.extract_strided_slice %gather3A_770 {offsets = [10], sizes = [1], strides = [1]} : vector<16xi32> to vector<1xi32>
        %squeeze3A_986 = vector.extract %slice3A_985[0] : i32 from vector<1xi32>
        %get3A_987 = arith.index_cast %squeeze3A_986 : i32 to index
        %get3A_988 = arith.constant 0 : index
        %get3A_989 = tpu.vector_load %arg15[%get3A_987, %get3A_988] {strides = array<i32>} : memref<1024x32xf32, #tpu.memory_space<vmem>>, vector<16xf32>,
        %mul3A_990 = vector.broadcast %squeeze3A_984 : f32 to vector<16xf32>
        %mul3A_991 = arith.mulf %mul3A_990, %get3A_989 : vector<16xf32>
        %add3A_992 = arith.addf %add3A_976, %mul3A_991 : vector<16xf32>
        %get3A_993 = arith.index_cast %squeeze3A_986 : i32 to index
        %get3A_994 = arith.constant 16 : index
        %get3A_995 = tpu.vector_load %arg15[%get3A_993, %get3A_994] {strides = array<i32>} : memref<1024x32xf32, #tpu.memory_space<vmem>>, vector<16xf32>,
        %mul3A_996 = vector.broadcast %squeeze3A_984 : f32 to vector<16xf32>
        %mul3A_997 = arith.mulf %mul3A_996, %get3A_995 : vector<16xf32>
        %add3A_998 = arith.addf %add3A_982, %mul3A_997 : vector<16xf32>
        %slice3A_999 = vector.extract_strided_slice %gather3A_761 {offsets = [11], sizes = [1], strides = [1]} : vector<16xf32> to vector<1xf32>
        %squeeze3A_1000 = vector.extract %slice3A_999[0] : f32 from vector<1xf32>
        %slice3A_1001 = vector.extract_strided_slice %gather3A_770 {offsets = [11], sizes = [1], strides = [1]} : vector<16xi32> to vector<1xi32>
        %squeeze3A_1002 = vector.extract %slice3A_1001[0] : i32 from vector<1xi32>
        %get3A_1003 = arith.index_cast %squeeze3A_1002 : i32 to index
        %get3A_1004 = arith.constant 0 : index
        %get3A_1005 = tpu.vector_load %arg15[%get3A_1003, %get3A_1004] {strides = array<i32>} : memref<1024x32xf32, #tpu.memory_space<vmem>>, vector<16xf32>,
        %mul3A_1006 = vector.broadcast %squeeze3A_1000 : f32 to vector<16xf32>
        %mul3A_1007 = arith.mulf %mul3A_1006, %get3A_1005 : vector<16xf32>
        %add3A_1008 = arith.addf %add3A_992, %mul3A_1007 : vector<16xf32>
        %get3A_1009 = arith.index_cast %squeeze3A_1002 : i32 to index
        %get3A_1010 = arith.constant 16 : index
        %get3A_1011 = tpu.vector_load %arg15[%get3A_1009, %get3A_1010] {strides = array<i32>} : memref<1024x32xf32, #tpu.memory_space<vmem>>, vector<16xf32>,
        %mul3A_1012 = vector.broadcast %squeeze3A_1000 : f32 to vector<16xf32>
        %mul3A_1013 = arith.mulf %mul3A_1012, %get3A_1011 : vector<16xf32>
        %add3A_1014 = arith.addf %add3A_998, %mul3A_1013 : vector<16xf32>
        %slice3A_1015 = vector.extract_strided_slice %gather3A_761 {offsets = [12], sizes = [1], strides = [1]} : vector<16xf32> to vector<1xf32>
        %squeeze3A_1016 = vector.extract %slice3A_1015[0] : f32 from vector<1xf32>
        %slice3A_1017 = vector.extract_strided_slice %gather3A_770 {offsets = [12], sizes = [1], strides = [1]} : vector<16xi32> to vector<1xi32>
        %squeeze3A_1018 = vector.extract %slice3A_1017[0] : i32 from vector<1xi32>
        %get3A_1019 = arith.index_cast %squeeze3A_1018 : i32 to index
        %get3A_1020 = arith.constant 0 : index
        %get3A_1021 = tpu.vector_load %arg16[%get3A_1019, %get3A_1020] {strides = array<i32>} : memref<256x32xf32, #tpu.memory_space<vmem>>, vector<16xf32>,
        %mul3A_1022 = vector.broadcast %squeeze3A_1016 : f32 to vector<16xf32>
        %mul3A_1023 = arith.mulf %mul3A_1022, %get3A_1021 : vector<16xf32>
        %add3A_1024 = arith.addf %add3A_1008, %mul3A_1023 : vector<16xf32>
        %get3A_1025 = arith.index_cast %squeeze3A_1018 : i32 to index
        %get3A_1026 = arith.constant 16 : index
        %get3A_1027 = tpu.vector_load %arg16[%get3A_1025, %get3A_1026] {strides = array<i32>} : memref<256x32xf32, #tpu.memory_space<vmem>>, vector<16xf32>,
        %mul3A_1028 = vector.broadcast %squeeze3A_1016 : f32 to vector<16xf32>
        %mul3A_1029 = arith.mulf %mul3A_1028, %get3A_1027 : vector<16xf32>
        %add3A_1030 = arith.addf %add3A_1014, %mul3A_1029 : vector<16xf32>
        %slice3A_1031 = vector.extract_strided_slice %gather3A_761 {offsets = [13], sizes = [1], strides = [1]} : vector<16xf32> to vector<1xf32>
        %squeeze3A_1032 = vector.extract %slice3A_1031[0] : f32 from vector<1xf32>
        %slice3A_1033 = vector.extract_strided_slice %gather3A_770 {offsets = [13], sizes = [1], strides = [1]} : vector<16xi32> to vector<1xi32>
        %squeeze3A_1034 = vector.extract %slice3A_1033[0] : i32 from vector<1xi32>
        %get3A_1035 = arith.index_cast %squeeze3A_1034 : i32 to index
        %get3A_1036 = arith.constant 0 : index
        %get3A_1037 = tpu.vector_load %arg16[%get3A_1035, %get3A_1036] {strides = array<i32>} : memref<256x32xf32, #tpu.memory_space<vmem>>, vector<16xf32>,
        %mul3A_1038 = vector.broadcast %squeeze3A_1032 : f32 to vector<16xf32>
        %mul3A_1039 = arith.mulf %mul3A_1038, %get3A_1037 : vector<16xf32>
        %add3A_1040 = arith.addf %add3A_1024, %mul3A_1039 : vector<16xf32>
        %get3A_1041 = arith.index_cast %squeeze3A_1034 : i32 to index
        %get3A_1042 = arith.constant 16 : index
        %get3A_1043 = tpu.vector_load %arg16[%get3A_1041, %get3A_1042] {strides = array<i32>} : memref<256x32xf32, #tpu.memory_space<vmem>>, vector<16xf32>,
        %mul3A_1044 = vector.broadcast %squeeze3A_1032 : f32 to vector<16xf32>
        %mul3A_1045 = arith.mulf %mul3A_1044, %get3A_1043 : vector<16xf32>
        %add3A_1046 = arith.addf %add3A_1030, %mul3A_1045 : vector<16xf32>
        %slice3A_1047 = vector.extract_strided_slice %gather3A_761 {offsets = [14], sizes = [1], strides = [1]} : vector<16xf32> to vector<1xf32>
        %squeeze3A_1048 = vector.extract %slice3A_1047[0] : f32 from vector<1xf32>
        %slice3A_1049 = vector.extract_strided_slice %gather3A_770 {offsets = [14], sizes = [1], strides = [1]} : vector<16xi32> to vector<1xi32>
        %squeeze3A_1050 = vector.extract %slice3A_1049[0] : i32 from vector<1xi32>
        %get3A_1051 = arith.index_cast %squeeze3A_1050 : i32 to index
        %get3A_1052 = arith.constant 0 : index
        %get3A_1053 = tpu.vector_load %arg16[%get3A_1051, %get3A_1052] {strides = array<i32>} : memref<256x32xf32, #tpu.memory_space<vmem>>, vector<16xf32>,
        %mul3A_1054 = vector.broadcast %squeeze3A_1048 : f32 to vector<16xf32>
        %mul3A_1055 = arith.mulf %mul3A_1054, %get3A_1053 : vector<16xf32>
        %add3A_1056 = arith.addf %add3A_1040, %mul3A_1055 : vector<16xf32>
        %get3A_1057 = arith.index_cast %squeeze3A_1050 : i32 to index
        %get3A_1058 = arith.constant 16 : index
        %get3A_1059 = tpu.vector_load %arg16[%get3A_1057, %get3A_1058] {strides = array<i32>} : memref<256x32xf32, #tpu.memory_space<vmem>>, vector<16xf32>,
        %mul3A_1060 = vector.broadcast %squeeze3A_1048 : f32 to vector<16xf32>
        %mul3A_1061 = arith.mulf %mul3A_1060, %get3A_1059 : vector<16xf32>
        %add3A_1062 = arith.addf %add3A_1046, %mul3A_1061 : vector<16xf32>
        %slice3A_1063 = vector.extract_strided_slice %gather3A_761 {offsets = [15], sizes = [1], strides = [1]} : vector<16xf32> to vector<1xf32>
        %squeeze3A_1064 = vector.extract %slice3A_1063[0] : f32 from vector<1xf32>
        %slice3A_1065 = vector.extract_strided_slice %gather3A_770 {offsets = [15], sizes = [1], strides = [1]} : vector<16xi32> to vector<1xi32>
        %squeeze3A_1066 = vector.extract %slice3A_1065[0] : i32 from vector<1xi32>
        %get3A_1067 = arith.index_cast %squeeze3A_1066 : i32 to index
        %get3A_1068 = arith.constant 0 : index
        %get3A_1069 = tpu.vector_load %arg16[%get3A_1067, %get3A_1068] {strides = array<i32>} : memref<256x32xf32, #tpu.memory_space<vmem>>, vector<16xf32>,
        %mul3A_1070 = vector.broadcast %squeeze3A_1064 : f32 to vector<16xf32>
        %mul3A_1071 = arith.mulf %mul3A_1070, %get3A_1069 : vector<16xf32>
        %add3A_1072 = arith.addf %add3A_1056, %mul3A_1071 : vector<16xf32>
        %get3A_1073 = arith.index_cast %squeeze3A_1066 : i32 to index
        %get3A_1074 = arith.constant 16 : index
        %get3A_1075 = tpu.vector_load %arg16[%get3A_1073, %get3A_1074] {strides = array<i32>} : memref<256x32xf32, #tpu.memory_space<vmem>>, vector<16xf32>,
        %mul3A_1076 = vector.broadcast %squeeze3A_1064 : f32 to vector<16xf32>
        %mul3A_1077 = arith.mulf %mul3A_1076, %get3A_1075 : vector<16xf32>
        %add3A_1078 = arith.addf %add3A_1062, %mul3A_1077 : vector<16xf32>
        %swap3A_1079 = arith.constant 1 : i32
        %swap3A_1080 = arith.index_cast %swap3A_1079 : i32 to index
        %swap3A_1081 = arith.index_cast %add3A_752 : i32 to index
        %swap3A_1082 = arith.constant 0 : index
        %swap3A_1083 = tpu.vector_load %arg14[%swap3A_1080, %swap3A_1081, %swap3A_1082] {strides = array<i32>} : memref<2x64x32xf32, #tpu.memory_space<vmem>>, vector<16xf32>,
        tpu.vector_store %arg14[%swap3A_1080, %swap3A_1081, %swap3A_1082], %add3A_1072 {strides = array<i32>} : memref<2x64x32xf32, #tpu.memory_space<vmem>>, vector<16xf32>,
        %swap3A_1084 = arith.constant 1 : i32
        %swap3A_1085 = arith.index_cast %swap3A_1084 : i32 to index
        %swap3A_1086 = arith.index_cast %add3A_752 : i32 to index
        %swap3A_1087 = arith.constant 16 : index
        %swap3A_1088 = tpu.vector_load %arg14[%swap3A_1085, %swap3A_1086, %swap3A_1087] {strides = array<i32>} : memref<2x64x32xf32, #tpu.memory_space<vmem>>, vector<16xf32>,
        tpu.vector_store %arg14[%swap3A_1085, %swap3A_1086, %swap3A_1087], %add3A_1078 {strides = array<i32>} : memref<2x64x32xf32, #tpu.memory_space<vmem>>, vector<16xf32>,
      }
      %scan3A_394 = arith.constant 32 : i32
      %mul3A_395 = arith.constant 8192 : i32
      %mul3A_396 = arith.muli %add3A, %mul3A_395 : i32
      %mul3A_397 = arith.constant 64 : i32
      %mul3A_398 = arith.muli %add3A_288, %mul3A_397 : i32
      %add3A_399 = arith.addi %mul3A_396, %mul3A_398 : i32
      %dma_start3A_400 = arith.constant 1 : i32
      %dma_start3A_401 = arith.constant 0 : i32
      %dma_start3A_402 = arith.constant 0 : i32
      %dma_start3A_403 = tpu.memref_slice %arg14[%dma_start3A_400, %dma_start3A_401, %dma_start3A_402] : memref<2x64x32xf32, #tpu.memory_space<vmem>> -> memref<1x64x32xf32, #tpu.memory_space<vmem>>
      %dma_start3A_404 = tpu.memref_squeeze %dma_start3A_403 : memref<1x64x32xf32, #tpu.memory_space<vmem>> -> memref<64x32xf32, #tpu.memory_space<vmem>>
      %dma_start3A_405 = arith.constant 0 : i32
      %dma_start3A_406 = tpu.memref_slice %arg8[%add3A_399, %dma_start3A_405] : memref<262144x32xf32, #tpu.memory_space<hbm>> -> memref<64x32xf32, #tpu.memory_space<hbm>>
      %dma_start3A_407 = arith.constant 0 : i32
      %dma_start3A_408 = tpu.memref_slice %arg8[%add3A_399, %dma_start3A_407] : memref<262144x32xf32, #tpu.memory_space<hbm>> -> memref<64x32xf32, #tpu.memory_space<hbm>>
      %dma_start3A_409 = arith.constant 0 : i32
      %dma_start3A_410 = arith.constant 0 : i32
      %dma_start3A_411 = tpu.memref_slice %arg14[%dma_start3A_400, %dma_start3A_409, %dma_start3A_410] : memref<2x64x32xf32, #tpu.memory_space<vmem>> -> memref<1x64x32xf32, #tpu.memory_space<vmem>>
      %dma_start3A_412 = tpu.memref_squeeze %dma_start3A_411 : memref<1x64x32xf32, #tpu.memory_space<vmem>> -> memref<64x32xf32, #tpu.memory_space<vmem>>
      tpu.enqueue_dma source(%dma_start3A_412 : memref<64x32xf32, #tpu.memory_space<vmem>>) target(%dma_start3A_408 : memref<64x32xf32, #tpu.memory_space<hbm>>) target_semaphore(%arg20 : memref<!tpu.dma_semaphore, #tpu.memory_space<semaphore_mem>>)
    }
    %scan3A_126 = arith.constant 64 : i32
    %mul3A_127 = arith.constant 8192 : i32
    %mul3A_128 = arith.muli %add3A, %mul3A_127 : i32
    %add3A_129 = arith.constant 8064 : i32
    %add3A_130 = arith.addi %mul3A_128, %add3A_129 : i32
    %dma_wait3A = arith.constant 0 : i32
    %dma_wait3A_131 = arith.constant 0 : i32
    %dma_wait3A_132 = arith.constant 0 : i32
    %dma_wait3A_133 = tpu.memref_slice %arg14[%dma_wait3A, %dma_wait3A_131, %dma_wait3A_132] : memref<2x64x32xf32, #tpu.memory_space<vmem>> -> memref<1x64x32xf32, #tpu.memory_space<vmem>>
    %dma_wait3A_134 = tpu.memref_squeeze %dma_wait3A_133 : memref<1x64x32xf32, #tpu.memory_space<vmem>> -> memref<64x32xf32, #tpu.memory_space<vmem>>
    %dma_wait3A_135 = arith.constant 0 : i32
    %dma_wait3A_136 = tpu.memref_slice %arg8[%add3A_130, %dma_wait3A_135] : memref<262144x32xf32, #tpu.memory_space<hbm>> -> memref<64x32xf32, #tpu.memory_space<hbm>>
    %dma_wait3A_137 = arith.constant 0 : i32
    %dma_wait3A_138 = tpu.memref_slice %arg8[%add3A_130, %dma_wait3A_137] : memref<262144x32xf32, #tpu.memory_space<hbm>> -> memref<64x32xf32, #tpu.memory_space<hbm>>
    %dma_wait3A_139 = arith.constant 0 : i32
    %dma_wait3A_140 = arith.constant 0 : i32
    %dma_wait3A_141 = tpu.memref_slice %arg14[%dma_wait3A, %dma_wait3A_139, %dma_wait3A_140] : memref<2x64x32xf32, #tpu.memory_space<vmem>> -> memref<1x64x32xf32, #tpu.memory_space<vmem>>
    %dma_wait3A_142 = tpu.memref_squeeze %dma_wait3A_141 : memref<1x64x32xf32, #tpu.memory_space<vmem>> -> memref<64x32xf32, #tpu.memory_space<vmem>>
    tpu.wait_dma2 semaphore(%arg19 : memref<!tpu.dma_semaphore, #tpu.memory_space<semaphore_mem>>) src(%dma_wait3A_142 : memref<64x32xf32, #tpu.memory_space<vmem>>) dst(%dma_wait3A_138 : memref<64x32xf32, #tpu.memory_space<hbm>>)
    %mul3A_143 = arith.constant 8192 : i32
    %mul3A_144 = arith.muli %add3A, %mul3A_143 : i32
    %add3A_145 = arith.constant 8128 : i32
    %add3A_146 = arith.addi %mul3A_144, %add3A_145 : i32
    %dma_wait3A_147 = arith.constant 1 : i32
    %dma_wait3A_148 = arith.constant 0 : i32
    %dma_wait3A_149 = arith.constant 0 : i32
    %dma_wait3A_150 = tpu.memref_slice %arg14[%dma_wait3A_147, %dma_wait3A_148, %dma_wait3A_149] : memref<2x64x32xf32, #tpu.memory_space<vmem>> -> memref<1x64x32xf32, #tpu.memory_space<vmem>>
    %dma_wait3A_151 = tpu.memref_squeeze %dma_wait3A_150 : memref<1x64x32xf32, #tpu.memory_space<vmem>> -> memref<64x32xf32, #tpu.memory_space<vmem>>
    %dma_wait3A_152 = arith.constant 0 : i32
    %dma_wait3A_153 = tpu.memref_slice %arg8[%add3A_146, %dma_wait3A_152] : memref<262144x32xf32, #tpu.memory_space<hbm>> -> memref<64x32xf32, #tpu.memory_space<hbm>>
    %dma_wait3A_154 = arith.constant 0 : i32
    %dma_wait3A_155 = tpu.memref_slice %arg8[%add3A_146, %dma_wait3A_154] : memref<262144x32xf32, #tpu.memory_space<hbm>> -> memref<64x32xf32, #tpu.memory_space<hbm>>
    %dma_wait3A_156 = arith.constant 0 : i32
    %dma_wait3A_157 = arith.constant 0 : i32
    %dma_wait3A_158 = tpu.memref_slice %arg14[%dma_wait3A_147, %dma_wait3A_156, %dma_wait3A_157] : memref<2x64x32xf32, #tpu.memory_space<vmem>> -> memref<1x64x32xf32, #tpu.memory_space<vmem>>
    %dma_wait3A_159 = tpu.memref_squeeze %dma_wait3A_158 : memref<1x64x32xf32, #tpu.memory_space<vmem>> -> memref<64x32xf32, #tpu.memory_space<vmem>>
    tpu.wait_dma2 semaphore(%arg20 : memref<!tpu.dma_semaphore, #tpu.memory_space<semaphore_mem>>) src(%dma_wait3A_159 : memref<64x32xf32, #tpu.memory_space<vmem>>) dst(%dma_wait3A_155 : memref<64x32xf32, #tpu.memory_space<hbm>>)
    return
  }
}

</mosaic_0001>

<sc_bundles>
// kernel: kernel.3.cloned.1.call-start
scs
__scs_entry_jumppad:
0x0: {  	(pc) =	sbr.rel $0x88, $3  }
0x1: {  	(tag) =	ssettag $0x0;
	lr =	simm.s32 $0x1  }
0x2: {  	[smem:$0x3F9B] =	sst lr;
	_ =	strace $0xD0000000  }
0x3: {  	_ = 	snop  }
0x4: {  	_ = 	snop  }
0x5: {  	_ = 	snop  }
0x6: {  	_ = 	snop  }
0x7: {  	_ = 	snop  }
__scs_overlays_trampoline_lowered:
0x8: {  	[smem:$0x3FAA] =	sst s0  }
0x9: {  	[smem:$0x3FAB] =	sst s1  }
0xa: {  	[smem:$0x3FAC] =	sst s2  }
0xb: {  	[smem:$0x3FAD] =	sst s3  }
0xc: {  	[smem:$0x3FAE] =	sst s4  }
0xd: {  	[smem:$0x3FAF] =	sst s5  }
0xe: {  	[smem:$0x3FB0] =	sst s6  }
0xf: {  	[smem:$0x3FB1] =	sst s7  }
0x10: {  	[smem:$0x3FB2] =	sst s8  }
0x11: {  	[smem:$0x3FB3] =	sst s9;
	s0 =	simm.s32 @!p0 $0x0  }
0x12: {  	s1 =	sld [smem:$0x3F99];
	s0 =	simm.s32 @p0 $0x1  }
0x13: {  	[smem:$0x3FB4] =	sst s0;
	s0 =	simm.s32 @!p1 $0x0  }
0x14: {  	s2 =	sld [smem:$0x3F98];
	s0 =	simm.s32 @p1 $0x1  }
0x15: {  	[smem:$0x3FB5] =	sst s0;
	s0 =	simm.s32 @!p2 $0x0  }
0x16: {  	s3 =	sld [smem:$0x3FDB];
	s0 =	simm.s32 @p2 $0x1  }
0x17: {  	s4 =	simm.s32 $0x1BF5;
	[smem:$0x3FB7] =	sst s0  }
0x18: {  	s0 =	sld [smem:$0x3F9A];
	_ =	swait.ge [sflag:s4], $0x0  }
0x19: {  	s7 =	sld [smem:$0x3F9B]  }
0x1a: {  	s8 =	sadd.s32 $0xFFFFE003, lr  }
0x1b: {  	s9 =	sadd.s32 $0xFFFFFEF7, lr;
	s5 =	simm.s32 $0xFFFFFFFF;
	p2 =	slt.u32 s8, $0xFFFFF086  }
0x1c: {  	p1 =	slt.u32 s9, $0xF7A;
	s5 =	simm.s32 @!p2 $0x0  }
0x1d: {  	s5 =	simm.s32 @p1 $0x1;
	p0 =	seq.s32 s7, s2  }
0x1e: {  	s7 =	smul.u32 @!p0 $0xF7A, s2;
	p2 =	seq.s32 @!p0 s5, $0x0  }
0x1f: {  	s9 =	smul.u32 $0xF7A, s1;
	s8 =	simm.s32 @!p0 $0x1BF5;
	p2 =	por !p2, p0  }
0x20: {  	[sflag:s8] =	ssyncset.s32 @!p0 $0xFFFFF086;
	s6 =	sadd.s32 @!p0 s3, s7;
	s7 =	simm.s32 @!p0 $0x108  }
0x21: {  	s3 =	sadd.s32 s3, s9;
	s6 =	sadd.s32 @!p0 $0x88, s6;
	s7 =	simm.s32 @p2 $0x1082  }
0x22: {  	[simem:s7], [sflag:s8] =	dma.local @!p0 [hbm:s6], $0xF7A  }
0x23: {  	s9 =	sor.u32 $0xD0000000, s2;
	s6 =	simm.s32 $0x108;
	_ =	swait.ge @!p0 [sflag:s8], $0x0  }
0x24: {  	s3 =	sadd.s32 $0x88, s3;
	s6 =	simm.s32 @!p1 $0x1082;
	[sflag:s4] =	ssyncset.s32 $0xFFFFF086  }
0x25: {  	[simem:s6], [sflag:s4] =	dma.local [hbm:s3], $0xF7A  }
0x26: {  	[smem:$0x3F9B] =	sst s1;
	(tag) =	ssettag s2;
	_ =	strace s9  }
0x27: {  	s1 =	sld [smem:$0x3FAB]  }
0x28: {  	s2 =	sld [smem:$0x3FAC]  }
0x29: {  	s4 =	sld [smem:$0x3FAE]  }
0x2a: {  	p0 =	seq.s32 s5, $0x0;
	s5 =	sld [smem:$0x3FAF]  }
0x2b: {  	s6 =	sld [smem:$0x3FB0]  }
0x2c: {  	s7 =	sld [smem:$0x3FB1]  }
0x2d: {  	s3 =	simm.s32 $0x108;
	s8 =	sld [smem:$0x3FB2]  }
0x2e: {  	s3 =	simm.s32 @!p0 $0x1082;
	s9 =	sld [smem:$0x3FB3]  }
0x2f: {  	lr =	sadd.s32 s0, s3;
	s0 =	sld [smem:$0x3FAA]  }
0x30: {  	s3 =	sld [smem:$0x3FAD]  }
0x31: {  	[smem:$0x3FB6] =	sst s10  }
0x32: {  	s10 =	sld [smem:$0x3FB4];
	_ =	sdelay $0x3  }
0x33: {  	p0 =	seq.s32 s10, $0x1;
	s10 =	sld [smem:$0x3FB6];
	_ =	sdelay $0x3  }
0x34: {  	[smem:$0x3FB6] =	sst s10  }
0x35: {  	s10 =	sld [smem:$0x3FB5];
	_ =	sdelay $0x3  }
0x36: {  	p1 =	seq.s32 s10, $0x1;
	s10 =	sld [smem:$0x3FB6];
	_ =	sdelay $0x3  }
0x37: {  	[smem:$0x3FB6] =	sst s10  }
0x38: {  	s10 =	sld [smem:$0x3FB7]  }
0x39: {  	_ = 	snop;
	(pc) =	sbr.ind lr, $3  }
0x3a: {  	_ = 	snop  }
0x3b: {  	_ = 	snop  }
0x3c: {  	p2 =	seq.s32 s10, $0x1;
	s10 =	sld [smem:$0x3FB6]  }
0x3d: {  	_ =	shalt  }
0x3e: {  	_ =	shalt  }
0x3f: {  	_ =	shalt  }
0x40: {  	_ =	shalt  }
0x41: {  	_ =	shalt  }
0x42: {  	_ =	shalt  }
0x43: {  	_ =	shalt  }
0x44: {  	_ =	shalt  }
0x45: {  	_ =	shalt  }
0x46: {  	_ =	shalt  }
0x47: {  	_ =	shalt  }
0x48: {  	_ =	shalt  }
0x49: {  	_ =	shalt  }
0x4a: {  	_ =	shalt  }
0x4b: {  	_ =	shalt  }
0x4c: {  	_ =	shalt  }
0x4d: {  	_ =	shalt  }
0x4e: {  	_ =	shalt  }
0x4f: {  	_ =	shalt  }
0x50: {  	_ =	shalt  }
0x51: {  	_ =	shalt  }
0x52: {  	_ =	shalt  }
0x53: {  	_ =	shalt  }
0x54: {  	_ =	shalt  }
0x55: {  	_ =	shalt  }
0x56: {  	_ =	shalt  }
0x57: {  	_ =	shalt  }
0x58: {  	_ =	shalt  }
0x59: {  	_ =	shalt  }
0x5a: {  	_ =	shalt  }
0x5b: {  	_ =	shalt  }
0x5c: {  	_ =	shalt  }
0x5d: {  	_ =	shalt  }
0x5e: {  	_ =	shalt  }
0x5f: {  	_ =	shalt  }
0x60: {  	_ =	shalt  }
0x61: {  	_ =	shalt  }
0x62: {  	_ =	shalt  }
0x63: {  	_ =	shalt  }
0x64: {  	_ =	shalt  }
0x65: {  	_ =	shalt  }
0x66: {  	_ =	shalt  }
0x67: {  	_ =	shalt  }
0x68: {  	_ =	shalt  }
0x69: {  	_ =	shalt  }
0x6a: {  	_ =	shalt  }
0x6b: {  	_ =	shalt  }
0x6c: {  	_ =	shalt  }
0x6d: {  	_ =	shalt  }
0x6e: {  	_ =	shalt  }
0x6f: {  	_ =	shalt  }
0x70: {  	_ =	shalt  }
0x71: {  	_ =	shalt  }
0x72: {  	_ =	shalt  }
0x73: {  	_ =	shalt  }
0x74: {  	_ =	shalt  }
0x75: {  	_ =	shalt  }
0x76: {  	_ =	shalt  }
0x77: {  	_ =	shalt  }
0x78: {  	_ =	shalt  }
0x79: {  	_ =	shalt  }
0x7a: {  	_ =	shalt  }
0x7b: {  	_ =	shalt  }
0x7c: {  	_ =	shalt  }
0x7d: {  	_ =	shalt  }
0x7e: {  	_ =	shalt  }
0x7f: {  	_ =	shalt  }
0x80: {  	_ =	shalt  }
0x81: {  	_ =	shalt  }
0x82: {  	_ =	shalt  }
0x83: {  	_ =	shalt  }
0x84: {  	_ =	shalt  }
0x85: {  	_ =	shalt  }
0x86: {  	_ =	shalt  }
0x87: {  	_ =	shalt  }
.Lfunc_end0:
.L_simem_size_0:
called_computation.2_lowered:
.L_overlay_start_0:
0x88: {  	s2 =	sld [smem:$0x3FD9]  }
0x89: {  	s3 =	sld [smem:$0x3FFE];
	_ =	sdelay $0x1  }
0x8a: {  	s1 =	srdreg.scid  }
0x8b: {  	s0 =	sand.u32 $0x1, s1  }
0x8c: {  	s17 =	sshll.u32 s0, $0xA;
	s2 =	sadd.s32 s3, s2  }
0x8d: {  	s2 =	sadd.s32 s2, s17  }
0x8e: {  	[smem:$0x3FC2] =	sst s2  }
0x8f: {  	_ = 	snop  }
0x90: {  	s2 =	sld [smem:$0x3FD0];
	(tm) =	ssettm $0x1  }
0x91: {  	s18 =	sld [smem:$0x3FFB];
	_ =	sdelay $0x3  }
0x92: {  	_ =	strace s18  }
0x93: {  	s3 =	sld [smem:$0x3FFC];
	_ =	sdelay $0x3  }
0x94: {  	_ =	strace s3  }
0x95: {  	s3 =	sld [smem:$0x3FFD];
	_ =	sdelay $0x3  }
0x96: {  	_ =	strace s3  }
0x97: {  	_ =	strace $0x8FFFFFFF  }
0x98: {  	s19 =	sld [smem:$0x3FDB];
	_ =	sdelay $0x1  }
0x99: {  	s4 =	simm.s32 $_scs_section_size  }
0x9a: {  	s5 =	simm.s32 $_size__tile_overlayer_lowered;
	s6 =	simm.s32 $_tile_overlayer_lowered  }
0x9b: {  	s22 =	simm.s32 $0x1BFF;
	s21 =	sshll.u32 s6, $0x1;
	s3 =	sadd.s32 s4, s19  }
0x9c: {  	s7 =	simm.s32 $0x0;
	s20 =	sshll.u32 s5, $0x1;
	s5 =	sadd.s32 s21, s3  }
0x9d: {  	[timem:s7], [sflag:s22] =	dma.local [hbm:s5], s20  }
0x9e: {  	_ =	swait.ge [sflag:s22], s20  }
0x9f: {  	s4 =	ssub.s32 $0x0, s20;
	[sflag:s22] =	ssyncset.done $0x0  }
0xa0: {  	[sflag:s22] =	ssyncadd.s32 s4;
	_ =	sdelay $0x1  }
0xa1: {  	s23 =	simm.s32 $0x1B8B  }
0xa2: {  	_ =	swait.ge [sflag:s23], $0x1  }
0xa3: {  	[sflag:s23] =	ssyncset.done $0x0  }
0xa4: {  	s25 =	simm.s32 $0x1B8E;
	s24 =	sld [smem:$0x3FFE];
	[sflag:s23] =	ssyncadd.s32 $0xFFFFFFFF  }
0xa5: {  	s26 =	simm.s32 $execute0_lowered;
	[smem:$0x3FD2] =	sst s25  }
0xa6: {  	s5 =	sshll.u32 s26, $0x1;
	_ =	strace $0x80000049;
	[dreg:$0x1] =	wrdreg $0xFFFFFFFF  }
0xa7: {  	s28 =	simm.s32 $_size_execute0_lowered;
	s3 =	sadd.s32 s3, s5;
	[dreg:$0x0] =	wrdreg $0x0  }
0xa8: {  	s5 =	sshll.u32 s28, $0x1;
	[dreg:$0x2] =	wrdreg s3  }
0xa9: {  	[dreg:$0x3] =	wrdreg s5  }
0xaa: {  	[dreg:$0x4] =	wrdreg $0xC0  }
0xab: {  	_ =	task [dreg:s7], $0x5FFFF  }
0xac: {  	[dreg:$0x1] =	wrdreg $0xFFFFFFFF  }
0xad: {  	[dreg:$0x0] =	wrdreg $0x60  }
0xae: {  	[dreg:$0x2] =	wrdreg s24  }
0xaf: {  	[dreg:$0x3] =	wrdreg s2  }
0xb0: {  	[dreg:$0x4] =	wrdreg $0x9  }
0xb1: {  	_ =	task.clear_ibuf [dreg:s7], $0x5FFFF;
	_ =	strace $0x90000049  }
0xb2: {  	s29 =	simm.s32 $0x9;
	_ =	strace $0x8000004B  }
0xb3: {  	_ =	swait.ge [sflag:s29], $0x1  }
0xb4: {  	[sflag:s29] =	ssyncadd.s32 $0xFFFFFFFF  }
0xb5: {  	_ =	strace $0x9000004B  }
0xb6: {  	_ =	sfence  }
0xb7: {  	s30 =	sld [smem:$0x0];
	_ =	sdelay $0x2  }
0xb8: {  	s31 =	sshll.u32 s1, $0xD;
	s1 =	sshrl.u32 s1, $0x2  }
0xb9: {  	s3 =	sand.u32 $0x4000, s31;
	s1 =	sadd.s32 s1, s30  }
0xba: {  	s0 =	sor.u32 s3, s0;
	s1 =	sshll.u32 s1, $0x11  }
0xbb: {  	s0 =	sor.u32 s1, s0  }
0xbc: {  	s0 =	sadd.s32 $0x8F2B, s0  }
0xbd: {  	[sflag:s0] =	ssyncadd.remote.s32 $0x1  }
0xbe: {  	_ =	sfence.sel $0xFFFF  }
0xbf: {  	[dreg:$0x0] =	wrdreg $0xFFFFFFFF;
	(pc) =	sbr.abs _section_cstart, $3  }
0xc0: {  	[dreg:$0x1] =	wrdreg $0xFFFFFFFF  }
0xc1: {  	_ =	task.clear_ibuf [dreg:s7], $0x2FFFF;
	_ =	strace $0x9FFFFFFF  }
0xc2: {  	(tm) =	ssettm $0x7FFFFFFF  }
0xc3: {  	_ =	shalt  }
tec
execute0_lowered:
.L_overlay_start_1:
0x0: {  	(tag) =	ssettag $0x1  }
0x1: {  	s0 =	rddreg [dreg:$0x0];
	s1 =	srdreg.scid  }
0x2: {  	s3 =	stileid.u32;
	s2 =	rddreg [dreg:$0x1];
	s15 =	simm.s32 $0x40  }
0x3: {  	s16 =	simm.s32 $0x6010;
	s18 =	simm.s32 $0xD810;
	s19 =	simm.s32 $0x6590  }
0x4: {  	s20 =	simm.s32 $0xE010;
	s21 =	simm.s32 $0x65D0;
	s22 =	simm.s32 $0xE810  }
0x5: {  	s1 =	sand.u32 $0x1, s1;
	s4 =	sshll.u32 s3, $0x1;
	s3 =	simm.s32 $0x0  }
0x6: {  	s28 =	simm.s32 $0xF810;
	s5 =	sor.u32 s1, s4;
	[smem:$0x7FF] =	sst s3  }
0x7: {  	s1 =	ssub.s32 $0x2, s1;
	s4 =	smul.u32 $0xC00, s5;
	_ =	strace $0x8000004A  }
0x8: {  	s23 =	sshll.u32 s5, $0x1;
	s7 =	sand.u32 $0xF, s5;
	s5 =	sshll.u32 s5, $0xF  }
0x9: {  	s24 =	sshrl.u32 s1, $0x1;
	s8 =	sadd.s32 s23, s0;
	s12 =	sshll.u32 s7, $0xC  }
0xa: {  	s10 =	sshll.u32 s7, $0xA;
	s1 =	ssub.s32 s1, s24;
	s30 =	sshll.u32 s7, $0xE  }
0xb: {  	s23 =	simm.s32 $0x1;
	s24 =	simm.s32 $0x6810;
	s6 =	sadd.s32 s4, s0  }
0xc: {  	s4 =	sadd.s32 $0x419C00, s0;
	s9 =	sadd.s32 s12, s0;
	s25 =	sadd.s32 $0x419A00, s8  }
0xd: {  	s10 =	sadd.s32 s10, s0;
	s31 =	smax.u32 s1, $0x1;
	[dreg:$0x4] =	wrdreg s25  }
0xe: {  	s0 =	sadd.s32 s5, s0;
	s6 =	sadd.s32 $0x401A00, s6;
	[dreg:$0x7] =	wrdreg s31  }
0xf: {  	s5 =	simm.s32 $0x0;
	s26 =	sadd.s32 $0x459C00, s9;
	[dreg:$0x3] =	wrdreg s6  }
0x10: {  	v2 =	vlaneseq.u32;
	s29 =	sadd.s32 $0x469C00, s10;
	s9 =	sadd.s32 $0x1A00, s0;
	[dreg:$0x5] =	wrdreg s26  }
0x11: {  	v2 =	vmul.u32 $0x40, v2;
	v0 =	vmov s30;
	v1 =	vmov s12;
	s25 =	simm.s32 $0xF010;
	[dreg:$0x6] =	wrdreg s29;
	s26 =	simm.s32 $0x2  }
.LBB2_1:
0x12: {  	[dreg:$0x8] =	wrdreg s5  }
0x13: {  	s0 =	rddreg [dreg:$0x3];
	s1 =	simm.s32 $0x5  }
0x14: {  	[tilespmem:s3], [sflag:$0x5] =	stream.linear.gather [hbm4b:s0+s3], $0x6000, $0x38;
	[tilespmem:$0x1A010] =	vst v63  }
0x15: {  	_ =	swait.ge [sflag:s1], $0x6000  }
0x16: {  	[sflag:s1] =	ssyncset.done $0x0  }
0x17: {  	s14 =	simm.s32 $0x6000;
	s13 =	rddreg [dreg:$0x4];
	[sflag:s1] =	ssyncadd.s32 $0xFFFFA000  }
0x18: {  	[tilespmem:s14], [sflag:$0x5] =	stream.linear.gather [hbm4b:s13+s3], $0x10, $0x38;
	[tilespmem:$0x1A010] =	vst v63  }
0x19: {  	_ =	swait.ge [sflag:s1], $0x10  }
0x1a: {  	[sflag:s1] =	ssyncset.done $0x0  }
0x1b: {  	s29 =	simm.s32 $0x10010;
	s17 =	rddreg [dreg:$0x5];
	[sflag:s1] =	ssyncadd.s32 $0xFFFFFFF0  }
0x1c: {  	[tilespmem:s29], [sflag:$0x5] =	stream.linear.gather [hbm4b:s17+s3], $0x8000, $0x38;
	[tilespmem:$0x1A010] =	vst v63  }
0x1d: {  	_ =	swait.ge [sflag:s1], $0x8000  }
0x1e: {  	[sflag:s1] =	ssyncset.done $0x0  }
0x1f: {  	s31 =	simm.s32 $0x18010;
	s30 =	rddreg [dreg:$0x6];
	[sflag:s1] =	ssyncadd.s32 $0xFFFF8000  }
0x20: {  	[tilespmem:s31], [sflag:$0x5] =	stream.linear.gather [hbm4b:s30+s3], $0x2000, $0x38;
	[tilespmem:$0x1A010] =	vst v63  }
0x21: {  	_ =	swait.ge [sflag:s1], $0x2000  }
0x22: {  	[sflag:s1] =	ssyncset.done $0x0  }
0x23: {  	[sflag:s1] =	ssyncadd.s32 $0xFFFFE000  }
0x24: {  	s0 =	simm.s32 $0x0;
	v3 =	vld [tilespmem:$0x6000]  }
0x25: {  	v8 =	vld [tilespmem:s0+$0x0]  }
0x26: {  	v9 =	vld [tilespmem:s0+$0x2000]  }
0x27: {  	v10 =	vld [tilespmem:s0+$0x4000];
	_ =	sdelay $0x3  }
0x28: {  	v4 =	vshrl.u32 v3, $0x10;
	v12 =	vshrl.u32 v8, $0x10  }
0x29: {  	v13 =	vshrl.u32 v9, $0x10;
	v14 =	vshrl.u32 v10, $0x10;
	v4 =	vand.u32 $0x1, v4  }
0x2a: {  	v12 =	vand.u32 $0x1, v12;
	v13 =	vand.u32 $0x1, v13;
	v3 =	vadd.s32 v4, v3  }
0x2b: {  	v8 =	vadd.s32 v12, v8;
	v9 =	vadd.s32 v13, v9;
	v12 =	vand.u32 $0x1, v14  }
0x2c: {  	v3 =	vadd.s32 $0x7FFF, v3;
	v8 =	vadd.s32 $0x7FFF, v8;
	v9 =	vadd.s32 $0x7FFF, v9  }
0x2d: {  	v10 =	vadd.s32 v12, v10;
	v11 =	vand.u32 $0xFFFF0000, v3;
	v12 =	vand.u32 $0xFFFF0000, v8  }
0x2e: {  	v9 =	vand.u32 $0xFFFF0000, v9;
	v3 =	vbroadcast v11, $0x0;
	v4 =	vbroadcast v11, $0x1  }
0x2f: {  	v8 =	vadd.s32 $0x7FFF, v10;
	v5 =	vbroadcast v11, $0x2;
	v6 =	vbroadcast v11, $0x3  }
0x30: {  	v7 =	vbroadcast v11, $0x4;
	v10 =	vand.u32 $0xFFFF0000, v8;
	v8 =	vbroadcast v11, $0x5  }
0x31: {  	v13 =	vmul.f32 v12, v3;
	v14 =	vmul.f32 v9, v4  }
0x32: {  	v12 =	vmul.f32 v12, v6;
	v9 =	vmul.f32 v9, v7  }
0x33: {  	v11 =	vmul.f32 v10, v5;
	v13 =	vadd.f32 v14, v13  }
0x34: {  	v10 =	vmul.f32 v10, v8;
	v9 =	vadd.f32 v9, v12  }
0x35: {  	v11 =	vadd.f32 v11, v13  }
0x36: {  	v9 =	vadd.f32 v10, v9  }
0x37: {  	v10 =	vadd.f32 $1.000000000e+00, v11  }
0x38: {  	v9 =	vadd.f32 $1.000000000e+00, v9  }
0x39: {  	v10 =	vmul.f32 $5.000000000e-01, v10  }
0x3a: {  	v9 =	vmul.f32 $5.000000000e-01, v9  }
0x3b: {  	v11 =	vmul.f32 $1.500000000e+01, v10;
	v12 =	vmul.f32 $1.270000000e+02, v10  }
0x3c: {  	v13 =	vmul.f32 $6.300000000e+01, v10;
	v14 =	vmul.f32 $1.270000000e+02, v9  }
0x3d: {  	v15 =	vmul.f32 $1.500000000e+01, v9;
	v16 =	vmul.f32 $6.300000000e+01, v9  }
0x3e: {  	v10 =	vmul.f32 $3.100000000e+01, v10;
	v17 =	vmul.f32 $3.100000000e+01, v9;
	v11 =	vmax.f32 v11, $0.0e+00  }
0x3f: {  	v9 =	vmax.f32 v15, $0.0e+00;
	v12 =	vmax.f32 v12, $0.0e+00;
	v16 =	vmax.f32 v16, $0.0e+00  }
0x40: {  	v10 =	vmax.f32 v10, $0.0e+00;
	v11 =	vmin.f32 v11, $1.500000000e+01;
	v18 =	vmin.f32 v9, $1.500000000e+01  }
0x41: {  	v20 =	vmin.f32 v12, $1.270000000e+02;
	v12 =	vmax.f32 v17, $0.0e+00;
	v25 =	vmin.f32 v16, $6.300000000e+01  }
0x42: {  	v26 =	vmin.f32 v10, $3.100000000e+01;
	v15 =	vtrunc.f32 v11;
	v10 =	vtrunc.f32 v20  }
0x43: {  	v31 =	vmin.f32 v12, $3.100000000e+01;
	v27 =	vtrunc.f32 v25;
	v28 =	vtrunc.f32 v26  }
0x44: {  	v9 =	vcvt.f32.s32 v15;
	v15 =	vmax.f32 v13, $0.0e+00;
	v13 =	vtrunc.f32 v18  }
0x45: {  	v14 =	vmax.f32 v14, $0.0e+00;
	v10 =	vcvt.f32.s32 v10;
	v29 =	vtrunc.f32 v31  }
0x46: {  	v35 =	vcvt.f32.s32 v27;
	v13 =	vcvt.f32.s32 v13;
	v24 =	vmin.f32 v15, $6.300000000e+01  }
0x47: {  	v23 =	vmin.f32 v14, $1.270000000e+02;
	v19 =	vcvt.s32.f32 v9;
	v17 =	vtrunc.f32 v24  }
0x48: {  	v16 =	vadd.s32 $0x1, v9;
	v21 =	vadd.s32 $0x1, v10;
	v36 =	vadd.s32 $0x1, v35  }
0x49: {  	v27 =	vcvt.s32.f32 v10;
	v12 =	vadd.s32 $0x1, v13;
	vm1 =	vlt.s32 v36, $0x3F  }
0x4a: {  	vm3 =	vlt.s32 v21, $0x7F;
	v14 =	vsub.f32 v11, v19;
	v11 =	vcvt.s32.f32 v13  }
0x4b: {  	vm0 =	vlt.s32 v12, $0xF;
	v27 =	vsub.f32 v20, v27;
	v20 =	vcvt.s32.f32 v35  }
0x4c: {  	v22 =	vnsel vm0, $0xF, v12;
	v15 =	vsub.f32 v18, v11;
	v11 =	vtrunc.f32 v23  }
0x4d: {  	v12 =	vcvt.f32.s32 v28;
	v18 =	vsub.f32 $1.000000000e+00, v14;
	v33 =	vcvt.f32.s32 v11  }
0x4e: {  	v36 =	vnsel vm1, $0x3F, v36;
	v11 =	vcvt.f32.s32 v17;
	v17 =	vcvt.f32.s32 v29  }
0x4f: {  	v36 =	vshll.u32 v36, $0x6;
	v37 =	vcvt.s32.f32 v12;
	v32 =	vmul.f32 v18, v15  }
0x50: {  	v34 =	vadd.s32 $0x1, v33;
	v28 =	vcvt.s32.f32 v33;
	v30 =	vcvt.s32.f32 v11  }
0x51: {  	v19 =	vsub.f32 $1.000000000e+00, v15;
	vm0 =	vlt.s32 v34, $0x7F;
	[tilespmem:s0+$0x6B90] =	vst v32;
	v32 =	vshll.u32 v33, $0x7  }
0x52: {  	v29 =	vsub.f32 v23, v28;
	v28 =	vsub.f32 v24, v30;
	v23 =	vcvt.s32.f32 v17  }
0x53: {  	v33 =	vshll.u32 v35, $0x6;
	v30 =	vsub.f32 v25, v20;
	v25 =	vsub.f32 v26, v37  }
0x54: {  	v20 =	vadd.s32 $0x1, v17;
	v24 =	vsub.f32 $1.000000000e+00, v27;
	v26 =	vsub.f32 v31, v23  }
0x55: {  	v23 =	vnsel vm0, $0x7F, v34;
	v63 =	vsub.f32 $1.000000000e+00, v29;
	v43 =	vsub.f32 $1.000000000e+00, v28  }
0x56: {  	v41 =	vsub.f32 $1.000000000e+00, v30;
	vm0 =	vlt.s32 v20, $0x1F;
	v38 =	vsub.f32 $1.000000000e+00, v25  }
0x57: {  	v34 =	vadd.s32 $0x1, v11;
	v31 =	vadd.s32 $0x1, v12;
	v42 =	vmul.f32 v24, v29  }
0x58: {  	v23 =	vshll.u32 v23, $0x7;
	v44 =	vnsel vm0, $0x1F, v20;
	vm2 =	vlt.s32 v34, $0x3F  }
0x59: {  	vm1 =	vlt.s32 v31, $0x1F;
	vm0 =	vlt.s32 v16, $0xF;
	v40 =	vmul.f32 v63, v24  }
0x5a: {  	v39 =	vsub.f32 $1.000000000e+00, v26;
	v20 =	vadd.s32 v0, v23;
	v23 =	vmul.f32 v63, v27  }
0x5b: {  	s1 =	simm.s32 $0x10;
	v24 =	vadd.s32 v1, v36;
	v36 =	vmul.f32 v41, v28;
	v37 =	vmul.f32 v43, v30;
	[tilespmem:s0+$0x6810] =	vst v40  }
0x5c: {  	s5 =	simm.s32 $0x80;
	v40 =	vmul.f32 v41, v43;
	v35 =	vmul.f32 v39, v38;
	v41 =	vld [tilespmem:s1+$0x0];
	[tilespmem:s0+$0x6850] =	vst v23;
	v23 =	vshll.u32 v44, $0x5  }
.LBB2_2:
0x5d: {  	p0 =	sne.s32 s5, $0xC0;
	v43 =	vld [tilespmem:s1+$0x2000];
	[tilespmem:s0+$0x6890] =	vst v42;
	v39 =	vmul.f32 v39, v25;
	v38 =	vmul.f32 v38, v26;
	v22 =	vshll.u32 v22, $0x4  }
0x5e: {  	v21 =	vnsel vm3, $0x7F, v21;
	v18 =	vmul.f32 v19, v18;
	v19 =	vmul.f32 v19, v14;
	v42 =	vld [tilespmem:s1+$0x4000];
	[tilespmem:s0+$0x6910] =	vst v40  }
0x5f: {  	v27 =	vmul.f32 v29, v27;
	v29 =	vnsel vm2, $0x3F, v34;
	v28 =	vmul.f32 v30, v28;
	[tilespmem:s0+$0x6950] =	vst v36  }
0x60: {  	v30 =	vnsel vm1, $0x1F, v31;
	v25 =	vmul.f32 v26, v25;
	v14 =	vmul.f32 v15, v14;
	[tilespmem:s0+$0x6990] =	vst v37  }
0x61: {  	v15 =	vadd.s32 v0, v32;
	v26 =	vadd.s32 v1, v33;
	v16 =	vnsel vm0, $0xF, v16;
	[tilespmem:s0+$0x6A10] =	vst v35  }
0x62: {  	v17 =	vshll.u32 v17, $0x5;
	v31 =	vshrl.u32 v41, $0x10;
	v32 =	vshrl.u32 v43, $0x10;
	[tilespmem:s0+$0x6A50] =	vst v39  }
0x63: {  	v31 =	vand.u32 $0x1, v31;
	v32 =	vand.u32 $0x1, v32;
	v33 =	vshrl.u32 v42, $0x10;
	[tilespmem:s0+$0x6A90] =	vst v38  }
0x64: {  	v31 =	vadd.s32 v31, v41;
	v32 =	vadd.s32 v32, v43;
	v33 =	vand.u32 $0x1, v33;
	[tilespmem:s0+$0x6B10] =	vst v18  }
0x65: {  	v18 =	vadd.s32 $0x7FFF, v31;
	v31 =	vadd.s32 $0x7FFF, v32;
	v32 =	vadd.s32 v33, v42;
	[tilespmem:s0+$0x6B50] =	vst v19  }
0x66: {  	v18 =	vand.u32 $0xFFFF0000, v18;
	v19 =	vand.u32 $0xFFFF0000, v31;
	v31 =	vadd.s32 $0x7FFF, v32;
	[tilespmem:s0+$0x68D0] =	vst v27  }
0x67: {  	v27 =	vand.u32 $0xFFFF0000, v31;
	v31 =	vmul.f32 v18, v3;
	v32 =	vmul.f32 v19, v4;
	[tilespmem:s0+$0x69D0] =	vst v28  }
0x68: {  	v13 =	vshll.u32 v13, $0x4;
	v33 =	vadd.s32 v10, v20;
	v28 =	vmul.f32 v27, v5;
	[tilespmem:s0+$0x6AD0] =	vst v25  }
0x69: {  	v18 =	vmul.f32 v18, v6;
	v19 =	vmul.f32 v19, v7;
	v25 =	vadd.f32 v32, v31;
	[tilespmem:s0+$0x6090] =	vst v33  }
0x6a: {  	v20 =	vadd.s32 v21, v20;
	v31 =	vadd.s32 v11, v24;
	v24 =	vadd.s32 v29, v24;
	[tilespmem:s0+$0x6BD0] =	vst v14  }
0x6b: {  	v18 =	vadd.f32 v19, v18;
	v19 =	vmul.f32 v27, v8;
	v14 =	vadd.f32 v28, v25;
	[tilespmem:s0+$0x60D0] =	vst v20  }
0x6c: {  	v20 =	vadd.s32 v12, v23;
	v23 =	vadd.s32 v30, v23;
	v25 =	vadd.s32 v9, v22;
	[tilespmem:s0+$0x6190] =	vst v31  }
0x6d: {  	v18 =	vadd.f32 v19, v18;
	v19 =	vadd.s32 v16, v22;
	v14 =	vadd.f32 $1.000000000e+00, v14;
	[tilespmem:s0+$0x61D0] =	vst v24  }
0x6e: {  	v21 =	vadd.s32 v21, v15;
	v22 =	vadd.s32 v29, v26;
	v24 =	vadd.s32 v17, v30;
	[tilespmem:s0+$0x6290] =	vst v20  }
0x6f: {  	v16 =	vadd.s32 v13, v16;
	v18 =	vadd.f32 $1.000000000e+00, v18;
	v14 =	vmul.f32 $5.000000000e-01, v14;
	[tilespmem:s0+$0x62D0] =	vst v23  }
0x70: {  	v10 =	vadd.s32 v10, v15;
	v11 =	vadd.s32 v11, v26;
	v12 =	vadd.s32 v12, v17;
	[tilespmem:s0+$0x6390] =	vst v25  }
0x71: {  	v15 =	vmul.f32 $5.000000000e-01, v18;
	v18 =	vadd.s32 v9, v13;
	v17 =	vmul.f32 $1.500000000e+01, v14;
	[tilespmem:s0+$0x63D0] =	vst v19  }
0x72: {  	v9 =	vmul.f32 $1.270000000e+02, v14;
	v13 =	vmul.f32 $6.300000000e+01, v14;
	[tilespmem:s0+$0x6050] =	vst v21  }
0x73: {  	v19 =	vmul.f32 $1.270000000e+02, v15;
	v20 =	vmul.f32 $1.500000000e+01, v15;
	v17 =	vmax.f32 v17, $0.0e+00;
	[tilespmem:s0+$0x6150] =	vst v22  }
0x74: {  	v14 =	vmul.f32 $3.100000000e+01, v14;
	v21 =	vmul.f32 $6.300000000e+01, v15;
	v17 =	vmin.f32 v17, $1.500000000e+01;
	[tilespmem:s0+$0x6250] =	vst v24  }
0x75: {  	v15 =	vmul.f32 $3.100000000e+01, v15;
	v20 =	vmax.f32 v20, $0.0e+00;
	v22 =	vtrunc.f32 v17;
	[tilespmem:s0+$0x6350] =	vst v16  }
0x76: {  	v20 =	vmin.f32 v20, $1.500000000e+01;
	v16 =	vmax.f32 v9, $0.0e+00;
	v9 =	vcvt.f32.s32 v22;
	[tilespmem:s0+$0x6010] =	vst v10  }
0x77: {  	v10 =	vmax.f32 v19, $0.0e+00;
	v19 =	vmax.f32 v13, $0.0e+00;
	v13 =	vtrunc.f32 v20;
	[tilespmem:s0+$0x6110] =	vst v11  }
0x78: {  	v11 =	vmax.f32 v21, $0.0e+00;
	v13 =	vcvt.f32.s32 v13;
	v21 =	vcvt.s32.f32 v9;
	[tilespmem:s0+$0x6210] =	vst v12  }
0x79: {  	v15 =	vmax.f32 v15, $0.0e+00;
	v23 =	vmin.f32 v16, $1.270000000e+02;
	v12 =	vmax.f32 v14, $0.0e+00;
	[tilespmem:s0+$0x6310] =	vst v18;
	s0 =	smov.u32 s1  }
0x7a: {  	v24 =	vmin.f32 v10, $1.270000000e+02;
	v10 =	vcvt.s32.f32 v13;
	v14 =	vsub.f32 v17, v21  }
0x7b: {  	v25 =	vmin.f32 v19, $6.300000000e+01;
	v26 =	vmin.f32 v11, $6.300000000e+01;
	v31 =	vmin.f32 v12, $3.100000000e+01  }
0x7c: {  	v32 =	vmin.f32 v15, $3.100000000e+01;
	v15 =	vsub.f32 v20, v10;
	v18 =	vsub.f32 $1.000000000e+00, v14  }
0x7d: {  	v11 =	vtrunc.f32 v24;
	v12 =	vadd.s32 $0x1, v13;
	v10 =	vtrunc.f32 v23  }
0x7e: {  	v17 =	vtrunc.f32 v25;
	v19 =	vsub.f32 $1.000000000e+00, v15;
	v20 =	vmul.f32 v18, v15  }
0x7f: {  	v27 =	vtrunc.f32 v26;
	v28 =	vtrunc.f32 v31;
	vm0 =	vlt.s32 v12, $0xF  }
0x80: {  	v29 =	vtrunc.f32 v32;
	v16 =	vadd.s32 $0x1, v9;
	v10 =	vcvt.f32.s32 v10;
	[tilespmem:s0+$0x6B90] =	vst v20  }
0x81: {  	v22 =	vnsel vm0, $0xF, v12;
	v20 =	vcvt.f32.s32 v11;
	v11 =	vcvt.f32.s32 v17  }
0x82: {  	v33 =	vcvt.f32.s32 v27;
	v12 =	vcvt.f32.s32 v28;
	v21 =	vadd.s32 $0x1, v10  }
0x83: {  	v27 =	vcvt.s32.f32 v10;
	v17 =	vcvt.f32.s32 v29;
	v34 =	vadd.s32 $0x1, v20  }
0x84: {  	v35 =	vadd.s32 $0x1, v33;
	v28 =	vcvt.s32.f32 v20;
	v30 =	vcvt.s32.f32 v11  }
0x85: {  	v36 =	vcvt.s32.f32 v12;
	v27 =	vsub.f32 v23, v27;
	v23 =	vcvt.s32.f32 v33  }
0x86: {  	v29 =	vsub.f32 v24, v28;
	v28 =	vsub.f32 v25, v30;
	v24 =	vcvt.s32.f32 v17  }
0x87: {  	vm0 =	vlt.s32 v34, $0x7F;
	v30 =	vsub.f32 v26, v23;
	v25 =	vsub.f32 v31, v36  }
0x88: {  	vm1 =	vlt.s32 v35, $0x3F;
	v23 =	vadd.s32 $0x1, v17;
	v26 =	vsub.f32 v32, v24  }
0x89: {  	v36 =	vsub.f32 $1.000000000e+00, v27;
	v24 =	vnsel vm0, $0x7F, v34;
	v37 =	vsub.f32 $1.000000000e+00, v29  }
0x8a: {  	v32 =	vnsel vm1, $0x3F, v35;
	v35 =	vsub.f32 $1.000000000e+00, v28;
	v41 =	vsub.f32 $1.000000000e+00, v30  }
0x8b: {  	vm0 =	vlt.s32 v23, $0x1F;
	v38 =	vsub.f32 $1.000000000e+00, v25;
	v39 =	vsub.f32 $1.000000000e+00, v26  }
0x8c: {  	v31 =	vadd.s32 $0x1, v12;
	v34 =	vadd.s32 $0x1, v11;
	v24 =	vshll.u32 v24, $0x7  }
0x8d: {  	vm3 =	vlt.s32 v21, $0x7F;
	v40 =	vshll.u32 v32, $0x6;
	v23 =	vnsel vm0, $0x1F, v23  }
.Ltmp0:
0x8e: {  	vm1 =	vlt.s32 v31, $0x1F;
	vm2 =	vlt.s32 v34, $0x3F;
	vm0 =	vlt.s32 v16, $0xF;
	(pc) =	sbr.rel @p0 .LBB2_2-.Ltmp0, $4  }
0x8f: {  	v33 =	vshll.u32 v33, $0x6;
	v32 =	vshll.u32 v20, $0x7;
	v43 =	vmul.f32 v37, v36  }
0x90: {  	v42 =	vmul.f32 v36, v29;
	v20 =	vadd.s32 v0, v24;
	v37 =	vmul.f32 v37, v27  }
0x91: {  	s1 =	sshra.s32 s5, $0x2;
	v24 =	vadd.s32 v1, v40;
	v40 =	vmul.f32 v41, v35;
	v36 =	vmul.f32 v41, v28;
	[tilespmem:s0+$0x6810] =	vst v43  }
0x92: {  	s5 =	sadd.s32 $0x40, s5;
	v23 =	vshll.u32 v23, $0x5;
	v41 =	vld [tilespmem:s1+$0x0];
	[tilespmem:s0+$0x6850] =	vst v37;
	v37 =	vmul.f32 v35, v30;
	v35 =	vmul.f32 v39, v38  }
0x93: {  	v43 =	vld [tilespmem:s1+$0x2000]  }
0x94: {  	[tilespmem:s0+$0x6890] =	vst v42  }
0x95: {  	v39 =	vmul.f32 v39, v25;
	v42 =	vld [tilespmem:s1+$0x4000]  }
0x96: {  	v38 =	vmul.f32 v38, v26;
	v22 =	vshll.u32 v22, $0x4;
	v18 =	vmul.f32 v19, v18  }
0x97: {  	v21 =	vnsel vm3, $0x7F, v21;
	v54 =	vmul.f32 v19, v14;
	v27 =	vmul.f32 v29, v27  }
0x98: {  	v28 =	vmul.f32 v30, v28;
	v55 =	vshrl.u32 v41, $0x10;
	v56 =	vshrl.u32 v43, $0x10  }
0x99: {  	v34 =	vnsel vm2, $0x3F, v34;
	v29 =	vand.u32 $0x1, v55;
	v30 =	vand.u32 $0x1, v56  }
0x9a: {  	v29 =	vadd.s32 v29, v41;
	v57 =	vshrl.u32 v42, $0x10;
	v30 =	vadd.s32 v30, v43  }
0x9b: {  	v41 =	vand.u32 $0x1, v57;
	v29 =	vadd.s32 $0x7FFF, v29;
	v30 =	vadd.s32 $0x7FFF, v30  }
0x9c: {  	v41 =	vadd.s32 v41, v42;
	v29 =	vand.u32 $0xFFFF0000, v29;
	v30 =	vand.u32 $0xFFFF0000, v30  }
0x9d: {  	v41 =	vadd.s32 $0x7FFF, v41;
	v58 =	vmul.f32 v29, v3;
	v59 =	vmul.f32 v30, v4  }
0x9e: {  	v29 =	vmul.f32 v29, v6;
	v41 =	vand.u32 $0xFFFF0000, v41;
	v30 =	vmul.f32 v30, v7  }
0x9f: {  	v31 =	vnsel vm1, $0x1F, v31;
	v61 =	vmul.f32 v41, v5;
	v42 =	vadd.f32 v59, v58  }
0xa0: {  	v60 =	vmul.f32 v26, v25;
	v41 =	vmul.f32 v41, v8;
	v63 =	vadd.f32 v30, v29  }
0xa1: {  	v14 =	vmul.f32 v15, v14;
	v32 =	vadd.s32 v0, v32;
	v62 =	vadd.f32 v61, v42  }
0xa2: {  	v33 =	vadd.s32 v1, v33;
	v16 =	vnsel vm0, $0xF, v16;
	v43 =	vadd.f32 v41, v63  }
0xa3: {  	v17 =	vshll.u32 v17, $0x5;
	v45 =	vadd.s32 v11, v24;
	v15 =	vadd.f32 $1.000000000e+00, v62  }
0xa4: {  	v47 =	vadd.s32 v12, v23;
	[tilespmem:s0+$0x6950] =	vst v36;
	v36 =	vshll.u32 v13, $0x4;
	v13 =	vadd.f32 $1.000000000e+00, v43  }
0xa5: {  	v44 =	vadd.s32 v21, v20;
	v46 =	vadd.s32 v34, v24;
	v15 =	vmul.f32 $5.000000000e-01, v15  }
0xa6: {  	[tilespmem:s0+$0x6910] =	vst v40;
	v48 =	vadd.s32 v31, v23;
	v49 =	vadd.s32 v9, v22;
	v50 =	vmul.f32 $5.000000000e-01, v13  }
0xa7: {  	[tilespmem:s0+$0x6990] =	vst v37;
	v22 =	vadd.s32 v16, v22;
	v51 =	vmul.f32 $1.500000000e+01, v15;
	v52 =	vmul.f32 $1.270000000e+02, v15  }
0xa8: {  	v21 =	vadd.s32 v21, v32;
	[tilespmem:s0+$0x6B50] =	vst v54;
	v53 =	vmul.f32 $1.500000000e+01, v50;
	v54 =	vmul.f32 $6.300000000e+01, v15  }
0xa9: {  	[tilespmem:s0+$0x6A10] =	vst v35;
	v42 =	vadd.s32 v10, v20;
	v55 =	vmul.f32 $1.270000000e+02, v50;
	v57 =	vmul.f32 $6.300000000e+01, v50  }
0xaa: {  	[tilespmem:s0+$0x6190] =	vst v45;
	v15 =	vmul.f32 $3.100000000e+01, v15;
	v61 =	vmul.f32 $3.100000000e+01, v50;
	v13 =	vmax.f32 v51, $0.0e+00  }
0xab: {  	[tilespmem:s0+$0x6290] =	vst v47;
	v58 =	vmax.f32 v53, $0.0e+00;
	v19 =	vmax.f32 v52, $0.0e+00;
	v63 =	vmax.f32 v55, $0.0e+00  }
0xac: {  	[tilespmem:s0+$0x6A90] =	vst v38;
	v40 =	vmax.f32 v54, $0.0e+00;
	v41 =	vmax.f32 v57, $0.0e+00;
	v15 =	vmax.f32 v15, $0.0e+00  }
0xad: {  	[tilespmem:s0+$0x6AD0] =	vst v60;
	v43 =	vmax.f32 v61, $0.0e+00;
	v56 =	vmin.f32 v13, $1.500000000e+01;
	v60 =	vmin.f32 v58, $1.500000000e+01  }
0xae: {  	[tilespmem:s0+$0x60D0] =	vst v44;
	v19 =	vmin.f32 v19, $1.270000000e+02;
	v44 =	vmin.f32 v63, $1.270000000e+02;
	v20 =	vmin.f32 v40, $6.300000000e+01  }
0xaf: {  	[tilespmem:s0+$0x61D0] =	vst v46;
	v46 =	vmin.f32 v41, $6.300000000e+01;
	v59 =	vtrunc.f32 v56;
	v62 =	vtrunc.f32 v60  }
0xb0: {  	[tilespmem:s0+$0x6390] =	vst v49;
	v49 =	vmin.f32 v15, $3.100000000e+01;
	v45 =	vtrunc.f32 v19;
	v47 =	vtrunc.f32 v44  }
0xb1: {  	[tilespmem:s0+$0x62D0] =	vst v48;
	v52 =	vmin.f32 v43, $3.100000000e+01;
	v48 =	vtrunc.f32 v20;
	v51 =	vtrunc.f32 v46  }
0xb2: {  	v31 =	vadd.s32 v17, v31;
	[tilespmem:s0+$0x6B10] =	vst v18;
	v53 =	vtrunc.f32 v49;
	v54 =	vtrunc.f32 v52  }
0xb3: {  	v11 =	vadd.s32 v11, v33;
	[tilespmem:s0+$0x6BD0] =	vst v14;
	v13 =	vcvt.f32.s32 v59;
	v14 =	vcvt.f32.s32 v62  }
0xb4: {  	v16 =	vadd.s32 v36, v16;
	[tilespmem:s0+$0x6250] =	vst v31;
	v15 =	vcvt.f32.s32 v45;
	v24 =	vcvt.f32.s32 v47  }
0xb5: {  	[tilespmem:s0+$0x6110] =	vst v11;
	v57 =	vadd.s32 v12, v17;
	v17 =	vcvt.f32.s32 v48;
	v31 =	vcvt.f32.s32 v51  }
0xb6: {  	v18 =	vadd.s32 v34, v33;
	[tilespmem:s0+$0x6350] =	vst v16;
	v16 =	vcvt.f32.s32 v53;
	v11 =	vcvt.f32.s32 v54  }
0xb7: {  	v10 =	vadd.s32 v10, v32;
	[tilespmem:s0+$0x6090] =	vst v42;
	v38 =	vcvt.s32.f32 v13;
	v42 =	vcvt.s32.f32 v14  }
0xb8: {  	v9 =	vadd.s32 v9, v36;
	[tilespmem:s0+$0x6010] =	vst v10;
	v55 =	vcvt.s32.f32 v15;
	v10 =	vcvt.s32.f32 v17  }
0xb9: {  	[tilespmem:s0+$0x6A50] =	vst v39;
	v59 =	vcvt.s32.f32 v31;
	v61 =	vcvt.s32.f32 v16;
	v45 =	vadd.s32 $0x1, v15  }
0xba: {  	[tilespmem:s0+$0x6310] =	vst v9;
	v9 =	vcvt.s32.f32 v11;
	vm12 =	vlt.s32 v45, $0x7F;
	v26 =	vsub.f32 v56, v38  }
0xbb: {  	[tilespmem:s0+$0x68D0] =	vst v27;
	v25 =	vsub.f32 v60, v42;
	v56 =	vcvt.s32.f32 v24;
	v62 =	vsub.f32 v46, v59  }
0xbc: {  	[tilespmem:s0+$0x6150] =	vst v18;
	v18 =	vsub.f32 v19, v55;
	v10 =	vsub.f32 v20, v10;
	v53 =	vnsel vm12, $0x7F, v45  }
0xbd: {  	[tilespmem:s0+$0x69D0] =	vst v28;
	v59 =	vshll.u32 v24, $0x7;
	v28 =	vsub.f32 $1.000000000e+00, v26;
	v34 =	vsub.f32 $1.000000000e+00, v62  }
0xbe: {  	[tilespmem:s0+$0x63D0] =	vst v22;
	v19 =	vadd.s32 v0, v59;
	v58 =	vsub.f32 v44, v56;
	v33 =	vsub.f32 $1.000000000e+00, v10  }
0xbf: {  	[tilespmem:s0+$0x6050] =	vst v21;
	v60 =	vsub.f32 $1.000000000e+00, v18;
	v50 =	vmul.f32 v28, v25;
	v30 =	vmul.f32 v34, v10  }
0xc0: {  	[tilespmem:s0+$0x6210] =	vst v57;
	v39 =	vmul.f32 v33, v62;
	v10 =	vmul.f32 v62, v10;
	v62 =	vadd.s32 v53, v19  }
0xc1: {  	v12 =	vsub.f32 v49, v61;
	v9 =	vsub.f32 v52, v9;
	v35 =	vmul.f32 v60, v58;
	[tilespmem:s1+$0x6050] =	vst v62  }
0xc2: {  	v36 =	vmul.f32 v34, v33;
	[tilespmem:s1+$0x6B90] =	vst v50  }
0xc3: {  	v37 =	vsub.f32 $1.000000000e+00, v12;
	v38 =	vsub.f32 $1.000000000e+00, v9;
	[tilespmem:s1+$0x6890] =	vst v35  }
0xc4: {  	[tilespmem:s1+$0x6910] =	vst v36  }
0xc5: {  	v42 =	vsub.f32 $1.000000000e+00, v25;
	v40 =	vmul.f32 v38, v37;
	[tilespmem:s1+$0x6950] =	vst v30  }
0xc6: {  	v46 =	vadd.s32 $0x1, v24;
	v43 =	vmul.f32 v37, v9;
	[tilespmem:s1+$0x6990] =	vst v39  }
0xc7: {  	vm9 =	vlt.s32 v46, $0x7F;
	v28 =	vmul.f32 v42, v28;
	[tilespmem:s1+$0x6A10] =	vst v40  }
0xc8: {  	v49 =	vnsel vm9, $0x7F, v46;
	[tilespmem:s1+$0x6A90] =	vst v43  }
0xc9: {  	v22 =	vshll.u32 v49, $0x7;
	v29 =	vsub.f32 $1.000000000e+00, v58;
	v9 =	vmul.f32 v9, v12;
	[tilespmem:s1+$0x6B10] =	vst v28  }
0xca: {  	v52 =	vadd.s32 v0, v22;
	[tilespmem:s1+$0x69D0] =	vst v10  }
0xcb: {  	v22 =	vadd.s32 v15, v52;
	v63 =	vmul.f32 v29, v60;
	[tilespmem:s1+$0x6AD0] =	vst v9  }
0xcc: {  	v29 =	vmul.f32 v29, v18;
	[tilespmem:s1+$0x6090] =	vst v22  }
0xcd: {  	v41 =	vadd.s32 $0x1, v14;
	v30 =	vmul.f32 v42, v26;
	[tilespmem:s1+$0x6810] =	vst v63  }
0xce: {  	v47 =	vadd.s32 $0x1, v31;
	vm8 =	vlt.s32 v41, $0xF;
	v18 =	vmul.f32 v58, v18;
	[tilespmem:s1+$0x6850] =	vst v29  }
0xcf: {  	v51 =	vadd.s32 $0x1, v17;
	v56 =	vnsel vm8, $0xF, v41;
	v10 =	vmul.f32 v25, v26;
	[tilespmem:s1+$0x6B50] =	vst v30  }
0xd0: {  	v14 =	vshll.u32 v14, $0x4;
	v44 =	vadd.s32 $0x1, v13;
	v58 =	vshll.u32 v56, $0x4;
	[tilespmem:s1+$0x68D0] =	vst v18  }
0xd1: {  	vm10 =	vlt.s32 v47, $0x3F;
	vm15 =	vlt.s32 v44, $0xF;
	v61 =	vadd.s32 v13, v58;
	[tilespmem:s1+$0x6BD0] =	vst v10  }
0xd2: {  	v50 =	vnsel vm10, $0x3F, v47;
	v60 =	vnsel vm15, $0xF, v44;
	v18 =	vadd.s32 v53, v52;
	[tilespmem:s1+$0x6390] =	vst v61  }
0xd3: {  	v20 =	vshll.u32 v50, $0x6;
	v29 =	vmul.f32 v38, v12;
	v63 =	vadd.s32 v14, v60;
	[tilespmem:s1+$0x60D0] =	vst v18  }
0xd4: {  	v48 =	vadd.s32 $0x1, v11;
	vm13 =	vlt.s32 v51, $0x3F;
	v20 =	vadd.s32 v1, v20;
	[tilespmem:s1+$0x6350] =	vst v63  }
0xd5: {  	vm11 =	vlt.s32 v48, $0x1F;
	v12 =	vnsel vm13, $0x3F, v51;
	v54 =	vadd.s32 v17, v20;
	[tilespmem:s1+$0x6A50] =	vst v29  }
0xd6: {  	v9 =	vadd.s32 $0x1, v16;
	v10 =	vnsel vm11, $0x1F, v48;
	v55 =	vadd.s32 v12, v20;
	[tilespmem:s1+$0x6190] =	vst v54  }
0xd7: {  	vm14 =	vlt.s32 v9, $0x1F;
	v10 =	vshll.u32 v10, $0x5;
	v18 =	vadd.s32 v60, v58;
	[tilespmem:s1+$0x61D0] =	vst v55  }
0xd8: {  	v9 =	vnsel vm14, $0x1F, v9;
	v57 =	vadd.s32 v16, v10;
	[tilespmem:s1+$0x63D0] =	vst v18  }
0xd9: {  	v11 =	vshll.u32 v11, $0x5;
	v10 =	vadd.s32 v9, v10;
	[tilespmem:s1+$0x6290] =	vst v57  }
0xda: {  	v9 =	vadd.s32 v11, v9;
	[tilespmem:s1+$0x62D0] =	vst v10  }
0xdb: {  	v10 =	vshll.u32 v31, $0x6;
	[tilespmem:s1+$0x6250] =	vst v9;
	v9 =	vadd.s32 v15, v19  }
0xdc: {  	v10 =	vadd.s32 v1, v10;
	[tilespmem:s1+$0x6010] =	vst v9;
	v9 =	vadd.s32 v16, v11  }
0xdd: {  	v12 =	vadd.s32 v12, v10;
	[tilespmem:s1+$0x6210] =	vst v9  }
0xde: {  	v10 =	vadd.s32 v17, v10;
	[tilespmem:s1+$0x6150] =	vst v12  }
0xdf: {  	[tilespmem:s1+$0x6110] =	vst v10;
	v10 =	vadd.s32 v13, v14  }
0xe0: {  	s14 =	simm.s32 $0x7010;
	[tilespmem:s1+$0x6310] =	vst v10  }
0xe1: {  	[tilespmem:s14], [sflag:$0x1] =	stream.indirect.gather [hbm4b:s2+s15], $0x20, s16, s15, $0xb8;
	[tilespmem:$0x1A010] =	vst v63  }
0xe2: {  	s17 =	simm.s32 $0x6050;
	s31 =	simm.s32 $0x7810  }
0xe3: {  	[tilespmem:s31], [sflag:$0x1] =	stream.indirect.gather [hbm4b:s2+s15], $0x20, s17, s15, $0xb8;
	[tilespmem:$0x1A010] =	vst v63  }
0xe4: {  	s5 =	simm.s32 $0x8010;
	s1 =	simm.s32 $0x6090  }
0xe5: {  	[tilespmem:s5], [sflag:$0x1] =	stream.indirect.gather [hbm4b:s2+s15], $0x20, s1, s15, $0xb8;
	[tilespmem:$0x1A010] =	vst v63  }
0xe6: {  	s6 =	simm.s32 $0x60D0;
	s7 =	simm.s32 $0x8810  }
0xe7: {  	[tilespmem:s7], [sflag:$0x1] =	stream.indirect.gather [hbm4b:s2+s15], $0x20, s6, s15, $0xb8;
	[tilespmem:$0x1A010] =	vst v63  }
0xe8: {  	s8 =	simm.s32 $0x6110;
	s10 =	simm.s32 $0x9010  }
0xe9: {  	[tilespmem:s10], [sflag:$0x1] =	stream.indirect.gather [hbm4b:s4+s15], $0x20, s8, s15, $0xb8;
	[tilespmem:$0x1A010] =	vst v63  }
0xea: {  	s11 =	simm.s32 $0x6150;
	s12 =	simm.s32 $0x9810  }
0xeb: {  	[tilespmem:s12], [sflag:$0x1] =	stream.indirect.gather [hbm4b:s4+s15], $0x20, s11, s15, $0xb8;
	[tilespmem:$0x1A010] =	vst v63  }
0xec: {  	s13 =	simm.s32 $0x6190;
	s29 =	simm.s32 $0x0;
	s14 =	simm.s32 $0xA010  }
0xed: {  	[tilespmem:s14], [sflag:$0x1] =	stream.indirect.gather [hbm4b:s4+s15], $0x20, s13, s15, $0xb8;
	[tilespmem:$0x1A010] =	vst v63  }
0xee: {  	s30 =	simm.s32 $0x0;
	s17 =	simm.s32 $0x61D0;
	s31 =	simm.s32 $0xA810  }
0xef: {  	[tilespmem:s31], [sflag:$0x1] =	stream.indirect.gather [hbm4b:s4+s15], $0x20, s17, s15, $0xb8;
	[tilespmem:$0x1A010] =	vst v63  }
.LBB2_4:
0xf0: {  	v9 =	vmov s29;
	_ =	sdelay $0x3  }
0xf1: {  	s0 =	simm.s32 $0x0  }
0xf2: {  	v10 =	vld.idx.msk [tilespmem:v9+s0+$0x40 ss:$0x1], $0xffff  }
0xf3: {  	v11 =	vld.idx.msk [tilespmem:v9+s0+$0x2040 ss:$0x1], $0xffff;
	_ =	sdelay $0x1  }
0xf4: {  	v12 =	vld.idx.msk [tilespmem:v9+s0+$0x4040 ss:$0x1], $0xffff;
	_ =	sdelay $0x2  }
0xf5: {  	v13 =	vshrl.u32 v10, $0x10;
	v14 =	vshrl.u32 v11, $0x10  }
0xf6: {  	v13 =	vand.u32 $0x1, v13;
	v14 =	vand.u32 $0x1, v14  }
0xf7: {  	v15 =	vshrl.u32 v12, $0x10;
	v10 =	vadd.s32 v13, v10;
	v11 =	vadd.s32 v14, v11  }
0xf8: {  	v13 =	vand.u32 $0x1, v15;
	v10 =	vadd.s32 $0x7FFF, v10;
	v11 =	vadd.s32 $0x7FFF, v11  }
0xf9: {  	v12 =	vadd.s32 v13, v12;
	v10 =	vand.u32 $0xFFFF0000, v10;
	v11 =	vand.u32 $0xFFFF0000, v11  }
0xfa: {  	v12 =	vadd.s32 $0x7FFF, v12;
	v13 =	vmul.f32 v10, v6;
	v14 =	vmul.f32 v11, v7  }
0xfb: {  	v12 =	vand.u32 $0xFFFF0000, v12;
	v10 =	vmul.f32 v10, v3;
	v11 =	vmul.f32 v11, v4  }
0xfc: {  	v15 =	vmul.f32 v12, v8;
	v13 =	vadd.f32 v14, v13  }
0xfd: {  	v10 =	vadd.f32 v11, v10;
	v11 =	vmul.f32 v12, v5  }
0xfe: {  	v12 =	vadd.f32 v15, v13  }
0xff: {  	v10 =	vadd.f32 v11, v10  }
0x100: {  	v11 =	vadd.f32 $1.000000000e+00, v12  }
0x101: {  	v10 =	vadd.f32 $1.000000000e+00, v10  }
0x102: {  	v11 =	vmul.f32 $5.000000000e-01, v11  }
0x103: {  	v20 =	vmul.f32 $5.000000000e-01, v10  }
0x104: {  	v10 =	vmul.f32 $1.270000000e+02, v11;
	v13 =	vmul.f32 $1.500000000e+01, v11  }
0x105: {  	v14 =	vmul.f32 $1.500000000e+01, v20;
	v15 =	vmul.f32 $1.270000000e+02, v20  }
0x106: {  	v12 =	vmul.f32 $6.300000000e+01, v11;
	v16 =	vmul.f32 $3.100000000e+01, v20  }
0x107: {  	v10 =	vmax.f32 v10, $0.0e+00;
	v13 =	vmax.f32 v13, $0.0e+00;
	v17 =	vmax.f32 v14, $0.0e+00  }
0x108: {  	v15 =	vmax.f32 v15, $0.0e+00;
	v14 =	vmin.f32 v13, $1.500000000e+01;
	v23 =	vmin.f32 v10, $1.270000000e+02  }
0x109: {  	v10 =	vmul.f32 $3.100000000e+01, v11;
	v13 =	vmin.f32 v17, $1.500000000e+01;
	v11 =	vmax.f32 v16, $0.0e+00  }
0x10a: {  	v16 =	vtrunc.f32 v13;
	v21 =	vtrunc.f32 v23;
	v19 =	vmin.f32 v11, $3.100000000e+01  }
0x10b: {  	v11 =	vtrunc.f32 v14;
	v17 =	vmax.f32 v10, $0.0e+00;
	v10 =	vcvt.f32.s32 v16  }
0x10c: {  	v11 =	vcvt.f32.s32 v11;
	v16 =	vmin.f32 v17, $3.100000000e+01;
	v17 =	vtrunc.f32 v19  }
0x10d: {  	s1 =	sshll.u32 s30, $0x9;
	v24 =	vmin.f32 v15, $1.270000000e+02;
	v15 =	vcvt.f32.s32 v17;
	v17 =	vtrunc.f32 v16  }
0x10e: {  	s5 =	simm.s32 $0x40;
	s31 =	sor.u32 $0x100, s1;
	v18 =	vadd.s32 $0x1, v10;
	v22 =	vcvt.f32.s32 v17;
	v17 =	vcvt.s32.f32 v11  }
.LBB2_5:
0x10f: {  	p0 =	sne.s32 s5, $0xC0;
	v21 =	vcvt.f32.s32 v21;
	v25 =	vadd.s32 $0x1, v11;
	s6 =	smov.u32 s5;
	s5 =	sadd.s32 $0x40, s5  }
0x110: {  	v26 =	vtrunc.f32 v24;
	v14 =	vsub.f32 v14, v17  }
0x111: {  	v26 =	vcvt.f32.s32 v26;
	v27 =	vadd.s32 $0x1, v22;
	vm1 =	vlt.s32 v25, $0xF  }
0x112: {  	v28 =	vcvt.s32.f32 v10;
	v17 =	vsub.f32 $1.000000000e+00, v14  }
0x113: {  	v29 =	vcvt.s32.f32 v21;
	v30 =	vadd.s32 $0x1, v21;
	v21 =	vshll.u32 v21, $0x7  }
0x114: {  	v31 =	vadd.s32 $0x1, v15;
	v13 =	vsub.f32 v13, v28;
	v21 =	vadd.s32 v0, v21  }
0x115: {  	vm0 =	vlt.s32 v30, $0x7F;
	v23 =	vsub.f32 v23, v29;
	v28 =	vadd.s32 v26, v21  }
0x116: {  	v29 =	vcvt.s32.f32 v26;
	v30 =	vnsel vm0, $0x7F, v30;
	vm0 =	vlt.s32 v31, $0x1F  }
0x117: {  	v20 =	vmul.f32 $6.300000000e+01, v20;
	v30 =	vshll.u32 v30, $0x7;
	v32 =	vsub.f32 $1.000000000e+00, v23  }
0x118: {  	vm2 =	vlt.s32 v18, $0xF;
	v24 =	vsub.f32 v24, v29;
	v29 =	vadd.s32 v0, v30;
	[tilespmem:s0+$0x6410] =	vst v28  }
0x119: {  	v30 =	vcvt.s32.f32 v15;
	v28 =	vadd.s32 $0x1, v26;
	v26 =	vadd.s32 v26, v29  }
0x11a: {  	v31 =	vnsel vm0, $0x1F, v31;
	v33 =	vmul.f32 v32, v24;
	[tilespmem:s0+$0x6490] =	vst v26;
	v26 =	vsub.f32 $1.000000000e+00, v24  }
0x11b: {  	vm3 =	vlt.s32 v27, $0x1F;
	vm0 =	vlt.s32 v28, $0x7F;
	v24 =	vmul.f32 v23, v24  }
0x11c: {  	v32 =	vmul.f32 v32, v26;
	[tilespmem:s0+$0x6C50] =	vst v33;
	v23 =	vmul.f32 v26, v23;
	v26 =	vnsel vm3, $0x1F, v27  }
0x11d: {  	v18 =	vnsel vm2, $0xF, v18;
	[tilespmem:s0+$0x6CD0] =	vst v24;
	v24 =	vshll.u32 v22, $0x5;
	v26 =	vshll.u32 v26, $0x5  }
0x11e: {  	v12 =	vmax.f32 v12, $0.0e+00;
	v19 =	vsub.f32 v19, v30;
	v22 =	vcvt.s32.f32 v22;
	[tilespmem:s0+$0x6C90] =	vst v23  }
0x11f: {  	v12 =	vmin.f32 v12, $6.300000000e+01;
	v25 =	vnsel vm1, $0xF, v25;
	v23 =	vadd.s32 v15, v24  }
0x120: {  	v27 =	vtrunc.f32 v12;
	v16 =	vsub.f32 v16, v22;
	v22 =	vsub.f32 $1.000000000e+00, v19;
	[tilespmem:s0+$0x6610] =	vst v23  }
0x121: {  	v11 =	vshll.u32 v11, $0x4;
	v15 =	vadd.s32 v15, v26;
	v23 =	vcvt.f32.s32 v27;
	[tilespmem:s0+$0x6C10] =	vst v32  }
0x122: {  	v30 =	vadd.s32 v10, v11;
	v27 =	vmul.f32 v22, v16;
	[tilespmem:s0+$0x6690] =	vst v15;
	v15 =	vsub.f32 $1.000000000e+00, v16  }
0x123: {  	v20 =	vmax.f32 v20, $0.0e+00;
	v11 =	vadd.s32 v11, v18;
	v32 =	vshll.u32 v23, $0x6  }
0x124: {  	v20 =	vmin.f32 v20, $6.300000000e+01;
	v22 =	vmul.f32 v15, v22;
	v15 =	vmul.f32 v15, v19;
	[tilespmem:s0+$0x6E90] =	vst v27  }
0x125: {  	v33 =	vadd.s32 $0x1, v23;
	v16 =	vmul.f32 v16, v19;
	v27 =	vtrunc.f32 v20;
	[tilespmem:s0+$0x6710] =	vst v30  }
0x126: {  	v23 =	vcvt.s32.f32 v23;
	vm1 =	vlt.s32 v33, $0x3F;
	v19 =	vcvt.f32.s32 v27;
	[tilespmem:s0+$0x6E10] =	vst v22  }
0x127: {  	v26 =	vadd.s32 v31, v26;
	v22 =	vnsel vm1, $0x3F, v33;
	[tilespmem:s0+$0x6E50] =	vst v15;
	v15 =	vshll.u32 v25, $0x4  }
0x128: {  	v12 =	vsub.f32 v12, v23;
	v25 =	vcvt.s32.f32 v19;
	v23 =	vadd.s32 $0x1, v19;
	[tilespmem:s0+$0x66D0] =	vst v26  }
0x129: {  	v22 =	vshll.u32 v22, $0x6;
	vm1 =	vlt.s32 v23, $0x3F;
	v26 =	vadd.s32 v1, v32;
	[tilespmem:s0+$0x6750] =	vst v11  }
0x12a: {  	v11 =	vsub.f32 v20, v25;
	v20 =	vnsel vm1, $0x3F, v23;
	v23 =	vsub.f32 $1.000000000e+00, v12;
	[tilespmem:s0+$0x6ED0] =	vst v16  }
0x12b: {  	v16 =	vadd.s32 v1, v22;
	v22 =	vadd.s32 v19, v26;
	v25 =	vadd.s32 v20, v26  }
0x12c: {  	v26 =	vmul.f32 v23, v11;
	[tilespmem:s0+$0x6550] =	vst v25;
	v25 =	vsub.f32 $1.000000000e+00, v11;
	v11 =	vmul.f32 v12, v11  }
0x12d: {  	v10 =	vadd.s32 v10, v15;
	v19 =	vadd.s32 v19, v16;
	v16 =	vadd.s32 v20, v16;
	[tilespmem:s0+$0x6510] =	vst v22  }
0x12e: {  	v15 =	vadd.s32 v18, v15;
	v20 =	vmul.f32 v23, v25;
	[tilespmem:s0+$0x6D50] =	vst v26;
	v12 =	vmul.f32 v25, v12  }
0x12f: {  	v18 =	vnsel vm0, $0x7F, v28;
	v22 =	vsub.f32 $1.000000000e+00, v13;
	[tilespmem:s0+$0x6DD0] =	vst v11;
	v11 =	vadd.s32 v24, v31  }
0x130: {  	v21 =	vadd.s32 v18, v21;
	v18 =	vadd.s32 v18, v29;
	[tilespmem:s0+$0x6D10] =	vst v20;
	v20 =	vmul.f32 v17, v13  }
0x131: {  	[tilespmem:s0+$0x6D90] =	vst v12;
	v12 =	vmul.f32 v17, v22;
	v17 =	vmul.f32 v22, v14  }
0x132: {  	v13 =	vmul.f32 v14, v13;
	[tilespmem:s0+$0x6F50] =	vst v20  }
0x133: {  	[tilespmem:s0+$0x6590] =	vst v19  }
0x134: {  	[tilespmem:s0+$0x6FD0] =	vst v13  }
0x135: {  	[tilespmem:s0+$0x65D0] =	vst v16  }
0x136: {  	[tilespmem:s0+$0x6790] =	vst v10  }
0x137: {  	[tilespmem:s0+$0x67D0] =	vst v15  }
0x138: {  	[tilespmem:s0+$0x6650] =	vst v11  }
0x139: {  	[tilespmem:s0+$0x6450] =	vst v21  }
0x13a: {  	s6 =	sshra.s32 s6, $0x2;
	[tilespmem:s0+$0x64D0] =	vst v18  }
0x13b: {  	[tilespmem:s0+$0x6F10] =	vst v12  }
0x13c: {  	[tilespmem:s0+$0x6F90] =	vst v17;
	s0 =	smov.u32 s6  }
0x13d: {  	v10 =	vld.idx.msk [tilespmem:v9+s0+$0x40 ss:$0x1], $0xffff  }
0x13e: {  	v11 =	vld.idx.msk [tilespmem:v9+s0+$0x4040 ss:$0x1], $0xffff  }
0x13f: {  	v12 =	vld.idx.msk [tilespmem:v9+s0+$0x2040 ss:$0x1], $0xffff;
	_ =	sdelay $0x4  }
0x140: {  	v13 =	vshrl.u32 v10, $0x10;
	v14 =	vshrl.u32 v11, $0x10  }
0x141: {  	v13 =	vand.u32 $0x1, v13;
	v15 =	vshrl.u32 v12, $0x10;
	v14 =	vand.u32 $0x1, v14  }
0x142: {  	v10 =	vadd.s32 v13, v10;
	v13 =	vand.u32 $0x1, v15;
	v11 =	vadd.s32 v14, v11  }
0x143: {  	v10 =	vadd.s32 $0x7FFF, v10;
	v12 =	vadd.s32 v13, v12;
	v11 =	vadd.s32 $0x7FFF, v11  }
0x144: {  	v10 =	vand.u32 $0xFFFF0000, v10;
	v12 =	vadd.s32 $0x7FFF, v12  }
0x145: {  	v11 =	vand.u32 $0xFFFF0000, v11;
	v13 =	vmul.f32 v10, v6;
	v12 =	vand.u32 $0xFFFF0000, v12  }
0x146: {  	v15 =	vmul.f32 v11, v8;
	v14 =	vmul.f32 v12, v7  }
0x147: {  	v10 =	vmul.f32 v10, v3;
	v12 =	vmul.f32 v12, v4  }
0x148: {  	v13 =	vadd.f32 v14, v13  }
0x149: {  	v11 =	vmul.f32 v11, v5;
	v10 =	vadd.f32 v12, v10  }
0x14a: {  	v12 =	vadd.f32 v15, v13  }
0x14b: {  	v10 =	vadd.f32 v11, v10  }
0x14c: {  	v11 =	vadd.f32 $1.000000000e+00, v12  }
0x14d: {  	v10 =	vadd.f32 $1.000000000e+00, v10  }
0x14e: {  	v11 =	vmul.f32 $5.000000000e-01, v11  }
0x14f: {  	v20 =	vmul.f32 $5.000000000e-01, v10  }
0x150: {  	v10 =	vmul.f32 $1.270000000e+02, v11;
	v13 =	vmul.f32 $1.500000000e+01, v11  }
0x151: {  	v15 =	vmul.f32 $1.270000000e+02, v20;
	v14 =	vmul.f32 $1.500000000e+01, v20  }
0x152: {  	v12 =	vmul.f32 $6.300000000e+01, v11;
	v10 =	vmax.f32 v10, $0.0e+00;
	v13 =	vmax.f32 v13, $0.0e+00  }
0x153: {  	v16 =	vmul.f32 $3.100000000e+01, v20;
	v17 =	vmax.f32 v14, $0.0e+00;
	v14 =	vmin.f32 v13, $1.500000000e+01  }
0x154: {  	v23 =	vmin.f32 v10, $1.270000000e+02;
	v10 =	vmul.f32 $3.100000000e+01, v11;
	v13 =	vmin.f32 v17, $1.500000000e+01  }
0x155: {  	v11 =	vmax.f32 v15, $0.0e+00;
	v15 =	vmax.f32 v16, $0.0e+00;
	v16 =	vtrunc.f32 v13  }
.Ltmp1:
0x156: {  	v21 =	vtrunc.f32 v23;
	v17 =	vmax.f32 v10, $0.0e+00;
	v10 =	vcvt.f32.s32 v16;
	(pc) =	sbr.rel @p0 .LBB2_5-.Ltmp1, $4  }
0x157: {  	v19 =	vmin.f32 v15, $3.100000000e+01;
	v15 =	vtrunc.f32 v14;
	v16 =	vmin.f32 v17, $3.100000000e+01  }
0x158: {  	v24 =	vmin.f32 v11, $1.270000000e+02;
	v11 =	vcvt.f32.s32 v15;
	v17 =	vtrunc.f32 v19  }
0x159: {  	v15 =	vcvt.f32.s32 v17;
	v17 =	vtrunc.f32 v16;
	v18 =	vadd.s32 $0x1, v10  }
0x15a: {  	v22 =	vcvt.f32.s32 v17;
	v17 =	vcvt.s32.f32 v11  }
0x15b: {  	v9 =	vcvt.f32.s32 v21;
	v61 =	vtrunc.f32 v24;
	v28 =	vadd.s32 $0x1, v15  }
0x15c: {  	v20 =	vmul.f32 $6.300000000e+01, v20;
	vm10 =	vlt.s32 v18, $0xF;
	v32 =	vcvt.s32.f32 v15  }
0x15d: {  	v12 =	vmax.f32 v12, $0.0e+00;
	v47 =	vshll.u32 v11, $0x4;
	v59 =	vcvt.s32.f32 v10  }
0x15e: {  	v11 =	vadd.s32 $0x1, v11;
	v21 =	vcvt.f32.s32 v61;
	v25 =	vadd.s32 $0x1, v22  }
0x15f: {  	vm1 =	vlt.s32 v28, $0x1F;
	v39 =	vcvt.s32.f32 v22;
	v40 =	vshll.u32 v22, $0x5  }
0x160: {  	v12 =	vmin.f32 v12, $6.300000000e+01;
	v49 =	vadd.s32 v10, v47;
	v18 =	vnsel vm10, $0xF, v18  }
0x161: {  	v14 =	vsub.f32 v14, v17;
	vm14 =	vlt.s32 v11, $0xF;
	v26 =	vcvt.s32.f32 v9  }
0x162: {  	v27 =	vadd.s32 $0x1, v9;
	v9 =	vshll.u32 v9, $0x7;
	v37 =	vnsel vm1, $0x1F, v28  }
0x163: {  	vm11 =	vlt.s32 v25, $0x1F;
	v19 =	vsub.f32 v19, v32;
	v41 =	vadd.s32 v15, v40  }
0x164: {  	[tilespmem:s0+$0x6710] =	vst v49;
	v13 =	vsub.f32 v13, v59;
	v11 =	vnsel vm14, $0xF, v11;
	v9 =	vadd.s32 v0, v9  }
0x165: {  	v29 =	vcvt.s32.f32 v21;
	[tilespmem:s0+$0x6610] =	vst v41;
	v11 =	vshll.u32 v11, $0x4;
	v62 =	vadd.s32 v21, v9  }
0x166: {  	vm0 =	vlt.s32 v27, $0x7F;
	v25 =	vnsel vm11, $0x1F, v25;
	v10 =	vadd.s32 v10, v11;
	[tilespmem:s0+$0x6410] =	vst v62  }
0x167: {  	v16 =	vsub.f32 v16, v39;
	v25 =	vshll.u32 v25, $0x5;
	v11 =	vadd.s32 v18, v11;
	[tilespmem:s0+$0x6790] =	vst v10  }
0x168: {  	v27 =	vnsel vm0, $0x7F, v27;
	v43 =	vsub.f32 $1.000000000e+00, v19;
	v15 =	vadd.s32 v15, v25;
	[tilespmem:s0+$0x67D0] =	vst v11  }
0x169: {  	v32 =	vmul.f32 v14, v13;
	v27 =	vshll.u32 v27, $0x7;
	v53 =	vadd.s32 v37, v25;
	[tilespmem:s0+$0x6690] =	vst v15  }
0x16a: {  	v42 =	vtrunc.f32 v12;
	v23 =	vsub.f32 v23, v26;
	v27 =	vadd.s32 v0, v27;
	[tilespmem:s0+$0x66D0] =	vst v53  }
0x16b: {  	v63 =	vsub.f32 v24, v29;
	v46 =	vmul.f32 v43, v16;
	[tilespmem:s0+$0x6FD0] =	vst v32;
	v31 =	vadd.s32 v21, v27  }
0x16c: {  	v44 =	vcvt.f32.s32 v42;
	v45 =	vsub.f32 $1.000000000e+00, v16;
	v16 =	vmul.f32 v16, v19;
	[tilespmem:s0+$0x6490] =	vst v31  }
0x16d: {  	v36 =	vsub.f32 $1.000000000e+00, v23;
	v24 =	vmul.f32 v23, v63;
	[tilespmem:s0+$0x6E90] =	vst v46  }
0x16e: {  	v20 =	vmax.f32 v20, $0.0e+00;
	v51 =	vcvt.s32.f32 v44;
	v48 =	vmul.f32 v45, v43;
	[tilespmem:s0+$0x6ED0] =	vst v16  }
0x16f: {  	v15 =	vmin.f32 v20, $6.300000000e+01;
	v30 =	vsub.f32 $1.000000000e+00, v63;
	v33 =	vmul.f32 v36, v63;
	[tilespmem:s0+$0x6CD0] =	vst v24  }
0x170: {  	v52 =	vshll.u32 v44, $0x6;
	v50 =	vtrunc.f32 v15;
	v12 =	vsub.f32 v12, v51;
	[tilespmem:s0+$0x6E10] =	vst v48  }
0x171: {  	v38 =	vmul.f32 v36, v30;
	v23 =	vmul.f32 v30, v23;
	v30 =	vadd.s32 v47, v18;
	[tilespmem:s0+$0x6C50] =	vst v33  }
0x172: {  	v56 =	vadd.s32 v1, v52;
	v28 =	vcvt.f32.s32 v50;
	[tilespmem:s0+$0x6750] =	vst v30  }
0x173: {  	v63 =	vsub.f32 $1.000000000e+00, v14;
	v24 =	vmul.f32 v45, v19;
	v58 =	vsub.f32 $1.000000000e+00, v12;
	[tilespmem:s0+$0x6C90] =	vst v23  }
0x174: {  	v54 =	vcvt.s32.f32 v28;
	v55 =	vadd.s32 $0x1, v28;
	v19 =	vadd.s32 v28, v56;
	[tilespmem:s0+$0x6C10] =	vst v38  }
0x175: {  	v31 =	vmul.f32 v63, v13;
	v13 =	vsub.f32 $1.000000000e+00, v13;
	[tilespmem:s0+$0x6E50] =	vst v24;
	vm12 =	vlt.s32 v55, $0x3F  }
0x176: {  	v23 =	vadd.s32 $0x1, v44;
	[tilespmem:s0+$0x6510] =	vst v19;
	v15 =	vsub.f32 v15, v54;
	v57 =	vnsel vm12, $0x3F, v55  }
0x177: {  	vm13 =	vlt.s32 v23, $0x3F;
	[tilespmem:s0+$0x6F50] =	vst v31;
	v11 =	vmul.f32 v63, v13;
	v60 =	vadd.s32 v57, v56  }
0x178: {  	[tilespmem:s0+$0x6550] =	vst v60;
	v61 =	vsub.f32 $1.000000000e+00, v15;
	v62 =	vmul.f32 v58, v15;
	v15 =	vmul.f32 v12, v15  }
0x179: {  	v30 =	vnsel vm13, $0x3F, v23;
	[tilespmem:s0+$0x6F10] =	vst v11  }
0x17a: {  	v12 =	vmul.f32 v61, v12;
	[tilespmem:s0+$0x6DD0] =	vst v15;
	v15 =	vshll.u32 v30, $0x6  }
0x17b: {  	[tilespmem:s0+$0x6D50] =	vst v62;
	v15 =	vadd.s32 v1, v15  }
0x17c: {  	v24 =	vmul.f32 v58, v61;
	[tilespmem:s0+$0x6D90] =	vst v12;
	v12 =	vadd.s32 v28, v15  }
0x17d: {  	[tilespmem:s0+$0x6590] =	vst v12;
	v12 =	vadd.s32 v57, v15;
	v15 =	vadd.s32 $0x1, v21  }
0x17e: {  	[tilespmem:s0+$0x6D10] =	vst v24;
	vm15 =	vlt.s32 v15, $0x7F  }
0x17f: {  	[tilespmem:s0+$0x65D0] =	vst v12;
	v12 =	vadd.s32 v40, v37;
	v10 =	vnsel vm15, $0x7F, v15  }
0x180: {  	[tilespmem:s0+$0x6650] =	vst v12;
	v9 =	vadd.s32 v10, v9  }
0x181: {  	v10 =	vadd.s32 v10, v27;
	[tilespmem:s0+$0x6450] =	vst v9;
	v9 =	vmul.f32 v13, v14  }
0x182: {  	[tilespmem:s0+$0x64D0] =	vst v10  }
0x183: {  	s17 =	simm.s32 $0x6410;
	s5 =	simm.s32 $0xB010;
	[tilespmem:s0+$0x6F90] =	vst v9  }
0x184: {  	[tilespmem:s5], [sflag:$0x2] =	stream.indirect.gather [hbm4b:s2+s15], $0x20, s17, s15, $0xb8;
	[tilespmem:$0x1A010] =	vst v63  }
0x185: {  	s6 =	simm.s32 $0xB810;
	s5 =	simm.s32 $0x6450  }
0x186: {  	[tilespmem:s6], [sflag:$0x2] =	stream.indirect.gather [hbm4b:s2+s15], $0x20, s5, s15, $0xb8;
	[tilespmem:$0x1A010] =	vst v63  }
0x187: {  	s7 =	simm.s32 $0x6490;
	s8 =	simm.s32 $0xC010  }
0x188: {  	[tilespmem:s8], [sflag:$0x2] =	stream.indirect.gather [hbm4b:s2+s15], $0x20, s7, s15, $0xb8;
	[tilespmem:$0x1A010] =	vst v63  }
0x189: {  	s10 =	simm.s32 $0x64D0;
	s11 =	simm.s32 $0xC810  }
0x18a: {  	[tilespmem:s11], [sflag:$0x2] =	stream.indirect.gather [hbm4b:s2+s15], $0x20, s10, s15, $0xb8;
	[tilespmem:$0x1A010] =	vst v63  }
0x18b: {  	s12 =	simm.s32 $0x6510;
	s13 =	simm.s32 $0xD010  }
0x18c: {  	[tilespmem:s13], [sflag:$0x2] =	stream.indirect.gather [hbm4b:s4+s15], $0x20, s12, s15, $0xb8;
	[tilespmem:$0x1A010] =	vst v63  }
0x18d: {  	s14 =	simm.s32 $0x6550  }
0x18e: {  	[tilespmem:s18], [sflag:$0x2] =	stream.indirect.gather [hbm4b:s4+s15], $0x20, s14, s15, $0xb8;
	[tilespmem:$0x1A010] =	vst v63  }
0x18f: {  	_ = 	snop  }
0x190: {  	[tilespmem:s20], [sflag:$0x2] =	stream.indirect.gather [hbm4b:s4+s15], $0x20, s19, s15, $0xb8;
	[tilespmem:$0x1A010] =	vst v63  }
0x191: {  	_ = 	snop  }
0x192: {  	[tilespmem:s22], [sflag:$0x2] =	stream.indirect.gather [hbm4b:s4+s15], $0x20, s21, s15, $0xb8;
	[tilespmem:$0x1A010] =	vst v63  }
0x193: {  	_ =	swait.ge [sflag:s23], $0x800  }
0x194: {  	[sflag:s23] =	ssyncset.done $0x0  }
0x195: {  	[sflag:s23] =	ssyncadd.s32 $0xFFFFF800  }
0x196: {  	_ =	swait.ge [sflag:s23], $0x800  }
0x197: {  	[sflag:s23] =	ssyncset.done $0x0  }
0x198: {  	[sflag:s23] =	ssyncadd.s32 $0xFFFFF800  }
0x199: {  	_ =	swait.ge [sflag:s23], $0x800  }
0x19a: {  	[sflag:s23] =	ssyncset.done $0x0  }
0x19b: {  	[sflag:s23] =	ssyncadd.s32 $0xFFFFF800  }
0x19c: {  	_ =	swait.ge [sflag:s23], $0x800  }
0x19d: {  	[sflag:s23] =	ssyncset.done $0x0  }
0x19e: {  	[sflag:s23] =	ssyncadd.s32 $0xFFFFF800  }
0x19f: {  	_ =	swait.ge [sflag:s23], $0x800  }
0x1a0: {  	[sflag:s23] =	ssyncset.done $0x0  }
0x1a1: {  	[sflag:s23] =	ssyncadd.s32 $0xFFFFF800  }
0x1a2: {  	_ =	swait.ge [sflag:s23], $0x800  }
0x1a3: {  	[sflag:s23] =	ssyncset.done $0x0  }
0x1a4: {  	[sflag:s23] =	ssyncadd.s32 $0xFFFFF800  }
0x1a5: {  	_ =	swait.ge [sflag:s23], $0x800  }
0x1a6: {  	[sflag:s23] =	ssyncset.done $0x0  }
0x1a7: {  	[sflag:s23] =	ssyncadd.s32 $0xFFFFF800  }
0x1a8: {  	s17 =	simm.s32 $0x0;
	_ =	swait.ge [sflag:s23], $0x800  }
0x1a9: {  	p0 =	seq.s32 s30, $0x0;
	v9 =	vor.u32 s17, v2;
	[sflag:s23] =	ssyncset.done $0x0  }
0x1aa: {  	s0 =	simm.s32 @!p0 $0x3;
	[sflag:s23] =	ssyncadd.s32 $0xFFFFF800  }
0x1ab: {  	_ =	swait.ge @!p0 [sflag:s0], $0x800  }
0x1ac: {  	[sflag:s0] =	ssyncset.done @!p0 $0x0  }
0x1ad: {  	[sflag:s0] =	ssyncadd.s32 @!p0 $0xFFFFF800  }
0x1ae: {  	v10 =	vld.idx.msk [tilespmem:v9+s16+$0x0], $0xffff;
	_ =	sdelay $0x4  }
0x1af: {  	v9 =	vld.idx.msk [tilespmem:v9+s24+$0x0], $0xffff;
	v10 =	vshll.u32 v10, $0x7  }
0x1b0: {  	s12 =	simm.s32 $0x9010;
	v10 =	vshra.s32 v10, $0x2  }
0x1b1: {  	v11 =	vld [tilespmem:s12+$0xFFFFE000];
	(v2sf) =	vpush v10, $0x8  }
0x1b2: {  	v12 =	vld [tilespmem:s12+$0xFFFFE010];
	(v2sf) =	vpush v10, $0xA  }
0x1b3: {  	v13 =	vld [tilespmem:s12+$0xFFFFE800];
	(v2sf) =	vpush v10, $0x9  }
0x1b4: {  	v14 =	vld [tilespmem:s12+$0xFFFFE810];
	v15 =	vbroadcast v9, $0x0  }
0x1b5: {  	v33 =	vld [tilespmem:s12+$0xFFFFF000]  }
0x1b6: {  	v34 =	vld [tilespmem:s12+$0xFFFFF010];
	v35 =	vbroadcast v9, $0x1;
	v11 =	vmul.f32 v11, v15  }
0x1b7: {  	v12 =	vmul.f32 v12, v15;
	v15 =	vld [tilespmem:s12+$0xFFFFF800];
	(v2sf) =	vpush v10, $0xB  }
0x1b8: {  	v36 =	vld [tilespmem:s12+$0xFFFFF810];
	v37 =	vbroadcast v9, $0x2;
	v13 =	vmul.f32 v13, v35;
	v11 =	vadd.f32 $0.0e+00, v11  }
0x1b9: {  	v38 =	vld [tilespmem:s12+$0x0];
	v14 =	vmul.f32 v14, v35;
	v12 =	vadd.f32 $0.0e+00, v12;
	(v2sf) =	vpush v10, $0xC  }
0x1ba: {  	v39 =	vld [tilespmem:s12+$0x10];
	v40 =	vbroadcast v9, $0x3;
	v11 =	vadd.f32 v13, v11;
	v13 =	vmul.f32 v33, v37  }
0x1bb: {  	v41 =	vmul.f32 v34, v37;
	v12 =	vadd.f32 v14, v12;
	v14 =	vld [tilespmem:s12+$0x800];
	(v2sf) =	vpush v10, $0xD  }
0x1bc: {  	v43 =	vld [tilespmem:s12+$0x810];
	v42 =	vbroadcast v9, $0x4;
	v11 =	vadd.f32 v13, v11;
	v13 =	vmul.f32 v15, v40  }
0x1bd: {  	v44 =	vld [tilespmem:s12+$0x1000];
	(v2sf) =	vpush v10, $0xE;
	v15 =	vmul.f32 v36, v40;
	v12 =	vadd.f32 v41, v12  }
0x1be: {  	v46 =	vld [tilespmem:s12+$0x1010];
	v45 =	vbroadcast v9, $0x5;
	v11 =	vadd.f32 v13, v11;
	v13 =	vmul.f32 v38, v42  }
0x1bf: {  	(v2sf) =	vpush v10, $0xF;
	v10 =	vmul.f32 v39, v42;
	v12 =	vadd.f32 v15, v12;
	v15 =	vld [tilespmem:s12+$0x1800]  }
0x1c0: {  	v47 =	vbroadcast v9, $0x6;
	v11 =	vadd.f32 v13, v11;
	v13 =	vmul.f32 v14, v45;
	v14 =	vld [tilespmem:s12+$0x1810];
	s5 =	spop (v2sf)  }
0x1c1: {  	v19 =	vmul.f32 v43, v45;
	v10 =	vadd.f32 v10, v12;
	v12 =	vld [tilespmem:s5+$0x10010];
	s6 =	spop (v2sf)  }
0x1c2: {  	v48 =	vbroadcast v9, $0x7;
	v11 =	vadd.f32 v13, v11;
	v13 =	vmul.f32 v44, v47;
	v49 =	vld [tilespmem:s5+$0x10020];
	s7 =	spop (v2sf)  }
0x1c3: {  	v17 =	vmul.f32 v46, v47;
	v10 =	vadd.f32 v19, v10;
	v50 =	vld [tilespmem:s7+$0x10010]  }
0x1c4: {  	v11 =	vadd.f32 v13, v11;
	v13 =	vmul.f32 v15, v48;
	v15 =	vbroadcast v9, $0x8;
	v51 =	vld [tilespmem:s7+$0x10020]  }
0x1c5: {  	v10 =	vadd.f32 v17, v10;
	v14 =	vmul.f32 v14, v48;
	v52 =	vld [tilespmem:s6+$0x10010]  }
0x1c6: {  	v11 =	vadd.f32 v13, v11;
	v13 =	vbroadcast v9, $0x9;
	v53 =	vld [tilespmem:s6+$0x10020];
	s8 =	spop (v2sf);
	v12 =	vmul.f32 v12, v15  }
0x1c7: {  	v10 =	vadd.f32 v14, v10;
	v14 =	vmul.f32 v49, v15;
	v15 =	vld [tilespmem:s8+$0x10010]  }
0x1c8: {  	v54 =	vbroadcast v9, $0xA;
	s10 =	spop (v2sf);
	v55 =	vld [tilespmem:s8+$0x10020];
	v11 =	vadd.f32 v12, v11;
	v12 =	vmul.f32 v50, v13  }
0x1c9: {  	v10 =	vadd.f32 v14, v10;
	v13 =	vmul.f32 v51, v13;
	v14 =	vld [tilespmem:s10+$0x18010]  }
0x1ca: {  	v56 =	vbroadcast v9, $0xB;
	s11 =	spop (v2sf);
	v57 =	vld [tilespmem:s10+$0x18020];
	v11 =	vadd.f32 v12, v11;
	v12 =	vmul.f32 v52, v54  }
0x1cb: {  	v58 =	vld [tilespmem:s11+$0x18010];
	v10 =	vadd.f32 v13, v10;
	v13 =	vmul.f32 v53, v54  }
0x1cc: {  	s13 =	spop (v2sf);
	v59 =	vld [tilespmem:s11+$0x18020];
	v11 =	vadd.f32 v12, v11;
	v12 =	vmul.f32 v15, v56;
	v15 =	vbroadcast v9, $0xC  }
0x1cd: {  	v60 =	vld [tilespmem:s13+$0x18010];
	v10 =	vadd.f32 v13, v10;
	v13 =	vmul.f32 v55, v56  }
0x1ce: {  	s14 =	spop (v2sf);
	v61 =	vld [tilespmem:s13+$0x18020];
	v11 =	vadd.f32 v12, v11;
	v12 =	vmul.f32 v14, v15;
	v14 =	vbroadcast v9, $0xD  }
0x1cf: {  	v10 =	vadd.f32 v13, v10;
	v13 =	vmul.f32 v57, v15;
	v15 =	vld [tilespmem:s14+$0x18010]  }
0x1d0: {  	v62 =	vbroadcast v9, $0xE;
	v63 =	vld [tilespmem:s14+$0x18020];
	v11 =	vadd.f32 v12, v11;
	v12 =	vmul.f32 v58, v14  }
0x1d1: {  	v10 =	vadd.f32 v13, v10;
	v13 =	vmul.f32 v59, v14  }
0x1d2: {  	v9 =	vbroadcast v9, $0xF;
	v11 =	vadd.f32 v12, v11;
	v12 =	vmul.f32 v60, v62  }
0x1d3: {  	v10 =	vadd.f32 v13, v10;
	v13 =	vmul.f32 v61, v62  }
0x1d4: {  	s17 =	simm.s32 $0x1;
	v11 =	vadd.f32 v12, v11;
	v12 =	vmul.f32 v15, v9  }
0x1d5: {  	v14 =	vor.u32 s17, v2;
	v10 =	vadd.f32 v13, v10;
	v9 =	vmul.f32 v63, v9  }
0x1d6: {  	v11 =	vadd.f32 v12, v11  }
0x1d7: {  	s0 =	simm.s32 $0xF030;
	v9 =	vadd.f32 v9, v10  }
0x1d8: {  	[tilespmem:s0+$0xFFFFFFE0] =	vst v11  }
0x1d9: {  	[tilespmem:s0+$0xFFFFFFF0] =	vst v9  }
0x1da: {  	v9 =	vld.idx.msk [tilespmem:v14+s16+$0x0], $0xffff;
	_ =	sdelay $0x3  }
0x1db: {  	v12 =	vld [tilespmem:s12+$0xFFFFE020]  }
0x1dc: {  	s13 =	simm.s32 $0x2;
	v13 =	vld [tilespmem:s12+$0xFFFFE030];
	v11 =	vshll.u32 v9, $0x7  }
0x1dd: {  	s5 =	simm.s32 $0x9010;
	s6 =	simm.s32 $0x4;
	s14 =	simm.s32 $0xF030;
	v10 =	vld.idx.msk [tilespmem:v14+s24+$0x0], $0xffff;
	v9 =	vor.u32 s13, v2;
	v11 =	vshra.s32 v11, $0x2  }
.LBB2_7:
0x1de: {  	s0 =	sadd.s32 $0x40, s0  }
0x1df: {  	s12 =	sadd.s32 $0x40, s12;
	(v2sf) =	vpush v11, $0x8;
	s7 =	smov.u32 s6;
	s8 =	sadd.s32 $0x2, s6  }
0x1e0: {  	p1 =	sne.s32 s6, $0x3E;
	v14 =	vld [tilespmem:s5+$0xFFFFE830]  }
0x1e1: {  	v15 =	vld [tilespmem:s5+$0xFFFFE820];
	(v2sf) =	vpush v11, $0x9  }
0x1e2: {  	v16 =	vbroadcast v10, $0x0;
	v17 =	vbroadcast v10, $0x1;
	v18 =	vld [tilespmem:s5+$0xFFFFF030]  }
0x1e3: {  	v20 =	vbroadcast v10, $0x2;
	v21 =	vbroadcast v10, $0x3;
	v19 =	vld [tilespmem:s5+$0xFFFFF020];
	(v2sf) =	vpush v11, $0xA  }
0x1e4: {  	v12 =	vmul.f32 v12, v16;
	v13 =	vmul.f32 v13, v16;
	v16 =	vld [tilespmem:s5+$0xFFFFF830]  }
0x1e5: {  	v23 =	vbroadcast v10, $0x4;
	v14 =	vmul.f32 v14, v17;
	v22 =	vld [tilespmem:s5+$0xFFFFF820];
	(v2sf) =	vpush v11, $0xB  }
0x1e6: {  	v12 =	vadd.f32 $0.0e+00, v12;
	v13 =	vadd.f32 $0.0e+00, v13;
	v15 =	vmul.f32 v15, v17;
	v17 =	vld [tilespmem:s5+$0x30]  }
0x1e7: {  	v25 =	vbroadcast v10, $0x5;
	v18 =	vmul.f32 v18, v20;
	v24 =	vld [tilespmem:s5+$0x20];
	(v2sf) =	vpush v11, $0xC  }
0x1e8: {  	v13 =	vadd.f32 v14, v13;
	v12 =	vadd.f32 v15, v12;
	v14 =	vmul.f32 v19, v20;
	v15 =	vld [tilespmem:s5+$0x830]  }
0x1e9: {  	v20 =	vbroadcast v10, $0x6;
	v16 =	vmul.f32 v16, v21;
	v19 =	vld [tilespmem:s5+$0x820];
	(v2sf) =	vpush v11, $0xD  }
0x1ea: {  	v13 =	vadd.f32 v18, v13;
	v12 =	vadd.f32 v14, v12;
	v14 =	vmul.f32 v22, v21;
	v18 =	vld [tilespmem:s5+$0x1030]  }
0x1eb: {  	v22 =	vbroadcast v10, $0x7;
	v17 =	vmul.f32 v17, v23;
	v21 =	vld [tilespmem:s5+$0x1020];
	(v2sf) =	vpush v11, $0xE  }
0x1ec: {  	v13 =	vadd.f32 v16, v13;
	v12 =	vadd.f32 v14, v12;
	v14 =	vmul.f32 v24, v23  }
0x1ed: {  	v15 =	vmul.f32 v15, v25;
	v16 =	vld [tilespmem:s5+$0x1820];
	(v2sf) =	vpush v11, $0xF  }
0x1ee: {  	v11 =	vadd.f32 v14, v12;
	v12 =	vadd.f32 v17, v13;
	v13 =	vmul.f32 v19, v25;
	v14 =	vld [tilespmem:s5+$0x1830];
	s6 =	spop (v2sf);
	s5 =	smov.u32 s12  }
0x1ef: {  	v17 =	vmul.f32 v18, v20;
	v18 =	vld [tilespmem:s6+$0x10010]  }
0x1f0: {  	v11 =	vadd.f32 v13, v11;
	v12 =	vadd.f32 v15, v12;
	v13 =	vmul.f32 v21, v20;
	v15 =	vld [tilespmem:s6+$0x10020];
	s6 =	spop (v2sf)  }
0x1f1: {  	v19 =	vbroadcast v10, $0x8;
	v20 =	vld [tilespmem:s6+$0x10010]  }
0x1f2: {  	v11 =	vadd.f32 v13, v11;
	v12 =	vadd.f32 v17, v12;
	v13 =	vmul.f32 v16, v22;
	v16 =	vld [tilespmem:s6+$0x10020];
	s6 =	spop (v2sf)  }
0x1f3: {  	v14 =	vmul.f32 v14, v22;
	v17 =	vld [tilespmem:s6+$0x10010]  }
0x1f4: {  	v11 =	vadd.f32 v13, v11;
	v13 =	vmul.f32 v18, v19;
	v18 =	vbroadcast v10, $0x9;
	v21 =	vld [tilespmem:s6+$0x10020];
	s6 =	spop (v2sf)  }
0x1f5: {  	v12 =	vadd.f32 v14, v12;
	v14 =	vmul.f32 v15, v19;
	v15 =	vld [tilespmem:s6+$0x10010]  }
0x1f6: {  	v19 =	vbroadcast v10, $0xA;
	v11 =	vadd.f32 v13, v11;
	v13 =	vmul.f32 v20, v18;
	v20 =	vld [tilespmem:s6+$0x10020];
	s6 =	spop (v2sf)  }
0x1f7: {  	v12 =	vadd.f32 v14, v12;
	v14 =	vmul.f32 v16, v18;
	v16 =	vld [tilespmem:s6+$0x18010]  }
0x1f8: {  	v11 =	vadd.f32 v13, v11;
	v13 =	vmul.f32 v17, v19;
	v17 =	vbroadcast v10, $0xB;
	v18 =	vld [tilespmem:s6+$0x18020];
	s6 =	spop (v2sf)  }
0x1f9: {  	v12 =	vadd.f32 v14, v12;
	v14 =	vmul.f32 v21, v19;
	v19 =	vld [tilespmem:s6+$0x18010]  }
0x1fa: {  	v11 =	vadd.f32 v13, v11;
	v13 =	vmul.f32 v15, v17;
	v15 =	vbroadcast v10, $0xC;
	v21 =	vld [tilespmem:s6+$0x18020];
	s6 =	spop (v2sf)  }
0x1fb: {  	v12 =	vadd.f32 v14, v12;
	v14 =	vmul.f32 v20, v17;
	v17 =	vld [tilespmem:s6+$0x18010]  }
0x1fc: {  	v11 =	vadd.f32 v13, v11;
	v13 =	vmul.f32 v16, v15;
	v16 =	vbroadcast v10, $0xD;
	v20 =	vld [tilespmem:s6+$0x18020];
	s6 =	spop (v2sf)  }
0x1fd: {  	v12 =	vadd.f32 v14, v12;
	v14 =	vmul.f32 v18, v15;
	v15 =	vld [tilespmem:s6+$0x18010]  }
0x1fe: {  	v18 =	vbroadcast v10, $0xE;
	v11 =	vadd.f32 v13, v11;
	v13 =	vmul.f32 v19, v16;
	v19 =	vld [tilespmem:s6+$0x18020]  }
0x1ff: {  	v12 =	vadd.f32 v14, v12;
	v14 =	vmul.f32 v21, v16  }
0x200: {  	v10 =	vbroadcast v10, $0xF;
	v11 =	vadd.f32 v13, v11;
	v13 =	vmul.f32 v17, v18  }
0x201: {  	v12 =	vadd.f32 v14, v12;
	v14 =	vmul.f32 v20, v18  }
0x202: {  	v11 =	vadd.f32 v13, v11;
	v13 =	vmul.f32 v15, v10  }
0x203: {  	v12 =	vadd.f32 v14, v12;
	v10 =	vmul.f32 v19, v10  }
0x204: {  	v11 =	vadd.f32 v13, v11  }
0x205: {  	v10 =	vadd.f32 v10, v12  }
0x206: {  	[tilespmem:s14+$0x0] =	vst v11  }
0x207: {  	[tilespmem:s14+$0x10] =	vst v10;
	s14 =	smov.u32 s0  }
0x208: {  	v10 =	vld.idx.msk [tilespmem:v9+s16+$0x0], $0xffff;
	_ =	sdelay $0x4  }
0x209: {  	v9 =	vld.idx.msk [tilespmem:v9+s24+$0x0], $0xffff  }
0x20a: {  	v10 =	vshll.u32 v10, $0x7  }
0x20b: {  	v10 =	vshra.s32 v10, $0x2;
	v11 =	vld [tilespmem:s12+$0xFFFFE010]  }
0x20c: {  	v12 =	vld [tilespmem:s12+$0xFFFFE000];
	(v2sf) =	vpush v10, $0x8  }
0x20d: {  	v13 =	vld [tilespmem:s12+$0xFFFFE810];
	(v2sf) =	vpush v10, $0xA  }
0x20e: {  	v14 =	vld [tilespmem:s12+$0xFFFFE800];
	(v2sf) =	vpush v10, $0x9  }
0x20f: {  	v15 =	vbroadcast v9, $0x0;
	v17 =	vbroadcast v9, $0x4;
	v16 =	vld [tilespmem:s12+$0xFFFFF010];
	(v2sf) =	vpush v10, $0xB  }
0x210: {  	v18 =	vbroadcast v9, $0x1;
	v20 =	vbroadcast v9, $0x5;
	v19 =	vld [tilespmem:s12+$0xFFFFF000];
	(v2sf) =	vpush v10, $0xC  }
0x211: {  	v11 =	vmul.f32 v11, v15;
	v12 =	vmul.f32 v12, v15;
	v15 =	vld [tilespmem:s12+$0xFFFFF810];
	(v2sf) =	vpush v10, $0xD  }
0x212: {  	v21 =	vbroadcast v9, $0x2;
	v13 =	vmul.f32 v13, v18;
	v22 =	vld [tilespmem:s12+$0xFFFFF800];
	(v2sf) =	vpush v10, $0xE  }
0x213: {  	v11 =	vadd.f32 $0.0e+00, v11;
	v12 =	vadd.f32 $0.0e+00, v12;
	v14 =	vmul.f32 v14, v18;
	v18 =	vld [tilespmem:s12+$0x10]  }
0x214: {  	v23 =	vbroadcast v9, $0x3;
	v16 =	vmul.f32 v16, v21;
	v24 =	vld [tilespmem:s12+$0x0];
	(v2sf) =	vpush v10, $0xF  }
0x215: {  	v11 =	vadd.f32 v13, v11;
	v10 =	vadd.f32 v14, v12;
	v12 =	vmul.f32 v19, v21;
	v13 =	vld [tilespmem:s12+$0x810]  }
0x216: {  	v19 =	vbroadcast v9, $0x6;
	v14 =	vmul.f32 v15, v23;
	v15 =	vld [tilespmem:s12+$0x800]  }
0x217: {  	v11 =	vadd.f32 v16, v11;
	v10 =	vadd.f32 v12, v10;
	v12 =	vmul.f32 v22, v23  }
0x218: {  	v21 =	vbroadcast v9, $0x7;
	v16 =	vmul.f32 v18, v17;
	v18 =	vld [tilespmem:s12+$0x1000]  }
0x219: {  	v11 =	vadd.f32 v14, v11;
	v10 =	vadd.f32 v12, v10;
	v12 =	vmul.f32 v24, v17;
	v14 =	vld [tilespmem:s12+$0x1010]  }
0x21a: {  	v13 =	vmul.f32 v13, v20;
	v17 =	vld [tilespmem:s12+$0x1800]  }
0x21b: {  	v11 =	vadd.f32 v16, v11;
	v10 =	vadd.f32 v12, v10;
	v12 =	vmul.f32 v15, v20;
	v15 =	vld [tilespmem:s12+$0x1810];
	s6 =	spop (v2sf)  }
0x21c: {  	v16 =	vld [tilespmem:s6+$0x10010];
	s10 =	spop (v2sf)  }
0x21d: {  	v11 =	vadd.f32 v13, v11;
	v10 =	vadd.f32 v12, v10;
	v12 =	vmul.f32 v18, v19;
	v13 =	vld [tilespmem:s6+$0x10020];
	s6 =	spop (v2sf)  }
0x21e: {  	v14 =	vmul.f32 v14, v19;
	v18 =	vld [tilespmem:s6+$0x10010];
	s11 =	spop (v2sf)  }
0x21f: {  	v10 =	vadd.f32 v12, v10;
	v12 =	vmul.f32 v17, v21;
	v17 =	vbroadcast v9, $0x8;
	v19 =	vld [tilespmem:s6+$0x10020];
	s6 =	spop (v2sf)  }
0x220: {  	v11 =	vadd.f32 v14, v11;
	v14 =	vmul.f32 v15, v21;
	v15 =	vld [tilespmem:s10+$0x10010];
	s17 =	spop (v2sf)  }
0x221: {  	v10 =	vadd.f32 v12, v10;
	v12 =	vmul.f32 v16, v17;
	v16 =	vbroadcast v9, $0x9;
	v20 =	vld [tilespmem:s10+$0x10020];
	s10 =	spop (v2sf)  }
0x222: {  	v11 =	vadd.f32 v14, v11;
	v13 =	vmul.f32 v13, v17;
	v14 =	vld [tilespmem:s11+$0x10010]  }
0x223: {  	v17 =	vbroadcast v9, $0xA;
	v10 =	vadd.f32 v12, v10;
	v12 =	vmul.f32 v18, v16;
	v18 =	vld [tilespmem:s11+$0x10020];
	s11 =	spop (v2sf)  }
0x224: {  	v11 =	vadd.f32 v13, v11;
	v13 =	vmul.f32 v19, v16;
	v16 =	vld [tilespmem:s6+$0x18010]  }
0x225: {  	v10 =	vadd.f32 v12, v10;
	v12 =	vmul.f32 v15, v17;
	v15 =	vbroadcast v9, $0xB;
	v19 =	vld [tilespmem:s6+$0x18020]  }
0x226: {  	v11 =	vadd.f32 v13, v11;
	v13 =	vmul.f32 v20, v17;
	v17 =	vld [tilespmem:s17+$0x18010]  }
0x227: {  	v10 =	vadd.f32 v12, v10;
	v12 =	vmul.f32 v14, v15;
	v14 =	vbroadcast v9, $0xC;
	v20 =	vld [tilespmem:s17+$0x18020]  }
0x228: {  	v11 =	vadd.f32 v13, v11;
	v13 =	vmul.f32 v18, v15;
	v15 =	vld [tilespmem:s10+$0x18010]  }
0x229: {  	v10 =	vadd.f32 v12, v10;
	v12 =	vmul.f32 v16, v14;
	v16 =	vbroadcast v9, $0xD;
	v18 =	vld [tilespmem:s10+$0x18020]  }
0x22a: {  	v11 =	vadd.f32 v13, v11;
	v13 =	vmul.f32 v19, v14;
	v14 =	vld [tilespmem:s11+$0x18010]  }
0x22b: {  	v10 =	vadd.f32 v12, v10;
	v12 =	vmul.f32 v17, v16;
	v17 =	vbroadcast v9, $0xE;
	v19 =	vld [tilespmem:s11+$0x18020]  }
0x22c: {  	v11 =	vadd.f32 v13, v11;
	v13 =	vmul.f32 v20, v16  }
0x22d: {  	v9 =	vbroadcast v9, $0xF;
	v10 =	vadd.f32 v12, v10;
	v12 =	vmul.f32 v15, v17  }
0x22e: {  	v11 =	vadd.f32 v13, v11;
	v13 =	vmul.f32 v18, v17  }
0x22f: {  	s6 =	sadd.s32 $0x1, s13;
	s13 =	smov.u32 s7;
	v10 =	vadd.f32 v12, v10;
	v12 =	vmul.f32 v14, v9  }
0x230: {  	v14 =	vor.u32 s6, v2;
	v11 =	vadd.f32 v13, v11;
	v9 =	vmul.f32 v19, v9  }
0x231: {  	v10 =	vadd.f32 v12, v10  }
0x232: {  	v9 =	vadd.f32 v9, v11  }
0x233: {  	[tilespmem:s0+$0xFFFFFFE0] =	vst v10  }
0x234: {  	[tilespmem:s0+$0xFFFFFFF0] =	vst v9  }
0x235: {  	v11 =	vld.idx.msk [tilespmem:v14+s16+$0x0], $0xffff  }
0x236: {  	v12 =	vld [tilespmem:s12+$0xFFFFE020]  }
0x237: {  	v13 =	vld [tilespmem:s12+$0xFFFFE030]  }
.Ltmp2:
0x238: {  	(pc) =	sbr.rel @p1 .LBB2_7-.Ltmp2, $4  }
0x239: {  	_ = 	snop  }
0x23a: {  	v10 =	vld.idx.msk [tilespmem:v14+s24+$0x0], $0xffff  }
0x23b: {  	v9 =	vor.u32 s13, v2;
	v11 =	vshll.u32 v11, $0x7  }
0x23c: {  	s6 =	smov.u32 s8;
	v11 =	vshra.s32 v11, $0x2  }
0x23d: {  	(v2sf) =	vpush v11, $0x8;
	_ =	sdelay $0x1  }
0x23e: {  	v14 =	vld [tilespmem:s5+$0xFFFFE820];
	(v2sf) =	vpush v11, $0x9  }
0x23f: {  	v15 =	vld [tilespmem:s5+$0xFFFFE830];
	v16 =	vbroadcast v10, $0x0  }
0x240: {  	v17 =	vld [tilespmem:s5+$0xFFFFF020];
	(v2sf) =	vpush v11, $0xA  }
0x241: {  	v19 =	vld [tilespmem:s5+$0xFFFFF030];
	v18 =	vbroadcast v10, $0x1;
	v12 =	vmul.f32 v12, v16  }
0x242: {  	v29 =	vld [tilespmem:s5+$0xFFFFF820];
	(v2sf) =	vpush v11, $0xB;
	v13 =	vmul.f32 v13, v16  }
0x243: {  	v21 =	vld [tilespmem:s5+$0xFFFFF830];
	v20 =	vbroadcast v10, $0x2;
	v14 =	vmul.f32 v14, v18;
	v12 =	vadd.f32 $0.0e+00, v12  }
0x244: {  	v30 =	vld [tilespmem:s5+$0x20];
	(v2sf) =	vpush v11, $0xC;
	v15 =	vmul.f32 v15, v18;
	v13 =	vadd.f32 $0.0e+00, v13  }
0x245: {  	v23 =	vld [tilespmem:s5+$0x30];
	v22 =	vbroadcast v10, $0x3;
	v31 =	vmul.f32 v17, v20;
	v12 =	vadd.f32 v14, v12  }
0x246: {  	v33 =	vld [tilespmem:s5+$0x820];
	v32 =	vmul.f32 v19, v20;
	(v2sf) =	vpush v11, $0xD;
	v13 =	vadd.f32 v15, v13  }
0x247: {  	v35 =	vld [tilespmem:s5+$0x830];
	v34 =	vbroadcast v10, $0x4;
	v36 =	vmul.f32 v29, v22;
	v12 =	vadd.f32 v31, v12  }
0x248: {  	v38 =	vld [tilespmem:s5+$0x1020];
	v37 =	vmul.f32 v21, v22;
	(v2sf) =	vpush v11, $0xE;
	v13 =	vadd.f32 v32, v13  }
0x249: {  	v40 =	vld [tilespmem:s5+$0x1030];
	v39 =	vbroadcast v10, $0x5;
	v41 =	vmul.f32 v30, v34;
	v12 =	vadd.f32 v36, v12  }
0x24a: {  	v43 =	vld [tilespmem:s5+$0x1820];
	v42 =	vmul.f32 v23, v34;
	(v2sf) =	vpush v11, $0xF;
	v13 =	vadd.f32 v37, v13  }
0x24b: {  	v45 =	vld [tilespmem:s5+$0x1830];
	v44 =	vmul.f32 v33, v39;
	v11 =	vbroadcast v10, $0x6;
	v12 =	vadd.f32 v41, v12;
	s10 =	spop (v2sf)  }
0x24c: {  	v46 =	vmul.f32 v35, v39;
	v13 =	vadd.f32 v42, v13;
	v47 =	vld [tilespmem:s10+$0x10010]  }
0x24d: {  	v48 =	vbroadcast v10, $0x7;
	v49 =	vmul.f32 v38, v11;
	v12 =	vadd.f32 v44, v12;
	v50 =	vld [tilespmem:s10+$0x10020];
	s11 =	spop (v2sf)  }
0x24e: {  	v11 =	vmul.f32 v40, v11;
	v13 =	vadd.f32 v46, v13;
	v51 =	vld [tilespmem:s11+$0x10010]  }
0x24f: {  	v52 =	vbroadcast v10, $0x8;
	v53 =	vmul.f32 v43, v48;
	v54 =	vld [tilespmem:s11+$0x10020];
	s17 =	spop (v2sf);
	v12 =	vadd.f32 v49, v12  }
0x250: {  	v55 =	vmul.f32 v45, v48;
	v11 =	vadd.f32 v11, v13;
	v56 =	vld [tilespmem:s17+$0x10010]  }
0x251: {  	v58 =	vbroadcast v10, $0x9;
	v59 =	vld [tilespmem:s17+$0x10020];
	s6 =	spop (v2sf);
	v12 =	vadd.f32 v53, v12;
	v57 =	vmul.f32 v47, v52  }
0x252: {  	v61 =	vld [tilespmem:s6+$0x10010];
	v11 =	vadd.f32 v55, v11;
	v60 =	vmul.f32 v50, v52  }
0x253: {  	v63 =	vbroadcast v10, $0xA;
	v24 =	vld [tilespmem:s6+$0x10020];
	s7 =	spop (v2sf);
	v62 =	vmul.f32 v51, v58;
	v12 =	vadd.f32 v57, v12  }
0x254: {  	v26 =	vld [tilespmem:s7+$0x18010];
	v25 =	vmul.f32 v54, v58;
	v11 =	vadd.f32 v60, v11  }
0x255: {  	v28 =	vbroadcast v10, $0xB;
	v29 =	vld [tilespmem:s7+$0x18020];
	s8 =	spop (v2sf);
	v27 =	vmul.f32 v56, v63;
	v12 =	vadd.f32 v62, v12  }
0x256: {  	v31 =	vld [tilespmem:s8+$0x18010];
	v30 =	vmul.f32 v59, v63;
	v11 =	vadd.f32 v25, v11  }
0x257: {  	v33 =	vbroadcast v10, $0xC;
	v34 =	vld [tilespmem:s8+$0x18020];
	s10 =	spop (v2sf);
	v32 =	vmul.f32 v61, v28;
	v12 =	vadd.f32 v27, v12  }
0x258: {  	v36 =	vld [tilespmem:s10+$0x18010];
	v35 =	vmul.f32 v24, v28;
	v11 =	vadd.f32 v30, v11  }
0x259: {  	v38 =	vbroadcast v10, $0xD;
	v39 =	vld [tilespmem:s10+$0x18020];
	s11 =	spop (v2sf);
	v37 =	vmul.f32 v26, v33;
	v12 =	vadd.f32 v32, v12  }
0x25a: {  	v41 =	vld [tilespmem:s11+$0x18010];
	v40 =	vmul.f32 v29, v33;
	v11 =	vadd.f32 v35, v11  }
0x25b: {  	v43 =	vbroadcast v10, $0xE;
	v44 =	vld [tilespmem:s11+$0x18020];
	v42 =	vmul.f32 v31, v38;
	v12 =	vadd.f32 v37, v12  }
0x25c: {  	v45 =	vmul.f32 v34, v38;
	v11 =	vadd.f32 v40, v11  }
0x25d: {  	v10 =	vbroadcast v10, $0xF;
	v46 =	vmul.f32 v36, v43;
	v12 =	vadd.f32 v42, v12  }
0x25e: {  	v47 =	vmul.f32 v39, v43;
	v11 =	vadd.f32 v45, v11  }
0x25f: {  	v48 =	vmul.f32 v41, v10;
	v12 =	vadd.f32 v46, v12  }
0x260: {  	v10 =	vmul.f32 v44, v10;
	v11 =	vadd.f32 v47, v11  }
0x261: {  	v12 =	vadd.f32 v48, v12  }
0x262: {  	v10 =	vadd.f32 v10, v11  }
0x263: {  	[tilespmem:s14+$0x0] =	vst v12  }
0x264: {  	[tilespmem:s14+$0x10] =	vst v10  }
0x265: {  	v10 =	vld.idx.msk [tilespmem:v9+s16+$0x0], $0xffff;
	_ =	sdelay $0x4  }
0x266: {  	v9 =	vld.idx.msk [tilespmem:v9+s24+$0x0], $0xffff;
	v10 =	vshll.u32 v10, $0x7  }
0x267: {  	s5 =	sadd.s32 $0x40, s12;
	v10 =	vshra.s32 v10, $0x2  }
0x268: {  	v11 =	vld [tilespmem:s5+$0xFFFFE000];
	(v2sf) =	vpush v10, $0x8  }
0x269: {  	v12 =	vld [tilespmem:s5+$0xFFFFE010];
	(v2sf) =	vpush v10, $0xA  }
0x26a: {  	v49 =	vld [tilespmem:s5+$0xFFFFE800];
	(v2sf) =	vpush v10, $0x9  }
0x26b: {  	v50 =	vld [tilespmem:s5+$0xFFFFE810];
	v51 =	vbroadcast v9, $0x0  }
0x26c: {  	v52 =	vld [tilespmem:s5+$0xFFFFF000]  }
0x26d: {  	v53 =	vld [tilespmem:s5+$0xFFFFF010];
	v54 =	vbroadcast v9, $0x1;
	v11 =	vmul.f32 v11, v51  }
0x26e: {  	v55 =	vld [tilespmem:s5+$0xFFFFF800];
	v12 =	vmul.f32 v12, v51;
	(v2sf) =	vpush v10, $0xB  }
0x26f: {  	v56 =	vld [tilespmem:s5+$0xFFFFF810];
	v57 =	vbroadcast v9, $0x2;
	v13 =	vmul.f32 v49, v54;
	v11 =	vadd.f32 $0.0e+00, v11  }
0x270: {  	v58 =	vld [tilespmem:s5+$0x0];
	v14 =	vmul.f32 v50, v54;
	v12 =	vadd.f32 $0.0e+00, v12;
	(v2sf) =	vpush v10, $0xC  }
0x271: {  	v59 =	vld [tilespmem:s5+$0x10];
	v60 =	vbroadcast v9, $0x3;
	v61 =	vmul.f32 v52, v57;
	v11 =	vadd.f32 v13, v11  }
0x272: {  	v63 =	vld [tilespmem:s5+$0x800];
	v62 =	vmul.f32 v53, v57;
	v12 =	vadd.f32 v14, v12;
	(v2sf) =	vpush v10, $0xD  }
0x273: {  	v25 =	vld [tilespmem:s5+$0x810];
	v24 =	vbroadcast v9, $0x4;
	v26 =	vmul.f32 v55, v60;
	v11 =	vadd.f32 v61, v11  }
0x274: {  	v28 =	vld [tilespmem:s5+$0x1000];
	v27 =	vmul.f32 v56, v60;
	(v2sf) =	vpush v10, $0xE;
	v12 =	vadd.f32 v62, v12  }
0x275: {  	v31 =	vld [tilespmem:s5+$0x1010];
	v29 =	vbroadcast v9, $0x5;
	v30 =	vmul.f32 v58, v24;
	v11 =	vadd.f32 v26, v11  }
0x276: {  	v32 =	vld [tilespmem:s5+$0x1800];
	(v2sf) =	vpush v10, $0xF;
	v10 =	vmul.f32 v59, v24;
	v12 =	vadd.f32 v27, v12  }
0x277: {  	v35 =	vld [tilespmem:s5+$0x1810];
	v33 =	vbroadcast v9, $0x6;
	v34 =	vmul.f32 v63, v29;
	v11 =	vadd.f32 v30, v11;
	s6 =	spop (v2sf)  }
0x278: {  	v19 =	vmul.f32 v25, v29;
	v10 =	vadd.f32 v10, v12;
	v36 =	vld [tilespmem:s6+$0x10010];
	s7 =	spop (v2sf)  }
0x279: {  	v37 =	vbroadcast v9, $0x7;
	v38 =	vmul.f32 v28, v33;
	v11 =	vadd.f32 v34, v11;
	v39 =	vld [tilespmem:s6+$0x10020];
	s17 =	spop (v2sf)  }
0x27a: {  	v17 =	vmul.f32 v31, v33;
	v10 =	vadd.f32 v19, v10;
	v40 =	vld [tilespmem:s17+$0x10010]  }
0x27b: {  	v42 =	vbroadcast v9, $0x8;
	v41 =	vmul.f32 v32, v37;
	v11 =	vadd.f32 v38, v11;
	v43 =	vld [tilespmem:s17+$0x10020]  }
0x27c: {  	v14 =	vmul.f32 v35, v37;
	v10 =	vadd.f32 v17, v10;
	v44 =	vld [tilespmem:s7+$0x10010]  }
0x27d: {  	v45 =	vbroadcast v9, $0x9;
	v11 =	vadd.f32 v41, v11;
	v46 =	vld [tilespmem:s7+$0x10020];
	s8 =	spop (v2sf);
	v12 =	vmul.f32 v36, v42  }
0x27e: {  	v10 =	vadd.f32 v14, v10;
	v48 =	vld [tilespmem:s8+$0x10010];
	v47 =	vmul.f32 v39, v42  }
0x27f: {  	v50 =	vbroadcast v9, $0xA;
	s10 =	spop (v2sf);
	v51 =	vld [tilespmem:s8+$0x10020];
	v11 =	vadd.f32 v12, v11;
	v49 =	vmul.f32 v40, v45  }
0x280: {  	v52 =	vld [tilespmem:s10+$0x18010];
	v10 =	vadd.f32 v47, v10;
	v13 =	vmul.f32 v43, v45  }
0x281: {  	v54 =	vbroadcast v9, $0xB;
	s11 =	spop (v2sf);
	v55 =	vld [tilespmem:s10+$0x18020];
	v53 =	vmul.f32 v44, v50;
	v11 =	vadd.f32 v49, v11  }
0x282: {  	v57 =	vld [tilespmem:s11+$0x18010];
	v56 =	vmul.f32 v46, v50;
	v10 =	vadd.f32 v13, v10  }
0x283: {  	v59 =	vbroadcast v9, $0xC;
	s12 =	spop (v2sf);
	v60 =	vld [tilespmem:s11+$0x18020];
	v58 =	vmul.f32 v48, v54;
	v11 =	vadd.f32 v53, v11  }
0x284: {  	v62 =	vld [tilespmem:s12+$0x18010];
	v61 =	vmul.f32 v51, v54;
	v10 =	vadd.f32 v56, v10  }
0x285: {  	v21 =	vbroadcast v9, $0xD;
	s14 =	spop (v2sf);
	v22 =	vld [tilespmem:s12+$0x18020];
	v63 =	vmul.f32 v52, v59;
	v11 =	vadd.f32 v58, v11  }
0x286: {  	v24 =	vld [tilespmem:s14+$0x18010];
	v23 =	vmul.f32 v55, v59;
	v10 =	vadd.f32 v61, v10  }
0x287: {  	v26 =	vbroadcast v9, $0xE;
	v27 =	vld [tilespmem:s14+$0x18020];
	v25 =	vmul.f32 v57, v21;
	v11 =	vadd.f32 v63, v11  }
0x288: {  	v28 =	vmul.f32 v60, v21;
	v10 =	vadd.f32 v23, v10  }
0x289: {  	v9 =	vbroadcast v9, $0xF;
	v29 =	vmul.f32 v62, v26;
	v11 =	vadd.f32 v25, v11  }
0x28a: {  	v30 =	vmul.f32 v22, v26;
	v10 =	vadd.f32 v28, v10  }
0x28b: {  	s17 =	sadd.s32 $0x1, s13;
	v31 =	vmul.f32 v24, v9;
	v11 =	vadd.f32 v29, v11  }
0x28c: {  	v32 =	vor.u32 s17, v2;
	v9 =	vmul.f32 v27, v9;
	v10 =	vadd.f32 v30, v10  }
0x28d: {  	v11 =	vadd.f32 v31, v11  }
0x28e: {  	s0 =	sadd.s32 $0x40, s0;
	v9 =	vadd.f32 v9, v10  }
0x28f: {  	[tilespmem:s0+$0xFFFFFFE0] =	vst v11  }
0x290: {  	[tilespmem:s0+$0xFFFFFFF0] =	vst v9  }
0x291: {  	v9 =	vld.idx.msk [tilespmem:v32+s16+$0x0], $0xffff;
	_ =	sdelay $0x4  }
0x292: {  	v10 =	vld.idx.msk [tilespmem:v32+s24+$0x0], $0xffff;
	v9 =	vshll.u32 v9, $0x7  }
0x293: {  	v9 =	vshra.s32 v9, $0x2  }
0x294: {  	v11 =	vld [tilespmem:s5+$0xFFFFE020];
	(v2sf) =	vpush v9, $0x8  }
0x295: {  	v33 =	vld [tilespmem:s5+$0xFFFFE030]  }
0x296: {  	v34 =	vld [tilespmem:s5+$0xFFFFE820];
	(v2sf) =	vpush v9, $0x9  }
0x297: {  	v35 =	vld [tilespmem:s5+$0xFFFFE830];
	v36 =	vbroadcast v10, $0x0  }
0x298: {  	v37 =	vld [tilespmem:s5+$0xFFFFF020];
	(v2sf) =	vpush v9, $0xA  }
0x299: {  	v39 =	vld [tilespmem:s5+$0xFFFFF030];
	v38 =	vbroadcast v10, $0x1;
	v11 =	vmul.f32 v11, v36  }
0x29a: {  	v40 =	vld [tilespmem:s5+$0xFFFFF820];
	v12 =	vmul.f32 v33, v36;
	(v2sf) =	vpush v9, $0xB  }
0x29b: {  	v42 =	vld [tilespmem:s5+$0xFFFFF830];
	v41 =	vbroadcast v10, $0x2;
	v13 =	vmul.f32 v34, v38;
	v11 =	vadd.f32 $0.0e+00, v11  }
0x29c: {  	v43 =	vld [tilespmem:s5+$0x20];
	v14 =	vmul.f32 v35, v38;
	v12 =	vadd.f32 $0.0e+00, v12;
	(v2sf) =	vpush v9, $0xC  }
0x29d: {  	v45 =	vld [tilespmem:s5+$0x30];
	v44 =	vbroadcast v10, $0x3;
	v46 =	vmul.f32 v37, v41;
	v11 =	vadd.f32 v13, v11  }
0x29e: {  	v48 =	vld [tilespmem:s5+$0x820];
	v47 =	vmul.f32 v39, v41;
	v12 =	vadd.f32 v14, v12;
	(v2sf) =	vpush v9, $0xD  }
0x29f: {  	v50 =	vld [tilespmem:s5+$0x830];
	v49 =	vbroadcast v10, $0x4;
	v51 =	vmul.f32 v40, v44;
	v11 =	vadd.f32 v46, v11  }
0x2a0: {  	v53 =	vld [tilespmem:s5+$0x1020];
	v52 =	vmul.f32 v42, v44;
	v12 =	vadd.f32 v47, v12;
	(v2sf) =	vpush v9, $0xE  }
0x2a1: {  	v55 =	vld [tilespmem:s5+$0x1030];
	v54 =	vbroadcast v10, $0x5;
	v56 =	vmul.f32 v43, v49;
	v11 =	vadd.f32 v51, v11  }
0x2a2: {  	v58 =	vld [tilespmem:s5+$0x1820];
	v57 =	vmul.f32 v45, v49;
	(v2sf) =	vpush v9, $0xF;
	v12 =	vadd.f32 v52, v12  }
0x2a3: {  	v60 =	vld [tilespmem:s5+$0x1830];
	v59 =	vmul.f32 v48, v54;
	v9 =	vbroadcast v10, $0x6;
	v11 =	vadd.f32 v56, v11;
	s7 =	spop (v2sf)  }
0x2a4: {  	v61 =	vmul.f32 v50, v54;
	v12 =	vadd.f32 v57, v12;
	v62 =	vld [tilespmem:s7+$0x10010]  }
0x2a5: {  	v63 =	vbroadcast v10, $0x7;
	v24 =	vmul.f32 v53, v9;
	v11 =	vadd.f32 v59, v11;
	v25 =	vld [tilespmem:s7+$0x10020];
	s8 =	spop (v2sf)  }
0x2a6: {  	v9 =	vmul.f32 v55, v9;
	v12 =	vadd.f32 v61, v12;
	v26 =	vld [tilespmem:s8+$0x10010]  }
0x2a7: {  	v27 =	vbroadcast v10, $0x8;
	v28 =	vmul.f32 v58, v63;
	v11 =	vadd.f32 v24, v11;
	v29 =	vld [tilespmem:s8+$0x10020];
	s10 =	spop (v2sf)  }
0x2a8: {  	v30 =	vmul.f32 v60, v63;
	v9 =	vadd.f32 v9, v12;
	v31 =	vld [tilespmem:s10+$0x10010]  }
0x2a9: {  	v33 =	vbroadcast v10, $0x9;
	v11 =	vadd.f32 v28, v11;
	v34 =	vld [tilespmem:s10+$0x10020];
	s11 =	spop (v2sf);
	v32 =	vmul.f32 v62, v27  }
0x2aa: {  	v9 =	vadd.f32 v30, v9;
	v36 =	vld [tilespmem:s11+$0x10010];
	v35 =	vmul.f32 v25, v27  }
0x2ab: {  	v38 =	vbroadcast v10, $0xA;
	v39 =	vld [tilespmem:s11+$0x10020];
	s12 =	spop (v2sf);
	v37 =	vmul.f32 v26, v33;
	v11 =	vadd.f32 v32, v11  }
0x2ac: {  	v41 =	vld [tilespmem:s12+$0x18010];
	v40 =	vmul.f32 v29, v33;
	v9 =	vadd.f32 v35, v9  }
0x2ad: {  	v43 =	vbroadcast v10, $0xB;
	v44 =	vld [tilespmem:s12+$0x18020];
	s13 =	spop (v2sf);
	v42 =	vmul.f32 v31, v38;
	v11 =	vadd.f32 v37, v11  }
0x2ae: {  	v46 =	vld [tilespmem:s13+$0x18010];
	v45 =	vmul.f32 v34, v38;
	v9 =	vadd.f32 v40, v9  }
0x2af: {  	v48 =	vbroadcast v10, $0xC;
	v49 =	vld [tilespmem:s13+$0x18020];
	s14 =	spop (v2sf);
	v47 =	vmul.f32 v36, v43;
	v11 =	vadd.f32 v42, v11  }
0x2b0: {  	v51 =	vld [tilespmem:s14+$0x18010];
	v50 =	vmul.f32 v39, v43;
	v9 =	vadd.f32 v45, v9  }
0x2b1: {  	v53 =	vbroadcast v10, $0xD;
	v54 =	vld [tilespmem:s14+$0x18020];
	s17 =	spop (v2sf);
	v52 =	vmul.f32 v41, v48;
	v11 =	vadd.f32 v47, v11  }
0x2b2: {  	v56 =	vld [tilespmem:s17+$0x18010];
	v55 =	vmul.f32 v44, v48;
	v9 =	vadd.f32 v50, v9  }
0x2b3: {  	v58 =	vbroadcast v10, $0xE;
	v59 =	vld [tilespmem:s17+$0x18020];
	v57 =	vmul.f32 v46, v53;
	v11 =	vadd.f32 v52, v11  }
0x2b4: {  	v60 =	vmul.f32 v49, v53;
	v9 =	vadd.f32 v55, v9  }
0x2b5: {  	v10 =	vbroadcast v10, $0xF;
	v61 =	vmul.f32 v51, v58;
	v11 =	vadd.f32 v57, v11  }
0x2b6: {  	v62 =	vmul.f32 v54, v58;
	v9 =	vadd.f32 v60, v9  }
0x2b7: {  	v63 =	vmul.f32 v56, v10;
	v11 =	vadd.f32 v61, v11  }
0x2b8: {  	p1 =	seq.s32 s30, $0x3F;
	v10 =	vmul.f32 v59, v10;
	v9 =	vadd.f32 v62, v9  }
.Ltmp3:
0x2b9: {  	v11 =	vadd.f32 v63, v11;
	(pc) =	sbr.rel @p1 .LBB2_12-.Ltmp3, $4  }
0x2ba: {  	v9 =	vadd.f32 v10, v9  }
0x2bb: {  	[tilespmem:s0+$0x0] =	vst v11  }
0x2bc: {  	s1 =	sadd.s32 s1, s9;
	[tilespmem:s0+$0x10] =	vst v9;
	s0 =	simm.s32 $0x0  }
0x2bd: {  	[hbm4b:s1+s0] =	stream.linear.scatter [tilespmem:s25], [sflag:$0x3], $0x800, $0x38;
	[tilespmem:$0x1A010] =	vst v63  }
0x2be: {  	s1 =	sadd.s32 $0x0, s29  }
0x2bf: {  	v9 =	vld [tilespmem:s1+$0x80]  }
0x2c0: {  	v10 =	vld [tilespmem:s1+$0x2080];
	_ =	sdelay $0x1  }
0x2c1: {  	v11 =	vld [tilespmem:s1+$0x4080];
	_ =	sdelay $0x2  }
0x2c2: {  	v12 =	vshrl.u32 v9, $0x10;
	v13 =	vshrl.u32 v10, $0x10  }
0x2c3: {  	v12 =	vand.u32 $0x1, v12;
	v13 =	vand.u32 $0x1, v13  }
0x2c4: {  	v14 =	vshrl.u32 v11, $0x10;
	v9 =	vadd.s32 v12, v9;
	v10 =	vadd.s32 v13, v10  }
0x2c5: {  	v12 =	vand.u32 $0x1, v14;
	v9 =	vadd.s32 $0x7FFF, v9;
	v10 =	vadd.s32 $0x7FFF, v10  }
0x2c6: {  	v11 =	vadd.s32 v12, v11;
	v9 =	vand.u32 $0xFFFF0000, v9;
	v10 =	vand.u32 $0xFFFF0000, v10  }
0x2c7: {  	v11 =	vadd.s32 $0x7FFF, v11;
	v12 =	vmul.f32 v9, v6;
	v13 =	vmul.f32 v10, v7  }
0x2c8: {  	v11 =	vand.u32 $0xFFFF0000, v11;
	v9 =	vmul.f32 v9, v3;
	v10 =	vmul.f32 v10, v4  }
0x2c9: {  	v14 =	vmul.f32 v11, v8;
	v12 =	vadd.f32 v13, v12  }
0x2ca: {  	v9 =	vadd.f32 v10, v9;
	v10 =	vmul.f32 v11, v5  }
0x2cb: {  	v11 =	vadd.f32 v14, v12  }
0x2cc: {  	v9 =	vadd.f32 v10, v9  }
0x2cd: {  	v10 =	vadd.f32 $1.000000000e+00, v11  }
0x2ce: {  	v9 =	vadd.f32 $1.000000000e+00, v9  }
0x2cf: {  	v10 =	vmul.f32 $5.000000000e-01, v10  }
0x2d0: {  	v19 =	vmul.f32 $5.000000000e-01, v9  }
0x2d1: {  	v9 =	vmul.f32 $1.270000000e+02, v10;
	v12 =	vmul.f32 $1.500000000e+01, v10  }
0x2d2: {  	v13 =	vmul.f32 $1.500000000e+01, v19;
	v14 =	vmul.f32 $1.270000000e+02, v19  }
0x2d3: {  	v11 =	vmul.f32 $6.300000000e+01, v10;
	v15 =	vmul.f32 $3.100000000e+01, v19  }
0x2d4: {  	v9 =	vmax.f32 v9, $0.0e+00;
	v12 =	vmax.f32 v12, $0.0e+00;
	v16 =	vmax.f32 v13, $0.0e+00  }
0x2d5: {  	v14 =	vmax.f32 v14, $0.0e+00;
	v13 =	vmin.f32 v12, $1.500000000e+01;
	v22 =	vmin.f32 v9, $1.270000000e+02  }
0x2d6: {  	v9 =	vmul.f32 $3.100000000e+01, v10;
	v12 =	vmin.f32 v16, $1.500000000e+01;
	v10 =	vmax.f32 v15, $0.0e+00  }
0x2d7: {  	v15 =	vtrunc.f32 v12;
	v20 =	vtrunc.f32 v22;
	v18 =	vmin.f32 v10, $3.100000000e+01  }
0x2d8: {  	v10 =	vtrunc.f32 v13;
	v16 =	vmax.f32 v9, $0.0e+00;
	v9 =	vcvt.f32.s32 v15  }
0x2d9: {  	v15 =	vtrunc.f32 v18;
	v10 =	vcvt.f32.s32 v10;
	v16 =	vmin.f32 v16, $3.100000000e+01  }
0x2da: {  	v23 =	vmin.f32 v14, $1.270000000e+02;
	v14 =	vcvt.f32.s32 v15;
	v15 =	vtrunc.f32 v16  }
0x2db: {  	s5 =	simm.s32 $0x40;
	s1 =	simm.s32 $0x0;
	v17 =	vadd.s32 $0x1, v9;
	v21 =	vcvt.f32.s32 v15;
	v15 =	vcvt.s32.f32 v10  }
.LBB2_10:
0x2dc: {  	p1 =	sne.s32 s5, $0xC0;
	v20 =	vcvt.f32.s32 v20;
	v24 =	vadd.s32 $0x1, v10;
	s6 =	smov.u32 s5;
	s5 =	sadd.s32 $0x40, s5  }
0x2dd: {  	v25 =	vtrunc.f32 v23;
	v13 =	vsub.f32 v13, v15  }
0x2de: {  	v25 =	vcvt.f32.s32 v25;
	v26 =	vadd.s32 $0x1, v21;
	vm1 =	vlt.s32 v24, $0xF  }
0x2df: {  	v27 =	vcvt.s32.f32 v9;
	v15 =	vsub.f32 $1.000000000e+00, v13  }
0x2e0: {  	v28 =	vcvt.s32.f32 v20;
	v29 =	vadd.s32 $0x1, v20;
	v20 =	vshll.u32 v20, $0x7  }
0x2e1: {  	v30 =	vadd.s32 $0x1, v14;
	v12 =	vsub.f32 v12, v27;
	v20 =	vadd.s32 v0, v20  }
0x2e2: {  	vm0 =	vlt.s32 v29, $0x7F;
	v22 =	vsub.f32 v22, v28;
	v27 =	vadd.s32 v25, v20  }
0x2e3: {  	v28 =	vcvt.s32.f32 v25;
	v29 =	vnsel vm0, $0x7F, v29;
	vm0 =	vlt.s32 v30, $0x1F  }
0x2e4: {  	v19 =	vmul.f32 $6.300000000e+01, v19;
	v29 =	vshll.u32 v29, $0x7;
	v31 =	vsub.f32 $1.000000000e+00, v22  }
0x2e5: {  	vm2 =	vlt.s32 v17, $0xF;
	v23 =	vsub.f32 v23, v28;
	v28 =	vadd.s32 v0, v29;
	[tilespmem:s1+$0x6010] =	vst v27  }
0x2e6: {  	v29 =	vcvt.s32.f32 v14;
	v27 =	vadd.s32 $0x1, v25;
	v25 =	vadd.s32 v25, v28  }
0x2e7: {  	v30 =	vnsel vm0, $0x1F, v30;
	v32 =	vmul.f32 v31, v23;
	[tilespmem:s1+$0x6090] =	vst v25;
	v25 =	vsub.f32 $1.000000000e+00, v23  }
0x2e8: {  	vm3 =	vlt.s32 v26, $0x1F;
	vm0 =	vlt.s32 v27, $0x7F;
	v23 =	vmul.f32 v22, v23  }
0x2e9: {  	v31 =	vmul.f32 v31, v25;
	[tilespmem:s1+$0x6850] =	vst v32;
	v22 =	vmul.f32 v25, v22;
	v25 =	vnsel vm3, $0x1F, v26  }
0x2ea: {  	v17 =	vnsel vm2, $0xF, v17;
	[tilespmem:s1+$0x68D0] =	vst v23;
	v23 =	vshll.u32 v21, $0x5;
	v25 =	vshll.u32 v25, $0x5  }
0x2eb: {  	v11 =	vmax.f32 v11, $0.0e+00;
	v18 =	vsub.f32 v18, v29;
	v21 =	vcvt.s32.f32 v21;
	[tilespmem:s1+$0x6890] =	vst v22  }
0x2ec: {  	v11 =	vmin.f32 v11, $6.300000000e+01;
	v24 =	vnsel vm1, $0xF, v24;
	v22 =	vadd.s32 v14, v23  }
0x2ed: {  	v26 =	vtrunc.f32 v11;
	v16 =	vsub.f32 v16, v21;
	v21 =	vsub.f32 $1.000000000e+00, v18;
	[tilespmem:s1+$0x6210] =	vst v22  }
0x2ee: {  	v10 =	vshll.u32 v10, $0x4;
	v14 =	vadd.s32 v14, v25;
	v22 =	vcvt.f32.s32 v26;
	[tilespmem:s1+$0x6810] =	vst v31  }
0x2ef: {  	v29 =	vadd.s32 v9, v10;
	v26 =	vmul.f32 v21, v16;
	[tilespmem:s1+$0x6290] =	vst v14;
	v14 =	vsub.f32 $1.000000000e+00, v16  }
0x2f0: {  	v19 =	vmax.f32 v19, $0.0e+00;
	v10 =	vadd.s32 v10, v17;
	v31 =	vshll.u32 v22, $0x6  }
0x2f1: {  	v19 =	vmin.f32 v19, $6.300000000e+01;
	v21 =	vmul.f32 v14, v21;
	v14 =	vmul.f32 v14, v18;
	[tilespmem:s1+$0x6A90] =	vst v26  }
0x2f2: {  	v32 =	vadd.s32 $0x1, v22;
	v16 =	vmul.f32 v16, v18;
	v26 =	vtrunc.f32 v19;
	[tilespmem:s1+$0x6310] =	vst v29  }
0x2f3: {  	v22 =	vcvt.s32.f32 v22;
	vm1 =	vlt.s32 v32, $0x3F;
	v18 =	vcvt.f32.s32 v26;
	[tilespmem:s1+$0x6A10] =	vst v21  }
0x2f4: {  	v25 =	vadd.s32 v30, v25;
	v21 =	vnsel vm1, $0x3F, v32;
	[tilespmem:s1+$0x6A50] =	vst v14;
	v14 =	vshll.u32 v24, $0x4  }
0x2f5: {  	v11 =	vsub.f32 v11, v22;
	v24 =	vcvt.s32.f32 v18;
	v22 =	vadd.s32 $0x1, v18;
	[tilespmem:s1+$0x62D0] =	vst v25  }
0x2f6: {  	v21 =	vshll.u32 v21, $0x6;
	vm1 =	vlt.s32 v22, $0x3F;
	v25 =	vadd.s32 v1, v31;
	[tilespmem:s1+$0x6350] =	vst v10  }
0x2f7: {  	v10 =	vsub.f32 v19, v24;
	v19 =	vnsel vm1, $0x3F, v22;
	v22 =	vsub.f32 $1.000000000e+00, v11;
	[tilespmem:s1+$0x6AD0] =	vst v16  }
0x2f8: {  	v16 =	vadd.s32 v1, v21;
	v21 =	vadd.s32 v18, v25;
	v24 =	vadd.s32 v19, v25  }
0x2f9: {  	v25 =	vmul.f32 v22, v10;
	[tilespmem:s1+$0x6150] =	vst v24;
	v24 =	vsub.f32 $1.000000000e+00, v10;
	v10 =	vmul.f32 v11, v10  }
0x2fa: {  	v9 =	vadd.s32 v9, v14;
	v18 =	vadd.s32 v18, v16;
	v16 =	vadd.s32 v19, v16;
	[tilespmem:s1+$0x6110] =	vst v21  }
0x2fb: {  	v14 =	vadd.s32 v17, v14;
	v19 =	vmul.f32 v22, v24;
	[tilespmem:s1+$0x6950] =	vst v25;
	v11 =	vmul.f32 v24, v11  }
0x2fc: {  	v17 =	vnsel vm0, $0x7F, v27;
	v21 =	vsub.f32 $1.000000000e+00, v12;
	[tilespmem:s1+$0x69D0] =	vst v10;
	v10 =	vadd.s32 v23, v30  }
0x2fd: {  	v20 =	vadd.s32 v17, v20;
	v17 =	vadd.s32 v17, v28;
	[tilespmem:s1+$0x6910] =	vst v19;
	v19 =	vmul.f32 v15, v12  }
0x2fe: {  	[tilespmem:s1+$0x6990] =	vst v11;
	v11 =	vmul.f32 v15, v21;
	v15 =	vmul.f32 v21, v13  }
0x2ff: {  	v12 =	vmul.f32 v13, v12;
	[tilespmem:s1+$0x6B50] =	vst v19  }
0x300: {  	[tilespmem:s1+$0x6190] =	vst v18  }
0x301: {  	[tilespmem:s1+$0x6BD0] =	vst v12  }
0x302: {  	[tilespmem:s1+$0x61D0] =	vst v16  }
0x303: {  	[tilespmem:s1+$0x6390] =	vst v9  }
0x304: {  	[tilespmem:s1+$0x63D0] =	vst v14  }
0x305: {  	[tilespmem:s1+$0x6250] =	vst v10  }
0x306: {  	s6 =	sshra.s32 s6, $0x2;
	[tilespmem:s1+$0x6050] =	vst v20  }
0x307: {  	s7 =	sadd.s32 s6, s29;
	[tilespmem:s1+$0x60D0] =	vst v17  }
0x308: {  	[tilespmem:s1+$0x6B10] =	vst v11  }
0x309: {  	[tilespmem:s1+$0x6B90] =	vst v15;
	s1 =	smov.u32 s6  }
0x30a: {  	v9 =	vld [tilespmem:s7+$0x80]  }
0x30b: {  	v10 =	vld [tilespmem:s7+$0x4080]  }
0x30c: {  	v11 =	vld [tilespmem:s7+$0x2080];
	_ =	sdelay $0x3  }
0x30d: {  	v12 =	vshrl.u32 v9, $0x10;
	v13 =	vshrl.u32 v10, $0x10  }
0x30e: {  	v12 =	vand.u32 $0x1, v12;
	v14 =	vshrl.u32 v11, $0x10;
	v13 =	vand.u32 $0x1, v13  }
0x30f: {  	v9 =	vadd.s32 v12, v9;
	v12 =	vand.u32 $0x1, v14;
	v10 =	vadd.s32 v13, v10  }
0x310: {  	v9 =	vadd.s32 $0x7FFF, v9;
	v11 =	vadd.s32 v12, v11;
	v10 =	vadd.s32 $0x7FFF, v10  }
0x311: {  	v9 =	vand.u32 $0xFFFF0000, v9;
	v11 =	vadd.s32 $0x7FFF, v11  }
0x312: {  	v10 =	vand.u32 $0xFFFF0000, v10;
	v12 =	vmul.f32 v9, v6;
	v11 =	vand.u32 $0xFFFF0000, v11  }
0x313: {  	v14 =	vmul.f32 v10, v8;
	v13 =	vmul.f32 v11, v7  }
0x314: {  	v9 =	vmul.f32 v9, v3;
	v11 =	vmul.f32 v11, v4  }
0x315: {  	v12 =	vadd.f32 v13, v12  }
0x316: {  	v10 =	vmul.f32 v10, v5;
	v9 =	vadd.f32 v11, v9  }
0x317: {  	v11 =	vadd.f32 v14, v12  }
0x318: {  	v9 =	vadd.f32 v10, v9  }
0x319: {  	v10 =	vadd.f32 $1.000000000e+00, v11  }
0x31a: {  	v9 =	vadd.f32 $1.000000000e+00, v9  }
0x31b: {  	v10 =	vmul.f32 $5.000000000e-01, v10  }
0x31c: {  	v19 =	vmul.f32 $5.000000000e-01, v9  }
0x31d: {  	v9 =	vmul.f32 $1.270000000e+02, v10;
	v12 =	vmul.f32 $1.500000000e+01, v10  }
0x31e: {  	v14 =	vmul.f32 $1.270000000e+02, v19;
	v13 =	vmul.f32 $1.500000000e+01, v19  }
0x31f: {  	v11 =	vmul.f32 $6.300000000e+01, v10;
	v9 =	vmax.f32 v9, $0.0e+00;
	v12 =	vmax.f32 v12, $0.0e+00  }
0x320: {  	v15 =	vmul.f32 $3.100000000e+01, v19;
	v16 =	vmax.f32 v13, $0.0e+00;
	v13 =	vmin.f32 v12, $1.500000000e+01  }
0x321: {  	v22 =	vmin.f32 v9, $1.270000000e+02;
	v9 =	vmul.f32 $3.100000000e+01, v10;
	v12 =	vmin.f32 v16, $1.500000000e+01  }
0x322: {  	v10 =	vmax.f32 v14, $0.0e+00;
	v14 =	vmax.f32 v15, $0.0e+00;
	v15 =	vtrunc.f32 v12  }
.Ltmp4:
0x323: {  	v20 =	vtrunc.f32 v22;
	v16 =	vmax.f32 v9, $0.0e+00;
	v9 =	vcvt.f32.s32 v15;
	(pc) =	sbr.rel @p1 .LBB2_10-.Ltmp4, $4  }
0x324: {  	v18 =	vmin.f32 v14, $3.100000000e+01;
	v14 =	vtrunc.f32 v13;
	v16 =	vmin.f32 v16, $3.100000000e+01  }
0x325: {  	v23 =	vmin.f32 v10, $1.270000000e+02;
	v15 =	vtrunc.f32 v18;
	v10 =	vcvt.f32.s32 v14  }
0x326: {  	v14 =	vcvt.f32.s32 v15;
	v15 =	vtrunc.f32 v16;
	v17 =	vadd.s32 $0x1, v9  }
0x327: {  	v21 =	vcvt.f32.s32 v15;
	v15 =	vcvt.s32.f32 v10  }
0x328: {  	v20 =	vcvt.f32.s32 v20;
	v24 =	vtrunc.f32 v23  }
0x329: {  	v28 =	vadd.s32 $0x1, v14;
	v19 =	vmul.f32 $6.300000000e+01, v19;
	vm10 =	vlt.s32 v17, $0xF  }
0x32a: {  	v32 =	vcvt.s32.f32 v14;
	v11 =	vmax.f32 v11, $0.0e+00;
	v40 =	vshll.u32 v10, $0x4  }
0x32b: {  	v53 =	vcvt.s32.f32 v9;
	v10 =	vadd.s32 $0x1, v10;
	v24 =	vcvt.f32.s32 v24  }
0x32c: {  	v25 =	vadd.s32 $0x1, v21;
	vm1 =	vlt.s32 v28, $0x1F;
	v63 =	vcvt.s32.f32 v21  }
0x32d: {  	v11 =	vmin.f32 v11, $6.300000000e+01;
	v43 =	vadd.s32 v9, v40;
	v17 =	vnsel vm10, $0xF, v17  }
0x32e: {  	vm14 =	vlt.s32 v10, $0xF;
	v26 =	vcvt.s32.f32 v20;
	v27 =	vadd.s32 $0x1, v20  }
0x32f: {  	v20 =	vshll.u32 v20, $0x7;
	vm11 =	vlt.s32 v25, $0x1F;
	v18 =	vsub.f32 v18, v32  }
0x330: {  	v34 =	vtrunc.f32 v11;
	v10 =	vnsel vm14, $0xF, v10;
	v20 =	vadd.s32 v0, v20  }
0x331: {  	vm0 =	vlt.s32 v27, $0x7F;
	v25 =	vnsel vm11, $0x1F, v25;
	v16 =	vsub.f32 v16, v63  }
0x332: {  	[tilespmem:s1+$0x6310] =	vst v43;
	v10 =	vshll.u32 v10, $0x4;
	v63 =	vadd.s32 $0x1, v24;
	v59 =	vadd.s32 v24, v20  }
0x333: {  	v22 =	vsub.f32 v22, v26;
	v27 =	vnsel vm0, $0x7F, v27;
	v9 =	vadd.s32 v9, v10;
	[tilespmem:s1+$0x6010] =	vst v59  }
0x334: {  	v26 =	vnsel vm1, $0x1F, v28;
	v25 =	vshll.u32 v25, $0x5;
	v10 =	vadd.s32 v17, v10;
	[tilespmem:s1+$0x6390] =	vst v9  }
0x335: {  	v35 =	vsub.f32 $1.000000000e+00, v18;
	vm15 =	vlt.s32 v63, $0x7F;
	v38 =	vadd.s32 v14, v25;
	[tilespmem:s1+$0x63D0] =	vst v10  }
0x336: {  	v27 =	vshll.u32 v27, $0x7;
	v47 =	vadd.s32 v26, v25;
	v9 =	vnsel vm15, $0x7F, v63;
	[tilespmem:s1+$0x6290] =	vst v38  }
0x337: {  	v29 =	vcvt.s32.f32 v24;
	v27 =	vadd.s32 v0, v27;
	[tilespmem:s1+$0x62D0] =	vst v47;
	v10 =	vadd.s32 v9, v20  }
0x338: {  	v19 =	vmax.f32 v19, $0.0e+00;
	v39 =	vmul.f32 v35, v16;
	v31 =	vadd.s32 v24, v27;
	[tilespmem:s1+$0x6050] =	vst v10  }
0x339: {  	v60 =	vsub.f32 v23, v29;
	v37 =	vsub.f32 $1.000000000e+00, v16;
	v16 =	vmul.f32 v16, v18;
	[tilespmem:s1+$0x6090] =	vst v31  }
0x33a: {  	v36 =	vcvt.f32.s32 v34;
	v41 =	vmin.f32 v19, $6.300000000e+01;
	[tilespmem:s1+$0x6A90] =	vst v39  }
0x33b: {  	v61 =	vsub.f32 $1.000000000e+00, v22;
	v23 =	vmul.f32 v22, v60;
	v9 =	vadd.s32 v9, v27;
	[tilespmem:s1+$0x6AD0] =	vst v16  }
0x33c: {  	v44 =	vtrunc.f32 v41;
	v42 =	vmul.f32 v37, v35;
	[tilespmem:s1+$0x60D0] =	vst v9  }
0x33d: {  	v46 =	vshll.u32 v36, $0x6;
	v30 =	vsub.f32 $1.000000000e+00, v60;
	v33 =	vmul.f32 v61, v60;
	[tilespmem:s1+$0x68D0] =	vst v23  }
0x33e: {  	v28 =	vcvt.f32.s32 v44;
	v50 =	vadd.s32 v1, v46;
	[tilespmem:s1+$0x6A10] =	vst v42  }
0x33f: {  	v62 =	vmul.f32 v61, v30;
	v22 =	vmul.f32 v30, v22;
	v30 =	vadd.s32 v40, v17;
	[tilespmem:s1+$0x6850] =	vst v33  }
0x340: {  	v45 =	vcvt.s32.f32 v36;
	v23 =	vmul.f32 v37, v18;
	v18 =	vadd.s32 v28, v50;
	[tilespmem:s1+$0x6350] =	vst v30  }
0x341: {  	v21 =	vshll.u32 v21, $0x5;
	v13 =	vsub.f32 v13, v15;
	v12 =	vsub.f32 v12, v53;
	[tilespmem:s1+$0x6110] =	vst v18  }
0x342: {  	v11 =	vsub.f32 v11, v45;
	v49 =	vadd.s32 $0x1, v28;
	v33 =	vadd.s32 v14, v21;
	[tilespmem:s1+$0x6890] =	vst v22  }
0x343: {  	v57 =	vsub.f32 $1.000000000e+00, v13;
	v48 =	vcvt.s32.f32 v28;
	vm12 =	vlt.s32 v49, $0x3F;
	[tilespmem:s1+$0x6210] =	vst v33  }
0x344: {  	v51 =	vnsel vm12, $0x3F, v49;
	v52 =	vsub.f32 $1.000000000e+00, v11;
	[tilespmem:s1+$0x6810] =	vst v62  }
0x345: {  	v61 =	vmul.f32 v57, v12;
	v14 =	vsub.f32 v41, v48;
	v54 =	vadd.s32 v51, v50;
	[tilespmem:s1+$0x6A50] =	vst v23  }
0x346: {  	[tilespmem:s1+$0x6150] =	vst v54;
	v62 =	vmul.f32 v13, v12  }
0x347: {  	v22 =	vadd.s32 $0x1, v36;
	[tilespmem:s1+$0x6B50] =	vst v61;
	v12 =	vsub.f32 $1.000000000e+00, v12;
	v56 =	vmul.f32 v52, v14  }
0x348: {  	v55 =	vsub.f32 $1.000000000e+00, v14;
	v14 =	vmul.f32 v11, v14;
	vm13 =	vlt.s32 v22, $0x3F;
	[tilespmem:s1+$0x6BD0] =	vst v62  }
0x349: {  	v59 =	vnsel vm13, $0x3F, v22;
	v10 =	vmul.f32 v12, v13;
	[tilespmem:s1+$0x6950] =	vst v56  }
0x34a: {  	v11 =	vmul.f32 v55, v11;
	[tilespmem:s1+$0x69D0] =	vst v14;
	v60 =	vshll.u32 v59, $0x6  }
0x34b: {  	v14 =	vadd.s32 v1, v60;
	[tilespmem:s1+$0x6B90] =	vst v10  }
0x34c: {  	[tilespmem:s1+$0x6990] =	vst v11;
	v11 =	vadd.s32 v28, v14  }
0x34d: {  	[tilespmem:s1+$0x6190] =	vst v11;
	v11 =	vadd.s32 v51, v14  }
0x34e: {  	v58 =	vmul.f32 v52, v55;
	[tilespmem:s1+$0x61D0] =	vst v11;
	v11 =	vadd.s32 v21, v26  }
0x34f: {  	[tilespmem:s1+$0x6250] =	vst v11;
	v11 =	vmul.f32 v57, v12  }
0x350: {  	[tilespmem:s1+$0x6910] =	vst v58  }
0x351: {  	s12 =	simm.s32 $0x7010;
	[tilespmem:s1+$0x6B10] =	vst v11  }
0x352: {  	[tilespmem:s12], [sflag:$0x1] =	stream.indirect.gather [hbm4b:s2+s15], $0x20, s16, s15, $0xb8;
	[tilespmem:$0x1A010] =	vst v63  }
0x353: {  	s13 =	simm.s32 $0x6050;
	s5 =	simm.s32 $0x7810  }
0x354: {  	[tilespmem:s5], [sflag:$0x1] =	stream.indirect.gather [hbm4b:s2+s15], $0x20, s13, s15, $0xb8;
	[tilespmem:$0x1A010] =	vst v63  }
0x355: {  	s14 =	simm.s32 $0x6090;
	s17 =	simm.s32 $0x8010  }
0x356: {  	[tilespmem:s17], [sflag:$0x1] =	stream.indirect.gather [hbm4b:s2+s15], $0x20, s14, s15, $0xb8;
	[tilespmem:$0x1A010] =	vst v63  }
0x357: {  	s6 =	simm.s32 $0x8810;
	s5 =	simm.s32 $0x60D0  }
0x358: {  	[tilespmem:s6], [sflag:$0x1] =	stream.indirect.gather [hbm4b:s2+s15], $0x20, s5, s15, $0xb8;
	[tilespmem:$0x1A010] =	vst v63  }
0x359: {  	s7 =	simm.s32 $0x6110;
	s8 =	simm.s32 $0x9010  }
0x35a: {  	[tilespmem:s8], [sflag:$0x1] =	stream.indirect.gather [hbm4b:s4+s15], $0x20, s7, s15, $0xb8;
	[tilespmem:$0x1A010] =	vst v63  }
0x35b: {  	s10 =	simm.s32 $0x6150;
	s11 =	simm.s32 $0x9810  }
0x35c: {  	[tilespmem:s11], [sflag:$0x1] =	stream.indirect.gather [hbm4b:s4+s15], $0x20, s10, s15, $0xb8;
	[tilespmem:$0x1A010] =	vst v63  }
0x35d: {  	s12 =	simm.s32 $0x6190;
	s13 =	simm.s32 $0xA010  }
0x35e: {  	[tilespmem:s13], [sflag:$0x1] =	stream.indirect.gather [hbm4b:s4+s15], $0x20, s12, s15, $0xb8;
	[tilespmem:$0x1A010] =	vst v63  }
0x35f: {  	s14 =	simm.s32 $0x61D0;
	s17 =	simm.s32 $0xA810  }
0x360: {  	[tilespmem:s17], [sflag:$0x1] =	stream.indirect.gather [hbm4b:s4+s15], $0x20, s14, s15, $0xb8;
	[tilespmem:$0x1A010] =	vst v63  }
.LBB2_12:
0x361: {  	_ =	swait.ge [sflag:s26], $0x800  }
0x362: {  	[sflag:s26] =	ssyncset.done $0x0  }
0x363: {  	[sflag:s26] =	ssyncadd.s32 $0xFFFFF800  }
0x364: {  	_ =	swait.ge [sflag:s26], $0x800  }
0x365: {  	[sflag:s26] =	ssyncset.done $0x0  }
0x366: {  	[sflag:s26] =	ssyncadd.s32 $0xFFFFF800  }
0x367: {  	_ =	swait.ge [sflag:s26], $0x800  }
0x368: {  	[sflag:s26] =	ssyncset.done $0x0  }
0x369: {  	[sflag:s26] =	ssyncadd.s32 $0xFFFFF800  }
0x36a: {  	_ =	swait.ge [sflag:s26], $0x800  }
0x36b: {  	[sflag:s26] =	ssyncset.done $0x0  }
0x36c: {  	[sflag:s26] =	ssyncadd.s32 $0xFFFFF800  }
0x36d: {  	_ =	swait.ge [sflag:s26], $0x800  }
0x36e: {  	[sflag:s26] =	ssyncset.done $0x0  }
0x36f: {  	[sflag:s26] =	ssyncadd.s32 $0xFFFFF800  }
0x370: {  	_ =	swait.ge [sflag:s26], $0x800  }
0x371: {  	[sflag:s26] =	ssyncset.done $0x0  }
0x372: {  	[sflag:s26] =	ssyncadd.s32 $0xFFFFF800  }
0x373: {  	_ =	swait.ge [sflag:s26], $0x800  }
0x374: {  	[sflag:s26] =	ssyncset.done $0x0  }
0x375: {  	[sflag:s26] =	ssyncadd.s32 $0xFFFFF800  }
0x376: {  	v9 =	vor.u32 $0x400, v2;
	_ =	swait.ge [sflag:s26], $0x800  }
0x377: {  	v10 =	vor.u32 s0, v9;
	[sflag:s26] =	ssyncset.done $0x0  }
0x378: {  	s0 =	simm.s32 @!p0 $0x4;
	[sflag:s26] =	ssyncadd.s32 $0xFFFFF800  }
0x379: {  	_ =	swait.ge @!p0 [sflag:s0], $0x800  }
0x37a: {  	[sflag:s0] =	ssyncset.done @!p0 $0x0  }
0x37b: {  	[sflag:s0] =	ssyncadd.s32 @!p0 $0xFFFFF800  }
0x37c: {  	v11 =	vld.idx.msk [tilespmem:v10+s16+$0x0], $0xffff;
	_ =	sdelay $0x4  }
0x37d: {  	v10 =	vld.idx.msk [tilespmem:v10+s24+$0x0], $0xffff;
	v11 =	vshll.u32 v11, $0x7  }
0x37e: {  	s0 =	simm.s32 $0x0;
	v11 =	vshra.s32 v11, $0x2  }
0x37f: {  	v12 =	vld [tilespmem:s0+$0xB010];
	(v2sf) =	vpush v11, $0x8  }
0x380: {  	v13 =	vld [tilespmem:s0+$0xB020];
	(v2sf) =	vpush v11, $0xA  }
0x381: {  	v14 =	vld [tilespmem:s0+$0xB810];
	(v2sf) =	vpush v11, $0x9  }
0x382: {  	v15 =	vld [tilespmem:s0+$0xB820];
	v16 =	vbroadcast v10, $0x0  }
0x383: {  	v17 =	vld [tilespmem:s0+$0xC010]  }
0x384: {  	v19 =	vld [tilespmem:s0+$0xC020];
	v18 =	vbroadcast v10, $0x1;
	v12 =	vmul.f32 v12, v16  }
0x385: {  	v13 =	vmul.f32 v13, v16;
	v16 =	vld [tilespmem:s0+$0xC810];
	(v2sf) =	vpush v11, $0xB  }
0x386: {  	v21 =	vld [tilespmem:s0+$0xC820];
	v20 =	vbroadcast v10, $0x2;
	v14 =	vmul.f32 v14, v18;
	v12 =	vadd.f32 $0.0e+00, v12  }
0x387: {  	v15 =	vmul.f32 v15, v18;
	v18 =	vld [tilespmem:s0+$0xD010];
	v13 =	vadd.f32 $0.0e+00, v13;
	(v2sf) =	vpush v11, $0xC  }
0x388: {  	v23 =	vld [tilespmem:s0+$0xD020];
	v22 =	vbroadcast v10, $0x3;
	v12 =	vadd.f32 v14, v12;
	v14 =	vmul.f32 v17, v20  }
0x389: {  	v17 =	vmul.f32 v19, v20;
	v13 =	vadd.f32 v15, v13;
	v15 =	vld [tilespmem:s0+$0xD810];
	(v2sf) =	vpush v11, $0xD  }
0x38a: {  	v19 =	vbroadcast v10, $0x4;
	v20 =	vld [tilespmem:s0+$0xD820];
	v12 =	vadd.f32 v14, v12;
	v14 =	vmul.f32 v16, v22  }
0x38b: {  	(v2sf) =	vpush v11, $0xE;
	v16 =	vmul.f32 v21, v22;
	v13 =	vadd.f32 v17, v13;
	v17 =	vld [tilespmem:s0+$0xE010]  }
0x38c: {  	v21 =	vbroadcast v10, $0x5;
	v22 =	vld [tilespmem:s0+$0xE020];
	v12 =	vadd.f32 v14, v12;
	v14 =	vmul.f32 v18, v19  }
0x38d: {  	(v2sf) =	vpush v11, $0xF;
	v11 =	vmul.f32 v23, v19;
	v13 =	vadd.f32 v16, v13;
	v16 =	vld [tilespmem:s0+$0xE810]  }
0x38e: {  	v18 =	vbroadcast v10, $0x6;
	v12 =	vadd.f32 v14, v12;
	v14 =	vmul.f32 v15, v21;
	v15 =	vld [tilespmem:s0+$0xE820];
	s1 =	spop (v2sf)  }
0x38f: {  	v19 =	vmul.f32 v20, v21;
	v11 =	vadd.f32 v11, v13;
	v13 =	vld [tilespmem:s1+$0x10010];
	s5 =	spop (v2sf)  }
0x390: {  	v20 =	vbroadcast v10, $0x7;
	v17 =	vmul.f32 v17, v18;
	v12 =	vadd.f32 v14, v12;
	v14 =	vld [tilespmem:s1+$0x10020];
	s13 =	spop (v2sf)  }
0x391: {  	v18 =	vmul.f32 v22, v18;
	v11 =	vadd.f32 v19, v11;
	v19 =	vld [tilespmem:s13+$0x10010]  }
0x392: {  	v21 =	vbroadcast v10, $0x8;
	v16 =	vmul.f32 v16, v20;
	v12 =	vadd.f32 v17, v12;
	v17 =	vld [tilespmem:s13+$0x10020]  }
0x393: {  	v11 =	vadd.f32 v18, v11;
	v15 =	vmul.f32 v15, v20;
	v18 =	vld [tilespmem:s5+$0x10010]  }
0x394: {  	v12 =	vadd.f32 v16, v12;
	v16 =	vbroadcast v10, $0x9;
	v20 =	vld [tilespmem:s5+$0x10020];
	s14 =	spop (v2sf);
	v13 =	vmul.f32 v13, v21  }
0x395: {  	v11 =	vadd.f32 v15, v11;
	v15 =	vld [tilespmem:s14+$0x10010];
	v14 =	vmul.f32 v14, v21  }
0x396: {  	s17 =	spop (v2sf);
	v21 =	vld [tilespmem:s14+$0x10020];
	v12 =	vadd.f32 v13, v12;
	v13 =	vmul.f32 v19, v16;
	v19 =	vbroadcast v10, $0xA  }
0x397: {  	v11 =	vadd.f32 v14, v11;
	v14 =	vmul.f32 v17, v16;
	v16 =	vld [tilespmem:s17+$0x18010]  }
0x398: {  	s6 =	spop (v2sf);
	v17 =	vbroadcast v10, $0xB;
	v12 =	vadd.f32 v13, v12;
	v13 =	vmul.f32 v18, v19;
	v18 =	vld [tilespmem:s17+$0x18020]  }
0x399: {  	v11 =	vadd.f32 v14, v11;
	v14 =	vmul.f32 v20, v19;
	v19 =	vld [tilespmem:s6+$0x18010]  }
0x39a: {  	s7 =	spop (v2sf);
	v20 =	vld [tilespmem:s6+$0x18020];
	v12 =	vadd.f32 v13, v12;
	v13 =	vmul.f32 v15, v17;
	v15 =	vbroadcast v10, $0xC  }
0x39b: {  	v11 =	vadd.f32 v14, v11;
	v14 =	vmul.f32 v21, v17;
	v17 =	vld [tilespmem:s7+$0x18010]  }
0x39c: {  	s8 =	spop (v2sf);
	v21 =	vld [tilespmem:s7+$0x18020];
	v12 =	vadd.f32 v13, v12;
	v13 =	vmul.f32 v16, v15;
	v16 =	vbroadcast v10, $0xD  }
0x39d: {  	v11 =	vadd.f32 v14, v11;
	v14 =	vmul.f32 v18, v15;
	v15 =	vld [tilespmem:s8+$0x18010]  }
0x39e: {  	v18 =	vbroadcast v10, $0xE;
	v12 =	vadd.f32 v13, v12;
	v13 =	vmul.f32 v19, v16;
	v19 =	vld [tilespmem:s8+$0x18020]  }
0x39f: {  	v11 =	vadd.f32 v14, v11;
	v14 =	vmul.f32 v20, v16  }
0x3a0: {  	v10 =	vbroadcast v10, $0xF;
	v12 =	vadd.f32 v13, v12;
	v13 =	vmul.f32 v17, v18  }
0x3a1: {  	v11 =	vadd.f32 v14, v11;
	v14 =	vmul.f32 v21, v18  }
0x3a2: {  	s10 =	simm.s32 $0x1;
	v12 =	vadd.f32 v13, v12;
	v13 =	vmul.f32 v15, v10  }
0x3a3: {  	v15 =	vor.u32 s10, v9;
	v11 =	vadd.f32 v14, v11;
	v10 =	vmul.f32 v19, v10  }
0x3a4: {  	v12 =	vadd.f32 v13, v12  }
0x3a5: {  	v10 =	vadd.f32 v10, v11  }
0x3a6: {  	[tilespmem:s0+$0xF810] =	vst v12  }
0x3a7: {  	[tilespmem:s0+$0xF820] =	vst v10  }
0x3a8: {  	v11 =	vld.idx.msk [tilespmem:v15+s16+$0x0], $0xffff;
	_ =	sdelay $0x4  }
0x3a9: {  	v10 =	vld.idx.msk [tilespmem:v15+s24+$0x0], $0xffff;
	v11 =	vshll.u32 v11, $0x7  }
0x3aa: {  	v11 =	vshra.s32 v11, $0x2  }
0x3ab: {  	v12 =	vld [tilespmem:s0+$0xB030];
	(v2sf) =	vpush v11, $0x8  }
0x3ac: {  	v13 =	vld [tilespmem:s0+$0xB040]  }
0x3ad: {  	v14 =	vld [tilespmem:s0+$0xB830];
	(v2sf) =	vpush v11, $0x9  }
0x3ae: {  	v15 =	vld [tilespmem:s0+$0xB840];
	v16 =	vbroadcast v10, $0x0  }
0x3af: {  	v17 =	vld [tilespmem:s0+$0xC030];
	(v2sf) =	vpush v11, $0xA  }
0x3b0: {  	v19 =	vld [tilespmem:s0+$0xC040];
	v18 =	vbroadcast v10, $0x1;
	v12 =	vmul.f32 v12, v16  }
0x3b1: {  	v20 =	vbroadcast v10, $0x3;
	v13 =	vmul.f32 v13, v16;
	v16 =	vld [tilespmem:s0+$0xC830];
	(v2sf) =	vpush v11, $0xB  }
0x3b2: {  	v21 =	vld [tilespmem:s0+$0xC840];
	v22 =	vbroadcast v10, $0x2;
	v14 =	vmul.f32 v14, v18;
	v12 =	vadd.f32 $0.0e+00, v12  }
0x3b3: {  	v15 =	vmul.f32 v15, v18;
	v18 =	vld [tilespmem:s0+$0xD030];
	v13 =	vadd.f32 $0.0e+00, v13;
	(v2sf) =	vpush v11, $0xC  }
0x3b4: {  	v24 =	vld [tilespmem:s0+$0xD040];
	v23 =	vbroadcast v10, $0x4;
	v17 =	vmul.f32 v17, v22;
	v12 =	vadd.f32 v14, v12  }
0x3b5: {  	v13 =	vadd.f32 v15, v13;
	v14 =	vmul.f32 v19, v22;
	v15 =	vld [tilespmem:s0+$0xD830];
	(v2sf) =	vpush v11, $0xD  }
0x3b6: {  	v19 =	vld [tilespmem:s0+$0xD840];
	v16 =	vmul.f32 v16, v20;
	v12 =	vadd.f32 v17, v12;
	(v2sf) =	vpush v11, $0xE  }
0x3b7: {  	v17 =	vmul.f32 v21, v20;
	v13 =	vadd.f32 v14, v13;
	v14 =	vld [tilespmem:s0+$0xE030];
	(v2sf) =	vpush v11, $0xF  }
0x3b8: {  	v20 =	vld [tilespmem:s0+$0xE040];
	v11 =	vbroadcast v10, $0x5;
	v12 =	vadd.f32 v16, v12;
	v16 =	vmul.f32 v18, v23  }
0x3b9: {  	v18 =	vmul.f32 v24, v23;
	v13 =	vadd.f32 v17, v13;
	v17 =	vld [tilespmem:s0+$0xE830]  }
0x3ba: {  	v21 =	vbroadcast v10, $0x6;
	v15 =	vmul.f32 v15, v11;
	v12 =	vadd.f32 v16, v12;
	v16 =	vld [tilespmem:s0+$0xE840];
	s11 =	spop (v2sf)  }
0x3bb: {  	v11 =	vmul.f32 v19, v11;
	v13 =	vadd.f32 v18, v13;
	v18 =	vld [tilespmem:s11+$0x10010]  }
0x3bc: {  	v19 =	vbroadcast v10, $0x7;
	v14 =	vmul.f32 v14, v21;
	v12 =	vadd.f32 v15, v12;
	s12 =	spop (v2sf);
	v15 =	vld [tilespmem:s11+$0x10020]  }
0x3bd: {  	v20 =	vmul.f32 v20, v21;
	v11 =	vadd.f32 v11, v13;
	v13 =	vld [tilespmem:s12+$0x10010]  }
0x3be: {  	v12 =	vadd.f32 v14, v12;
	v14 =	vmul.f32 v17, v19;
	v17 =	vbroadcast v10, $0x8;
	s13 =	spop (v2sf);
	v21 =	vld [tilespmem:s12+$0x10020]  }
0x3bf: {  	v11 =	vadd.f32 v20, v11;
	v16 =	vmul.f32 v16, v19;
	v19 =	vld [tilespmem:s13+$0x10010]  }
0x3c0: {  	v12 =	vadd.f32 v14, v12;
	s14 =	spop (v2sf);
	v20 =	vld [tilespmem:s13+$0x10020];
	v14 =	vmul.f32 v18, v17;
	v18 =	vbroadcast v10, $0x9  }
0x3c1: {  	v11 =	vadd.f32 v16, v11;
	v16 =	vld [tilespmem:s14+$0x10010];
	v15 =	vmul.f32 v15, v17  }
0x3c2: {  	v23 =	vbroadcast v10, $0xA;
	s17 =	spop (v2sf);
	v14 =	vadd.f32 v14, v12;
	v22 =	vmul.f32 v13, v18;
	v12 =	vld [tilespmem:s14+$0x10020]  }
0x3c3: {  	v15 =	vadd.f32 v15, v11;
	v18 =	vmul.f32 v21, v18;
	v13 =	vld [tilespmem:s17+$0x18010]  }
0x3c4: {  	s1 =	simm.s32 $0x2;
	s7 =	spop (v2sf);
	v17 =	vbroadcast v10, $0xB;
	v63 =	vmul.f32 v19, v23;
	v22 =	vadd.f32 v22, v14;
	v14 =	vld [tilespmem:s17+$0x18020]  }
0x3c5: {  	s6 =	spop (v2sf);
	v11 =	vor.u32 s1, v9;
	v21 =	vmul.f32 v20, v23;
	v19 =	vadd.f32 v18, v15;
	v15 =	vld [tilespmem:s7+$0x18010]  }
0x3c6: {  	s5 =	simm.s32 $0x100;
	s12 =	simm.s32 $0x200;
	v18 =	vbroadcast v10, $0xC;
	v20 =	vadd.f32 v63, v22;
	v22 =	vmul.f32 v16, v17;
	v16 =	vld [tilespmem:s7+$0x18020];
	s7 =	spop (v2sf)  }
.LBB2_13:
0x3c7: {  	p0 =	sne.s32 s12, $0x1F00;
	v19 =	vadd.f32 v21, v19;
	v12 =	vmul.f32 v12, v17;
	v17 =	vld [tilespmem:s6+$0x18010];
	s8 =	smov.u32 s12;
	s12 =	sadd.s32 $0x100, s12  }
0x3c8: {  	v21 =	vbroadcast v10, $0xD;
	v20 =	vadd.f32 v22, v20;
	v13 =	vmul.f32 v13, v18;
	v22 =	vld [tilespmem:s6+$0x18020]  }
0x3c9: {  	v12 =	vadd.f32 v12, v19;
	v14 =	vmul.f32 v14, v18;
	v18 =	vld [tilespmem:s7+$0x18010]  }
0x3ca: {  	v19 =	vbroadcast v10, $0xE;
	v13 =	vadd.f32 v13, v20;
	v15 =	vmul.f32 v15, v21;
	v20 =	vld [tilespmem:s7+$0x18020]  }
0x3cb: {  	v12 =	vadd.f32 v14, v12;
	v14 =	vmul.f32 v16, v21  }
0x3cc: {  	v10 =	vbroadcast v10, $0xF;
	v13 =	vadd.f32 v15, v13;
	v15 =	vmul.f32 v17, v19  }
0x3cd: {  	v12 =	vadd.f32 v14, v12;
	v14 =	vmul.f32 v22, v19  }
0x3ce: {  	v13 =	vadd.f32 v15, v13;
	v15 =	vmul.f32 v18, v10  }
0x3cf: {  	v12 =	vadd.f32 v14, v12;
	v10 =	vmul.f32 v20, v10  }
0x3d0: {  	v13 =	vadd.f32 v15, v13  }
0x3d1: {  	v10 =	vadd.f32 v10, v12  }
0x3d2: {  	[tilespmem:s0+$0xF830] =	vst v13  }
0x3d3: {  	[tilespmem:s0+$0xF840] =	vst v10;
	s0 =	sshra.s32 s5, $0x2;
	s5 =	smov.u32 s8  }
0x3d4: {  	v12 =	vld.idx.msk [tilespmem:v11+s16+$0x0], $0xffff  }
0x3d5: {  	v13 =	vld [tilespmem:s0+$0xB820]  }
0x3d6: {  	v14 =	vld [tilespmem:s0+$0xB010]  }
0x3d7: {  	v15 =	vld [tilespmem:s0+$0xB020];
	_ =	sdelay $0x1  }
0x3d8: {  	v10 =	vld.idx.msk [tilespmem:v11+s24+$0x0], $0xffff  }
0x3d9: {  	v11 =	vshll.u32 v12, $0x7  }
0x3da: {  	v11 =	vshra.s32 v11, $0x2  }
0x3db: {  	(v2sf) =	vpush v11, $0x8  }
0x3dc: {  	(v2sf) =	vpush v11, $0xA  }
0x3dd: {  	v12 =	vld [tilespmem:s0+$0xB810];
	(v2sf) =	vpush v11, $0x9  }
0x3de: {  	v16 =	vbroadcast v10, $0x0;
	v17 =	vbroadcast v10, $0x1;
	v18 =	vld [tilespmem:s0+$0xC020];
	(v2sf) =	vpush v11, $0xB  }
0x3df: {  	v20 =	vbroadcast v10, $0x2;
	v21 =	vbroadcast v10, $0x3;
	v19 =	vld [tilespmem:s0+$0xC010];
	(v2sf) =	vpush v11, $0xC  }
0x3e0: {  	v14 =	vmul.f32 v14, v16;
	v15 =	vmul.f32 v15, v16;
	v16 =	vld [tilespmem:s0+$0xC820];
	(v2sf) =	vpush v11, $0xD  }
0x3e1: {  	v23 =	vbroadcast v10, $0x4;
	v13 =	vmul.f32 v13, v17;
	v22 =	vld [tilespmem:s0+$0xC810];
	(v2sf) =	vpush v11, $0xE  }
0x3e2: {  	v14 =	vadd.f32 $0.0e+00, v14;
	v15 =	vadd.f32 $0.0e+00, v15;
	v12 =	vmul.f32 v12, v17;
	v17 =	vld [tilespmem:s0+$0xD020]  }
0x3e3: {  	v25 =	vbroadcast v10, $0x5;
	v18 =	vmul.f32 v18, v20;
	v24 =	vld [tilespmem:s0+$0xD010];
	(v2sf) =	vpush v11, $0xF  }
0x3e4: {  	v11 =	vadd.f32 v12, v14;
	v12 =	vadd.f32 v13, v15;
	v13 =	vmul.f32 v19, v20;
	v14 =	vld [tilespmem:s0+$0xD820]  }
0x3e5: {  	v19 =	vbroadcast v10, $0x6;
	v15 =	vmul.f32 v16, v21;
	v16 =	vld [tilespmem:s0+$0xD810]  }
0x3e6: {  	v11 =	vadd.f32 v13, v11;
	v12 =	vadd.f32 v18, v12;
	v13 =	vmul.f32 v22, v21;
	v18 =	vld [tilespmem:s0+$0xE010]  }
0x3e7: {  	v21 =	vbroadcast v10, $0x7;
	v17 =	vmul.f32 v17, v23;
	v20 =	vld [tilespmem:s0+$0xE020]  }
0x3e8: {  	v11 =	vadd.f32 v13, v11;
	v12 =	vadd.f32 v15, v12;
	v13 =	vmul.f32 v24, v23  }
0x3e9: {  	v14 =	vmul.f32 v14, v25;
	v15 =	vld [tilespmem:s0+$0xE810]  }
0x3ea: {  	v11 =	vadd.f32 v13, v11;
	v12 =	vadd.f32 v17, v12;
	v13 =	vmul.f32 v16, v25;
	v16 =	vld [tilespmem:s0+$0xE820];
	s6 =	spop (v2sf)  }
0x3eb: {  	v17 =	vmul.f32 v18, v19;
	v18 =	vld [tilespmem:s6+$0x10010];
	s7 =	spop (v2sf)  }
0x3ec: {  	v11 =	vadd.f32 v13, v11;
	v12 =	vadd.f32 v14, v12;
	v13 =	vmul.f32 v20, v19;
	v14 =	vld [tilespmem:s6+$0x10020];
	s6 =	spop (v2sf)  }
0x3ed: {  	v19 =	vbroadcast v10, $0x8;
	v20 =	vld [tilespmem:s6+$0x10010];
	s8 =	spop (v2sf)  }
0x3ee: {  	v11 =	vadd.f32 v17, v11;
	v12 =	vadd.f32 v13, v12;
	v13 =	vmul.f32 v15, v21;
	v15 =	vld [tilespmem:s6+$0x10020];
	s6 =	spop (v2sf)  }
0x3ef: {  	v16 =	vmul.f32 v16, v21;
	v17 =	vld [tilespmem:s7+$0x10010];
	s10 =	spop (v2sf)  }
0x3f0: {  	v11 =	vadd.f32 v13, v11;
	v13 =	vmul.f32 v18, v19;
	v18 =	vbroadcast v10, $0x9;
	v21 =	vld [tilespmem:s7+$0x10020];
	s7 =	spop (v2sf)  }
0x3f1: {  	v12 =	vadd.f32 v16, v12;
	v14 =	vmul.f32 v14, v19;
	v16 =	vld [tilespmem:s8+$0x10010]  }
0x3f2: {  	v19 =	vbroadcast v10, $0xA;
	v11 =	vadd.f32 v13, v11;
	v13 =	vmul.f32 v20, v18;
	v20 =	vld [tilespmem:s8+$0x10020];
	s8 =	spop (v2sf)  }
0x3f3: {  	v12 =	vadd.f32 v14, v12;
	v14 =	vmul.f32 v15, v18;
	v15 =	vld [tilespmem:s6+$0x18010]  }
0x3f4: {  	v11 =	vadd.f32 v13, v11;
	v13 =	vmul.f32 v17, v19;
	v17 =	vbroadcast v10, $0xB;
	v18 =	vld [tilespmem:s6+$0x18020]  }
0x3f5: {  	v12 =	vadd.f32 v14, v12;
	v14 =	vmul.f32 v21, v19;
	v19 =	vld [tilespmem:s10+$0x18010]  }
0x3f6: {  	s6 =	sadd.s32 $0x1, s1;
	v11 =	vadd.f32 v13, v11;
	v13 =	vmul.f32 v16, v17;
	v16 =	vbroadcast v10, $0xC;
	v21 =	vld [tilespmem:s10+$0x18020]  }
0x3f7: {  	v12 =	vadd.f32 v14, v12;
	v14 =	vmul.f32 v20, v17;
	v17 =	vld [tilespmem:s7+$0x18010];
	v20 =	vor.u32 s6, v9  }
0x3f8: {  	v11 =	vadd.f32 v13, v11;
	v13 =	vmul.f32 v15, v16;
	v15 =	vbroadcast v10, $0xD;
	v22 =	vld [tilespmem:s7+$0x18020]  }
0x3f9: {  	v12 =	vadd.f32 v14, v12;
	v14 =	vmul.f32 v18, v16;
	v16 =	vld [tilespmem:s8+$0x18010]  }
0x3fa: {  	v18 =	vbroadcast v10, $0xE;
	v11 =	vadd.f32 v13, v11;
	v13 =	vmul.f32 v19, v15;
	v19 =	vld [tilespmem:s8+$0x18020]  }
0x3fb: {  	v12 =	vadd.f32 v14, v12;
	v14 =	vmul.f32 v21, v15  }
0x3fc: {  	v10 =	vbroadcast v10, $0xF;
	v11 =	vadd.f32 v13, v11;
	v13 =	vmul.f32 v17, v18  }
0x3fd: {  	v12 =	vadd.f32 v14, v12;
	v14 =	vmul.f32 v22, v18  }
0x3fe: {  	v11 =	vadd.f32 v13, v11;
	v13 =	vmul.f32 v16, v10  }
0x3ff: {  	v12 =	vadd.f32 v14, v12;
	v10 =	vmul.f32 v19, v10  }
0x400: {  	v11 =	vadd.f32 v13, v11  }
0x401: {  	v10 =	vadd.f32 v10, v12  }
0x402: {  	[tilespmem:s0+$0xF810] =	vst v11  }
0x403: {  	[tilespmem:s0+$0xF820] =	vst v10  }
0x404: {  	v11 =	vld.idx.msk [tilespmem:v20+s16+$0x0], $0xffff  }
0x405: {  	v10 =	vld.idx.msk [tilespmem:v20+s24+$0x0], $0xffff;
	_ =	sdelay $0x1  }
0x406: {  	v12 =	vld [tilespmem:s0+$0xB040]  }
0x407: {  	v13 =	vld [tilespmem:s0+$0xB030]  }
0x408: {  	v14 =	vld [tilespmem:s0+$0xB840]  }
0x409: {  	v11 =	vshll.u32 v11, $0x7;
	v15 =	vld [tilespmem:s0+$0xB830]  }
0x40a: {  	v16 =	vbroadcast v10, $0x0;
	v17 =	vbroadcast v10, $0x1;
	v11 =	vshra.s32 v11, $0x2;
	v18 =	vld [tilespmem:s0+$0xC030]  }
0x40b: {  	v20 =	vbroadcast v10, $0x3;
	v21 =	vbroadcast v10, $0x4;
	v19 =	vld [tilespmem:s0+$0xC040];
	(v2sf) =	vpush v11, $0x8  }
0x40c: {  	v12 =	vmul.f32 v12, v16;
	v13 =	vmul.f32 v13, v16;
	v16 =	vld [tilespmem:s0+$0xC840];
	(v2sf) =	vpush v11, $0x9  }
0x40d: {  	v22 =	vbroadcast v10, $0x2;
	v14 =	vmul.f32 v14, v17;
	v23 =	vld [tilespmem:s0+$0xC830];
	(v2sf) =	vpush v11, $0xA  }
0x40e: {  	v12 =	vadd.f32 $0.0e+00, v12;
	v13 =	vadd.f32 $0.0e+00, v13;
	v15 =	vmul.f32 v15, v17;
	v17 =	vld [tilespmem:s0+$0xD040]  }
0x40f: {  	v25 =	vbroadcast v10, $0x5;
	v18 =	vmul.f32 v18, v22;
	v24 =	vld [tilespmem:s0+$0xD030];
	(v2sf) =	vpush v11, $0xB  }
0x410: {  	v12 =	vadd.f32 v14, v12;
	v13 =	vadd.f32 v15, v13;
	v14 =	vmul.f32 v19, v22;
	v15 =	vld [tilespmem:s0+$0xD840]  }
0x411: {  	v22 =	vbroadcast v10, $0x6;
	v16 =	vmul.f32 v16, v20;
	v19 =	vld [tilespmem:s0+$0xD830];
	(v2sf) =	vpush v11, $0xC  }
0x412: {  	v13 =	vadd.f32 v18, v13;
	v12 =	vadd.f32 v14, v12;
	v14 =	vmul.f32 v23, v20;
	v18 =	vld [tilespmem:s0+$0xE040]  }
0x413: {  	v23 =	vbroadcast v10, $0x7;
	v17 =	vmul.f32 v17, v21;
	v20 =	vld [tilespmem:s0+$0xE030];
	(v2sf) =	vpush v11, $0xD  }
0x414: {  	v13 =	vadd.f32 v14, v13;
	v12 =	vadd.f32 v16, v12;
	v14 =	vmul.f32 v24, v21  }
0x415: {  	v15 =	vmul.f32 v15, v25;
	(v2sf) =	vpush v11, $0xE  }
0x416: {  	v13 =	vadd.f32 v14, v13;
	v12 =	vadd.f32 v17, v12;
	v14 =	vmul.f32 v19, v25  }
0x417: {  	v16 =	vmul.f32 v18, v22;
	(v2sf) =	vpush v11, $0xF  }
0x418: {  	v11 =	vadd.f32 v14, v13;
	v12 =	vadd.f32 v15, v12;
	v13 =	vmul.f32 v20, v22  }
0x419: {  	v14 =	vld [tilespmem:s0+$0xE830]  }
0x41a: {  	v11 =	vadd.f32 v13, v11;
	v12 =	vadd.f32 v16, v12;
	v13 =	vld [tilespmem:s0+$0xE840];
	s6 =	spop (v2sf)  }
0x41b: {  	v15 =	vld [tilespmem:s6+$0x10010];
	s7 =	spop (v2sf)  }
0x41c: {  	v16 =	vld [tilespmem:s6+$0x10020];
	s6 =	spop (v2sf)  }
0x41d: {  	v17 =	vld [tilespmem:s7+$0x10010]  }
0x41e: {  	v18 =	vbroadcast v10, $0x8;
	v14 =	vmul.f32 v14, v23;
	v19 =	vld [tilespmem:s7+$0x10020];
	s7 =	spop (v2sf)  }
0x41f: {  	v13 =	vmul.f32 v13, v23;
	v20 =	vld [tilespmem:s6+$0x10010]  }
0x420: {  	v11 =	vadd.f32 v14, v11;
	v14 =	vmul.f32 v15, v18;
	v15 =	vbroadcast v10, $0x9;
	v21 =	vld [tilespmem:s6+$0x10020];
	s6 =	spop (v2sf)  }
0x421: {  	v13 =	vadd.f32 v13, v12;
	v16 =	vmul.f32 v16, v18;
	v18 =	vld [tilespmem:s7+$0x10010]  }
.Ltmp5:
0x422: {  	v22 =	vbroadcast v10, $0xA;
	v11 =	vadd.f32 v14, v11;
	v14 =	vmul.f32 v17, v15;
	v12 =	vld [tilespmem:s7+$0x10020];
	s7 =	spop (v2sf);
	(pc) =	sbr.rel @p0 .LBB2_13-.Ltmp5, $4  }
0x423: {  	v17 =	vbroadcast v10, $0xB;
	v16 =	vadd.f32 v16, v13;
	v15 =	vmul.f32 v19, v15;
	v13 =	vld [tilespmem:s6+$0x18010]  }
0x424: {  	s1 =	sadd.s32 $0x2, s1;
	v23 =	vadd.f32 v14, v11;
	v20 =	vmul.f32 v20, v22;
	v14 =	vld [tilespmem:s6+$0x18020];
	s6 =	spop (v2sf)  }
0x425: {  	v11 =	vor.u32 s1, v9;
	v19 =	vadd.f32 v15, v16;
	v21 =	vmul.f32 v21, v22;
	v15 =	vld [tilespmem:s7+$0x18010]  }
0x426: {  	v20 =	vadd.f32 v20, v23;
	v22 =	vmul.f32 v18, v17;
	v18 =	vbroadcast v10, $0xC;
	v16 =	vld [tilespmem:s7+$0x18020];
	s7 =	spop (v2sf)  }
0x427: {  	v19 =	vadd.f32 v21, v19;
	v12 =	vmul.f32 v12, v17;
	v56 =	vld [tilespmem:s6+$0x18010]  }
0x428: {  	v57 =	vbroadcast v10, $0xD;
	v58 =	vld [tilespmem:s6+$0x18020];
	v20 =	vadd.f32 v22, v20;
	v13 =	vmul.f32 v13, v18  }
0x429: {  	v59 =	vld [tilespmem:s7+$0x18010];
	v12 =	vadd.f32 v12, v19;
	v14 =	vmul.f32 v14, v18  }
0x42a: {  	v60 =	vbroadcast v10, $0xE;
	v61 =	vld [tilespmem:s7+$0x18020];
	v13 =	vadd.f32 v13, v20;
	v15 =	vmul.f32 v15, v57  }
0x42b: {  	v12 =	vadd.f32 v14, v12;
	v62 =	vmul.f32 v16, v57  }
0x42c: {  	v10 =	vbroadcast v10, $0xF;
	v13 =	vadd.f32 v15, v13;
	v63 =	vmul.f32 v56, v60  }
0x42d: {  	v21 =	vmul.f32 v58, v60;
	v12 =	vadd.f32 v62, v12  }
0x42e: {  	v22 =	vmul.f32 v59, v10;
	v13 =	vadd.f32 v63, v13  }
0x42f: {  	v10 =	vmul.f32 v61, v10;
	v12 =	vadd.f32 v21, v12  }
0x430: {  	v13 =	vadd.f32 v22, v13  }
0x431: {  	v10 =	vadd.f32 v10, v12  }
0x432: {  	[tilespmem:s0+$0xF830] =	vst v13  }
0x433: {  	[tilespmem:s0+$0xF840] =	vst v10  }
0x434: {  	v10 =	vld.idx.msk [tilespmem:v11+s16+$0x0], $0xffff;
	_ =	sdelay $0x4  }
0x435: {  	v11 =	vld.idx.msk [tilespmem:v11+s24+$0x0], $0xffff;
	v10 =	vshll.u32 v10, $0x7  }
0x436: {  	s0 =	sshra.s32 s5, $0x2;
	v10 =	vshra.s32 v10, $0x2  }
0x437: {  	v23 =	vld [tilespmem:s0+$0xB010];
	(v2sf) =	vpush v10, $0x8  }
0x438: {  	v13 =	vld [tilespmem:s0+$0xB020];
	(v2sf) =	vpush v10, $0xA  }
0x439: {  	v24 =	vld [tilespmem:s0+$0xB810];
	(v2sf) =	vpush v10, $0x9  }
0x43a: {  	v25 =	vld [tilespmem:s0+$0xB820];
	v26 =	vbroadcast v11, $0x0  }
0x43b: {  	v27 =	vld [tilespmem:s0+$0xC010]  }
0x43c: {  	v29 =	vld [tilespmem:s0+$0xC020];
	v28 =	vbroadcast v11, $0x1;
	v12 =	vmul.f32 v23, v26  }
0x43d: {  	v30 =	vld [tilespmem:s0+$0xC810];
	v13 =	vmul.f32 v13, v26;
	(v2sf) =	vpush v10, $0xB  }
0x43e: {  	v32 =	vld [tilespmem:s0+$0xC820];
	v31 =	vbroadcast v11, $0x2;
	v14 =	vmul.f32 v24, v28;
	v12 =	vadd.f32 $0.0e+00, v12  }
0x43f: {  	v33 =	vld [tilespmem:s0+$0xD010];
	v15 =	vmul.f32 v25, v28;
	v13 =	vadd.f32 $0.0e+00, v13;
	(v2sf) =	vpush v10, $0xC  }
0x440: {  	v34 =	vbroadcast v11, $0x3;
	v23 =	vld [tilespmem:s0+$0xD020];
	v35 =	vmul.f32 v27, v31;
	v12 =	vadd.f32 v14, v12  }
0x441: {  	v37 =	vld [tilespmem:s0+$0xD810];
	v36 =	vmul.f32 v29, v31;
	v13 =	vadd.f32 v15, v13;
	(v2sf) =	vpush v10, $0xD  }
0x442: {  	v39 =	vld [tilespmem:s0+$0xD820];
	v38 =	vbroadcast v11, $0x4;
	v40 =	vmul.f32 v30, v34;
	v12 =	vadd.f32 v35, v12  }
0x443: {  	v42 =	vld [tilespmem:s0+$0xE010];
	v41 =	vmul.f32 v32, v34;
	(v2sf) =	vpush v10, $0xE;
	v13 =	vadd.f32 v36, v13  }
0x444: {  	v44 =	vld [tilespmem:s0+$0xE020];
	v43 =	vbroadcast v11, $0x5;
	v45 =	vmul.f32 v33, v38;
	v12 =	vadd.f32 v40, v12  }
0x445: {  	v46 =	vld [tilespmem:s0+$0xE810];
	(v2sf) =	vpush v10, $0xF;
	v10 =	vmul.f32 v23, v38;
	v13 =	vadd.f32 v41, v13  }
0x446: {  	v49 =	vld [tilespmem:s0+$0xE820];
	v47 =	vbroadcast v11, $0x6;
	v48 =	vmul.f32 v37, v43;
	v12 =	vadd.f32 v45, v12;
	s7 =	spop (v2sf)  }
0x447: {  	v50 =	vmul.f32 v39, v43;
	v10 =	vadd.f32 v10, v13;
	v51 =	vld [tilespmem:s7+$0x10010];
	s8 =	spop (v2sf)  }
0x448: {  	v52 =	vbroadcast v11, $0x7;
	v17 =	vmul.f32 v42, v47;
	v12 =	vadd.f32 v48, v12;
	v53 =	vld [tilespmem:s7+$0x10020];
	s10 =	spop (v2sf)  }
0x449: {  	v18 =	vmul.f32 v44, v47;
	v10 =	vadd.f32 v50, v10;
	v54 =	vld [tilespmem:s10+$0x10010]  }
0x44a: {  	v55 =	vbroadcast v11, $0x8;
	v16 =	vmul.f32 v46, v52;
	v12 =	vadd.f32 v17, v12;
	v56 =	vld [tilespmem:s10+$0x10020]  }
0x44b: {  	v15 =	vmul.f32 v49, v52;
	v10 =	vadd.f32 v18, v10;
	v57 =	vld [tilespmem:s8+$0x10010]  }
0x44c: {  	v58 =	vbroadcast v11, $0x9;
	v12 =	vadd.f32 v16, v12;
	v59 =	vld [tilespmem:s8+$0x10020];
	s11 =	spop (v2sf);
	v13 =	vmul.f32 v51, v55  }
0x44d: {  	v10 =	vadd.f32 v15, v10;
	v60 =	vld [tilespmem:s11+$0x10010];
	v14 =	vmul.f32 v53, v55  }
0x44e: {  	v62 =	vbroadcast v11, $0xA;
	s12 =	spop (v2sf);
	v63 =	vld [tilespmem:s11+$0x10020];
	v12 =	vadd.f32 v13, v12;
	v61 =	vmul.f32 v54, v58  }
0x44f: {  	v25 =	vld [tilespmem:s12+$0x18010];
	v10 =	vadd.f32 v14, v10;
	v24 =	vmul.f32 v56, v58  }
0x450: {  	v27 =	vbroadcast v11, $0xB;
	s13 =	spop (v2sf);
	v28 =	vld [tilespmem:s12+$0x18020];
	v26 =	vmul.f32 v57, v62;
	v12 =	vadd.f32 v61, v12  }
0x451: {  	v30 =	vld [tilespmem:s13+$0x18010];
	v29 =	vmul.f32 v59, v62;
	v10 =	vadd.f32 v24, v10  }
0x452: {  	v32 =	vbroadcast v11, $0xC;
	s14 =	spop (v2sf);
	v33 =	vld [tilespmem:s13+$0x18020];
	v31 =	vmul.f32 v60, v27;
	v12 =	vadd.f32 v26, v12  }
0x453: {  	v35 =	vld [tilespmem:s14+$0x18010];
	v34 =	vmul.f32 v63, v27;
	v10 =	vadd.f32 v29, v10  }
0x454: {  	v37 =	vbroadcast v11, $0xD;
	s17 =	spop (v2sf);
	v38 =	vld [tilespmem:s14+$0x18020];
	v36 =	vmul.f32 v25, v32;
	v12 =	vadd.f32 v31, v12  }
0x455: {  	v40 =	vld [tilespmem:s17+$0x18010];
	v39 =	vmul.f32 v28, v32;
	v10 =	vadd.f32 v34, v10  }
0x456: {  	v42 =	vbroadcast v11, $0xE;
	v43 =	vld [tilespmem:s17+$0x18020];
	v41 =	vmul.f32 v30, v37;
	v12 =	vadd.f32 v36, v12  }
0x457: {  	v44 =	vmul.f32 v33, v37;
	v10 =	vadd.f32 v39, v10  }
0x458: {  	v11 =	vbroadcast v11, $0xF;
	v45 =	vmul.f32 v35, v42;
	v12 =	vadd.f32 v41, v12  }
0x459: {  	v46 =	vmul.f32 v38, v42;
	v10 =	vadd.f32 v44, v10  }
0x45a: {  	s1 =	sadd.s32 $0x1, s1;
	v47 =	vmul.f32 v40, v11;
	v12 =	vadd.f32 v45, v12  }
0x45b: {  	v9 =	vor.u32 s1, v9;
	v11 =	vmul.f32 v43, v11;
	v10 =	vadd.f32 v46, v10  }
0x45c: {  	v12 =	vadd.f32 v47, v12  }
0x45d: {  	v10 =	vadd.f32 v11, v10  }
0x45e: {  	[tilespmem:s0+$0xF810] =	vst v12  }
0x45f: {  	[tilespmem:s0+$0xF820] =	vst v10  }
0x460: {  	v10 =	vld.idx.msk [tilespmem:v9+s16+$0x0], $0xffff;
	_ =	sdelay $0x4  }
0x461: {  	v9 =	vld.idx.msk [tilespmem:v9+s24+$0x0], $0xffff;
	v10 =	vshll.u32 v10, $0x7  }
0x462: {  	v10 =	vshra.s32 v10, $0x2  }
0x463: {  	v11 =	vld [tilespmem:s0+$0xB030];
	(v2sf) =	vpush v10, $0x8  }
0x464: {  	v48 =	vld [tilespmem:s0+$0xB040]  }
0x465: {  	v49 =	vld [tilespmem:s0+$0xB830];
	(v2sf) =	vpush v10, $0x9  }
0x466: {  	v50 =	vld [tilespmem:s0+$0xB840];
	v51 =	vbroadcast v9, $0x0  }
0x467: {  	v52 =	vld [tilespmem:s0+$0xC030];
	(v2sf) =	vpush v10, $0xA  }
0x468: {  	v54 =	vld [tilespmem:s0+$0xC040];
	v53 =	vbroadcast v9, $0x1;
	v11 =	vmul.f32 v11, v51  }
0x469: {  	v55 =	vld [tilespmem:s0+$0xC830];
	v12 =	vmul.f32 v48, v51;
	(v2sf) =	vpush v10, $0xB  }
0x46a: {  	v56 =	vld [tilespmem:s0+$0xC840];
	v57 =	vbroadcast v9, $0x2;
	v13 =	vmul.f32 v49, v53;
	v11 =	vadd.f32 $0.0e+00, v11  }
0x46b: {  	v58 =	vld [tilespmem:s0+$0xD030];
	v14 =	vmul.f32 v50, v53;
	v12 =	vadd.f32 $0.0e+00, v12;
	(v2sf) =	vpush v10, $0xC  }
0x46c: {  	v60 =	vld [tilespmem:s0+$0xD040];
	v59 =	vbroadcast v9, $0x3;
	v16 =	vmul.f32 v52, v57;
	v11 =	vadd.f32 v13, v11  }
0x46d: {  	v62 =	vld [tilespmem:s0+$0xD830];
	v61 =	vmul.f32 v54, v57;
	v12 =	vadd.f32 v14, v12;
	(v2sf) =	vpush v10, $0xD  }
0x46e: {  	v24 =	vld [tilespmem:s0+$0xD840];
	v63 =	vbroadcast v9, $0x4;
	v15 =	vmul.f32 v55, v59;
	v11 =	vadd.f32 v16, v11  }
0x46f: {  	v26 =	vld [tilespmem:s0+$0xE030];
	v25 =	vmul.f32 v56, v59;
	v12 =	vadd.f32 v61, v12;
	(v2sf) =	vpush v10, $0xE  }
0x470: {  	v28 =	vld [tilespmem:s0+$0xE040];
	v27 =	vbroadcast v9, $0x5;
	v29 =	vmul.f32 v58, v63;
	v11 =	vadd.f32 v15, v11  }
0x471: {  	v30 =	vmul.f32 v60, v63;
	(v2sf) =	vpush v10, $0xF;
	v10 =	vld [tilespmem:s0+$0xE830];
	v12 =	vadd.f32 v25, v12  }
0x472: {  	v32 =	vld [tilespmem:s0+$0xE840];
	v31 =	vbroadcast v9, $0x6;
	v14 =	vmul.f32 v62, v27;
	v11 =	vadd.f32 v29, v11;
	s7 =	spop (v2sf)  }
0x473: {  	v33 =	vmul.f32 v24, v27;
	v12 =	vadd.f32 v30, v12;
	v34 =	vld [tilespmem:s7+$0x10010]  }
0x474: {  	v35 =	vbroadcast v9, $0x7;
	v13 =	vmul.f32 v26, v31;
	v11 =	vadd.f32 v14, v11;
	s8 =	spop (v2sf);
	v36 =	vld [tilespmem:s7+$0x10020]  }
0x475: {  	v16 =	vmul.f32 v28, v31;
	v12 =	vadd.f32 v33, v12;
	v37 =	vld [tilespmem:s8+$0x10010]  }
0x476: {  	v38 =	vbroadcast v9, $0x8;
	v10 =	vmul.f32 v10, v35;
	v11 =	vadd.f32 v13, v11;
	s10 =	spop (v2sf);
	v39 =	vld [tilespmem:s8+$0x10020]  }
0x477: {  	v15 =	vmul.f32 v32, v35;
	v12 =	vadd.f32 v16, v12;
	v40 =	vld [tilespmem:s10+$0x10010]  }
0x478: {  	v41 =	vbroadcast v9, $0x9;
	v10 =	vadd.f32 v10, v11;
	s11 =	spop (v2sf);
	v42 =	vld [tilespmem:s10+$0x10020];
	v11 =	vmul.f32 v34, v38  }
0x479: {  	v12 =	vadd.f32 v15, v12;
	v43 =	vld [tilespmem:s11+$0x10010];
	v13 =	vmul.f32 v36, v38  }
0x47a: {  	v44 =	vbroadcast v9, $0xA;
	s12 =	spop (v2sf);
	v45 =	vld [tilespmem:s11+$0x10020];
	v10 =	vadd.f32 v11, v10;
	v11 =	vmul.f32 v37, v41  }
0x47b: {  	v47 =	vld [tilespmem:s12+$0x18010];
	v46 =	vmul.f32 v39, v41;
	v12 =	vadd.f32 v13, v12  }
0x47c: {  	v48 =	vbroadcast v9, $0xB;
	s13 =	spop (v2sf);
	v49 =	vld [tilespmem:s12+$0x18020];
	v10 =	vadd.f32 v11, v10;
	v11 =	vmul.f32 v40, v44  }
0x47d: {  	v51 =	vld [tilespmem:s13+$0x18010];
	v50 =	vmul.f32 v42, v44;
	v12 =	vadd.f32 v46, v12  }
0x47e: {  	v52 =	vbroadcast v9, $0xC;
	s14 =	spop (v2sf);
	v53 =	vld [tilespmem:s13+$0x18020];
	v10 =	vadd.f32 v11, v10;
	v11 =	vmul.f32 v43, v48  }
0x47f: {  	v55 =	vld [tilespmem:s14+$0x18010];
	v54 =	vmul.f32 v45, v48;
	v12 =	vadd.f32 v50, v12  }
0x480: {  	v56 =	vbroadcast v9, $0xD;
	s17 =	spop (v2sf);
	v57 =	vld [tilespmem:s14+$0x18020];
	v10 =	vadd.f32 v11, v10;
	v11 =	vmul.f32 v47, v52  }
0x481: {  	v59 =	vld [tilespmem:s17+$0x18010];
	v58 =	vmul.f32 v49, v52;
	v12 =	vadd.f32 v54, v12  }
0x482: {  	v60 =	vbroadcast v9, $0xE;
	v61 =	vld [tilespmem:s17+$0x18020];
	v10 =	vadd.f32 v11, v10;
	v11 =	vmul.f32 v51, v56  }
0x483: {  	v62 =	vmul.f32 v53, v56;
	v12 =	vadd.f32 v58, v12  }
0x484: {  	v9 =	vbroadcast v9, $0xF;
	v10 =	vadd.f32 v11, v10;
	v11 =	vmul.f32 v55, v60  }
0x485: {  	v63 =	vmul.f32 v57, v60;
	v12 =	vadd.f32 v62, v12  }
0x486: {  	s30 =	sadd.s32 $0x1, s30;
	v10 =	vadd.f32 v11, v10;
	v11 =	vmul.f32 v59, v9  }
0x487: {  	p0 =	sne.s32 s30, $0x40;
	v12 =	vadd.f32 v63, v12;
	v9 =	vmul.f32 v61, v9  }
.Ltmp6:
0x488: {  	v10 =	vadd.f32 v11, v10;
	(pc) =	sbr.rel @p0 .LBB2_4-.Ltmp6, $4  }
0x489: {  	v9 =	vadd.f32 v9, v12  }
0x48a: {  	[tilespmem:s0+$0xF830] =	vst v10  }
0x48b: {  	s31 =	sadd.s32 s31, s9;
	s29 =	sadd.s32 $0x80, s29;
	[tilespmem:s0+$0xF840] =	vst v9  }
0x48c: {  	[hbm4b:s31+s3] =	stream.linear.scatter [tilespmem:s28], [sflag:$0x4], $0x800, $0x38;
	[tilespmem:$0x1A010] =	vst v63  }
0x48d: {  	s0 =	simm.s32 $0x3  }
0x48e: {  	_ =	swait.ge [sflag:s0], $0x800  }
0x48f: {  	[sflag:s0] =	ssyncset.done $0x0  }
0x490: {  	s1 =	simm.s32 $0x4;
	[sflag:s0] =	ssyncadd.s32 $0xFFFFF800  }
0x491: {  	_ =	swait.ge [sflag:s1], $0x800  }
0x492: {  	s5 =	rddreg [dreg:$0x8]  }
0x493: {  	s31 =	rddreg [dreg:$0x7];
	s5 =	sadd.s32 $0x1, s5  }
0x494: {  	p0 =	sne.s32 s5, s31  }
.Ltmp7:
0x495: {  	_ = 	snop;
	(pc) =	sbr.rel @p0 .LBB2_1-.Ltmp7, $3  }
0x496: {  	_ =	sdelay $0x1  }
0x497: {  	[sflag:s1] =	ssyncset.done $0x0  }
0x498: {  	[sflag:s1] =	ssyncadd.s32 $0xFFFFF800  }
0x499: {  	_ =	sfence.sel $0x180000  }
0x49a: {  	[bflag:$0x0] =	sbarrier.arrive $0xFFFF  }
0x49b: {  	_ =	strace $0x9000004A  }
0x49c: {  	s0 =	stileid.u32;
	[bflag:$0x2] =	sbarrier.arrive $0xFFFF  }
0x49d: {  	p0 =	sne.s32 s0, $0x0;
	s0 =	rddreg [dreg:$0x2]  }
0x49e: {  	s0 =	sadd.s32 @!p0 $0x100000, s0  }
0x49f: {  	[sflag:s0] =	ssyncadd.tile.s32 @!p0 $0x1;
	_ =	shalt  }
.Lfunc_end2:
_tile_overlayer_lowered:
.L_overlay_start_2:
0x4a0: {  	(tag) =	ssettag $0x2  }
0x4a1: {  	s0 =	rddreg [dreg:$0x0];
	s2 =	stileid.u32  }
0x4a2: {  	s1 =	rddreg [dreg:$0x1];
	p0 =	sne.s32 s2, $0x0  }
0x4a3: {  	s3 =	rddreg [dreg:$0x2];
	[bflag:$0x3] =	sbarrier.arrive $0xFFFF;
	s2 =	simm.s32 @!p0 $0x1C05  }
0x4a4: {  	[timem:s3], [sflag:s2] =	dma.local @!p0 [hbm:s0], s1  }
0x4a5: {  	s0 =	simm.s32 @!p0 $0x5  }
0x4a6: {  	_ =	swait.ge @!p0 [sflag:s0], s1  }
0x4a7: {  	s1 =	ssub.s32 @!p0 $0x0, s1;
	[sflag:s0] =	ssyncset.done @!p0 $0x0  }
0x4a8: {  	[sflag:s0] =	ssyncadd.s32 @!p0 s1  }
0x4a9: {  	[bflag:$0x3] =	sbarrier.arrive $0xFFFF  }
0x4aa: {  	_ =	shalt  }

// kernel: sparse-core-data-format-call.1.cloned.1.call-start
scs
called_computation.1_lowered:
.L_overlay_start_0:
0x0: {  	s2 =	sld [smem:$0x3FD9]  }
0x1: {  	s3 =	sld [smem:$0x3FFE];
	_ =	sdelay $0x1  }
0x2: {  	s1 =	srdreg.scid  }
0x3: {  	s0 =	sand.u32 $0x1, s1  }
0x4: {  	s18 =	sshll.u32 s0, $0xA;
	s2 =	sadd.s32 s3, s2  }
0x5: {  	s2 =	sadd.s32 s2, s18  }
0x6: {  	[smem:$0x3FC2] =	sst s2  }
0x7: {  	_ = 	snop  }
0x8: {  	s2 =	sld [smem:$0x3FC7];
	(tm) =	ssettm $0x1  }
0x9: {  	s19 =	sld [smem:$0x3FFB];
	_ =	sdelay $0x3  }
0xa: {  	_ =	strace s19  }
0xb: {  	s3 =	sld [smem:$0x3FFC];
	_ =	sdelay $0x3  }
0xc: {  	_ =	strace s3  }
0xd: {  	s3 =	sld [smem:$0x3FFD];
	_ =	sdelay $0x3  }
0xe: {  	_ =	strace s3  }
0xf: {  	_ =	strace $0x8FFFFFFF  }
0x10: {  	s20 =	sld [smem:$0x3FDB];
	_ =	sdelay $0x1  }
0x11: {  	s4 =	simm.s32 $_scs_section_size  }
0x12: {  	s5 =	simm.s32 $_size__tile_overlayer_lowered;
	s6 =	simm.s32 $_tile_overlayer_lowered  }
0x13: {  	s23 =	simm.s32 $0x1BFF;
	s22 =	sshll.u32 s6, $0x1;
	s3 =	sadd.s32 s4, s20  }
0x14: {  	s7 =	simm.s32 $0x0;
	s21 =	sshll.u32 s5, $0x1;
	s5 =	sadd.s32 s22, s3  }
0x15: {  	[timem:s7], [sflag:s23] =	dma.local [hbm:s5], s21  }
0x16: {  	_ =	swait.ge [sflag:s23], s21  }
0x17: {  	s4 =	ssub.s32 $0x0, s21;
	[sflag:s23] =	ssyncset.done $0x0  }
0x18: {  	[sflag:s23] =	ssyncadd.s32 s4;
	_ =	sdelay $0x1  }
0x19: {  	s24 =	simm.s32 $0x1B8B  }
0x1a: {  	_ =	swait.ge [sflag:s24], $0x1  }
0x1b: {  	[sflag:s24] =	ssyncset.done $0x0  }
0x1c: {  	s26 =	simm.s32 $0x1B8E;
	s25 =	sld [smem:$0x3FFE];
	[sflag:s24] =	ssyncadd.s32 $0xFFFFFFFF  }
0x1d: {  	s27 =	simm.s32 $execute0_lowered;
	[smem:$0x3FD2] =	sst s26  }
0x1e: {  	s5 =	sshll.u32 s27, $0x1;
	_ =	strace $0x80000046;
	[dreg:$0x1] =	wrdreg $0xFFFFFFFF  }
0x1f: {  	s28 =	simm.s32 $_size_execute0_lowered;
	s3 =	sadd.s32 s3, s5;
	[dreg:$0x0] =	wrdreg $0x0  }
0x20: {  	s5 =	sshll.u32 s28, $0x1;
	[dreg:$0x2] =	wrdreg s3  }
0x21: {  	[dreg:$0x3] =	wrdreg s5  }
0x22: {  	[dreg:$0x4] =	wrdreg $0xC0  }
0x23: {  	_ =	task [dreg:s7], $0x5FFFF  }
0x24: {  	[dreg:$0x1] =	wrdreg $0xFFFFFFFF  }
0x25: {  	[dreg:$0x0] =	wrdreg $0x60  }
0x26: {  	[dreg:$0x2] =	wrdreg s2  }
0x27: {  	[dreg:$0x3] =	wrdreg s25  }
0x28: {  	[dreg:$0x4] =	wrdreg $0x9  }
0x29: {  	_ =	task.clear_ibuf [dreg:s7], $0x5FFFF;
	_ =	strace $0x90000046  }
0x2a: {  	s29 =	simm.s32 $0x9;
	_ =	strace $0x80000048  }
0x2b: {  	_ =	swait.ge [sflag:s29], $0x1  }
0x2c: {  	[sflag:s29] =	ssyncadd.s32 $0xFFFFFFFF  }
0x2d: {  	_ =	strace $0x90000048  }
0x2e: {  	_ =	sfence  }
0x2f: {  	s30 =	sld [smem:$0x0];
	_ =	sdelay $0x2  }
0x30: {  	s31 =	sshll.u32 s1, $0xD;
	s1 =	sshrl.u32 s1, $0x2  }
0x31: {  	s3 =	sand.u32 $0x4000, s31;
	s1 =	sadd.s32 s1, s30  }
0x32: {  	s0 =	sor.u32 s3, s0;
	s1 =	sshll.u32 s1, $0x11  }
0x33: {  	s0 =	sor.u32 s1, s0  }
0x34: {  	s0 =	sadd.s32 $0x8F2B, s0  }
0x35: {  	[sflag:s0] =	ssyncadd.remote.s32 $0x1  }
0x36: {  	_ =	sfence.sel $0xFFFF  }
0x37: {  	[dreg:$0x0] =	wrdreg $0xFFFFFFFF;
	(pc) =	sbr.abs _section_cstart, $3  }
0x38: {  	[dreg:$0x1] =	wrdreg $0xFFFFFFFF  }
0x39: {  	_ =	task.clear_ibuf [dreg:s7], $0x2FFFF;
	_ =	strace $0x9FFFFFFF  }
0x3a: {  	(tm) =	ssettm $0x7FFFFFFF  }
0x3b: {  	_ =	shalt  }
tec
execute0_lowered:
.L_overlay_start_1:
0x0: {  	(tag) =	ssettag $0x1  }
0x1: {  	s1 =	rddreg [dreg:$0x0];
	s0 =	srdreg.scid  }
0x2: {  	s3 =	rddreg [dreg:$0x1];
	s4 =	simm.s32 $0x1;
	s7 =	simm.s32 $0x2  }
0x3: {  	s13 =	simm.s32 $0x0;
	p0 =	por $0x0, $0x0;
	s14 =	simm.s32 $0x0  }
0x4: {  	s15 =	simm.s32 $0x0;
	s10 =	simm.s32 $0x0;
	s2 =	sshll.u32 s0, $0x2  }
0x5: {  	s11 =	stileid.u32;
	s12 =	simm.s32 $0x0;
	s2 =	sand.u32 $0x4, s2  }
.Ltmp0:
0x6: {  	s0 =	rddreg [dreg:$0x2];
	s6 =	ssub.s32 $0x80, s2;
	(pc) =	sbr.rel .LBB1_1-.Ltmp0, $4  }
0x7: {  	_ =	strace $0x80000047;
	s5 =	sadd.s32 $0x1A00, s3;
	s31 =	sshrl.u32 s6, $0x2  }
0x8: {  	[sflag:s4] =	ssyncpa.u1 $0x0;
	s6 =	sshrl.u32 s6, $0x3;
	s8 =	sand.u32 $0x1, s31  }
0x9: {  	s3 =	stileid.u32;
	[sflag:s7] =	ssyncpa.u1 $0x0;
	s6 =	sadd.s32 s6, s8  }
0xa: {  	s9 =	smov.u32 s2;
	s8 =	simm.s32 $0x80;
	s7 =	sadd.s32 $0x1, s6  }
.LBB1_7:
0xb: {  	s16 =	sadd.s32 $0x8, s9  }
0xc: {  	s13 =	sadd.s32 $0x20, s10;
	s17 =	smov.u32 s10;
	p2 =	sgt.s32 s16, $0x7F  }
0xd: {  	s17 =	smov.u32 @p2 s13  }
0xe: {  	s19 =	smov.u32 s11;
	s13 =	sadd.s32 $0x10, s11;
	p3 =	sgt.s32 s17, $0x1F  }
0xf: {  	s19 =	smov.u32 @p3 s13  }
0x10: {  	s16 =	smov.u32 @p2 s2;
	p2 =	sgt.s32 s19, $0xF  }
0x11: {  	p1 =	slt.u32 s12, $0x2;
	s19 =	smov.u32 @p2 s3;
	p2 =	sne.s32 s12, s7  }
.Ltmp1:
0x12: {  	s18 =	simm.s32 @!p1 $0x2;
	(pc) =	sbr.rel @!p2 .LBB1_8-.Ltmp1, $4  }
0x13: {  	s14 =	smov.u32 s10;
	s15 =	smov.u32 s11;
	_ =	swait.ge @!p1 [sflag:s18], $0x4000  }
0x14: {  	p0 =	por !p0, !p0;
	[sflag:s18] =	ssyncset.done @!p1 $0x0;
	s17 =	simm.s32 @p3 $0x0  }
0x15: {  	s13 =	smov.u32 s9;
	[sflag:s18] =	ssyncadd.s32 @!p1 $0xFFFFC000;
	s9 =	smov.u32 s16  }
0x16: {  	s10 =	smov.u32 s17;
	s12 =	sadd.s32 $0x1, s12;
	s11 =	smov.u32 s19  }
.LBB1_1:
0x17: {  	p1 =	sge.u32 s12, s6;
	s31 =	sadd.s32 $0xFFFFFFFF, s12  }
0x18: {  	s16 =	sxor.u32 @!p1 $0xFFFFFFFF, s12;
	s17 =	sshll.u32 @!p1 s11, $0x10;
	s18 =	sshll.u32 @!p1 s10, $0xB  }
0x19: {  	s19 =	sshll.u32 @!p1 s9, $0x4;
	s16 =	sshll.u32 @!p1 s16, $0xE;
	s17 =	sadd.s32 @!p1 s1, s17  }
0x1a: {  	s19 =	sand.u32 @!p1 $0x7F0, s19;
	s16 =	sand.u32 @!p1 $0x4000, s16;
	s17 =	sadd.s32 @!p1 s18, s17  }
0x1b: {  	s18 =	simm.s32 @!p1 $0x200;
	s17 =	sadd.s32 @!p1 s19, s17;
	s19 =	simm.s32 @!p1 $0x4000  }
0x1c: {  	[tilespmem:s16], [sflag:$0x1] =	stream.strided.gather @!p1 [hbm4b:s17+s18], $0x4000, s19, s18, $0x38;
	[tilespmem:$0x10400] =	vst v63  }
0x1d: {  	p1 =	sge.u32 s31, s6  }
.Ltmp2:
0x1e: {  	_ = 	snop;
	(pc) =	sbr.rel @p1 .LBB1_7-.Ltmp2, $1  }
0x1f: {  	_ =	sdelay $0x3  }
0x20: {  	s16 =	simm.s32 $0x1;
	s18 =	sand.u32 $0x1, s12  }
0x21: {  	_ =	swait.ge [sflag:s4], $0x4000;
	s16 =	simm.s32 @!p0 $0x0;
	s19 =	smul.u32 $0x10800, s18  }
0x22: {  	[sflag:s4] =	ssyncset.done $0x0;
	s17 =	smul.u32 $0x10800, s16  }
0x23: {  	s16 =	sshll.u32 s16, $0xE;
	[sflag:s4] =	ssyncadd.s32 $0xFFFFC000  }
0x24: {  	s18 =	sor.u32 $0x40, s16;
	s31 =	sshrl.u32 s19, $0x2;
	s17 =	sshrl.u32 s17, $0x2  }
0x25: {  	s19 =	simm.s32 $0x0;
	s16 =	sor.u32 $0x8000, s31;
	s17 =	sor.u32 $0x8000, s17  }
.LBB1_3:
0x26: {  	v0 =	vld [tilespmem:s18+$0x30]  }
0x27: {  	v1 =	vld [tilespmem:s18+$0xFFFFFFD0]  }
0x28: {  	v5 =	vld [tilespmem:s18+$0xFFFFFFE0]  }
0x29: {  	v6 =	vld [tilespmem:s18+$0xFFFFFFF0]  }
0x2a: {  	s20 =	sadd.s32 $0x0, s17;
	v2 =	vld [tilespmem:s18+$0x0]  }
0x2b: {  	v3 =	vld [tilespmem:s18+$0x10];
	[tilespmem:s20+$0xE70 ss:$0x21] =	vst.msk $0xffff, v0  }
0x2c: {  	v4 =	vld [tilespmem:s18+$0x20];
	[tilespmem:s20+$0x210 ss:$0x21] =	vst.msk $0xffff, v1  }
0x2d: {  	s21 =	sadd.s32 $0x80, s18;
	v0 =	vld [tilespmem:s18+$0xFFFFFFC0];
	[tilespmem:s20+$0x420 ss:$0x21] =	vst.msk $0xffff, v5  }
0x2e: {  	s22 =	simm.s32 $0x4200;
	s23 =	simm.s32 $0x8400;
	v1 =	vld [tilespmem:s21+$0x30];
	[tilespmem:s20+$0x630 ss:$0x21] =	vst.msk $0xffff, v6  }
.LBB1_4:
0x2f: {  	p1 =	sne.s32 s23, $0xC600;
	v5 =	vld [tilespmem:s21+$0xFFFFFFD0];
	[tilespmem:s20+$0x840 ss:$0x21] =	vst.msk $0xffff, v2  }
0x30: {  	v6 =	vld [tilespmem:s21+$0xFFFFFFE0];
	[tilespmem:s20+$0xA50 ss:$0x21] =	vst.msk $0xffff, v3  }
0x31: {  	s24 =	sshra.s32 s22, $0x2;
	s22 =	smov.u32 s23;
	v7 =	vld [tilespmem:s21+$0xFFFFFFF0];
	[tilespmem:s20+$0xC60 ss:$0x21] =	vst.msk $0xffff, v4  }
.Ltmp3:
0x32: {  	v2 =	vld [tilespmem:s21+$0x0];
	[tilespmem:s20+$0x0 ss:$0x21] =	vst.msk $0xffff, v0;
	s20 =	sadd.s32 s24, s17;
	(pc) =	sbr.rel @p1 .LBB1_4-.Ltmp3, $4  }
0x33: {  	v3 =	vld [tilespmem:s21+$0x10];
	[tilespmem:s20+$0xE70 ss:$0x21] =	vst.msk $0xffff, v1  }
0x34: {  	[tilespmem:s20+$0x210 ss:$0x21] =	vst.msk $0xffff, v5;
	v4 =	vld [tilespmem:s21+$0x20]  }
0x35: {  	v0 =	vld [tilespmem:s21+$0xFFFFFFC0];
	[tilespmem:s20+$0x420 ss:$0x21] =	vst.msk $0xffff, v6;
	s21 =	sadd.s32 $0x80, s21  }
0x36: {  	s23 =	sadd.s32 $0x4200, s23;
	v1 =	vld [tilespmem:s21+$0x30];
	[tilespmem:s20+$0x630 ss:$0x21] =	vst.msk $0xffff, v7  }
0x37: {  	v5 =	vld [tilespmem:s21+$0xFFFFFFD0];
	[tilespmem:s20+$0x840 ss:$0x21] =	vst.msk $0xffff, v2  }
0x38: {  	v58 =	vld [tilespmem:s21+$0xFFFFFFE0];
	[tilespmem:s20+$0xA50 ss:$0x21] =	vst.msk $0xffff, v3  }
0x39: {  	s22 =	sshra.s32 s22, $0x2;
	v59 =	vld [tilespmem:s21+$0xFFFFFFF0];
	[tilespmem:s20+$0xC60 ss:$0x21] =	vst.msk $0xffff, v4  }
0x3a: {  	v60 =	vld [tilespmem:s21+$0x0];
	s22 =	sadd.s32 s22, s17;
	[tilespmem:s20+$0x0 ss:$0x21] =	vst.msk $0xffff, v0  }
0x3b: {  	v61 =	vld [tilespmem:s21+$0x10];
	[tilespmem:s22+$0xE70 ss:$0x21] =	vst.msk $0xffff, v1  }
0x3c: {  	v62 =	vld [tilespmem:s21+$0x20];
	s19 =	sadd.s32 $0x1, s19;
	[tilespmem:s22+$0x210 ss:$0x21] =	vst.msk $0xffff, v5  }
0x3d: {  	v63 =	vld [tilespmem:s21+$0xFFFFFFC0];
	p1 =	sne.s32 s19, $0x20;
	[tilespmem:s22+$0x420 ss:$0x21] =	vst.msk $0xffff, v58  }
.Ltmp4:
0x3e: {  	[tilespmem:s22+$0x630 ss:$0x21] =	vst.msk $0xffff, v59;
	(pc) =	sbr.rel @p1 .LBB1_3-.Ltmp4, $4  }
0x3f: {  	[tilespmem:s22+$0x840 ss:$0x21] =	vst.msk $0xffff, v60  }
0x40: {  	[tilespmem:s22+$0xA50 ss:$0x21] =	vst.msk $0xffff, v61  }
0x41: {  	[tilespmem:s22+$0xC60 ss:$0x21] =	vst.msk $0xffff, v62  }
0x42: {  	s18 =	sadd.s32 $0x200, s18;
	s17 =	sadd.s32 $0x1, s17;
	[tilespmem:s22+$0x0 ss:$0x21] =	vst.msk $0xffff, v63  }
0x43: {  	s15 =	sshll.u32 s15, $0x12;
	s17 =	sand.u32 $0x780, s14  }
.Ltmp5:
0x44: {  	s13 =	sshll.u32 s13, $0xB;
	s15 =	sadd.s32 s5, s15;
	(pc) =	sbr.rel .LBB1_7-.Ltmp5, $4  }
0x45: {  	s18 =	sshrl.u32 s14, $0x3;
	s30 =	sand.u32 $0x7, s14;
	s15 =	sadd.s32 s17, s15  }
0x46: {  	s31 =	sand.u32 $0xF, s18;
	s14 =	sshll.u32 s30, $0x12;
	s13 =	sadd.s32 s13, s15  }
0x47: {  	s14 =	sor.u32 $0x20, s14;
	s13 =	sadd.s32 s31, s13  }
0x48: {  	[hbm4b:s13+s14] =	stream.strided.scatter [tilespmem:s16], [sflag:$0x2], $0x4000, s8, s14, $0x10;
	[tilespmem:$0x10400] =	vst v63  }
.LBB1_8:
0x49: {  	_ =	sfence.sel $0x180000  }
0x4a: {  	s1 =	simm.s32 $0x1;
	[bflag:$0x0] =	sbarrier.arrive $0xFFFF  }
0x4b: {  	s31 =	simm.s32 $0x2;
	[sflag:s1] =	ssyncpa.u1 $0x1  }
0x4c: {  	[sflag:s31] =	ssyncpa.u1 $0x1  }
0x4d: {  	p0 =	sne.s32 s3, $0x0;
	_ =	strace $0x90000047  }
0x4e: {  	s0 =	sadd.s32 @!p0 $0x100000, s0;
	[bflag:$0x2] =	sbarrier.arrive $0xFFFF  }
0x4f: {  	[sflag:s0] =	ssyncadd.tile.s32 @!p0 $0x1;
	_ =	shalt  }
.Lfunc_end1:
_tile_overlayer_lowered:
.L_overlay_start_2:
0x50: {  	(tag) =	ssettag $0x2  }
0x51: {  	s0 =	rddreg [dreg:$0x0];
	s2 =	stileid.u32  }
0x52: {  	s1 =	rddreg [dreg:$0x1];
	p0 =	sne.s32 s2, $0x0  }
0x53: {  	s3 =	rddreg [dreg:$0x2];
	[bflag:$0x3] =	sbarrier.arrive $0xFFFF;
	s2 =	simm.s32 @!p0 $0x1C01  }
0x54: {  	[timem:s3], [sflag:s2] =	dma.local @!p0 [hbm:s0], s1  }
0x55: {  	s0 =	simm.s32 @!p0 $0x1  }
0x56: {  	_ =	swait.ge @!p0 [sflag:s0], s1  }
0x57: {  	s1 =	ssub.s32 @!p0 $0x0, s1;
	[sflag:s0] =	ssyncset.done @!p0 $0x0  }
0x58: {  	[sflag:s0] =	ssyncadd.s32 @!p0 s1  }
0x59: {  	[bflag:$0x3] =	sbarrier.arrive $0xFFFF  }
0x5a: {  	_ =	shalt  }

// kernel: sparse-core-data-format-call.cloned.1.call-start
scs
called_computation_lowered:
.L_overlay_start_0:
0x0: {  	s2 =	sld [smem:$0x3FD9]  }
0x1: {  	s3 =	sld [smem:$0x3FFE];
	_ =	sdelay $0x1  }
0x2: {  	s1 =	srdreg.scid  }
0x3: {  	s0 =	sand.u32 $0x1, s1  }
0x4: {  	s18 =	sshll.u32 s0, $0xA;
	s2 =	sadd.s32 s3, s2  }
0x5: {  	s2 =	sadd.s32 s2, s18  }
0x6: {  	[smem:$0x3FC2] =	sst s2  }
0x7: {  	_ = 	snop  }
0x8: {  	s2 =	sld [smem:$0x3FD0];
	(tm) =	ssettm $0x1  }
0x9: {  	s19 =	sld [smem:$0x3FFB];
	_ =	sdelay $0x3  }
0xa: {  	_ =	strace s19  }
0xb: {  	s3 =	sld [smem:$0x3FFC];
	_ =	sdelay $0x3  }
0xc: {  	_ =	strace s3  }
0xd: {  	s3 =	sld [smem:$0x3FFD];
	_ =	sdelay $0x3  }
0xe: {  	_ =	strace s3  }
0xf: {  	_ =	strace $0x8FFFFFFF  }
0x10: {  	s20 =	sld [smem:$0x3FDB];
	_ =	sdelay $0x1  }
0x11: {  	s4 =	simm.s32 $_scs_section_size  }
0x12: {  	s5 =	simm.s32 $_size__tile_overlayer_lowered;
	s6 =	simm.s32 $_tile_overlayer_lowered  }
0x13: {  	s23 =	simm.s32 $0x1BFF;
	s22 =	sshll.u32 s6, $0x1;
	s3 =	sadd.s32 s4, s20  }
0x14: {  	s7 =	simm.s32 $0x0;
	s21 =	sshll.u32 s5, $0x1;
	s5 =	sadd.s32 s22, s3  }
0x15: {  	[timem:s7], [sflag:s23] =	dma.local [hbm:s5], s21  }
0x16: {  	_ =	swait.ge [sflag:s23], s21  }
0x17: {  	s4 =	ssub.s32 $0x0, s21;
	[sflag:s23] =	ssyncset.done $0x0  }
0x18: {  	[sflag:s23] =	ssyncadd.s32 s4;
	_ =	sdelay $0x1  }
0x19: {  	s24 =	simm.s32 $0x1B8B  }
0x1a: {  	_ =	swait.ge [sflag:s24], $0x1  }
0x1b: {  	[sflag:s24] =	ssyncset.done $0x0  }
0x1c: {  	s26 =	simm.s32 $0x1B8E;
	s25 =	sld [smem:$0x3FFE];
	[sflag:s24] =	ssyncadd.s32 $0xFFFFFFFF  }
0x1d: {  	s27 =	simm.s32 $execute0_lowered;
	[smem:$0x3FD2] =	sst s26  }
0x1e: {  	s5 =	sshll.u32 s27, $0x1;
	_ =	strace $0x8000004C;
	[dreg:$0x1] =	wrdreg $0xFFFFFFFF  }
0x1f: {  	s28 =	simm.s32 $_size_execute0_lowered;
	s3 =	sadd.s32 s3, s5;
	[dreg:$0x0] =	wrdreg $0x0  }
0x20: {  	s5 =	sshll.u32 s28, $0x1;
	[dreg:$0x2] =	wrdreg s3  }
0x21: {  	[dreg:$0x3] =	wrdreg s5  }
0x22: {  	[dreg:$0x4] =	wrdreg $0xC0  }
0x23: {  	_ =	task [dreg:s7], $0x5FFFF  }
0x24: {  	[dreg:$0x1] =	wrdreg $0xFFFFFFFF  }
0x25: {  	[dreg:$0x0] =	wrdreg $0x60  }
0x26: {  	[dreg:$0x2] =	wrdreg s25  }
0x27: {  	[dreg:$0x3] =	wrdreg s2  }
0x28: {  	[dreg:$0x4] =	wrdreg $0x9  }
0x29: {  	_ =	task.clear_ibuf [dreg:s7], $0x5FFFF;
	_ =	strace $0x9000004C  }
0x2a: {  	s29 =	simm.s32 $0x9;
	_ =	strace $0x8000004E  }
0x2b: {  	_ =	swait.ge [sflag:s29], $0x1  }
0x2c: {  	[sflag:s29] =	ssyncadd.s32 $0xFFFFFFFF  }
0x2d: {  	_ =	strace $0x9000004E  }
0x2e: {  	_ =	sfence  }
0x2f: {  	s30 =	sld [smem:$0x0];
	_ =	sdelay $0x2  }
0x30: {  	s31 =	sshll.u32 s1, $0xD;
	s1 =	sshrl.u32 s1, $0x2  }
0x31: {  	s3 =	sand.u32 $0x4000, s31;
	s1 =	sadd.s32 s1, s30  }
0x32: {  	s0 =	sor.u32 s3, s0;
	s1 =	sshll.u32 s1, $0x11  }
0x33: {  	s0 =	sor.u32 s1, s0  }
0x34: {  	s0 =	sadd.s32 $0x8F2B, s0  }
0x35: {  	[sflag:s0] =	ssyncadd.remote.s32 $0x1  }
0x36: {  	_ =	sfence.sel $0xFFFF  }
0x37: {  	[dreg:$0x0] =	wrdreg $0xFFFFFFFF;
	(pc) =	sbr.abs _section_cstart, $3  }
0x38: {  	[dreg:$0x1] =	wrdreg $0xFFFFFFFF  }
0x39: {  	_ =	task.clear_ibuf [dreg:s7], $0x2FFFF;
	_ =	strace $0x9FFFFFFF  }
0x3a: {  	(tm) =	ssettm $0x7FFFFFFF  }
0x3b: {  	_ =	shalt  }
tec
execute0_lowered:
.L_overlay_start_1:
0x0: {  	(tag) =	ssettag $0x1  }
0x1: {  	s11 =	rddreg [dreg:$0x0]  }
0x2: {  	s2 =	rddreg [dreg:$0x1]  }
0x3: {  	s1 =	stileid.u32;
	s0 =	rddreg [dreg:$0x2]  }
0x4: {  	s4 =	srdreg.scid;
	_ =	strace $0x8000004D;
	s31 =	simm.s32 $0x2  }
0x5: {  	s18 =	simm.s32 $0x0;
	s13 =	simm.s32 $0x10000;
	s19 =	simm.s32 $0x0  }
0x6: {  	s20 =	simm.s32 $0x0;
	s17 =	simm.s32 $0x0;
	s3 =	sand.u32 $0x1, s1  }
0x7: {  	s5 =	sshll.u32 s1, $0x1;
	s6 =	sshll.u32 s1, $0x4;
	s7 =	sshll.u32 s4, $0x8  }
0x8: {  	s4 =	sand.u32 $0xC, s5;
	s27 =	sor.u32 s6, s7;
	s28 =	ssub.s32 $0x2, s3  }
0x9: {  	s7 =	simm.s32 $0x1;
	s16 =	smov.u32 s3;
	s8 =	ssub.s32 $0x10, s4  }
0xa: {  	s29 =	sshrl.u32 s28, $0x1;
	s6 =	sand.u32 $0x1, s28;
	s30 =	sand.u32 $0xC, s8  }
0xb: {  	s5 =	sand.u32 $0x180, s27;
	s15 =	smov.u32 s4;
	p0 =	sne.s32 s30, $0x0  }
0xc: {  	s9 =	ssub.s32 $0x2000, s5;
	s8 =	sshrl.u32 s8, $0x4;
	s7 =	simm.s32 @!p0 $0x0  }
0xd: {  	s6 =	sadd.s32 s6, s29;
	s10 =	sand.u32 $0x180, s9;
	s7 =	sadd.s32 s7, s8  }
0xe: {  	p0 =	sne.s32 s10, $0x0;
	s8 =	simm.s32 $0x1;
	s7 =	smul.u32 s6, s7  }
.Ltmp0:
0xf: {  	s9 =	sshrl.u32 s9, $0x9;
	s8 =	simm.s32 @!p0 $0x0;
	(pc) =	sbr.rel .LBB1_1-.Ltmp0, $4  }
0x10: {  	s14 =	smov.u32 s5;
	s10 =	sadd.s32 $0x141A00, s11;
	s8 =	sadd.s32 s8, s9  }
0x11: {  	s6 =	simm.s32 $0x1;
	p0 =	por $0x0, $0x0;
	s7 =	smul.u32 s8, s7  }
0x12: {  	[sflag:s6] =	ssyncpa.u1 $0x0;
	s9 =	sadd.s32 $0x121A00, s11;
	s8 =	sadd.s32 $0x101A00, s11  }
0x13: {  	[sflag:s31] =	ssyncpa.u1 $0x0;
	s11 =	sadd.s32 $0x161A00, s11;
	s12 =	sadd.s32 $0x1, s7  }
.LBB1_7:
0x14: {  	s21 =	sadd.s32 $0x200, s14  }
0x15: {  	s18 =	sadd.s32 $0x10, s15;
	s22 =	smov.u32 s15;
	p2 =	sgt.s32 s21, $0x1FFF  }
0x16: {  	s22 =	smov.u32 @p2 s18  }
0x17: {  	s24 =	smov.u32 s16;
	s18 =	sadd.s32 $0x2, s16;
	p3 =	sgt.s32 s22, $0xF  }
0x18: {  	s24 =	smov.u32 @p3 s18  }
0x19: {  	s21 =	smov.u32 @p2 s5;
	p2 =	sgt.s32 s24, $0x1  }
0x1a: {  	p1 =	slt.u32 s17, $0x2;
	s24 =	smov.u32 @p2 s3;
	p2 =	sne.s32 s17, s12  }
.Ltmp1:
0x1b: {  	s23 =	simm.s32 @!p1 $0x2;
	(pc) =	sbr.rel @!p2 .LBB1_8-.Ltmp1, $4  }
0x1c: {  	s19 =	smov.u32 s15;
	s20 =	smov.u32 s16;
	_ =	swait.ge @!p1 [sflag:s23], $0x4000  }
0x1d: {  	p0 =	por !p0, !p0;
	[sflag:s23] =	ssyncset.done @!p1 $0x0;
	s22 =	smov.u32 @p3 s4  }
0x1e: {  	s18 =	smov.u32 s14;
	[sflag:s23] =	ssyncadd.s32 @!p1 $0xFFFFC000;
	s14 =	smov.u32 s21  }
0x1f: {  	s15 =	smov.u32 s22;
	s17 =	sadd.s32 $0x1, s17;
	s16 =	smov.u32 s24  }
.LBB1_1:
0x20: {  	p1 =	sge.u32 s17, s7  }
0x21: {  	s21 =	sxor.u32 @!p1 $0xFFFFFFFF, s17;
	s22 =	sshll.u32 @!p1 s16, $0x15;
	s23 =	sshll.u32 @!p1 s15, $0x11  }
0x22: {  	s25 =	sshll.u32 @!p1 s14, $0x4;
	s26 =	simm.s32 @!p1 $0x20;
	s24 =	sadd.s32 @!p1 s22, s23  }
0x23: {  	s21 =	sshll.u32 @!p1 s21, $0xE;
	s25 =	sand.u32 @!p1 $0x1FFF0, s25;
	s24 =	sadd.s32 @!p1 s8, s24  }
0x24: {  	s27 =	simm.s32 @!p1 $0x80;
	s21 =	sand.u32 @!p1 $0x4000, s21;
	s24 =	sadd.s32 @!p1 s25, s24  }
0x25: {  	[tilespmem:s21], [sflag:$0x1] =	stream.strided.gather @!p1 [hbm4b:s24+s26], $0x1000, s27, s26, $0x38;
	[tilespmem:$0x10100] =	vst v63  }
0x26: {  	s24 =	sadd.s32 @!p1 s22, s9  }
0x27: {  	s24 =	sadd.s32 @!p1 s23, s24  }
0x28: {  	s28 =	sor.u32 @!p1 $0x1000, s21;
	s24 =	sadd.s32 @!p1 s25, s24  }
0x29: {  	[tilespmem:s28], [sflag:$0x1] =	stream.strided.gather @!p1 [hbm4b:s24+s26], $0x1000, s27, s26, $0x38;
	[tilespmem:$0x10100] =	vst v63  }
0x2a: {  	s24 =	sadd.s32 @!p1 s22, s10  }
0x2b: {  	s22 =	sadd.s32 @!p1 s22, s11;
	s24 =	sadd.s32 @!p1 s23, s24  }
0x2c: {  	s28 =	sor.u32 @!p1 $0x2000, s21;
	s22 =	sadd.s32 @!p1 s23, s22;
	s24 =	sadd.s32 @!p1 s25, s24  }
0x2d: {  	[tilespmem:s28], [sflag:$0x1] =	stream.strided.gather @!p1 [hbm4b:s24+s26], $0x1000, s27, s26, $0x38;
	[tilespmem:$0x10100] =	vst v63  }
0x2e: {  	s31 =	sadd.s32 $0xFFFFFFFF, s17;
	s21 =	sor.u32 @!p1 $0x3000, s21;
	s22 =	sadd.s32 @!p1 s25, s22  }
0x2f: {  	[tilespmem:s21], [sflag:$0x1] =	stream.strided.gather @!p1 [hbm4b:s22+s26], $0x1000, s27, s26, $0x38;
	[tilespmem:$0x10100] =	vst v63  }
0x30: {  	p1 =	sge.u32 s31, s7  }
.Ltmp2:
0x31: {  	_ = 	snop;
	(pc) =	sbr.rel @p1 .LBB1_7-.Ltmp2, $1  }
0x32: {  	_ =	sdelay $0x3  }
0x33: {  	s21 =	simm.s32 $0x1;
	s23 =	sand.u32 $0x1, s17  }
0x34: {  	_ =	swait.ge [sflag:s6], $0x4000;
	s21 =	simm.s32 @!p0 $0x0;
	s24 =	smul.u32 $0x10200, s23  }
0x35: {  	[sflag:s6] =	ssyncset.done $0x0;
	s22 =	smul.u32 $0x10200, s21  }
0x36: {  	s21 =	sshll.u32 s21, $0xE;
	[sflag:s6] =	ssyncadd.s32 $0xFFFFC000  }
0x37: {  	s23 =	sor.u32 $0x10, s21;
	s31 =	sshrl.u32 s24, $0x2;
	s22 =	sshrl.u32 s22, $0x2  }
0x38: {  	s24 =	simm.s32 $0x0;
	s21 =	sor.u32 $0x8000, s31;
	s22 =	sor.u32 $0x8000, s22  }
.LBB1_3:
0x39: {  	v1 =	vld [tilespmem:s23+$0x0]  }
0x3a: {  	v0 =	vld [tilespmem:s23+$0xFFFFFFF0];
	_ =	sdelay $0x2  }
0x3b: {  	s27 =	sadd.s32 $0x0, s22  }
0x3c: {  	s25 =	simm.s32 $0x4;
	s26 =	sadd.s32 $0x20, s23;
	[tilespmem:s27+$0x810 ss:$0x81] =	vst.msk $0xffff, v1  }
.LBB1_4:
0x3d: {  	v1 =	vld [tilespmem:s26+$0x0];
	p1 =	sne.s32 s25, $0x1FC;
	[tilespmem:s27+$0x0 ss:$0x81] =	vst.msk $0xffff, v0;
	s27 =	smov.u32 s25;
	s25 =	sadd.s32 $0x4, s25  }
.Ltmp3:
0x3e: {  	v0 =	vld [tilespmem:s26+$0xFFFFFFF0];
	(pc) =	sbr.rel @p1 .LBB1_4-.Ltmp3, $4  }
0x3f: {  	_ = 	snop  }
0x40: {  	s27 =	sshra.s32 s27, $0x2  }
0x41: {  	s27 =	sadd.s32 s27, s22  }
0x42: {  	s26 =	sadd.s32 $0x20, s26;
	[tilespmem:s27+$0x810 ss:$0x81] =	vst.msk $0xffff, v1  }
0x43: {  	s24 =	sadd.s32 $0x1, s24  }
0x44: {  	p1 =	sne.s32 s24, $0x4  }
.Ltmp4:
0x45: {  	_ = 	snop;
	(pc) =	sbr.rel @p1 .LBB1_3-.Ltmp4, $2  }
0x46: {  	_ =	sdelay $0x2  }
0x47: {  	[tilespmem:s27+$0x0 ss:$0x81] =	vst.msk $0xffff, v0;
	s22 =	sadd.s32 $0x1020, s22;
	s23 =	sadd.s32 $0x1000, s23  }
0x48: {  	s22 =	sshll.u32 s18, $0x3;
	s23 =	sand.u32 $0x78, s18  }
0x49: {  	s20 =	sshll.u32 s20, $0x13;
	s19 =	sshll.u32 s19, $0xF;
	s29 =	sand.u32 $0x7C00, s18  }
.Ltmp5:
0x4a: {  	s22 =	sand.u32 $0x1C00, s22;
	s20 =	sadd.s32 s2, s20;
	(pc) =	sbr.rel .LBB1_7-.Ltmp5, $4  }
0x4b: {  	s30 =	sand.u32 $0x7, s18;
	s22 =	sor.u32 s23, s22;
	s19 =	sadd.s32 s19, s20  }
0x4c: {  	s18 =	sshll.u32 s30, $0x12;
	s31 =	sshrl.u32 s22, $0x3;
	s19 =	sadd.s32 s29, s19  }
0x4d: {  	s18 =	sor.u32 $0x400, s18;
	s19 =	sadd.s32 s31, s19  }
0x4e: {  	[hbm4b:s19+s18] =	stream.strided.scatter [tilespmem:s21], [sflag:$0x2], $0x4000, s13, s18, $0x20;
	[tilespmem:$0x10100] =	vst v63  }
.LBB1_8:
0x4f: {  	_ =	sfence.sel $0x180000  }
0x50: {  	s2 =	simm.s32 $0x1;
	[bflag:$0x0] =	sbarrier.arrive $0xFFFF  }
0x51: {  	s31 =	simm.s32 $0x2;
	[sflag:s2] =	ssyncpa.u1 $0x1  }
0x52: {  	[sflag:s31] =	ssyncpa.u1 $0x1  }
0x53: {  	p0 =	sne.s32 s1, $0x0;
	_ =	strace $0x9000004D  }
0x54: {  	s0 =	sadd.s32 @!p0 $0x100000, s0;
	[bflag:$0x2] =	sbarrier.arrive $0xFFFF  }
0x55: {  	[sflag:s0] =	ssyncadd.tile.s32 @!p0 $0x1;
	_ =	shalt  }
.Lfunc_end1:
_tile_overlayer_lowered:
.L_overlay_start_2:
0x56: {  	(tag) =	ssettag $0x2  }
0x57: {  	s0 =	rddreg [dreg:$0x0];
	s2 =	stileid.u32  }
0x58: {  	s1 =	rddreg [dreg:$0x1];
	p0 =	sne.s32 s2, $0x0  }
0x59: {  	s3 =	rddreg [dreg:$0x2];
	[bflag:$0x3] =	sbarrier.arrive $0xFFFF;
	s2 =	simm.s32 @!p0 $0x1C01  }
0x5a: {  	[timem:s3], [sflag:s2] =	dma.local @!p0 [hbm:s0], s1  }
0x5b: {  	s0 =	simm.s32 @!p0 $0x1  }
0x5c: {  	_ =	swait.ge @!p0 [sflag:s0], s1  }
0x5d: {  	s1 =	ssub.s32 @!p0 $0x0, s1;
	[sflag:s0] =	ssyncset.done @!p0 $0x0  }
0x5e: {  	[sflag:s0] =	ssyncadd.s32 @!p0 s1  }
0x5f: {  	[bflag:$0x3] =	sbarrier.arrive $0xFFFF  }
0x60: {  	_ =	shalt  }

</sc_bundles>
